<compile_context>
chip_gen: v7x
topology: tpu7x:2x2x1
jax: 0.10.2.dev20260603
libtpu: 0.0.44.dev20260713+nightly
codegen_flags: <defaults>
</compile_context>

<pallas_src>
import functools

import jax
import jax.numpy as jnp
from jax import lax
from jax.experimental import pallas as pl
from jax.experimental.pallas import tpu as pltpu
from jax.experimental.pallas import tpu_sc as plsc

AU2ANG = 0.529177210903
OO_AU = 1.0 / AU2ANG
PREF = 627.509

_NC, _NS, _L = 2, 16, 16
_NW = _NC * _NS


def _rsqrt(x):
    yi = 0x5F3759DF - lax.shift_right_logical(plsc.bitcast(x, jnp.int32), 1)
    y = plsc.bitcast(yi, jnp.float32)
    xh = 0.5 * x
    y = y * (1.5 - xh * y * y)
    y = y * (1.5 - xh * y * y)
    return y


def _edge_energy(ga, gb):
    ux_a = gb(1) - ga(1)
    uy_a = gb(2) - ga(2)
    uz_a = gb(3) - ga(3)
    d2a = ux_a * ux_a + uy_a * uy_a + uz_a * uz_a
    d2a = jnp.maximum(d2a, 1e-10)
    ya = _rsqrt(d2a)
    r = d2a * ya * OO_AU
    oodR = AU2ANG * ya
    ux = ux_a * OO_AU
    uy = uy_a * OO_AU
    uz = uz_a * OO_AU
    r2 = r * r
    oodR2 = oodR * oodR
    oodR3 = oodR2 * oodR
    oodR5 = oodR3 * oodR2

    aZ = ga(0)
    aq = ga(4)
    amx, amy, amz = ga(5), ga(6), ga(7)
    ai = ga(14)
    bZ = gb(0)
    bq = gb(4)
    bmx, bmy, bmz = gb(5), gb(6), gb(7)
    aj = gb(14)

    air = ai * r
    ajr = aj * r
    e1r = jnp.exp(-air)
    e2r = jnp.exp(-ajr)
    a1_2 = ai * ai
    a2_2 = aj * aj
    diff = jnp.abs(ai - aj) > 1e-06
    denom = jnp.where(diff, a2_2 - a1_2, 1.0)
    ood = 1.0 / denom
    Ae1 = jnp.where(diff, a2_2 * ood, 0.0) * e1r
    Be2 = jnp.where(diff, -a1_2 * ood, 0.0) * e2r
    p1i = 1.0 + air
    p1j = 1.0 + ajr
    r2_3 = r2 * (1.0 / 3.0)
    a1t = a1_2 * r2_3
    a2t = a2_2 * r2_3
    a1h = 0.5 * a1_2 * r2
    q5i = p1i + a1t
    q5j = p1j + a2t
    lam1 = jnp.where(diff, 1.0 - Ae1 - Be2,
                     1.0 - (1.0 + 0.5 * air) * e1r)
    lam3 = jnp.where(diff, 1.0 - p1i * Ae1 - p1j * Be2,
                     1.0 - (p1i + a1h) * e1r)
    lam5 = jnp.where(
        diff,
        1.0 - q5i * Ae1 - q5j * Be2,
        1.0 - (p1i + a1h + a1h * air * (1.0 / 3.0)) * e1r)
    l1j = 1.0 - e2r
    l3j = 1.0 - p1j * e2r
    l5j = 1.0 - q5j * e2r
    l1i = 1.0 - e1r
    l3i = 1.0 - p1i * e1r
    l5i = 1.0 - q5i * e1r

    mAu = amx * ux + amy * uy + amz * uz
    mBu = bmx * ux + bmy * uy + bmz * uz
    mAmB = amx * bmx + amy * bmy + amz * bmz
    aQxx, aQyy, aQzz = ga(8), ga(9), ga(10)
    aSxy, aSxz, aSyz = ga(11), ga(12), ga(13)
    bQxx, bQyy, bQzz = gb(8), gb(9), gb(10)
    bSxy, bSxz, bSyz = gb(11), gb(12), gb(13)
    ux2, uy2, uz2 = ux * ux, uy * uy, uz * uz
    uxy, uxz, uyz = ux * uy, ux * uz, uy * uz
    uQAu = (aQxx * ux2 + aQyy * uy2 + aQzz * uz2
            + aSxy * uxy + aSxz * uxz + aSyz * uyz)
    trQA = aQxx + aQyy + aQzz
    uQBu = (bQxx * ux2 + bQyy * uy2 + bQzz * uz2
            + bSxy * uxy + bSxz * uxz + bSyz * uyz)
    trQB = bQxx + bQyy + bQzz

    cB1 = aq * lam1 + aZ * l1j
    cA3 = bq * lam3 + bZ * l3i
    cB3 = aq * lam3 + aZ * l3j
    cA5 = bq * lam5 + bZ * l5i
    cB5 = aq * lam5 + aZ * l5j
    S1 = bq * cB1 + bZ * (aq * l1i + aZ)
    S3 = mAu * cA3 - mBu * cB3
    S5 = (cB5 * uQBu + cA5 * uQAu
          - 3.0 * (lam5 * (mAu * mBu))
          + r2 * (lam3 * mAmB)
          - r2_3 * (cB3 * trQB + cA3 * trQA))
    return PREF * (oodR * S1 + oodR3 * S3 + oodR5 * S5)


@functools.cache
def _sc_forward(n_nodes, n_edges):
    per_w, rem = divmod(n_edges, _NW)
    assert rem == 0, n_edges
    chunk = 0
    for c in range(16, 513, 16):
        if per_w % c == 0:
            chunk = c
    assert chunk, per_w
    n_chunks = per_w // chunk
    assert n_chunks >= 4
    assert n_nodes % _NS == 0
    groups = chunk // _L
    n_pairs = n_chunks // 2
    tail = n_chunks - 2 * n_pairs
    mesh = plsc.VectorSubcoreMesh(core_axis_name="c", subcore_axis_name="s")

    @functools.partial(
        pl.kernel,
        out_type=jax.ShapeDtypeStruct((n_edges,), jnp.float32),
        mesh=mesh,
        scratch_types=[
            [pltpu.VMEM((chunk,), jnp.int32)] * 2,
            [pltpu.VMEM((chunk,), jnp.int32)] * 2,
            [pltpu.VMEM((chunk, 16), jnp.float32)] * 2,
            [pltpu.VMEM((chunk, 16), jnp.float32)] * 2,
            [pltpu.VMEM((chunk,), jnp.float32)] * 2,
            [pltpu.SemaphoreType.DMA] * 2,
            [pltpu.SemaphoreType.DMA] * 2,
            [pltpu.SemaphoreType.DMA] * 2,
        ],
        compiler_params=pltpu.CompilerParams(
            needs_layout_passes=False, use_tc_tiling_on_sc=False),
    )
    def body(tabA, tabB, src, tgt, out, srcv, tgtv, rA, rB, outv,
             sem_i, sem_g, sem_o):
        wid = lax.axis_index("s") * _NC + lax.axis_index("c")
        base = wid * per_w
        ibase = lax.iota(jnp.int32, _L)

        def issue_idx(b, k):
            off = base + k * chunk
            pltpu.async_copy(src.at[pl.ds(off, chunk)], srcv[b], sem_i[b])
            pltpu.async_copy(tgt.at[pl.ds(off, chunk)], tgtv[b], sem_i[b])

        def wait_idx(b):
            pltpu.make_async_copy(
                src.at[pl.ds(0, chunk)], srcv[b], sem_i[b]).wait()
            pltpu.make_async_copy(
                tgt.at[pl.ds(0, chunk)], tgtv[b], sem_i[b]).wait()

        def issue_gather(b):
            pltpu.async_copy(tabA.at[srcv[b]], rA[b], sem_g[b])
            pltpu.async_copy(tabB.at[tgtv[b]], rB[b], sem_g[b])

        def wait_gather(b):
            pltpu.make_async_copy(tabA.at[srcv[b]], rA[b], sem_g[b]).wait()
            pltpu.make_async_copy(tabB.at[tgtv[b]], rB[b], sem_g[b]).wait()

        def issue_out(b, k):
            off = base + k * chunk
            pltpu.async_copy(outv[b], out.at[pl.ds(off, chunk)], sem_o[b])

        def wait_out(b):
            pltpu.make_async_copy(
                outv[b], out.at[pl.ds(0, chunk)], sem_o[b]).wait()

        def compute(b):
            @plsc.parallel_loop(0, groups, unroll=2)
            def do_group(g):
                row = g * _L + ibase

                def ga(j):
                    return plsc.load_gather(
                        rA[b], [row, jnp.full((_L,), j, jnp.int32)])

                def gb(j):
                    return plsc.load_gather(
                        rB[b], [row, jnp.full((_L,), j, jnp.int32)])

                outv[b][pl.ds(g * _L, _L)] = _edge_energy(ga, gb)

        pltpu.sync_copy(src.at[pl.ds(base, chunk)], srcv[0])
        pltpu.sync_copy(tgt.at[pl.ds(base, chunk)], tgtv[0])
        issue_gather(0)
        issue_idx(1, 1)

        def do_pair(k2, carry):
            for b in (0, 1):
                k = 2 * k2 + b
                wait_gather(b)
                wait_idx(1 - b)
                issue_gather(1 - b)

                @pl.when(k + 2 < n_chunks)
                def _():
                    issue_idx(b, k + 2)

                @pl.when(k2 > 0)
                def _():
                    wait_out(b)

                compute(b)
                issue_out(b, k)
            return carry

        lax.fori_loop(0, n_pairs, do_pair, 0)
        if tail:
            k = 2 * n_pairs
            wait_gather(0)
            wait_out(0)
            compute(0)
            issue_out(0, k)
        wait_out(0)
        wait_out(1)

    return body


def _pack_table(Z, R, q, mu, quad, K):
    cols = [
        Z,
        R[:, 0], R[:, 1], R[:, 2],
        q - Z,
        mu[:, 0], mu[:, 1], mu[:, 2],
        quad[:, 0, 0], quad[:, 1, 1], quad[:, 2, 2],
        quad[:, 0, 1] + quad[:, 1, 0],
        quad[:, 0, 2] + quad[:, 2, 0],
        quad[:, 1, 2] + quad[:, 2, 1],
        K,
        jnp.zeros_like(Z),
    ]
    return jnp.stack(cols, axis=1)


def kernel(ZA, RA, qA, muA, quadA, Ka, ZB, RB, qB, muB, quadB, Kb,
           e_AB_source, e_AB_target):
    tabA = _pack_table(ZA, RA, qA, muA, quadA, Ka)
    tabB = _pack_table(ZB, RB, qB, muB, quadB, Kb)
    fwd = _sc_forward(ZA.shape[0], e_AB_source.shape[0])
    return fwd(tabA, tabB, e_AB_source, e_AB_target)

# --- scband reference (transcript-rebuilt; emitter-appended) ---
"""Pipeline reference for scband-dimer-prop-78400333021552 (READ-ONLY COPY).

The authoritative reference and input builder live on the scoring server;
editing this copy changes nothing except your own understanding.
"""

import jax, jax.numpy as jnp
import numpy as np

AU2ANG = 0.529177210903
Q_CONST = 3.0
N = 50000
E = 1600000


def setup_inputs(seed: int = 0) -> dict:
    key = jax.random.key(seed)
    ks = jax.random.split(key, 14)
    return {
        'ZA': jax.random.uniform(ks[0], (N,), jnp.float32),
        'RA': jax.random.normal(ks[1], (N, 3), jnp.float32),
        'qA': jax.random.uniform(ks[2], (N,), jnp.float32),
        'muA': jax.random.normal(ks[3], (N, 3), jnp.float32),
        'quadA': jax.random.normal(ks[4], (N, 3, 3), jnp.float32),
        'Ka': jax.random.uniform(ks[5], (N,), jnp.float32),
        'ZB': jax.random.uniform(ks[6], (N,), jnp.float32),
        'RB': jax.random.normal(ks[7], (N, 3), jnp.float32),
        'qB': jax.random.uniform(ks[8], (N,), jnp.float32),
        'muB': jax.random.normal(ks[9], (N, 3), jnp.float32),
        'quadB': jax.random.normal(ks[10], (N, 3, 3), jnp.float32),
        'Kb': jax.random.uniform(ks[11], (N,), jnp.float32),
        'e_AB_source': jax.random.randint(ks[12], (E,), 0, N, dtype=jnp.int32),
        'e_AB_target': jax.random.randint(ks[13], (E,), 0, N, dtype=jnp.int32),
    }


def _zmtp_damp(alpha, r):
    ar = alpha * r
    ear = jnp.exp(-ar)
    lam1 = 1.0 - ear
    lam3 = 1.0 - (1.0 + ar) * ear
    lam5 = 1.0 - (1.0 + ar + (alpha * alpha) * (r * r) / 3.0) * ear
    return lam1, lam3, lam5


def _mtp_mtp_damp(ai, aj, r):
    r2 = r * r
    r3 = r2 * r
    a1_2 = ai * ai
    a2_2 = aj * aj
    a1_3 = a1_2 * ai
    e1r = jnp.exp(-ai * r)
    e2r = jnp.exp(-aj * r)
    diff = jnp.abs(ai - aj) > 1e-06
    denom = jnp.where(diff, a2_2 - a1_2, 1.0)
    A = jnp.where(diff, a2_2 / denom, 0.0)
    B = jnp.where(diff, -a1_2 / denom, 0.0)
    lam1 = jnp.where(diff, 1.0 - A * e1r - B * e2r, 1.0 - (1.0 + 0.5 * ai * r) * e1r)
    lam3 = jnp.where(diff, 1.0 - (1.0 + ai * r) * A * e1r - (1.0 + aj * r) * B * e2r,
                     1.0 - (1.0 + ai * r + 0.5 * a1_2 * r2) * e1r)
    lam5 = jnp.where(diff, 1.0 - (1.0 + ai * r + a1_2 * r2 / 3.0) * A * e1r - (1.0 + aj * r + a2_2 * r2 / 3.0) * B * e2r,
                     1.0 - (1.0 + ai * r + 0.5 * a1_2 * r2 + a1_3 * r3 / 6.0) * e1r)
    return lam1, lam3, lam5


def _t2(dR, dR_xyz, oodR, lam3, lam5):
    delta = jnp.eye(3, dtype=dR.dtype)
    outer = dR_xyz[:, :, None] * dR_xyz[:, None, :]
    T2 = 3.0 * outer * lam5[:, None, None] - (dR * dR * lam3)[:, None, None] * delta[None, :, :]
    return (oodR ** 5)[:, None, None] * T2


def _forward(ZA, RA, qA, muA, quadA, Ka, ZB, RB, qB, muB, quadB, Kb, src, tgt):
    dR_xyz_ang = RB[tgt] - RA[src]
    dR_ang = jnp.sqrt(jnp.clip(jnp.sum(dR_xyz_ang * dR_xyz_ang, axis=-1), 1e-10, None))
    dR = dR_ang / AU2ANG
    dR_xyz = dR_xyz_ang / AU2ANG
    oodR = 1.0 / dR
    ai = Ka[src]
    aj = Kb[tgt]
    lam1, lam3, lam5 = _mtp_mtp_damp(ai, aj, dR)
    lam1_ZA_MB, lam3_ZA_MB, lam5_ZA_MB = _zmtp_damp(aj, dR)
    lam1_ZB_MA, lam3_ZB_MA, lam5_ZB_MA = _zmtp_damp(ai, dR)
    ZA_q = ZA[src]
    ZB_q = ZB[tgt]
    qA2 = qA - ZA
    qB2 = qB - ZB
    qA_s = qA2[src]
    qB_t = qB2[tgt]
    muA_s = muA[src]
    muB_t = muB[tgt]
    quadA_s = quadA[src]
    quadB_t = quadB[tgt]
    E_qq = qA_s * qB_t * oodR * lam1
    T1 = (oodR ** 3)[:, None] * (-1.0 * dR_xyz)
    qu = qA_s[:, None] * muB_t - qB_t[:, None] * muA_s
    E_qu = jnp.sum(T1 * qu, axis=-1) * lam3
    T2 = _t2(dR, dR_xyz, oodR, lam3, lam5)
    E_uu = -1.0 * jnp.einsum('xy,xz,xyz->x', muA_s, muB_t, T2)
    E_qQ = jnp.sum(T2 * (qA_s[:, None, None] * quadB_t + qB_t[:, None, None] * quadA_s), axis=(1, 2)) / Q_CONST
    E_ZA_ZB = ZA_q * ZB_q * oodR
    E_ZA_MB = ZA_q * qB_t * oodR * lam1_ZA_MB
    E_ZA_MB = E_ZA_MB + jnp.sum(T1 * muB_t, axis=-1) * lam3_ZA_MB * ZA_q
    T2a = _t2(dR, dR_xyz, oodR, lam3_ZA_MB, lam5_ZA_MB)
    E_ZA_MB = E_ZA_MB + jnp.sum(T2a * quadB_t, axis=(1, 2)) * ZA_q / Q_CONST
    T2b = _t2(dR, dR_xyz, oodR, lam3_ZB_MA, lam5_ZB_MA)
    E_ZB_MA = ZB_q * qA_s * oodR * lam1_ZB_MA
    E_ZB_MA = E_ZB_MA + jnp.sum(-T1 * muA_s, axis=-1) * lam3_ZB_MA * ZB_q
    E_ZB_MA = E_ZB_MA + jnp.sum(T2b * quadA_s, axis=(1, 2)) * ZB_q / Q_CONST
    return 627.509 * (E_qq + E_qu + E_qQ + E_uu + E_ZA_ZB + E_ZA_MB + E_ZB_MA)


def reference(ZA, RA, qA, muA, quadA, Ka, ZB, RB, qB, muB, quadB, Kb, e_AB_source, e_AB_target):
    return _forward(ZA, RA, qA, muA, quadA, Ka, ZB, RB, qB, muB, quadB, Kb, e_AB_source, e_AB_target)

if __name__ == "__main__":
    import jax
    _d = setup_inputs()
    print(jax.jit(kernel)(*tuple(_d.values())))

</pallas_src>

<mosaic_0001>
#map = affine_map<(d0, d1) -> (0, 0)>
#map1 = affine_map<(d0, d1) -> (0)>
module attributes {stable_mosaic.version = 14 : i64} {
  func.func @body(%arg0: i32, %arg1: i32, %arg2: memref<50000x16xf32, #tpu.memory_space<hbm>>, %arg3: memref<50000x16xf32, #tpu.memory_space<hbm>>, %arg4: memref<1600000xi32, #tpu.memory_space<hbm>>, %arg5: memref<1600000xi32, #tpu.memory_space<hbm>>, %arg6: memref<1600000xf32, #tpu.memory_space<hbm>>, %arg7: memref<400xi32, #tpu.memory_space<vmem>>, %arg8: memref<400xi32, #tpu.memory_space<vmem>>, %arg9: memref<400xi32, #tpu.memory_space<vmem>>, %arg10: memref<400xi32, #tpu.memory_space<vmem>>, %arg11: memref<400x16xf32, #tpu.memory_space<vmem>>, %arg12: memref<400x16xf32, #tpu.memory_space<vmem>>, %arg13: memref<400x16xf32, #tpu.memory_space<vmem>>, %arg14: memref<400x16xf32, #tpu.memory_space<vmem>>, %arg15: memref<400xf32, #tpu.memory_space<vmem>>, %arg16: memref<400xf32, #tpu.memory_space<vmem>>, %arg17: memref<!tpu.dma_semaphore, #tpu.memory_space<semaphore_mem>>, %arg18: memref<!tpu.dma_semaphore, #tpu.memory_space<semaphore_mem>>, %arg19: memref<!tpu.dma_semaphore, #tpu.memory_space<semaphore_mem>>, %arg20: memref<!tpu.dma_semaphore, #tpu.memory_space<semaphore_mem>>, %arg21: memref<!tpu.dma_semaphore, #tpu.memory_space<semaphore_mem>>, %arg22: memref<!tpu.dma_semaphore, #tpu.memory_space<semaphore_mem>>) attributes {dimension_semantics = [#tpu.dimension_semantics<core_parallel>, #tpu.dimension_semantics<subcore_parallel>], iteration_bounds = array<i64: 2, 16>, scalar_prefetch = 0 : i64, scratch_operands = 16 : i64, tpu.core_type = #tpu.core_type<sc_vector_subcore>, window_params = [{transform_indices = #map}, {transform_indices = #map}, {transform_indices = #map1}, {transform_indices = #map1}, {transform_indices = #map1}]} {
    %mul3A = arith.constant 2 : i32
    %mul3A_0 = arith.muli %arg1, %mul3A : i32
    %add3A = arith.addi %mul3A_0, %arg0 : i32
    %mul3A_1 = arith.constant 50000 : i32
    %mul3A_2 = arith.muli %add3A, %mul3A_1 : i32
    %iota3A = tpu.iota {dimensions = array<i32: 0>} : vector<16xi32>
    "tpu.region"() ({
      %run_scoped3A = tpu.sem_alloc : memref<!tpu.dma_semaphore, #tpu.memory_space<semaphore_mem>>
      %dma_start3A_42 = tpu.memref_slice %arg4[%mul3A_2] : memref<1600000xi32, #tpu.memory_space<hbm>> -> memref<400xi32, #tpu.memory_space<hbm>>
      %dma_start3A_43 = tpu.memref_slice %arg4[%mul3A_2] : memref<1600000xi32, #tpu.memory_space<hbm>> -> memref<400xi32, #tpu.memory_space<hbm>>
      tpu.enqueue_dma source(%dma_start3A_43 : memref<400xi32, #tpu.memory_space<hbm>>) target(%arg7 : memref<400xi32, #tpu.memory_space<vmem>>) target_semaphore(%run_scoped3A : memref<!tpu.dma_semaphore, #tpu.memory_space<semaphore_mem>>)
      %dma_wait3A_44 = tpu.memref_slice %arg4[%mul3A_2] : memref<1600000xi32, #tpu.memory_space<hbm>> -> memref<400xi32, #tpu.memory_space<hbm>>
      %dma_wait3A_45 = tpu.memref_slice %arg4[%mul3A_2] : memref<1600000xi32, #tpu.memory_space<hbm>> -> memref<400xi32, #tpu.memory_space<hbm>>
      tpu.wait_dma2 semaphore(%run_scoped3A : memref<!tpu.dma_semaphore, #tpu.memory_space<semaphore_mem>>) src(%dma_wait3A_45 : memref<400xi32, #tpu.memory_space<hbm>>) dst(%arg7 : memref<400xi32, #tpu.memory_space<vmem>>)
      tpu.yield
    }) : () -> ()
    "tpu.region"() ({
      %run_scoped3A = tpu.sem_alloc : memref<!tpu.dma_semaphore, #tpu.memory_space<semaphore_mem>>
      %dma_start3A_42 = tpu.memref_slice %arg5[%mul3A_2] : memref<1600000xi32, #tpu.memory_space<hbm>> -> memref<400xi32, #tpu.memory_space<hbm>>
      %dma_start3A_43 = tpu.memref_slice %arg5[%mul3A_2] : memref<1600000xi32, #tpu.memory_space<hbm>> -> memref<400xi32, #tpu.memory_space<hbm>>
      tpu.enqueue_dma source(%dma_start3A_43 : memref<400xi32, #tpu.memory_space<hbm>>) target(%arg9 : memref<400xi32, #tpu.memory_space<vmem>>) target_semaphore(%run_scoped3A : memref<!tpu.dma_semaphore, #tpu.memory_space<semaphore_mem>>)
      %dma_wait3A_44 = tpu.memref_slice %arg5[%mul3A_2] : memref<1600000xi32, #tpu.memory_space<hbm>> -> memref<400xi32, #tpu.memory_space<hbm>>
      %dma_wait3A_45 = tpu.memref_slice %arg5[%mul3A_2] : memref<1600000xi32, #tpu.memory_space<hbm>> -> memref<400xi32, #tpu.memory_space<hbm>>
      tpu.wait_dma2 semaphore(%run_scoped3A : memref<!tpu.dma_semaphore, #tpu.memory_space<semaphore_mem>>) src(%dma_wait3A_45 : memref<400xi32, #tpu.memory_space<hbm>>) dst(%arg9 : memref<400xi32, #tpu.memory_space<vmem>>)
      tpu.yield
    }) : () -> ()
    %dma_start3A = arith.constant 0 : i32
    %dma_start3A_3 = arith.constant 0 : i32
    %dma_start3A_4 = tpu.memref_slice %arg2[%dma_start3A, %dma_start3A_3] : memref<50000x16xf32, #tpu.memory_space<hbm>> -> memref<50000x16xf32, #tpu.memory_space<hbm>>
    tpu.enqueue_indirect_dma source(%dma_start3A_4 : memref<50000x16xf32, #tpu.memory_space<hbm>>) target(%arg11 : memref<400x16xf32, #tpu.memory_space<vmem>>) offsets(%arg7 : memref<400xi32, #tpu.memory_space<vmem>>) semaphore(%arg19 : memref<!tpu.dma_semaphore, #tpu.memory_space<semaphore_mem>>)
    %dma_start3A_5 = arith.constant 0 : i32
    %dma_start3A_6 = arith.constant 0 : i32
    %dma_start3A_7 = tpu.memref_slice %arg3[%dma_start3A_5, %dma_start3A_6] : memref<50000x16xf32, #tpu.memory_space<hbm>> -> memref<50000x16xf32, #tpu.memory_space<hbm>>
    tpu.enqueue_indirect_dma source(%dma_start3A_7 : memref<50000x16xf32, #tpu.memory_space<hbm>>) target(%arg13 : memref<400x16xf32, #tpu.memory_space<vmem>>) offsets(%arg9 : memref<400xi32, #tpu.memory_space<vmem>>) semaphore(%arg19 : memref<!tpu.dma_semaphore, #tpu.memory_space<semaphore_mem>>)
    %add3A_8 = arith.constant 400 : i32
    %add3A_9 = arith.addi %mul3A_2, %add3A_8 : i32
    %dma_start3A_10 = tpu.memref_slice %arg4[%add3A_9] : memref<1600000xi32, #tpu.memory_space<hbm>> -> memref<400xi32, #tpu.memory_space<hbm>>
    %dma_start3A_11 = tpu.memref_slice %arg4[%add3A_9] : memref<1600000xi32, #tpu.memory_space<hbm>> -> memref<400xi32, #tpu.memory_space<hbm>>
    tpu.enqueue_dma source(%dma_start3A_11 : memref<400xi32, #tpu.memory_space<hbm>>) target(%arg8 : memref<400xi32, #tpu.memory_space<vmem>>) target_semaphore(%arg18 : memref<!tpu.dma_semaphore, #tpu.memory_space<semaphore_mem>>)
    %dma_start3A_12 = tpu.memref_slice %arg5[%add3A_9] : memref<1600000xi32, #tpu.memory_space<hbm>> -> memref<400xi32, #tpu.memory_space<hbm>>
    %dma_start3A_13 = tpu.memref_slice %arg5[%add3A_9] : memref<1600000xi32, #tpu.memory_space<hbm>> -> memref<400xi32, #tpu.memory_space<hbm>>
    tpu.enqueue_dma source(%dma_start3A_13 : memref<400xi32, #tpu.memory_space<hbm>>) target(%arg10 : memref<400xi32, #tpu.memory_space<vmem>>) target_semaphore(%arg18 : memref<!tpu.dma_semaphore, #tpu.memory_space<semaphore_mem>>)
    %scan3A = arith.constant 0 : i32
    %scan3A_14 = arith.constant 0 : i32
    %scan3A_15 = arith.constant 62 : i32
    %scan3A_16 = arith.addi %scan3A_14, %scan3A_15 : i32
    %scan3A_17 = arith.constant 1 : i32
    scf.for %scan3A_42 = %scan3A_14 to %scan3A_16 step %scan3A_17  : i32 {
      %mul3A_43 = arith.constant 2 : i32
      %mul3A_44 = arith.muli %mul3A_43, %scan3A_42 : i32
      %add3A_45 = arith.constant 0 : i32
      %add3A_46 = arith.addi %mul3A_44, %add3A_45 : i32
      %dma_wait3A_47 = arith.constant 0 : i32
      %dma_wait3A_48 = arith.constant 0 : i32
      %dma_wait3A_49 = tpu.memref_slice %arg2[%dma_wait3A_47, %dma_wait3A_48] : memref<50000x16xf32, #tpu.memory_space<hbm>> -> memref<50000x16xf32, #tpu.memory_space<hbm>>
      tpu.wait_indirect_dma semaphore(%arg19 : memref<!tpu.dma_semaphore, #tpu.memory_space<semaphore_mem>>) src(%dma_wait3A_49 : memref<50000x16xf32, #tpu.memory_space<hbm>>) dst(%arg11 : memref<400x16xf32, #tpu.memory_space<vmem>>)
      %dma_wait3A_50 = arith.constant 0 : i32
      %dma_wait3A_51 = arith.constant 0 : i32
      %dma_wait3A_52 = tpu.memref_slice %arg3[%dma_wait3A_50, %dma_wait3A_51] : memref<50000x16xf32, #tpu.memory_space<hbm>> -> memref<50000x16xf32, #tpu.memory_space<hbm>>
      tpu.wait_indirect_dma semaphore(%arg19 : memref<!tpu.dma_semaphore, #tpu.memory_space<semaphore_mem>>) src(%dma_wait3A_52 : memref<50000x16xf32, #tpu.memory_space<hbm>>) dst(%arg13 : memref<400x16xf32, #tpu.memory_space<vmem>>)
      %dma_wait3A_53 = arith.constant 0 : i32
      %dma_wait3A_54 = tpu.memref_slice %arg4[%dma_wait3A_53] : memref<1600000xi32, #tpu.memory_space<hbm>> -> memref<400xi32, #tpu.memory_space<hbm>>
      %dma_wait3A_55 = arith.constant 0 : i32
      %dma_wait3A_56 = tpu.memref_slice %arg4[%dma_wait3A_55] : memref<1600000xi32, #tpu.memory_space<hbm>> -> memref<400xi32, #tpu.memory_space<hbm>>
      tpu.wait_dma2 semaphore(%arg18 : memref<!tpu.dma_semaphore, #tpu.memory_space<semaphore_mem>>) src(%dma_wait3A_56 : memref<400xi32, #tpu.memory_space<hbm>>) dst(%arg8 : memref<400xi32, #tpu.memory_space<vmem>>)
      %dma_wait3A_57 = arith.constant 0 : i32
      %dma_wait3A_58 = tpu.memref_slice %arg5[%dma_wait3A_57] : memref<1600000xi32, #tpu.memory_space<hbm>> -> memref<400xi32, #tpu.memory_space<hbm>>
      %dma_wait3A_59 = arith.constant 0 : i32
      %dma_wait3A_60 = tpu.memref_slice %arg5[%dma_wait3A_59] : memref<1600000xi32, #tpu.memory_space<hbm>> -> memref<400xi32, #tpu.memory_space<hbm>>
      tpu.wait_dma2 semaphore(%arg18 : memref<!tpu.dma_semaphore, #tpu.memory_space<semaphore_mem>>) src(%dma_wait3A_60 : memref<400xi32, #tpu.memory_space<hbm>>) dst(%arg10 : memref<400xi32, #tpu.memory_space<vmem>>)
      %dma_start3A_61 = arith.constant 0 : i32
      %dma_start3A_62 = arith.constant 0 : i32
      %dma_start3A_63 = tpu.memref_slice %arg2[%dma_start3A_61, %dma_start3A_62] : memref<50000x16xf32, #tpu.memory_space<hbm>> -> memref<50000x16xf32, #tpu.memory_space<hbm>>
      tpu.enqueue_indirect_dma source(%dma_start3A_63 : memref<50000x16xf32, #tpu.memory_space<hbm>>) target(%arg12 : memref<400x16xf32, #tpu.memory_space<vmem>>) offsets(%arg8 : memref<400xi32, #tpu.memory_space<vmem>>) semaphore(%arg20 : memref<!tpu.dma_semaphore, #tpu.memory_space<semaphore_mem>>)
      %dma_start3A_64 = arith.constant 0 : i32
      %dma_start3A_65 = arith.constant 0 : i32
      %dma_start3A_66 = tpu.memref_slice %arg3[%dma_start3A_64, %dma_start3A_65] : memref<50000x16xf32, #tpu.memory_space<hbm>> -> memref<50000x16xf32, #tpu.memory_space<hbm>>
      tpu.enqueue_indirect_dma source(%dma_start3A_66 : memref<50000x16xf32, #tpu.memory_space<hbm>>) target(%arg14 : memref<400x16xf32, #tpu.memory_space<vmem>>) offsets(%arg10 : memref<400xi32, #tpu.memory_space<vmem>>) semaphore(%arg20 : memref<!tpu.dma_semaphore, #tpu.memory_space<semaphore_mem>>)
      %add3A_67 = arith.constant 2 : i32
      %add3A_68 = arith.addi %add3A_46, %add3A_67 : i32
      %lt3A = arith.constant 125 : i32
      %lt3A_69 = arith.cmpi slt, %add3A_68, %lt3A : i32
      %convert_element_type3A = arith.extui %lt3A_69 : i1 to i32
      %cond3A = arith.constant 0 : i32
      %cond3A_70 = arith.cmpi ne, %convert_element_type3A, %cond3A : i32
      scf.if %cond3A_70 {
        %add3A_127 = arith.constant 2 : i32
        %add3A_128 = arith.addi %add3A_46, %add3A_127 : i32
        %mul3A_129 = arith.constant 400 : i32
        %mul3A_130 = arith.muli %add3A_128, %mul3A_129 : i32
        %add3A_131 = arith.addi %mul3A_2, %mul3A_130 : i32
        %dma_start3A_132 = tpu.memref_slice %arg4[%add3A_131] : memref<1600000xi32, #tpu.memory_space<hbm>> -> memref<400xi32, #tpu.memory_space<hbm>>
        %dma_start3A_133 = tpu.memref_slice %arg4[%add3A_131] : memref<1600000xi32, #tpu.memory_space<hbm>> -> memref<400xi32, #tpu.memory_space<hbm>>
        tpu.enqueue_dma source(%dma_start3A_133 : memref<400xi32, #tpu.memory_space<hbm>>) target(%arg7 : memref<400xi32, #tpu.memory_space<vmem>>) target_semaphore(%arg17 : memref<!tpu.dma_semaphore, #tpu.memory_space<semaphore_mem>>)
        %dma_start3A_134 = tpu.memref_slice %arg5[%add3A_131] : memref<1600000xi32, #tpu.memory_space<hbm>> -> memref<400xi32, #tpu.memory_space<hbm>>
        %dma_start3A_135 = tpu.memref_slice %arg5[%add3A_131] : memref<1600000xi32, #tpu.memory_space<hbm>> -> memref<400xi32, #tpu.memory_space<hbm>>
        tpu.enqueue_dma source(%dma_start3A_135 : memref<400xi32, #tpu.memory_space<hbm>>) target(%arg9 : memref<400xi32, #tpu.memory_space<vmem>>) target_semaphore(%arg17 : memref<!tpu.dma_semaphore, #tpu.memory_space<semaphore_mem>>)
      } else {
      }
      %gt3A = arith.constant 0 : i32
      %gt3A_71 = arith.cmpi sgt, %scan3A_42, %gt3A : i32
      %convert_element_type3A_72 = arith.extui %gt3A_71 : i1 to i32
      %cond3A_73 = arith.constant 0 : i32
      %cond3A_74 = arith.cmpi ne, %convert_element_type3A_72, %cond3A_73 : i32
      scf.if %cond3A_74 {
        %dma_wait3A_127 = arith.constant 0 : i32
        %dma_wait3A_128 = tpu.memref_slice %arg6[%dma_wait3A_127] : memref<1600000xf32, #tpu.memory_space<hbm>> -> memref<400xf32, #tpu.memory_space<hbm>>
        %dma_wait3A_129 = arith.constant 0 : i32
        %dma_wait3A_130 = tpu.memref_slice %arg6[%dma_wait3A_129] : memref<1600000xf32, #tpu.memory_space<hbm>> -> memref<400xf32, #tpu.memory_space<hbm>>
        tpu.wait_dma2 semaphore(%arg21 : memref<!tpu.dma_semaphore, #tpu.memory_space<semaphore_mem>>) src(%arg15 : memref<400xf32, #tpu.memory_space<vmem>>) dst(%dma_wait3A_130 : memref<400xf32, #tpu.memory_space<hbm>>)
      } else {
      }
      %parallel_loop3A_75 = arith.constant 0 : i32
      %parallel_loop3A_76 = arith.constant 25 : i32
      %parallel_loop3A_77 = arith.constant 1 : i32
      scf.for %parallel_loop3A_127 = %parallel_loop3A_75 to %parallel_loop3A_76 step %parallel_loop3A_77  : i32 {
        %parallel_loop3A_128 = arith.constant 16 : i32
        %parallel_loop3A_129 = arith.muli %parallel_loop3A_127, %parallel_loop3A_128 : i32
        %parallel_loop3A_130 = vector.broadcast %parallel_loop3A_129 : i32 to vector<16xi32>
        %parallel_loop3A_131 = arith.addi %parallel_loop3A_130, %iota3A : vector<16xi32>
        %parallel_loop3A_132 = arith.constant 1 : i32
        %parallel_loop3A_133 = vector.broadcast %parallel_loop3A_132 : i32 to vector<16xi32>
        %parallel_loop3A_134 = tpu.vector_load_idx %arg13[%parallel_loop3A_131, %parallel_loop3A_133] : memref<400x16xf32, #tpu.memory_space<vmem>>[vector<16xi32>, vector<16xi32>], vector<16xf32>,
        %parallel_loop3A_135 = arith.constant 1 : i32
        %parallel_loop3A_136 = vector.broadcast %parallel_loop3A_135 : i32 to vector<16xi32>
        %parallel_loop3A_137 = tpu.vector_load_idx %arg11[%parallel_loop3A_131, %parallel_loop3A_136] : memref<400x16xf32, #tpu.memory_space<vmem>>[vector<16xi32>, vector<16xi32>], vector<16xf32>,
        %parallel_loop3A_138 = arith.subf %parallel_loop3A_134, %parallel_loop3A_137 : vector<16xf32>
        %parallel_loop3A_139 = arith.constant 2 : i32
        %parallel_loop3A_140 = vector.broadcast %parallel_loop3A_139 : i32 to vector<16xi32>
        %parallel_loop3A_141 = tpu.vector_load_idx %arg13[%parallel_loop3A_131, %parallel_loop3A_140] : memref<400x16xf32, #tpu.memory_space<vmem>>[vector<16xi32>, vector<16xi32>], vector<16xf32>,
        %parallel_loop3A_142 = arith.constant 2 : i32
        %parallel_loop3A_143 = vector.broadcast %parallel_loop3A_142 : i32 to vector<16xi32>
        %parallel_loop3A_144 = tpu.vector_load_idx %arg11[%parallel_loop3A_131, %parallel_loop3A_143] : memref<400x16xf32, #tpu.memory_space<vmem>>[vector<16xi32>, vector<16xi32>], vector<16xf32>,
        %parallel_loop3A_145 = arith.subf %parallel_loop3A_141, %parallel_loop3A_144 : vector<16xf32>
        %parallel_loop3A_146 = arith.constant 3 : i32
        %parallel_loop3A_147 = vector.broadcast %parallel_loop3A_146 : i32 to vector<16xi32>
        %parallel_loop3A_148 = tpu.vector_load_idx %arg13[%parallel_loop3A_131, %parallel_loop3A_147] : memref<400x16xf32, #tpu.memory_space<vmem>>[vector<16xi32>, vector<16xi32>], vector<16xf32>,
        %parallel_loop3A_149 = arith.constant 3 : i32
        %parallel_loop3A_150 = vector.broadcast %parallel_loop3A_149 : i32 to vector<16xi32>
        %parallel_loop3A_151 = tpu.vector_load_idx %arg11[%parallel_loop3A_131, %parallel_loop3A_150] : memref<400x16xf32, #tpu.memory_space<vmem>>[vector<16xi32>, vector<16xi32>], vector<16xf32>,
        %parallel_loop3A_152 = arith.subf %parallel_loop3A_148, %parallel_loop3A_151 : vector<16xf32>
        %parallel_loop3A_153 = arith.mulf %parallel_loop3A_138, %parallel_loop3A_138 : vector<16xf32>
        %parallel_loop3A_154 = arith.mulf %parallel_loop3A_145, %parallel_loop3A_145 : vector<16xf32>
        %parallel_loop3A_155 = arith.addf %parallel_loop3A_153, %parallel_loop3A_154 : vector<16xf32>
        %parallel_loop3A_156 = arith.mulf %parallel_loop3A_152, %parallel_loop3A_152 : vector<16xf32>
        %parallel_loop3A_157 = arith.addf %parallel_loop3A_155, %parallel_loop3A_156 : vector<16xf32>
        %parallel_loop3A_158 = arith.constant 1.000000e-10 : f32
        %parallel_loop3A_159 = vector.broadcast %parallel_loop3A_158 : f32 to vector<16xf32>
        %parallel_loop3A_160 = arith.maximumf %parallel_loop3A_157, %parallel_loop3A_159 : vector<16xf32>
        %parallel_loop3A_161 = vector.bitcast %parallel_loop3A_160 : vector<16xf32> to vector<16xi32>
        %parallel_loop3A_162 = arith.constant 1 : i32
        %parallel_loop3A_163 = vector.broadcast %parallel_loop3A_162 : i32 to vector<16xi32>
        %parallel_loop3A_164 = arith.shrui %parallel_loop3A_161, %parallel_loop3A_163 : vector<16xi32>
        %parallel_loop3A_165 = arith.constant 1597463007 : i32
        %parallel_loop3A_166 = vector.broadcast %parallel_loop3A_165 : i32 to vector<16xi32>
        %parallel_loop3A_167 = arith.subi %parallel_loop3A_166, %parallel_loop3A_164 : vector<16xi32>
        %parallel_loop3A_168 = vector.bitcast %parallel_loop3A_167 : vector<16xi32> to vector<16xf32>
        %parallel_loop3A_169 = arith.constant 5.000000e-01 : f32
        %parallel_loop3A_170 = vector.broadcast %parallel_loop3A_169 : f32 to vector<16xf32>
        %parallel_loop3A_171 = arith.mulf %parallel_loop3A_170, %parallel_loop3A_160 : vector<16xf32>
        %parallel_loop3A_172 = arith.mulf %parallel_loop3A_171, %parallel_loop3A_168 : vector<16xf32>
        %parallel_loop3A_173 = arith.mulf %parallel_loop3A_172, %parallel_loop3A_168 : vector<16xf32>
        %parallel_loop3A_174 = arith.constant 1.500000e+00 : f32
        %parallel_loop3A_175 = vector.broadcast %parallel_loop3A_174 : f32 to vector<16xf32>
        %parallel_loop3A_176 = arith.subf %parallel_loop3A_175, %parallel_loop3A_173 : vector<16xf32>
        %parallel_loop3A_177 = arith.mulf %parallel_loop3A_168, %parallel_loop3A_176 : vector<16xf32>
        %parallel_loop3A_178 = arith.mulf %parallel_loop3A_171, %parallel_loop3A_177 : vector<16xf32>
        %parallel_loop3A_179 = arith.mulf %parallel_loop3A_178, %parallel_loop3A_177 : vector<16xf32>
        %parallel_loop3A_180 = arith.constant 1.500000e+00 : f32
        %parallel_loop3A_181 = vector.broadcast %parallel_loop3A_180 : f32 to vector<16xf32>
        %parallel_loop3A_182 = arith.subf %parallel_loop3A_181, %parallel_loop3A_179 : vector<16xf32>
        %parallel_loop3A_183 = arith.mulf %parallel_loop3A_177, %parallel_loop3A_182 : vector<16xf32>
        %parallel_loop3A_184 = arith.mulf %parallel_loop3A_160, %parallel_loop3A_183 : vector<16xf32>
        %parallel_loop3A_185 = arith.constant 1.88972616 : f32
        %parallel_loop3A_186 = vector.broadcast %parallel_loop3A_185 : f32 to vector<16xf32>
        %parallel_loop3A_187 = arith.mulf %parallel_loop3A_184, %parallel_loop3A_186 : vector<16xf32>
        %parallel_loop3A_188 = arith.constant 0.529177189 : f32
        %parallel_loop3A_189 = vector.broadcast %parallel_loop3A_188 : f32 to vector<16xf32>
        %parallel_loop3A_190 = arith.mulf %parallel_loop3A_189, %parallel_loop3A_183 : vector<16xf32>
        %parallel_loop3A_191 = arith.constant 1.88972616 : f32
        %parallel_loop3A_192 = vector.broadcast %parallel_loop3A_191 : f32 to vector<16xf32>
        %parallel_loop3A_193 = arith.mulf %parallel_loop3A_138, %parallel_loop3A_192 : vector<16xf32>
        %parallel_loop3A_194 = arith.constant 1.88972616 : f32
        %parallel_loop3A_195 = vector.broadcast %parallel_loop3A_194 : f32 to vector<16xf32>
        %parallel_loop3A_196 = arith.mulf %parallel_loop3A_145, %parallel_loop3A_195 : vector<16xf32>
        %parallel_loop3A_197 = arith.constant 1.88972616 : f32
        %parallel_loop3A_198 = vector.broadcast %parallel_loop3A_197 : f32 to vector<16xf32>
        %parallel_loop3A_199 = arith.mulf %parallel_loop3A_152, %parallel_loop3A_198 : vector<16xf32>
        %parallel_loop3A_200 = arith.mulf %parallel_loop3A_187, %parallel_loop3A_187 : vector<16xf32>
        %parallel_loop3A_201 = arith.mulf %parallel_loop3A_190, %parallel_loop3A_190 : vector<16xf32>
        %parallel_loop3A_202 = arith.mulf %parallel_loop3A_201, %parallel_loop3A_190 : vector<16xf32>
        %parallel_loop3A_203 = arith.mulf %parallel_loop3A_202, %parallel_loop3A_201 : vector<16xf32>
        %parallel_loop3A_204 = arith.constant 0 : i32
        %parallel_loop3A_205 = vector.broadcast %parallel_loop3A_204 : i32 to vector<16xi32>
        %parallel_loop3A_206 = tpu.vector_load_idx %arg11[%parallel_loop3A_131, %parallel_loop3A_205] : memref<400x16xf32, #tpu.memory_space<vmem>>[vector<16xi32>, vector<16xi32>], vector<16xf32>,
        %parallel_loop3A_207 = arith.constant 4 : i32
        %parallel_loop3A_208 = vector.broadcast %parallel_loop3A_207 : i32 to vector<16xi32>
        %parallel_loop3A_209 = tpu.vector_load_idx %arg11[%parallel_loop3A_131, %parallel_loop3A_208] : memref<400x16xf32, #tpu.memory_space<vmem>>[vector<16xi32>, vector<16xi32>], vector<16xf32>,
        %parallel_loop3A_210 = arith.constant 5 : i32
        %parallel_loop3A_211 = vector.broadcast %parallel_loop3A_210 : i32 to vector<16xi32>
        %parallel_loop3A_212 = tpu.vector_load_idx %arg11[%parallel_loop3A_131, %parallel_loop3A_211] : memref<400x16xf32, #tpu.memory_space<vmem>>[vector<16xi32>, vector<16xi32>], vector<16xf32>,
        %parallel_loop3A_213 = arith.constant 6 : i32
        %parallel_loop3A_214 = vector.broadcast %parallel_loop3A_213 : i32 to vector<16xi32>
        %parallel_loop3A_215 = tpu.vector_load_idx %arg11[%parallel_loop3A_131, %parallel_loop3A_214] : memref<400x16xf32, #tpu.memory_space<vmem>>[vector<16xi32>, vector<16xi32>], vector<16xf32>,
        %parallel_loop3A_216 = arith.constant 7 : i32
        %parallel_loop3A_217 = vector.broadcast %parallel_loop3A_216 : i32 to vector<16xi32>
        %parallel_loop3A_218 = tpu.vector_load_idx %arg11[%parallel_loop3A_131, %parallel_loop3A_217] : memref<400x16xf32, #tpu.memory_space<vmem>>[vector<16xi32>, vector<16xi32>], vector<16xf32>,
        %parallel_loop3A_219 = arith.constant 14 : i32
        %parallel_loop3A_220 = vector.broadcast %parallel_loop3A_219 : i32 to vector<16xi32>
        %parallel_loop3A_221 = tpu.vector_load_idx %arg11[%parallel_loop3A_131, %parallel_loop3A_220] : memref<400x16xf32, #tpu.memory_space<vmem>>[vector<16xi32>, vector<16xi32>], vector<16xf32>,
        %parallel_loop3A_222 = arith.constant 0 : i32
        %parallel_loop3A_223 = vector.broadcast %parallel_loop3A_222 : i32 to vector<16xi32>
        %parallel_loop3A_224 = tpu.vector_load_idx %arg13[%parallel_loop3A_131, %parallel_loop3A_223] : memref<400x16xf32, #tpu.memory_space<vmem>>[vector<16xi32>, vector<16xi32>], vector<16xf32>,
        %parallel_loop3A_225 = arith.constant 4 : i32
        %parallel_loop3A_226 = vector.broadcast %parallel_loop3A_225 : i32 to vector<16xi32>
        %parallel_loop3A_227 = tpu.vector_load_idx %arg13[%parallel_loop3A_131, %parallel_loop3A_226] : memref<400x16xf32, #tpu.memory_space<vmem>>[vector<16xi32>, vector<16xi32>], vector<16xf32>,
        %parallel_loop3A_228 = arith.constant 5 : i32
        %parallel_loop3A_229 = vector.broadcast %parallel_loop3A_228 : i32 to vector<16xi32>
        %parallel_loop3A_230 = tpu.vector_load_idx %arg13[%parallel_loop3A_131, %parallel_loop3A_229] : memref<400x16xf32, #tpu.memory_space<vmem>>[vector<16xi32>, vector<16xi32>], vector<16xf32>,
        %parallel_loop3A_231 = arith.constant 6 : i32
        %parallel_loop3A_232 = vector.broadcast %parallel_loop3A_231 : i32 to vector<16xi32>
        %parallel_loop3A_233 = tpu.vector_load_idx %arg13[%parallel_loop3A_131, %parallel_loop3A_232] : memref<400x16xf32, #tpu.memory_space<vmem>>[vector<16xi32>, vector<16xi32>], vector<16xf32>,
        %parallel_loop3A_234 = arith.constant 7 : i32
        %parallel_loop3A_235 = vector.broadcast %parallel_loop3A_234 : i32 to vector<16xi32>
        %parallel_loop3A_236 = tpu.vector_load_idx %arg13[%parallel_loop3A_131, %parallel_loop3A_235] : memref<400x16xf32, #tpu.memory_space<vmem>>[vector<16xi32>, vector<16xi32>], vector<16xf32>,
        %parallel_loop3A_237 = arith.constant 14 : i32
        %parallel_loop3A_238 = vector.broadcast %parallel_loop3A_237 : i32 to vector<16xi32>
        %parallel_loop3A_239 = tpu.vector_load_idx %arg13[%parallel_loop3A_131, %parallel_loop3A_238] : memref<400x16xf32, #tpu.memory_space<vmem>>[vector<16xi32>, vector<16xi32>], vector<16xf32>,
        %parallel_loop3A_240 = arith.mulf %parallel_loop3A_221, %parallel_loop3A_187 : vector<16xf32>
        %parallel_loop3A_241 = arith.mulf %parallel_loop3A_239, %parallel_loop3A_187 : vector<16xf32>
        %parallel_loop3A_242 = arith.constant 0.000000e+00 : f32
        %parallel_loop3A_243 = vector.broadcast %parallel_loop3A_242 : f32 to vector<16xf32>
        %parallel_loop3A_244 = arith.subf %parallel_loop3A_243, %parallel_loop3A_240 : vector<16xf32>
        %parallel_loop3A_245 = math.exp %parallel_loop3A_244 : vector<16xf32>
        %parallel_loop3A_246 = arith.constant 0.000000e+00 : f32
        %parallel_loop3A_247 = vector.broadcast %parallel_loop3A_246 : f32 to vector<16xf32>
        %parallel_loop3A_248 = arith.subf %parallel_loop3A_247, %parallel_loop3A_241 : vector<16xf32>
        %parallel_loop3A_249 = math.exp %parallel_loop3A_248 : vector<16xf32>
        %parallel_loop3A_250 = arith.mulf %parallel_loop3A_221, %parallel_loop3A_221 : vector<16xf32>
        %parallel_loop3A_251 = arith.mulf %parallel_loop3A_239, %parallel_loop3A_239 : vector<16xf32>
        %parallel_loop3A_252 = arith.subf %parallel_loop3A_221, %parallel_loop3A_239 : vector<16xf32>
        %parallel_loop3A_253 = math.absf %parallel_loop3A_252 : vector<16xf32>
        %parallel_loop3A_254 = arith.constant 9.99999997E-7 : f32
        %parallel_loop3A_255 = vector.broadcast %parallel_loop3A_254 : f32 to vector<16xf32>
        %parallel_loop3A_256 = arith.cmpf ogt, %parallel_loop3A_253, %parallel_loop3A_255 : vector<16xf32>
        %parallel_loop3A_257 = arith.subf %parallel_loop3A_251, %parallel_loop3A_250 : vector<16xf32>
        %parallel_loop3A_258 = arith.constant 1.000000e+00 : f32
        %parallel_loop3A_259 = vector.broadcast %parallel_loop3A_258 : f32 to vector<16xf32>
        %parallel_loop3A_260 = arith.select %parallel_loop3A_256, %parallel_loop3A_257, %parallel_loop3A_259 : vector<16xi1>, vector<16xf32>
        %parallel_loop3A_261 = arith.constant 1.000000e+00 : f32
        %parallel_loop3A_262 = vector.broadcast %parallel_loop3A_261 : f32 to vector<16xf32>
        %parallel_loop3A_263 = arith.divf %parallel_loop3A_262, %parallel_loop3A_260 : vector<16xf32>
        %parallel_loop3A_264 = arith.mulf %parallel_loop3A_251, %parallel_loop3A_263 : vector<16xf32>
        %parallel_loop3A_265 = arith.constant 0.000000e+00 : f32
        %parallel_loop3A_266 = vector.broadcast %parallel_loop3A_265 : f32 to vector<16xf32>
        %parallel_loop3A_267 = arith.select %parallel_loop3A_256, %parallel_loop3A_264, %parallel_loop3A_266 : vector<16xi1>, vector<16xf32>
        %parallel_loop3A_268 = arith.mulf %parallel_loop3A_267, %parallel_loop3A_245 : vector<16xf32>
        %parallel_loop3A_269 = arith.constant 0.000000e+00 : f32
        %parallel_loop3A_270 = vector.broadcast %parallel_loop3A_269 : f32 to vector<16xf32>
        %parallel_loop3A_271 = arith.subf %parallel_loop3A_270, %parallel_loop3A_250 : vector<16xf32>
        %parallel_loop3A_272 = arith.mulf %parallel_loop3A_271, %parallel_loop3A_263 : vector<16xf32>
        %parallel_loop3A_273 = arith.constant 0.000000e+00 : f32
        %parallel_loop3A_274 = vector.broadcast %parallel_loop3A_273 : f32 to vector<16xf32>
        %parallel_loop3A_275 = arith.select %parallel_loop3A_256, %parallel_loop3A_272, %parallel_loop3A_274 : vector<16xi1>, vector<16xf32>
        %parallel_loop3A_276 = arith.mulf %parallel_loop3A_275, %parallel_loop3A_249 : vector<16xf32>
        %parallel_loop3A_277 = arith.constant 1.000000e+00 : f32
        %parallel_loop3A_278 = vector.broadcast %parallel_loop3A_277 : f32 to vector<16xf32>
        %parallel_loop3A_279 = arith.addf %parallel_loop3A_278, %parallel_loop3A_240 : vector<16xf32>
        %parallel_loop3A_280 = arith.constant 1.000000e+00 : f32
        %parallel_loop3A_281 = vector.broadcast %parallel_loop3A_280 : f32 to vector<16xf32>
        %parallel_loop3A_282 = arith.addf %parallel_loop3A_281, %parallel_loop3A_241 : vector<16xf32>
        %parallel_loop3A_283 = arith.constant 0.333333343 : f32
        %parallel_loop3A_284 = vector.broadcast %parallel_loop3A_283 : f32 to vector<16xf32>
        %parallel_loop3A_285 = arith.mulf %parallel_loop3A_200, %parallel_loop3A_284 : vector<16xf32>
        %parallel_loop3A_286 = arith.mulf %parallel_loop3A_250, %parallel_loop3A_285 : vector<16xf32>
        %parallel_loop3A_287 = arith.mulf %parallel_loop3A_251, %parallel_loop3A_285 : vector<16xf32>
        %parallel_loop3A_288 = arith.constant 5.000000e-01 : f32
        %parallel_loop3A_289 = vector.broadcast %parallel_loop3A_288 : f32 to vector<16xf32>
        %parallel_loop3A_290 = arith.mulf %parallel_loop3A_289, %parallel_loop3A_250 : vector<16xf32>
        %parallel_loop3A_291 = arith.mulf %parallel_loop3A_290, %parallel_loop3A_200 : vector<16xf32>
        %parallel_loop3A_292 = arith.addf %parallel_loop3A_279, %parallel_loop3A_286 : vector<16xf32>
        %parallel_loop3A_293 = arith.addf %parallel_loop3A_282, %parallel_loop3A_287 : vector<16xf32>
        %parallel_loop3A_294 = arith.constant 1.000000e+00 : f32
        %parallel_loop3A_295 = vector.broadcast %parallel_loop3A_294 : f32 to vector<16xf32>
        %parallel_loop3A_296 = arith.subf %parallel_loop3A_295, %parallel_loop3A_268 : vector<16xf32>
        %parallel_loop3A_297 = arith.subf %parallel_loop3A_296, %parallel_loop3A_276 : vector<16xf32>
        %parallel_loop3A_298 = arith.constant 5.000000e-01 : f32
        %parallel_loop3A_299 = vector.broadcast %parallel_loop3A_298 : f32 to vector<16xf32>
        %parallel_loop3A_300 = arith.mulf %parallel_loop3A_299, %parallel_loop3A_240 : vector<16xf32>
        %parallel_loop3A_301 = arith.constant 1.000000e+00 : f32
        %parallel_loop3A_302 = vector.broadcast %parallel_loop3A_301 : f32 to vector<16xf32>
        %parallel_loop3A_303 = arith.addf %parallel_loop3A_302, %parallel_loop3A_300 : vector<16xf32>
        %parallel_loop3A_304 = arith.mulf %parallel_loop3A_303, %parallel_loop3A_245 : vector<16xf32>
        %parallel_loop3A_305 = arith.constant 1.000000e+00 : f32
        %parallel_loop3A_306 = vector.broadcast %parallel_loop3A_305 : f32 to vector<16xf32>
        %parallel_loop3A_307 = arith.subf %parallel_loop3A_306, %parallel_loop3A_304 : vector<16xf32>
        %parallel_loop3A_308 = arith.select %parallel_loop3A_256, %parallel_loop3A_297, %parallel_loop3A_307 : vector<16xi1>, vector<16xf32>
        %parallel_loop3A_309 = arith.mulf %parallel_loop3A_279, %parallel_loop3A_268 : vector<16xf32>
        %parallel_loop3A_310 = arith.constant 1.000000e+00 : f32
        %parallel_loop3A_311 = vector.broadcast %parallel_loop3A_310 : f32 to vector<16xf32>
        %parallel_loop3A_312 = arith.subf %parallel_loop3A_311, %parallel_loop3A_309 : vector<16xf32>
        %parallel_loop3A_313 = arith.mulf %parallel_loop3A_282, %parallel_loop3A_276 : vector<16xf32>
        %parallel_loop3A_314 = arith.subf %parallel_loop3A_312, %parallel_loop3A_313 : vector<16xf32>
        %parallel_loop3A_315 = arith.addf %parallel_loop3A_279, %parallel_loop3A_291 : vector<16xf32>
        %parallel_loop3A_316 = arith.mulf %parallel_loop3A_315, %parallel_loop3A_245 : vector<16xf32>
        %parallel_loop3A_317 = arith.constant 1.000000e+00 : f32
        %parallel_loop3A_318 = vector.broadcast %parallel_loop3A_317 : f32 to vector<16xf32>
        %parallel_loop3A_319 = arith.subf %parallel_loop3A_318, %parallel_loop3A_316 : vector<16xf32>
        %parallel_loop3A_320 = arith.select %parallel_loop3A_256, %parallel_loop3A_314, %parallel_loop3A_319 : vector<16xi1>, vector<16xf32>
        %parallel_loop3A_321 = arith.mulf %parallel_loop3A_292, %parallel_loop3A_268 : vector<16xf32>
        %parallel_loop3A_322 = arith.constant 1.000000e+00 : f32
        %parallel_loop3A_323 = vector.broadcast %parallel_loop3A_322 : f32 to vector<16xf32>
        %parallel_loop3A_324 = arith.subf %parallel_loop3A_323, %parallel_loop3A_321 : vector<16xf32>
        %parallel_loop3A_325 = arith.mulf %parallel_loop3A_293, %parallel_loop3A_276 : vector<16xf32>
        %parallel_loop3A_326 = arith.subf %parallel_loop3A_324, %parallel_loop3A_325 : vector<16xf32>
        %parallel_loop3A_327 = arith.addf %parallel_loop3A_279, %parallel_loop3A_291 : vector<16xf32>
        %parallel_loop3A_328 = arith.mulf %parallel_loop3A_291, %parallel_loop3A_240 : vector<16xf32>
        %parallel_loop3A_329 = arith.constant 0.333333343 : f32
        %parallel_loop3A_330 = vector.broadcast %parallel_loop3A_329 : f32 to vector<16xf32>
        %parallel_loop3A_331 = arith.mulf %parallel_loop3A_328, %parallel_loop3A_330 : vector<16xf32>
        %parallel_loop3A_332 = arith.addf %parallel_loop3A_327, %parallel_loop3A_331 : vector<16xf32>
        %parallel_loop3A_333 = arith.mulf %parallel_loop3A_332, %parallel_loop3A_245 : vector<16xf32>
        %parallel_loop3A_334 = arith.constant 1.000000e+00 : f32
        %parallel_loop3A_335 = vector.broadcast %parallel_loop3A_334 : f32 to vector<16xf32>
        %parallel_loop3A_336 = arith.subf %parallel_loop3A_335, %parallel_loop3A_333 : vector<16xf32>
        %parallel_loop3A_337 = arith.select %parallel_loop3A_256, %parallel_loop3A_326, %parallel_loop3A_336 : vector<16xi1>, vector<16xf32>
        %parallel_loop3A_338 = arith.constant 1.000000e+00 : f32
        %parallel_loop3A_339 = vector.broadcast %parallel_loop3A_338 : f32 to vector<16xf32>
        %parallel_loop3A_340 = arith.subf %parallel_loop3A_339, %parallel_loop3A_249 : vector<16xf32>
        %parallel_loop3A_341 = arith.mulf %parallel_loop3A_282, %parallel_loop3A_249 : vector<16xf32>
        %parallel_loop3A_342 = arith.constant 1.000000e+00 : f32
        %parallel_loop3A_343 = vector.broadcast %parallel_loop3A_342 : f32 to vector<16xf32>
        %parallel_loop3A_344 = arith.subf %parallel_loop3A_343, %parallel_loop3A_341 : vector<16xf32>
        %parallel_loop3A_345 = arith.mulf %parallel_loop3A_293, %parallel_loop3A_249 : vector<16xf32>
        %parallel_loop3A_346 = arith.constant 1.000000e+00 : f32
        %parallel_loop3A_347 = vector.broadcast %parallel_loop3A_346 : f32 to vector<16xf32>
        %parallel_loop3A_348 = arith.subf %parallel_loop3A_347, %parallel_loop3A_345 : vector<16xf32>
        %parallel_loop3A_349 = arith.constant 1.000000e+00 : f32
        %parallel_loop3A_350 = vector.broadcast %parallel_loop3A_349 : f32 to vector<16xf32>
        %parallel_loop3A_351 = arith.subf %parallel_loop3A_350, %parallel_loop3A_245 : vector<16xf32>
        %parallel_loop3A_352 = arith.mulf %parallel_loop3A_279, %parallel_loop3A_245 : vector<16xf32>
        %parallel_loop3A_353 = arith.constant 1.000000e+00 : f32
        %parallel_loop3A_354 = vector.broadcast %parallel_loop3A_353 : f32 to vector<16xf32>
        %parallel_loop3A_355 = arith.subf %parallel_loop3A_354, %parallel_loop3A_352 : vector<16xf32>
        %parallel_loop3A_356 = arith.mulf %parallel_loop3A_292, %parallel_loop3A_245 : vector<16xf32>
        %parallel_loop3A_357 = arith.constant 1.000000e+00 : f32
        %parallel_loop3A_358 = vector.broadcast %parallel_loop3A_357 : f32 to vector<16xf32>
        %parallel_loop3A_359 = arith.subf %parallel_loop3A_358, %parallel_loop3A_356 : vector<16xf32>
        %parallel_loop3A_360 = arith.mulf %parallel_loop3A_212, %parallel_loop3A_193 : vector<16xf32>
        %parallel_loop3A_361 = arith.mulf %parallel_loop3A_215, %parallel_loop3A_196 : vector<16xf32>
        %parallel_loop3A_362 = arith.addf %parallel_loop3A_360, %parallel_loop3A_361 : vector<16xf32>
        %parallel_loop3A_363 = arith.mulf %parallel_loop3A_218, %parallel_loop3A_199 : vector<16xf32>
        %parallel_loop3A_364 = arith.addf %parallel_loop3A_362, %parallel_loop3A_363 : vector<16xf32>
        %parallel_loop3A_365 = arith.mulf %parallel_loop3A_230, %parallel_loop3A_193 : vector<16xf32>
        %parallel_loop3A_366 = arith.mulf %parallel_loop3A_233, %parallel_loop3A_196 : vector<16xf32>
        %parallel_loop3A_367 = arith.addf %parallel_loop3A_365, %parallel_loop3A_366 : vector<16xf32>
        %parallel_loop3A_368 = arith.mulf %parallel_loop3A_236, %parallel_loop3A_199 : vector<16xf32>
        %parallel_loop3A_369 = arith.addf %parallel_loop3A_367, %parallel_loop3A_368 : vector<16xf32>
        %parallel_loop3A_370 = arith.mulf %parallel_loop3A_212, %parallel_loop3A_230 : vector<16xf32>
        %parallel_loop3A_371 = arith.mulf %parallel_loop3A_215, %parallel_loop3A_233 : vector<16xf32>
        %parallel_loop3A_372 = arith.addf %parallel_loop3A_370, %parallel_loop3A_371 : vector<16xf32>
        %parallel_loop3A_373 = arith.mulf %parallel_loop3A_218, %parallel_loop3A_236 : vector<16xf32>
        %parallel_loop3A_374 = arith.addf %parallel_loop3A_372, %parallel_loop3A_373 : vector<16xf32>
        %parallel_loop3A_375 = arith.constant 8 : i32
        %parallel_loop3A_376 = vector.broadcast %parallel_loop3A_375 : i32 to vector<16xi32>
        %parallel_loop3A_377 = tpu.vector_load_idx %arg11[%parallel_loop3A_131, %parallel_loop3A_376] : memref<400x16xf32, #tpu.memory_space<vmem>>[vector<16xi32>, vector<16xi32>], vector<16xf32>,
        %parallel_loop3A_378 = arith.constant 9 : i32
        %parallel_loop3A_379 = vector.broadcast %parallel_loop3A_378 : i32 to vector<16xi32>
        %parallel_loop3A_380 = tpu.vector_load_idx %arg11[%parallel_loop3A_131, %parallel_loop3A_379] : memref<400x16xf32, #tpu.memory_space<vmem>>[vector<16xi32>, vector<16xi32>], vector<16xf32>,
        %parallel_loop3A_381 = arith.constant 10 : i32
        %parallel_loop3A_382 = vector.broadcast %parallel_loop3A_381 : i32 to vector<16xi32>
        %parallel_loop3A_383 = tpu.vector_load_idx %arg11[%parallel_loop3A_131, %parallel_loop3A_382] : memref<400x16xf32, #tpu.memory_space<vmem>>[vector<16xi32>, vector<16xi32>], vector<16xf32>,
        %parallel_loop3A_384 = arith.constant 11 : i32
        %parallel_loop3A_385 = vector.broadcast %parallel_loop3A_384 : i32 to vector<16xi32>
        %parallel_loop3A_386 = tpu.vector_load_idx %arg11[%parallel_loop3A_131, %parallel_loop3A_385] : memref<400x16xf32, #tpu.memory_space<vmem>>[vector<16xi32>, vector<16xi32>], vector<16xf32>,
        %parallel_loop3A_387 = arith.constant 12 : i32
        %parallel_loop3A_388 = vector.broadcast %parallel_loop3A_387 : i32 to vector<16xi32>
        %parallel_loop3A_389 = tpu.vector_load_idx %arg11[%parallel_loop3A_131, %parallel_loop3A_388] : memref<400x16xf32, #tpu.memory_space<vmem>>[vector<16xi32>, vector<16xi32>], vector<16xf32>,
        %parallel_loop3A_390 = arith.constant 13 : i32
        %parallel_loop3A_391 = vector.broadcast %parallel_loop3A_390 : i32 to vector<16xi32>
        %parallel_loop3A_392 = tpu.vector_load_idx %arg11[%parallel_loop3A_131, %parallel_loop3A_391] : memref<400x16xf32, #tpu.memory_space<vmem>>[vector<16xi32>, vector<16xi32>], vector<16xf32>,
        %parallel_loop3A_393 = arith.constant 8 : i32
        %parallel_loop3A_394 = vector.broadcast %parallel_loop3A_393 : i32 to vector<16xi32>
        %parallel_loop3A_395 = tpu.vector_load_idx %arg13[%parallel_loop3A_131, %parallel_loop3A_394] : memref<400x16xf32, #tpu.memory_space<vmem>>[vector<16xi32>, vector<16xi32>], vector<16xf32>,
        %parallel_loop3A_396 = arith.constant 9 : i32
        %parallel_loop3A_397 = vector.broadcast %parallel_loop3A_396 : i32 to vector<16xi32>
        %parallel_loop3A_398 = tpu.vector_load_idx %arg13[%parallel_loop3A_131, %parallel_loop3A_397] : memref<400x16xf32, #tpu.memory_space<vmem>>[vector<16xi32>, vector<16xi32>], vector<16xf32>,
        %parallel_loop3A_399 = arith.constant 10 : i32
        %parallel_loop3A_400 = vector.broadcast %parallel_loop3A_399 : i32 to vector<16xi32>
        %parallel_loop3A_401 = tpu.vector_load_idx %arg13[%parallel_loop3A_131, %parallel_loop3A_400] : memref<400x16xf32, #tpu.memory_space<vmem>>[vector<16xi32>, vector<16xi32>], vector<16xf32>,
        %parallel_loop3A_402 = arith.constant 11 : i32
        %parallel_loop3A_403 = vector.broadcast %parallel_loop3A_402 : i32 to vector<16xi32>
        %parallel_loop3A_404 = tpu.vector_load_idx %arg13[%parallel_loop3A_131, %parallel_loop3A_403] : memref<400x16xf32, #tpu.memory_space<vmem>>[vector<16xi32>, vector<16xi32>], vector<16xf32>,
        %parallel_loop3A_405 = arith.constant 12 : i32
        %parallel_loop3A_406 = vector.broadcast %parallel_loop3A_405 : i32 to vector<16xi32>
        %parallel_loop3A_407 = tpu.vector_load_idx %arg13[%parallel_loop3A_131, %parallel_loop3A_406] : memref<400x16xf32, #tpu.memory_space<vmem>>[vector<16xi32>, vector<16xi32>], vector<16xf32>,
        %parallel_loop3A_408 = arith.constant 13 : i32
        %parallel_loop3A_409 = vector.broadcast %parallel_loop3A_408 : i32 to vector<16xi32>
        %parallel_loop3A_410 = tpu.vector_load_idx %arg13[%parallel_loop3A_131, %parallel_loop3A_409] : memref<400x16xf32, #tpu.memory_space<vmem>>[vector<16xi32>, vector<16xi32>], vector<16xf32>,
        %parallel_loop3A_411 = arith.mulf %parallel_loop3A_193, %parallel_loop3A_193 : vector<16xf32>
        %parallel_loop3A_412 = arith.mulf %parallel_loop3A_196, %parallel_loop3A_196 : vector<16xf32>
        %parallel_loop3A_413 = arith.mulf %parallel_loop3A_199, %parallel_loop3A_199 : vector<16xf32>
        %parallel_loop3A_414 = arith.mulf %parallel_loop3A_193, %parallel_loop3A_196 : vector<16xf32>
        %parallel_loop3A_415 = arith.mulf %parallel_loop3A_193, %parallel_loop3A_199 : vector<16xf32>
        %parallel_loop3A_416 = arith.mulf %parallel_loop3A_196, %parallel_loop3A_199 : vector<16xf32>
        %parallel_loop3A_417 = arith.mulf %parallel_loop3A_377, %parallel_loop3A_411 : vector<16xf32>
        %parallel_loop3A_418 = arith.mulf %parallel_loop3A_380, %parallel_loop3A_412 : vector<16xf32>
        %parallel_loop3A_419 = arith.addf %parallel_loop3A_417, %parallel_loop3A_418 : vector<16xf32>
        %parallel_loop3A_420 = arith.mulf %parallel_loop3A_383, %parallel_loop3A_413 : vector<16xf32>
        %parallel_loop3A_421 = arith.addf %parallel_loop3A_419, %parallel_loop3A_420 : vector<16xf32>
        %parallel_loop3A_422 = arith.mulf %parallel_loop3A_386, %parallel_loop3A_414 : vector<16xf32>
        %parallel_loop3A_423 = arith.addf %parallel_loop3A_421, %parallel_loop3A_422 : vector<16xf32>
        %parallel_loop3A_424 = arith.mulf %parallel_loop3A_389, %parallel_loop3A_415 : vector<16xf32>
        %parallel_loop3A_425 = arith.addf %parallel_loop3A_423, %parallel_loop3A_424 : vector<16xf32>
        %parallel_loop3A_426 = arith.mulf %parallel_loop3A_392, %parallel_loop3A_416 : vector<16xf32>
        %parallel_loop3A_427 = arith.addf %parallel_loop3A_425, %parallel_loop3A_426 : vector<16xf32>
        %parallel_loop3A_428 = arith.addf %parallel_loop3A_377, %parallel_loop3A_380 : vector<16xf32>
        %parallel_loop3A_429 = arith.addf %parallel_loop3A_428, %parallel_loop3A_383 : vector<16xf32>
        %parallel_loop3A_430 = arith.mulf %parallel_loop3A_395, %parallel_loop3A_411 : vector<16xf32>
        %parallel_loop3A_431 = arith.mulf %parallel_loop3A_398, %parallel_loop3A_412 : vector<16xf32>
        %parallel_loop3A_432 = arith.addf %parallel_loop3A_430, %parallel_loop3A_431 : vector<16xf32>
        %parallel_loop3A_433 = arith.mulf %parallel_loop3A_401, %parallel_loop3A_413 : vector<16xf32>
        %parallel_loop3A_434 = arith.addf %parallel_loop3A_432, %parallel_loop3A_433 : vector<16xf32>
        %parallel_loop3A_435 = arith.mulf %parallel_loop3A_404, %parallel_loop3A_414 : vector<16xf32>
        %parallel_loop3A_436 = arith.addf %parallel_loop3A_434, %parallel_loop3A_435 : vector<16xf32>
        %parallel_loop3A_437 = arith.mulf %parallel_loop3A_407, %parallel_loop3A_415 : vector<16xf32>
        %parallel_loop3A_438 = arith.addf %parallel_loop3A_436, %parallel_loop3A_437 : vector<16xf32>
        %parallel_loop3A_439 = arith.mulf %parallel_loop3A_410, %parallel_loop3A_416 : vector<16xf32>
        %parallel_loop3A_440 = arith.addf %parallel_loop3A_438, %parallel_loop3A_439 : vector<16xf32>
        %parallel_loop3A_441 = arith.addf %parallel_loop3A_395, %parallel_loop3A_398 : vector<16xf32>
        %parallel_loop3A_442 = arith.addf %parallel_loop3A_441, %parallel_loop3A_401 : vector<16xf32>
        %parallel_loop3A_443 = arith.mulf %parallel_loop3A_209, %parallel_loop3A_308 : vector<16xf32>
        %parallel_loop3A_444 = arith.mulf %parallel_loop3A_206, %parallel_loop3A_340 : vector<16xf32>
        %parallel_loop3A_445 = arith.addf %parallel_loop3A_443, %parallel_loop3A_444 : vector<16xf32>
        %parallel_loop3A_446 = arith.mulf %parallel_loop3A_227, %parallel_loop3A_320 : vector<16xf32>
        %parallel_loop3A_447 = arith.mulf %parallel_loop3A_224, %parallel_loop3A_355 : vector<16xf32>
        %parallel_loop3A_448 = arith.addf %parallel_loop3A_446, %parallel_loop3A_447 : vector<16xf32>
        %parallel_loop3A_449 = arith.mulf %parallel_loop3A_209, %parallel_loop3A_320 : vector<16xf32>
        %parallel_loop3A_450 = arith.mulf %parallel_loop3A_206, %parallel_loop3A_344 : vector<16xf32>
        %parallel_loop3A_451 = arith.addf %parallel_loop3A_449, %parallel_loop3A_450 : vector<16xf32>
        %parallel_loop3A_452 = arith.mulf %parallel_loop3A_227, %parallel_loop3A_337 : vector<16xf32>
        %parallel_loop3A_453 = arith.mulf %parallel_loop3A_224, %parallel_loop3A_359 : vector<16xf32>
        %parallel_loop3A_454 = arith.addf %parallel_loop3A_452, %parallel_loop3A_453 : vector<16xf32>
        %parallel_loop3A_455 = arith.mulf %parallel_loop3A_209, %parallel_loop3A_337 : vector<16xf32>
        %parallel_loop3A_456 = arith.mulf %parallel_loop3A_206, %parallel_loop3A_348 : vector<16xf32>
        %parallel_loop3A_457 = arith.addf %parallel_loop3A_455, %parallel_loop3A_456 : vector<16xf32>
        %parallel_loop3A_458 = arith.mulf %parallel_loop3A_227, %parallel_loop3A_445 : vector<16xf32>
        %parallel_loop3A_459 = arith.mulf %parallel_loop3A_209, %parallel_loop3A_351 : vector<16xf32>
        %parallel_loop3A_460 = arith.addf %parallel_loop3A_459, %parallel_loop3A_206 : vector<16xf32>
        %parallel_loop3A_461 = arith.mulf %parallel_loop3A_224, %parallel_loop3A_460 : vector<16xf32>
        %parallel_loop3A_462 = arith.addf %parallel_loop3A_458, %parallel_loop3A_461 : vector<16xf32>
        %parallel_loop3A_463 = arith.mulf %parallel_loop3A_364, %parallel_loop3A_448 : vector<16xf32>
        %parallel_loop3A_464 = arith.mulf %parallel_loop3A_369, %parallel_loop3A_451 : vector<16xf32>
        %parallel_loop3A_465 = arith.subf %parallel_loop3A_463, %parallel_loop3A_464 : vector<16xf32>
        %parallel_loop3A_466 = arith.mulf %parallel_loop3A_457, %parallel_loop3A_440 : vector<16xf32>
        %parallel_loop3A_467 = arith.mulf %parallel_loop3A_454, %parallel_loop3A_427 : vector<16xf32>
        %parallel_loop3A_468 = arith.addf %parallel_loop3A_466, %parallel_loop3A_467 : vector<16xf32>
        %parallel_loop3A_469 = arith.mulf %parallel_loop3A_364, %parallel_loop3A_369 : vector<16xf32>
        %parallel_loop3A_470 = arith.mulf %parallel_loop3A_337, %parallel_loop3A_469 : vector<16xf32>
        %parallel_loop3A_471 = arith.constant 3.000000e+00 : f32
        %parallel_loop3A_472 = vector.broadcast %parallel_loop3A_471 : f32 to vector<16xf32>
        %parallel_loop3A_473 = arith.mulf %parallel_loop3A_472, %parallel_loop3A_470 : vector<16xf32>
        %parallel_loop3A_474 = arith.subf %parallel_loop3A_468, %parallel_loop3A_473 : vector<16xf32>
        %parallel_loop3A_475 = arith.mulf %parallel_loop3A_320, %parallel_loop3A_374 : vector<16xf32>
        %parallel_loop3A_476 = arith.mulf %parallel_loop3A_200, %parallel_loop3A_475 : vector<16xf32>
        %parallel_loop3A_477 = arith.addf %parallel_loop3A_474, %parallel_loop3A_476 : vector<16xf32>
        %parallel_loop3A_478 = arith.mulf %parallel_loop3A_451, %parallel_loop3A_442 : vector<16xf32>
        %parallel_loop3A_479 = arith.mulf %parallel_loop3A_448, %parallel_loop3A_429 : vector<16xf32>
        %parallel_loop3A_480 = arith.addf %parallel_loop3A_478, %parallel_loop3A_479 : vector<16xf32>
        %parallel_loop3A_481 = arith.mulf %parallel_loop3A_285, %parallel_loop3A_480 : vector<16xf32>
        %parallel_loop3A_482 = arith.subf %parallel_loop3A_477, %parallel_loop3A_481 : vector<16xf32>
        %parallel_loop3A_483 = arith.mulf %parallel_loop3A_190, %parallel_loop3A_462 : vector<16xf32>
        %parallel_loop3A_484 = arith.mulf %parallel_loop3A_202, %parallel_loop3A_465 : vector<16xf32>
        %parallel_loop3A_485 = arith.addf %parallel_loop3A_483, %parallel_loop3A_484 : vector<16xf32>
        %parallel_loop3A_486 = arith.mulf %parallel_loop3A_203, %parallel_loop3A_482 : vector<16xf32>
        %parallel_loop3A_487 = arith.addf %parallel_loop3A_485, %parallel_loop3A_486 : vector<16xf32>
        %parallel_loop3A_488 = arith.constant 6.275090e+02 : f32
        %parallel_loop3A_489 = vector.broadcast %parallel_loop3A_488 : f32 to vector<16xf32>
        %parallel_loop3A_490 = arith.mulf %parallel_loop3A_489, %parallel_loop3A_487 : vector<16xf32>
        %parallel_loop3A_491 = arith.constant 16 : i32
        %parallel_loop3A_492 = arith.muli %parallel_loop3A_127, %parallel_loop3A_491 : i32
        %parallel_loop3A_493 = arith.index_cast %parallel_loop3A_492 : i32 to index
        %parallel_loop3A_494 = tpu.vector_load %arg15[%parallel_loop3A_493] {strides = array<i32>} : memref<400xf32, #tpu.memory_space<vmem>>, vector<16xf32>,
        tpu.vector_store %arg15[%parallel_loop3A_493], %parallel_loop3A_490 {strides = array<i32>} : memref<400xf32, #tpu.memory_space<vmem>>, vector<16xf32>,
      } {sc.loop_unroll_factor = 2 : i64, sc.parallel_access}
      %mul3A_78 = arith.constant 400 : i32
      %mul3A_79 = arith.muli %add3A_46, %mul3A_78 : i32
      %add3A_80 = arith.addi %mul3A_2, %mul3A_79 : i32
      %dma_start3A_81 = tpu.memref_slice %arg6[%add3A_80] : memref<1600000xf32, #tpu.memory_space<hbm>> -> memref<400xf32, #tpu.memory_space<hbm>>
      %dma_start3A_82 = tpu.memref_slice %arg6[%add3A_80] : memref<1600000xf32, #tpu.memory_space<hbm>> -> memref<400xf32, #tpu.memory_space<hbm>>
      tpu.enqueue_dma source(%arg15 : memref<400xf32, #tpu.memory_space<vmem>>) target(%dma_start3A_82 : memref<400xf32, #tpu.memory_space<hbm>>) target_semaphore(%arg21 : memref<!tpu.dma_semaphore, #tpu.memory_space<semaphore_mem>>)
      %mul3A_83 = arith.constant 2 : i32
      %mul3A_84 = arith.muli %mul3A_83, %scan3A_42 : i32
      %add3A_85 = arith.constant 1 : i32
      %add3A_86 = arith.addi %mul3A_84, %add3A_85 : i32
      %dma_wait3A_87 = arith.constant 0 : i32
      %dma_wait3A_88 = arith.constant 0 : i32
      %dma_wait3A_89 = tpu.memref_slice %arg2[%dma_wait3A_87, %dma_wait3A_88] : memref<50000x16xf32, #tpu.memory_space<hbm>> -> memref<50000x16xf32, #tpu.memory_space<hbm>>
      tpu.wait_indirect_dma semaphore(%arg20 : memref<!tpu.dma_semaphore, #tpu.memory_space<semaphore_mem>>) src(%dma_wait3A_89 : memref<50000x16xf32, #tpu.memory_space<hbm>>) dst(%arg12 : memref<400x16xf32, #tpu.memory_space<vmem>>)
      %dma_wait3A_90 = arith.constant 0 : i32
      %dma_wait3A_91 = arith.constant 0 : i32
      %dma_wait3A_92 = tpu.memref_slice %arg3[%dma_wait3A_90, %dma_wait3A_91] : memref<50000x16xf32, #tpu.memory_space<hbm>> -> memref<50000x16xf32, #tpu.memory_space<hbm>>
      tpu.wait_indirect_dma semaphore(%arg20 : memref<!tpu.dma_semaphore, #tpu.memory_space<semaphore_mem>>) src(%dma_wait3A_92 : memref<50000x16xf32, #tpu.memory_space<hbm>>) dst(%arg14 : memref<400x16xf32, #tpu.memory_space<vmem>>)
      %dma_wait3A_93 = arith.constant 0 : i32
      %dma_wait3A_94 = tpu.memref_slice %arg4[%dma_wait3A_93] : memref<1600000xi32, #tpu.memory_space<hbm>> -> memref<400xi32, #tpu.memory_space<hbm>>
      %dma_wait3A_95 = arith.constant 0 : i32
      %dma_wait3A_96 = tpu.memref_slice %arg4[%dma_wait3A_95] : memref<1600000xi32, #tpu.memory_space<hbm>> -> memref<400xi32, #tpu.memory_space<hbm>>
      tpu.wait_dma2 semaphore(%arg17 : memref<!tpu.dma_semaphore, #tpu.memory_space<semaphore_mem>>) src(%dma_wait3A_96 : memref<400xi32, #tpu.memory_space<hbm>>) dst(%arg7 : memref<400xi32, #tpu.memory_space<vmem>>)
      %dma_wait3A_97 = arith.constant 0 : i32
      %dma_wait3A_98 = tpu.memref_slice %arg5[%dma_wait3A_97] : memref<1600000xi32, #tpu.memory_space<hbm>> -> memref<400xi32, #tpu.memory_space<hbm>>
      %dma_wait3A_99 = arith.constant 0 : i32
      %dma_wait3A_100 = tpu.memref_slice %arg5[%dma_wait3A_99] : memref<1600000xi32, #tpu.memory_space<hbm>> -> memref<400xi32, #tpu.memory_space<hbm>>
      tpu.wait_dma2 semaphore(%arg17 : memref<!tpu.dma_semaphore, #tpu.memory_space<semaphore_mem>>) src(%dma_wait3A_100 : memref<400xi32, #tpu.memory_space<hbm>>) dst(%arg9 : memref<400xi32, #tpu.memory_space<vmem>>)
      %dma_start3A_101 = arith.constant 0 : i32
      %dma_start3A_102 = arith.constant 0 : i32
      %dma_start3A_103 = tpu.memref_slice %arg2[%dma_start3A_101, %dma_start3A_102] : memref<50000x16xf32, #tpu.memory_space<hbm>> -> memref<50000x16xf32, #tpu.memory_space<hbm>>
      tpu.enqueue_indirect_dma source(%dma_start3A_103 : memref<50000x16xf32, #tpu.memory_space<hbm>>) target(%arg11 : memref<400x16xf32, #tpu.memory_space<vmem>>) offsets(%arg7 : memref<400xi32, #tpu.memory_space<vmem>>) semaphore(%arg19 : memref<!tpu.dma_semaphore, #tpu.memory_space<semaphore_mem>>)
      %dma_start3A_104 = arith.constant 0 : i32
      %dma_start3A_105 = arith.constant 0 : i32
      %dma_start3A_106 = tpu.memref_slice %arg3[%dma_start3A_104, %dma_start3A_105] : memref<50000x16xf32, #tpu.memory_space<hbm>> -> memref<50000x16xf32, #tpu.memory_space<hbm>>
      tpu.enqueue_indirect_dma source(%dma_start3A_106 : memref<50000x16xf32, #tpu.memory_space<hbm>>) target(%arg13 : memref<400x16xf32, #tpu.memory_space<vmem>>) offsets(%arg9 : memref<400xi32, #tpu.memory_space<vmem>>) semaphore(%arg19 : memref<!tpu.dma_semaphore, #tpu.memory_space<semaphore_mem>>)
      %add3A_107 = arith.constant 2 : i32
      %add3A_108 = arith.addi %add3A_86, %add3A_107 : i32
      %lt3A_109 = arith.constant 125 : i32
      %lt3A_110 = arith.cmpi slt, %add3A_108, %lt3A_109 : i32
      %convert_element_type3A_111 = arith.extui %lt3A_110 : i1 to i32
      %cond3A_112 = arith.constant 0 : i32
      %cond3A_113 = arith.cmpi ne, %convert_element_type3A_111, %cond3A_112 : i32
      scf.if %cond3A_113 {
        %add3A_127 = arith.constant 2 : i32
        %add3A_128 = arith.addi %add3A_86, %add3A_127 : i32
        %mul3A_129 = arith.constant 400 : i32
        %mul3A_130 = arith.muli %add3A_128, %mul3A_129 : i32
        %add3A_131 = arith.addi %mul3A_2, %mul3A_130 : i32
        %dma_start3A_132 = tpu.memref_slice %arg4[%add3A_131] : memref<1600000xi32, #tpu.memory_space<hbm>> -> memref<400xi32, #tpu.memory_space<hbm>>
        %dma_start3A_133 = tpu.memref_slice %arg4[%add3A_131] : memref<1600000xi32, #tpu.memory_space<hbm>> -> memref<400xi32, #tpu.memory_space<hbm>>
        tpu.enqueue_dma source(%dma_start3A_133 : memref<400xi32, #tpu.memory_space<hbm>>) target(%arg8 : memref<400xi32, #tpu.memory_space<vmem>>) target_semaphore(%arg18 : memref<!tpu.dma_semaphore, #tpu.memory_space<semaphore_mem>>)
        %dma_start3A_134 = tpu.memref_slice %arg5[%add3A_131] : memref<1600000xi32, #tpu.memory_space<hbm>> -> memref<400xi32, #tpu.memory_space<hbm>>
        %dma_start3A_135 = tpu.memref_slice %arg5[%add3A_131] : memref<1600000xi32, #tpu.memory_space<hbm>> -> memref<400xi32, #tpu.memory_space<hbm>>
        tpu.enqueue_dma source(%dma_start3A_135 : memref<400xi32, #tpu.memory_space<hbm>>) target(%arg10 : memref<400xi32, #tpu.memory_space<vmem>>) target_semaphore(%arg18 : memref<!tpu.dma_semaphore, #tpu.memory_space<semaphore_mem>>)
      } else {
      }
      %gt3A_114 = arith.constant 0 : i32
      %gt3A_115 = arith.cmpi sgt, %scan3A_42, %gt3A_114 : i32
      %convert_element_type3A_116 = arith.extui %gt3A_115 : i1 to i32
      %cond3A_117 = arith.constant 0 : i32
      %cond3A_118 = arith.cmpi ne, %convert_element_type3A_116, %cond3A_117 : i32
      scf.if %cond3A_118 {
        %dma_wait3A_127 = arith.constant 0 : i32
        %dma_wait3A_128 = tpu.memref_slice %arg6[%dma_wait3A_127] : memref<1600000xf32, #tpu.memory_space<hbm>> -> memref<400xf32, #tpu.memory_space<hbm>>
        %dma_wait3A_129 = arith.constant 0 : i32
        %dma_wait3A_130 = tpu.memref_slice %arg6[%dma_wait3A_129] : memref<1600000xf32, #tpu.memory_space<hbm>> -> memref<400xf32, #tpu.memory_space<hbm>>
        tpu.wait_dma2 semaphore(%arg22 : memref<!tpu.dma_semaphore, #tpu.memory_space<semaphore_mem>>) src(%arg16 : memref<400xf32, #tpu.memory_space<vmem>>) dst(%dma_wait3A_130 : memref<400xf32, #tpu.memory_space<hbm>>)
      } else {
      }
      %parallel_loop3A_119 = arith.constant 0 : i32
      %parallel_loop3A_120 = arith.constant 25 : i32
      %parallel_loop3A_121 = arith.constant 1 : i32
      scf.for %parallel_loop3A_127 = %parallel_loop3A_119 to %parallel_loop3A_120 step %parallel_loop3A_121  : i32 {
        %parallel_loop3A_128 = arith.constant 16 : i32
        %parallel_loop3A_129 = arith.muli %parallel_loop3A_127, %parallel_loop3A_128 : i32
        %parallel_loop3A_130 = vector.broadcast %parallel_loop3A_129 : i32 to vector<16xi32>
        %parallel_loop3A_131 = arith.addi %parallel_loop3A_130, %iota3A : vector<16xi32>
        %parallel_loop3A_132 = arith.constant 1 : i32
        %parallel_loop3A_133 = vector.broadcast %parallel_loop3A_132 : i32 to vector<16xi32>
        %parallel_loop3A_134 = tpu.vector_load_idx %arg14[%parallel_loop3A_131, %parallel_loop3A_133] : memref<400x16xf32, #tpu.memory_space<vmem>>[vector<16xi32>, vector<16xi32>], vector<16xf32>,
        %parallel_loop3A_135 = arith.constant 1 : i32
        %parallel_loop3A_136 = vector.broadcast %parallel_loop3A_135 : i32 to vector<16xi32>
        %parallel_loop3A_137 = tpu.vector_load_idx %arg12[%parallel_loop3A_131, %parallel_loop3A_136] : memref<400x16xf32, #tpu.memory_space<vmem>>[vector<16xi32>, vector<16xi32>], vector<16xf32>,
        %parallel_loop3A_138 = arith.subf %parallel_loop3A_134, %parallel_loop3A_137 : vector<16xf32>
        %parallel_loop3A_139 = arith.constant 2 : i32
        %parallel_loop3A_140 = vector.broadcast %parallel_loop3A_139 : i32 to vector<16xi32>
        %parallel_loop3A_141 = tpu.vector_load_idx %arg14[%parallel_loop3A_131, %parallel_loop3A_140] : memref<400x16xf32, #tpu.memory_space<vmem>>[vector<16xi32>, vector<16xi32>], vector<16xf32>,
        %parallel_loop3A_142 = arith.constant 2 : i32
        %parallel_loop3A_143 = vector.broadcast %parallel_loop3A_142 : i32 to vector<16xi32>
        %parallel_loop3A_144 = tpu.vector_load_idx %arg12[%parallel_loop3A_131, %parallel_loop3A_143] : memref<400x16xf32, #tpu.memory_space<vmem>>[vector<16xi32>, vector<16xi32>], vector<16xf32>,
        %parallel_loop3A_145 = arith.subf %parallel_loop3A_141, %parallel_loop3A_144 : vector<16xf32>
        %parallel_loop3A_146 = arith.constant 3 : i32
        %parallel_loop3A_147 = vector.broadcast %parallel_loop3A_146 : i32 to vector<16xi32>
        %parallel_loop3A_148 = tpu.vector_load_idx %arg14[%parallel_loop3A_131, %parallel_loop3A_147] : memref<400x16xf32, #tpu.memory_space<vmem>>[vector<16xi32>, vector<16xi32>], vector<16xf32>,
        %parallel_loop3A_149 = arith.constant 3 : i32
        %parallel_loop3A_150 = vector.broadcast %parallel_loop3A_149 : i32 to vector<16xi32>
        %parallel_loop3A_151 = tpu.vector_load_idx %arg12[%parallel_loop3A_131, %parallel_loop3A_150] : memref<400x16xf32, #tpu.memory_space<vmem>>[vector<16xi32>, vector<16xi32>], vector<16xf32>,
        %parallel_loop3A_152 = arith.subf %parallel_loop3A_148, %parallel_loop3A_151 : vector<16xf32>
        %parallel_loop3A_153 = arith.mulf %parallel_loop3A_138, %parallel_loop3A_138 : vector<16xf32>
        %parallel_loop3A_154 = arith.mulf %parallel_loop3A_145, %parallel_loop3A_145 : vector<16xf32>
        %parallel_loop3A_155 = arith.addf %parallel_loop3A_153, %parallel_loop3A_154 : vector<16xf32>
        %parallel_loop3A_156 = arith.mulf %parallel_loop3A_152, %parallel_loop3A_152 : vector<16xf32>
        %parallel_loop3A_157 = arith.addf %parallel_loop3A_155, %parallel_loop3A_156 : vector<16xf32>
        %parallel_loop3A_158 = arith.constant 1.000000e-10 : f32
        %parallel_loop3A_159 = vector.broadcast %parallel_loop3A_158 : f32 to vector<16xf32>
        %parallel_loop3A_160 = arith.maximumf %parallel_loop3A_157, %parallel_loop3A_159 : vector<16xf32>
        %parallel_loop3A_161 = vector.bitcast %parallel_loop3A_160 : vector<16xf32> to vector<16xi32>
        %parallel_loop3A_162 = arith.constant 1 : i32
        %parallel_loop3A_163 = vector.broadcast %parallel_loop3A_162 : i32 to vector<16xi32>
        %parallel_loop3A_164 = arith.shrui %parallel_loop3A_161, %parallel_loop3A_163 : vector<16xi32>
        %parallel_loop3A_165 = arith.constant 1597463007 : i32
        %parallel_loop3A_166 = vector.broadcast %parallel_loop3A_165 : i32 to vector<16xi32>
        %parallel_loop3A_167 = arith.subi %parallel_loop3A_166, %parallel_loop3A_164 : vector<16xi32>
        %parallel_loop3A_168 = vector.bitcast %parallel_loop3A_167 : vector<16xi32> to vector<16xf32>
        %parallel_loop3A_169 = arith.constant 5.000000e-01 : f32
        %parallel_loop3A_170 = vector.broadcast %parallel_loop3A_169 : f32 to vector<16xf32>
        %parallel_loop3A_171 = arith.mulf %parallel_loop3A_170, %parallel_loop3A_160 : vector<16xf32>
        %parallel_loop3A_172 = arith.mulf %parallel_loop3A_171, %parallel_loop3A_168 : vector<16xf32>
        %parallel_loop3A_173 = arith.mulf %parallel_loop3A_172, %parallel_loop3A_168 : vector<16xf32>
        %parallel_loop3A_174 = arith.constant 1.500000e+00 : f32
        %parallel_loop3A_175 = vector.broadcast %parallel_loop3A_174 : f32 to vector<16xf32>
        %parallel_loop3A_176 = arith.subf %parallel_loop3A_175, %parallel_loop3A_173 : vector<16xf32>
        %parallel_loop3A_177 = arith.mulf %parallel_loop3A_168, %parallel_loop3A_176 : vector<16xf32>
        %parallel_loop3A_178 = arith.mulf %parallel_loop3A_171, %parallel_loop3A_177 : vector<16xf32>
        %parallel_loop3A_179 = arith.mulf %parallel_loop3A_178, %parallel_loop3A_177 : vector<16xf32>
        %parallel_loop3A_180 = arith.constant 1.500000e+00 : f32
        %parallel_loop3A_181 = vector.broadcast %parallel_loop3A_180 : f32 to vector<16xf32>
        %parallel_loop3A_182 = arith.subf %parallel_loop3A_181, %parallel_loop3A_179 : vector<16xf32>
        %parallel_loop3A_183 = arith.mulf %parallel_loop3A_177, %parallel_loop3A_182 : vector<16xf32>
        %parallel_loop3A_184 = arith.mulf %parallel_loop3A_160, %parallel_loop3A_183 : vector<16xf32>
        %parallel_loop3A_185 = arith.constant 1.88972616 : f32
        %parallel_loop3A_186 = vector.broadcast %parallel_loop3A_185 : f32 to vector<16xf32>
        %parallel_loop3A_187 = arith.mulf %parallel_loop3A_184, %parallel_loop3A_186 : vector<16xf32>
        %parallel_loop3A_188 = arith.constant 0.529177189 : f32
        %parallel_loop3A_189 = vector.broadcast %parallel_loop3A_188 : f32 to vector<16xf32>
        %parallel_loop3A_190 = arith.mulf %parallel_loop3A_189, %parallel_loop3A_183 : vector<16xf32>
        %parallel_loop3A_191 = arith.constant 1.88972616 : f32
        %parallel_loop3A_192 = vector.broadcast %parallel_loop3A_191 : f32 to vector<16xf32>
        %parallel_loop3A_193 = arith.mulf %parallel_loop3A_138, %parallel_loop3A_192 : vector<16xf32>
        %parallel_loop3A_194 = arith.constant 1.88972616 : f32
        %parallel_loop3A_195 = vector.broadcast %parallel_loop3A_194 : f32 to vector<16xf32>
        %parallel_loop3A_196 = arith.mulf %parallel_loop3A_145, %parallel_loop3A_195 : vector<16xf32>
        %parallel_loop3A_197 = arith.constant 1.88972616 : f32
        %parallel_loop3A_198 = vector.broadcast %parallel_loop3A_197 : f32 to vector<16xf32>
        %parallel_loop3A_199 = arith.mulf %parallel_loop3A_152, %parallel_loop3A_198 : vector<16xf32>
        %parallel_loop3A_200 = arith.mulf %parallel_loop3A_187, %parallel_loop3A_187 : vector<16xf32>
        %parallel_loop3A_201 = arith.mulf %parallel_loop3A_190, %parallel_loop3A_190 : vector<16xf32>
        %parallel_loop3A_202 = arith.mulf %parallel_loop3A_201, %parallel_loop3A_190 : vector<16xf32>
        %parallel_loop3A_203 = arith.mulf %parallel_loop3A_202, %parallel_loop3A_201 : vector<16xf32>
        %parallel_loop3A_204 = arith.constant 0 : i32
        %parallel_loop3A_205 = vector.broadcast %parallel_loop3A_204 : i32 to vector<16xi32>
        %parallel_loop3A_206 = tpu.vector_load_idx %arg12[%parallel_loop3A_131, %parallel_loop3A_205] : memref<400x16xf32, #tpu.memory_space<vmem>>[vector<16xi32>, vector<16xi32>], vector<16xf32>,
        %parallel_loop3A_207 = arith.constant 4 : i32
        %parallel_loop3A_208 = vector.broadcast %parallel_loop3A_207 : i32 to vector<16xi32>
        %parallel_loop3A_209 = tpu.vector_load_idx %arg12[%parallel_loop3A_131, %parallel_loop3A_208] : memref<400x16xf32, #tpu.memory_space<vmem>>[vector<16xi32>, vector<16xi32>], vector<16xf32>,
        %parallel_loop3A_210 = arith.constant 5 : i32
        %parallel_loop3A_211 = vector.broadcast %parallel_loop3A_210 : i32 to vector<16xi32>
        %parallel_loop3A_212 = tpu.vector_load_idx %arg12[%parallel_loop3A_131, %parallel_loop3A_211] : memref<400x16xf32, #tpu.memory_space<vmem>>[vector<16xi32>, vector<16xi32>], vector<16xf32>,
        %parallel_loop3A_213 = arith.constant 6 : i32
        %parallel_loop3A_214 = vector.broadcast %parallel_loop3A_213 : i32 to vector<16xi32>
        %parallel_loop3A_215 = tpu.vector_load_idx %arg12[%parallel_loop3A_131, %parallel_loop3A_214] : memref<400x16xf32, #tpu.memory_space<vmem>>[vector<16xi32>, vector<16xi32>], vector<16xf32>,
        %parallel_loop3A_216 = arith.constant 7 : i32
        %parallel_loop3A_217 = vector.broadcast %parallel_loop3A_216 : i32 to vector<16xi32>
        %parallel_loop3A_218 = tpu.vector_load_idx %arg12[%parallel_loop3A_131, %parallel_loop3A_217] : memref<400x16xf32, #tpu.memory_space<vmem>>[vector<16xi32>, vector<16xi32>], vector<16xf32>,
        %parallel_loop3A_219 = arith.constant 14 : i32
        %parallel_loop3A_220 = vector.broadcast %parallel_loop3A_219 : i32 to vector<16xi32>
        %parallel_loop3A_221 = tpu.vector_load_idx %arg12[%parallel_loop3A_131, %parallel_loop3A_220] : memref<400x16xf32, #tpu.memory_space<vmem>>[vector<16xi32>, vector<16xi32>], vector<16xf32>,
        %parallel_loop3A_222 = arith.constant 0 : i32
        %parallel_loop3A_223 = vector.broadcast %parallel_loop3A_222 : i32 to vector<16xi32>
        %parallel_loop3A_224 = tpu.vector_load_idx %arg14[%parallel_loop3A_131, %parallel_loop3A_223] : memref<400x16xf32, #tpu.memory_space<vmem>>[vector<16xi32>, vector<16xi32>], vector<16xf32>,
        %parallel_loop3A_225 = arith.constant 4 : i32
        %parallel_loop3A_226 = vector.broadcast %parallel_loop3A_225 : i32 to vector<16xi32>
        %parallel_loop3A_227 = tpu.vector_load_idx %arg14[%parallel_loop3A_131, %parallel_loop3A_226] : memref<400x16xf32, #tpu.memory_space<vmem>>[vector<16xi32>, vector<16xi32>], vector<16xf32>,
        %parallel_loop3A_228 = arith.constant 5 : i32
        %parallel_loop3A_229 = vector.broadcast %parallel_loop3A_228 : i32 to vector<16xi32>
        %parallel_loop3A_230 = tpu.vector_load_idx %arg14[%parallel_loop3A_131, %parallel_loop3A_229] : memref<400x16xf32, #tpu.memory_space<vmem>>[vector<16xi32>, vector<16xi32>], vector<16xf32>,
        %parallel_loop3A_231 = arith.constant 6 : i32
        %parallel_loop3A_232 = vector.broadcast %parallel_loop3A_231 : i32 to vector<16xi32>
        %parallel_loop3A_233 = tpu.vector_load_idx %arg14[%parallel_loop3A_131, %parallel_loop3A_232] : memref<400x16xf32, #tpu.memory_space<vmem>>[vector<16xi32>, vector<16xi32>], vector<16xf32>,
        %parallel_loop3A_234 = arith.constant 7 : i32
        %parallel_loop3A_235 = vector.broadcast %parallel_loop3A_234 : i32 to vector<16xi32>
        %parallel_loop3A_236 = tpu.vector_load_idx %arg14[%parallel_loop3A_131, %parallel_loop3A_235] : memref<400x16xf32, #tpu.memory_space<vmem>>[vector<16xi32>, vector<16xi32>], vector<16xf32>,
        %parallel_loop3A_237 = arith.constant 14 : i32
        %parallel_loop3A_238 = vector.broadcast %parallel_loop3A_237 : i32 to vector<16xi32>
        %parallel_loop3A_239 = tpu.vector_load_idx %arg14[%parallel_loop3A_131, %parallel_loop3A_238] : memref<400x16xf32, #tpu.memory_space<vmem>>[vector<16xi32>, vector<16xi32>], vector<16xf32>,
        %parallel_loop3A_240 = arith.mulf %parallel_loop3A_221, %parallel_loop3A_187 : vector<16xf32>
        %parallel_loop3A_241 = arith.mulf %parallel_loop3A_239, %parallel_loop3A_187 : vector<16xf32>
        %parallel_loop3A_242 = arith.constant 0.000000e+00 : f32
        %parallel_loop3A_243 = vector.broadcast %parallel_loop3A_242 : f32 to vector<16xf32>
        %parallel_loop3A_244 = arith.subf %parallel_loop3A_243, %parallel_loop3A_240 : vector<16xf32>
        %parallel_loop3A_245 = math.exp %parallel_loop3A_244 : vector<16xf32>
        %parallel_loop3A_246 = arith.constant 0.000000e+00 : f32
        %parallel_loop3A_247 = vector.broadcast %parallel_loop3A_246 : f32 to vector<16xf32>
        %parallel_loop3A_248 = arith.subf %parallel_loop3A_247, %parallel_loop3A_241 : vector<16xf32>
        %parallel_loop3A_249 = math.exp %parallel_loop3A_248 : vector<16xf32>
        %parallel_loop3A_250 = arith.mulf %parallel_loop3A_221, %parallel_loop3A_221 : vector<16xf32>
        %parallel_loop3A_251 = arith.mulf %parallel_loop3A_239, %parallel_loop3A_239 : vector<16xf32>
        %parallel_loop3A_252 = arith.subf %parallel_loop3A_221, %parallel_loop3A_239 : vector<16xf32>
        %parallel_loop3A_253 = math.absf %parallel_loop3A_252 : vector<16xf32>
        %parallel_loop3A_254 = arith.constant 9.99999997E-7 : f32
        %parallel_loop3A_255 = vector.broadcast %parallel_loop3A_254 : f32 to vector<16xf32>
        %parallel_loop3A_256 = arith.cmpf ogt, %parallel_loop3A_253, %parallel_loop3A_255 : vector<16xf32>
        %parallel_loop3A_257 = arith.subf %parallel_loop3A_251, %parallel_loop3A_250 : vector<16xf32>
        %parallel_loop3A_258 = arith.constant 1.000000e+00 : f32
        %parallel_loop3A_259 = vector.broadcast %parallel_loop3A_258 : f32 to vector<16xf32>
        %parallel_loop3A_260 = arith.select %parallel_loop3A_256, %parallel_loop3A_257, %parallel_loop3A_259 : vector<16xi1>, vector<16xf32>
        %parallel_loop3A_261 = arith.constant 1.000000e+00 : f32
        %parallel_loop3A_262 = vector.broadcast %parallel_loop3A_261 : f32 to vector<16xf32>
        %parallel_loop3A_263 = arith.divf %parallel_loop3A_262, %parallel_loop3A_260 : vector<16xf32>
        %parallel_loop3A_264 = arith.mulf %parallel_loop3A_251, %parallel_loop3A_263 : vector<16xf32>
        %parallel_loop3A_265 = arith.constant 0.000000e+00 : f32
        %parallel_loop3A_266 = vector.broadcast %parallel_loop3A_265 : f32 to vector<16xf32>
        %parallel_loop3A_267 = arith.select %parallel_loop3A_256, %parallel_loop3A_264, %parallel_loop3A_266 : vector<16xi1>, vector<16xf32>
        %parallel_loop3A_268 = arith.mulf %parallel_loop3A_267, %parallel_loop3A_245 : vector<16xf32>
        %parallel_loop3A_269 = arith.constant 0.000000e+00 : f32
        %parallel_loop3A_270 = vector.broadcast %parallel_loop3A_269 : f32 to vector<16xf32>
        %parallel_loop3A_271 = arith.subf %parallel_loop3A_270, %parallel_loop3A_250 : vector<16xf32>
        %parallel_loop3A_272 = arith.mulf %parallel_loop3A_271, %parallel_loop3A_263 : vector<16xf32>
        %parallel_loop3A_273 = arith.constant 0.000000e+00 : f32
        %parallel_loop3A_274 = vector.broadcast %parallel_loop3A_273 : f32 to vector<16xf32>
        %parallel_loop3A_275 = arith.select %parallel_loop3A_256, %parallel_loop3A_272, %parallel_loop3A_274 : vector<16xi1>, vector<16xf32>
        %parallel_loop3A_276 = arith.mulf %parallel_loop3A_275, %parallel_loop3A_249 : vector<16xf32>
        %parallel_loop3A_277 = arith.constant 1.000000e+00 : f32
        %parallel_loop3A_278 = vector.broadcast %parallel_loop3A_277 : f32 to vector<16xf32>
        %parallel_loop3A_279 = arith.addf %parallel_loop3A_278, %parallel_loop3A_240 : vector<16xf32>
        %parallel_loop3A_280 = arith.constant 1.000000e+00 : f32
        %parallel_loop3A_281 = vector.broadcast %parallel_loop3A_280 : f32 to vector<16xf32>
        %parallel_loop3A_282 = arith.addf %parallel_loop3A_281, %parallel_loop3A_241 : vector<16xf32>
        %parallel_loop3A_283 = arith.constant 0.333333343 : f32
        %parallel_loop3A_284 = vector.broadcast %parallel_loop3A_283 : f32 to vector<16xf32>
        %parallel_loop3A_285 = arith.mulf %parallel_loop3A_200, %parallel_loop3A_284 : vector<16xf32>
        %parallel_loop3A_286 = arith.mulf %parallel_loop3A_250, %parallel_loop3A_285 : vector<16xf32>
        %parallel_loop3A_287 = arith.mulf %parallel_loop3A_251, %parallel_loop3A_285 : vector<16xf32>
        %parallel_loop3A_288 = arith.constant 5.000000e-01 : f32
        %parallel_loop3A_289 = vector.broadcast %parallel_loop3A_288 : f32 to vector<16xf32>
        %parallel_loop3A_290 = arith.mulf %parallel_loop3A_289, %parallel_loop3A_250 : vector<16xf32>
        %parallel_loop3A_291 = arith.mulf %parallel_loop3A_290, %parallel_loop3A_200 : vector<16xf32>
        %parallel_loop3A_292 = arith.addf %parallel_loop3A_279, %parallel_loop3A_286 : vector<16xf32>
        %parallel_loop3A_293 = arith.addf %parallel_loop3A_282, %parallel_loop3A_287 : vector<16xf32>
        %parallel_loop3A_294 = arith.constant 1.000000e+00 : f32
        %parallel_loop3A_295 = vector.broadcast %parallel_loop3A_294 : f32 to vector<16xf32>
        %parallel_loop3A_296 = arith.subf %parallel_loop3A_295, %parallel_loop3A_268 : vector<16xf32>
        %parallel_loop3A_297 = arith.subf %parallel_loop3A_296, %parallel_loop3A_276 : vector<16xf32>
        %parallel_loop3A_298 = arith.constant 5.000000e-01 : f32
        %parallel_loop3A_299 = vector.broadcast %parallel_loop3A_298 : f32 to vector<16xf32>
        %parallel_loop3A_300 = arith.mulf %parallel_loop3A_299, %parallel_loop3A_240 : vector<16xf32>
        %parallel_loop3A_301 = arith.constant 1.000000e+00 : f32
        %parallel_loop3A_302 = vector.broadcast %parallel_loop3A_301 : f32 to vector<16xf32>
        %parallel_loop3A_303 = arith.addf %parallel_loop3A_302, %parallel_loop3A_300 : vector<16xf32>
        %parallel_loop3A_304 = arith.mulf %parallel_loop3A_303, %parallel_loop3A_245 : vector<16xf32>
        %parallel_loop3A_305 = arith.constant 1.000000e+00 : f32
        %parallel_loop3A_306 = vector.broadcast %parallel_loop3A_305 : f32 to vector<16xf32>
        %parallel_loop3A_307 = arith.subf %parallel_loop3A_306, %parallel_loop3A_304 : vector<16xf32>
        %parallel_loop3A_308 = arith.select %parallel_loop3A_256, %parallel_loop3A_297, %parallel_loop3A_307 : vector<16xi1>, vector<16xf32>
        %parallel_loop3A_309 = arith.mulf %parallel_loop3A_279, %parallel_loop3A_268 : vector<16xf32>
        %parallel_loop3A_310 = arith.constant 1.000000e+00 : f32
        %parallel_loop3A_311 = vector.broadcast %parallel_loop3A_310 : f32 to vector<16xf32>
        %parallel_loop3A_312 = arith.subf %parallel_loop3A_311, %parallel_loop3A_309 : vector<16xf32>
        %parallel_loop3A_313 = arith.mulf %parallel_loop3A_282, %parallel_loop3A_276 : vector<16xf32>
        %parallel_loop3A_314 = arith.subf %parallel_loop3A_312, %parallel_loop3A_313 : vector<16xf32>
        %parallel_loop3A_315 = arith.addf %parallel_loop3A_279, %parallel_loop3A_291 : vector<16xf32>
        %parallel_loop3A_316 = arith.mulf %parallel_loop3A_315, %parallel_loop3A_245 : vector<16xf32>
        %parallel_loop3A_317 = arith.constant 1.000000e+00 : f32
        %parallel_loop3A_318 = vector.broadcast %parallel_loop3A_317 : f32 to vector<16xf32>
        %parallel_loop3A_319 = arith.subf %parallel_loop3A_318, %parallel_loop3A_316 : vector<16xf32>
        %parallel_loop3A_320 = arith.select %parallel_loop3A_256, %parallel_loop3A_314, %parallel_loop3A_319 : vector<16xi1>, vector<16xf32>
        %parallel_loop3A_321 = arith.mulf %parallel_loop3A_292, %parallel_loop3A_268 : vector<16xf32>
        %parallel_loop3A_322 = arith.constant 1.000000e+00 : f32
        %parallel_loop3A_323 = vector.broadcast %parallel_loop3A_322 : f32 to vector<16xf32>
        %parallel_loop3A_324 = arith.subf %parallel_loop3A_323, %parallel_loop3A_321 : vector<16xf32>
        %parallel_loop3A_325 = arith.mulf %parallel_loop3A_293, %parallel_loop3A_276 : vector<16xf32>
        %parallel_loop3A_326 = arith.subf %parallel_loop3A_324, %parallel_loop3A_325 : vector<16xf32>
        %parallel_loop3A_327 = arith.addf %parallel_loop3A_279, %parallel_loop3A_291 : vector<16xf32>
        %parallel_loop3A_328 = arith.mulf %parallel_loop3A_291, %parallel_loop3A_240 : vector<16xf32>
        %parallel_loop3A_329 = arith.constant 0.333333343 : f32
        %parallel_loop3A_330 = vector.broadcast %parallel_loop3A_329 : f32 to vector<16xf32>
        %parallel_loop3A_331 = arith.mulf %parallel_loop3A_328, %parallel_loop3A_330 : vector<16xf32>
        %parallel_loop3A_332 = arith.addf %parallel_loop3A_327, %parallel_loop3A_331 : vector<16xf32>
        %parallel_loop3A_333 = arith.mulf %parallel_loop3A_332, %parallel_loop3A_245 : vector<16xf32>
        %parallel_loop3A_334 = arith.constant 1.000000e+00 : f32
        %parallel_loop3A_335 = vector.broadcast %parallel_loop3A_334 : f32 to vector<16xf32>
        %parallel_loop3A_336 = arith.subf %parallel_loop3A_335, %parallel_loop3A_333 : vector<16xf32>
        %parallel_loop3A_337 = arith.select %parallel_loop3A_256, %parallel_loop3A_326, %parallel_loop3A_336 : vector<16xi1>, vector<16xf32>
        %parallel_loop3A_338 = arith.constant 1.000000e+00 : f32
        %parallel_loop3A_339 = vector.broadcast %parallel_loop3A_338 : f32 to vector<16xf32>
        %parallel_loop3A_340 = arith.subf %parallel_loop3A_339, %parallel_loop3A_249 : vector<16xf32>
        %parallel_loop3A_341 = arith.mulf %parallel_loop3A_282, %parallel_loop3A_249 : vector<16xf32>
        %parallel_loop3A_342 = arith.constant 1.000000e+00 : f32
        %parallel_loop3A_343 = vector.broadcast %parallel_loop3A_342 : f32 to vector<16xf32>
        %parallel_loop3A_344 = arith.subf %parallel_loop3A_343, %parallel_loop3A_341 : vector<16xf32>
        %parallel_loop3A_345 = arith.mulf %parallel_loop3A_293, %parallel_loop3A_249 : vector<16xf32>
        %parallel_loop3A_346 = arith.constant 1.000000e+00 : f32
        %parallel_loop3A_347 = vector.broadcast %parallel_loop3A_346 : f32 to vector<16xf32>
        %parallel_loop3A_348 = arith.subf %parallel_loop3A_347, %parallel_loop3A_345 : vector<16xf32>
        %parallel_loop3A_349 = arith.constant 1.000000e+00 : f32
        %parallel_loop3A_350 = vector.broadcast %parallel_loop3A_349 : f32 to vector<16xf32>
        %parallel_loop3A_351 = arith.subf %parallel_loop3A_350, %parallel_loop3A_245 : vector<16xf32>
        %parallel_loop3A_352 = arith.mulf %parallel_loop3A_279, %parallel_loop3A_245 : vector<16xf32>
        %parallel_loop3A_353 = arith.constant 1.000000e+00 : f32
        %parallel_loop3A_354 = vector.broadcast %parallel_loop3A_353 : f32 to vector<16xf32>
        %parallel_loop3A_355 = arith.subf %parallel_loop3A_354, %parallel_loop3A_352 : vector<16xf32>
        %parallel_loop3A_356 = arith.mulf %parallel_loop3A_292, %parallel_loop3A_245 : vector<16xf32>
        %parallel_loop3A_357 = arith.constant 1.000000e+00 : f32
        %parallel_loop3A_358 = vector.broadcast %parallel_loop3A_357 : f32 to vector<16xf32>
        %parallel_loop3A_359 = arith.subf %parallel_loop3A_358, %parallel_loop3A_356 : vector<16xf32>
        %parallel_loop3A_360 = arith.mulf %parallel_loop3A_212, %parallel_loop3A_193 : vector<16xf32>
        %parallel_loop3A_361 = arith.mulf %parallel_loop3A_215, %parallel_loop3A_196 : vector<16xf32>
        %parallel_loop3A_362 = arith.addf %parallel_loop3A_360, %parallel_loop3A_361 : vector<16xf32>
        %parallel_loop3A_363 = arith.mulf %parallel_loop3A_218, %parallel_loop3A_199 : vector<16xf32>
        %parallel_loop3A_364 = arith.addf %parallel_loop3A_362, %parallel_loop3A_363 : vector<16xf32>
        %parallel_loop3A_365 = arith.mulf %parallel_loop3A_230, %parallel_loop3A_193 : vector<16xf32>
        %parallel_loop3A_366 = arith.mulf %parallel_loop3A_233, %parallel_loop3A_196 : vector<16xf32>
        %parallel_loop3A_367 = arith.addf %parallel_loop3A_365, %parallel_loop3A_366 : vector<16xf32>
        %parallel_loop3A_368 = arith.mulf %parallel_loop3A_236, %parallel_loop3A_199 : vector<16xf32>
        %parallel_loop3A_369 = arith.addf %parallel_loop3A_367, %parallel_loop3A_368 : vector<16xf32>
        %parallel_loop3A_370 = arith.mulf %parallel_loop3A_212, %parallel_loop3A_230 : vector<16xf32>
        %parallel_loop3A_371 = arith.mulf %parallel_loop3A_215, %parallel_loop3A_233 : vector<16xf32>
        %parallel_loop3A_372 = arith.addf %parallel_loop3A_370, %parallel_loop3A_371 : vector<16xf32>
        %parallel_loop3A_373 = arith.mulf %parallel_loop3A_218, %parallel_loop3A_236 : vector<16xf32>
        %parallel_loop3A_374 = arith.addf %parallel_loop3A_372, %parallel_loop3A_373 : vector<16xf32>
        %parallel_loop3A_375 = arith.constant 8 : i32
        %parallel_loop3A_376 = vector.broadcast %parallel_loop3A_375 : i32 to vector<16xi32>
        %parallel_loop3A_377 = tpu.vector_load_idx %arg12[%parallel_loop3A_131, %parallel_loop3A_376] : memref<400x16xf32, #tpu.memory_space<vmem>>[vector<16xi32>, vector<16xi32>], vector<16xf32>,
        %parallel_loop3A_378 = arith.constant 9 : i32
        %parallel_loop3A_379 = vector.broadcast %parallel_loop3A_378 : i32 to vector<16xi32>
        %parallel_loop3A_380 = tpu.vector_load_idx %arg12[%parallel_loop3A_131, %parallel_loop3A_379] : memref<400x16xf32, #tpu.memory_space<vmem>>[vector<16xi32>, vector<16xi32>], vector<16xf32>,
        %parallel_loop3A_381 = arith.constant 10 : i32
        %parallel_loop3A_382 = vector.broadcast %parallel_loop3A_381 : i32 to vector<16xi32>
        %parallel_loop3A_383 = tpu.vector_load_idx %arg12[%parallel_loop3A_131, %parallel_loop3A_382] : memref<400x16xf32, #tpu.memory_space<vmem>>[vector<16xi32>, vector<16xi32>], vector<16xf32>,
        %parallel_loop3A_384 = arith.constant 11 : i32
        %parallel_loop3A_385 = vector.broadcast %parallel_loop3A_384 : i32 to vector<16xi32>
        %parallel_loop3A_386 = tpu.vector_load_idx %arg12[%parallel_loop3A_131, %parallel_loop3A_385] : memref<400x16xf32, #tpu.memory_space<vmem>>[vector<16xi32>, vector<16xi32>], vector<16xf32>,
        %parallel_loop3A_387 = arith.constant 12 : i32
        %parallel_loop3A_388 = vector.broadcast %parallel_loop3A_387 : i32 to vector<16xi32>
        %parallel_loop3A_389 = tpu.vector_load_idx %arg12[%parallel_loop3A_131, %parallel_loop3A_388] : memref<400x16xf32, #tpu.memory_space<vmem>>[vector<16xi32>, vector<16xi32>], vector<16xf32>,
        %parallel_loop3A_390 = arith.constant 13 : i32
        %parallel_loop3A_391 = vector.broadcast %parallel_loop3A_390 : i32 to vector<16xi32>
        %parallel_loop3A_392 = tpu.vector_load_idx %arg12[%parallel_loop3A_131, %parallel_loop3A_391] : memref<400x16xf32, #tpu.memory_space<vmem>>[vector<16xi32>, vector<16xi32>], vector<16xf32>,
        %parallel_loop3A_393 = arith.constant 8 : i32
        %parallel_loop3A_394 = vector.broadcast %parallel_loop3A_393 : i32 to vector<16xi32>
        %parallel_loop3A_395 = tpu.vector_load_idx %arg14[%parallel_loop3A_131, %parallel_loop3A_394] : memref<400x16xf32, #tpu.memory_space<vmem>>[vector<16xi32>, vector<16xi32>], vector<16xf32>,
        %parallel_loop3A_396 = arith.constant 9 : i32
        %parallel_loop3A_397 = vector.broadcast %parallel_loop3A_396 : i32 to vector<16xi32>
        %parallel_loop3A_398 = tpu.vector_load_idx %arg14[%parallel_loop3A_131, %parallel_loop3A_397] : memref<400x16xf32, #tpu.memory_space<vmem>>[vector<16xi32>, vector<16xi32>], vector<16xf32>,
        %parallel_loop3A_399 = arith.constant 10 : i32
        %parallel_loop3A_400 = vector.broadcast %parallel_loop3A_399 : i32 to vector<16xi32>
        %parallel_loop3A_401 = tpu.vector_load_idx %arg14[%parallel_loop3A_131, %parallel_loop3A_400] : memref<400x16xf32, #tpu.memory_space<vmem>>[vector<16xi32>, vector<16xi32>], vector<16xf32>,
        %parallel_loop3A_402 = arith.constant 11 : i32
        %parallel_loop3A_403 = vector.broadcast %parallel_loop3A_402 : i32 to vector<16xi32>
        %parallel_loop3A_404 = tpu.vector_load_idx %arg14[%parallel_loop3A_131, %parallel_loop3A_403] : memref<400x16xf32, #tpu.memory_space<vmem>>[vector<16xi32>, vector<16xi32>], vector<16xf32>,
        %parallel_loop3A_405 = arith.constant 12 : i32
        %parallel_loop3A_406 = vector.broadcast %parallel_loop3A_405 : i32 to vector<16xi32>
        %parallel_loop3A_407 = tpu.vector_load_idx %arg14[%parallel_loop3A_131, %parallel_loop3A_406] : memref<400x16xf32, #tpu.memory_space<vmem>>[vector<16xi32>, vector<16xi32>], vector<16xf32>,
        %parallel_loop3A_408 = arith.constant 13 : i32
        %parallel_loop3A_409 = vector.broadcast %parallel_loop3A_408 : i32 to vector<16xi32>
        %parallel_loop3A_410 = tpu.vector_load_idx %arg14[%parallel_loop3A_131, %parallel_loop3A_409] : memref<400x16xf32, #tpu.memory_space<vmem>>[vector<16xi32>, vector<16xi32>], vector<16xf32>,
        %parallel_loop3A_411 = arith.mulf %parallel_loop3A_193, %parallel_loop3A_193 : vector<16xf32>
        %parallel_loop3A_412 = arith.mulf %parallel_loop3A_196, %parallel_loop3A_196 : vector<16xf32>
        %parallel_loop3A_413 = arith.mulf %parallel_loop3A_199, %parallel_loop3A_199 : vector<16xf32>
        %parallel_loop3A_414 = arith.mulf %parallel_loop3A_193, %parallel_loop3A_196 : vector<16xf32>
        %parallel_loop3A_415 = arith.mulf %parallel_loop3A_193, %parallel_loop3A_199 : vector<16xf32>
        %parallel_loop3A_416 = arith.mulf %parallel_loop3A_196, %parallel_loop3A_199 : vector<16xf32>
        %parallel_loop3A_417 = arith.mulf %parallel_loop3A_377, %parallel_loop3A_411 : vector<16xf32>
        %parallel_loop3A_418 = arith.mulf %parallel_loop3A_380, %parallel_loop3A_412 : vector<16xf32>
        %parallel_loop3A_419 = arith.addf %parallel_loop3A_417, %parallel_loop3A_418 : vector<16xf32>
        %parallel_loop3A_420 = arith.mulf %parallel_loop3A_383, %parallel_loop3A_413 : vector<16xf32>
        %parallel_loop3A_421 = arith.addf %parallel_loop3A_419, %parallel_loop3A_420 : vector<16xf32>
        %parallel_loop3A_422 = arith.mulf %parallel_loop3A_386, %parallel_loop3A_414 : vector<16xf32>
        %parallel_loop3A_423 = arith.addf %parallel_loop3A_421, %parallel_loop3A_422 : vector<16xf32>
        %parallel_loop3A_424 = arith.mulf %parallel_loop3A_389, %parallel_loop3A_415 : vector<16xf32>
        %parallel_loop3A_425 = arith.addf %parallel_loop3A_423, %parallel_loop3A_424 : vector<16xf32>
        %parallel_loop3A_426 = arith.mulf %parallel_loop3A_392, %parallel_loop3A_416 : vector<16xf32>
        %parallel_loop3A_427 = arith.addf %parallel_loop3A_425, %parallel_loop3A_426 : vector<16xf32>
        %parallel_loop3A_428 = arith.addf %parallel_loop3A_377, %parallel_loop3A_380 : vector<16xf32>
        %parallel_loop3A_429 = arith.addf %parallel_loop3A_428, %parallel_loop3A_383 : vector<16xf32>
        %parallel_loop3A_430 = arith.mulf %parallel_loop3A_395, %parallel_loop3A_411 : vector<16xf32>
        %parallel_loop3A_431 = arith.mulf %parallel_loop3A_398, %parallel_loop3A_412 : vector<16xf32>
        %parallel_loop3A_432 = arith.addf %parallel_loop3A_430, %parallel_loop3A_431 : vector<16xf32>
        %parallel_loop3A_433 = arith.mulf %parallel_loop3A_401, %parallel_loop3A_413 : vector<16xf32>
        %parallel_loop3A_434 = arith.addf %parallel_loop3A_432, %parallel_loop3A_433 : vector<16xf32>
        %parallel_loop3A_435 = arith.mulf %parallel_loop3A_404, %parallel_loop3A_414 : vector<16xf32>
        %parallel_loop3A_436 = arith.addf %parallel_loop3A_434, %parallel_loop3A_435 : vector<16xf32>
        %parallel_loop3A_437 = arith.mulf %parallel_loop3A_407, %parallel_loop3A_415 : vector<16xf32>
        %parallel_loop3A_438 = arith.addf %parallel_loop3A_436, %parallel_loop3A_437 : vector<16xf32>
        %parallel_loop3A_439 = arith.mulf %parallel_loop3A_410, %parallel_loop3A_416 : vector<16xf32>
        %parallel_loop3A_440 = arith.addf %parallel_loop3A_438, %parallel_loop3A_439 : vector<16xf32>
        %parallel_loop3A_441 = arith.addf %parallel_loop3A_395, %parallel_loop3A_398 : vector<16xf32>
        %parallel_loop3A_442 = arith.addf %parallel_loop3A_441, %parallel_loop3A_401 : vector<16xf32>
        %parallel_loop3A_443 = arith.mulf %parallel_loop3A_209, %parallel_loop3A_308 : vector<16xf32>
        %parallel_loop3A_444 = arith.mulf %parallel_loop3A_206, %parallel_loop3A_340 : vector<16xf32>
        %parallel_loop3A_445 = arith.addf %parallel_loop3A_443, %parallel_loop3A_444 : vector<16xf32>
        %parallel_loop3A_446 = arith.mulf %parallel_loop3A_227, %parallel_loop3A_320 : vector<16xf32>
        %parallel_loop3A_447 = arith.mulf %parallel_loop3A_224, %parallel_loop3A_355 : vector<16xf32>
        %parallel_loop3A_448 = arith.addf %parallel_loop3A_446, %parallel_loop3A_447 : vector<16xf32>
        %parallel_loop3A_449 = arith.mulf %parallel_loop3A_209, %parallel_loop3A_320 : vector<16xf32>
        %parallel_loop3A_450 = arith.mulf %parallel_loop3A_206, %parallel_loop3A_344 : vector<16xf32>
        %parallel_loop3A_451 = arith.addf %parallel_loop3A_449, %parallel_loop3A_450 : vector<16xf32>
        %parallel_loop3A_452 = arith.mulf %parallel_loop3A_227, %parallel_loop3A_337 : vector<16xf32>
        %parallel_loop3A_453 = arith.mulf %parallel_loop3A_224, %parallel_loop3A_359 : vector<16xf32>
        %parallel_loop3A_454 = arith.addf %parallel_loop3A_452, %parallel_loop3A_453 : vector<16xf32>
        %parallel_loop3A_455 = arith.mulf %parallel_loop3A_209, %parallel_loop3A_337 : vector<16xf32>
        %parallel_loop3A_456 = arith.mulf %parallel_loop3A_206, %parallel_loop3A_348 : vector<16xf32>
        %parallel_loop3A_457 = arith.addf %parallel_loop3A_455, %parallel_loop3A_456 : vector<16xf32>
        %parallel_loop3A_458 = arith.mulf %parallel_loop3A_227, %parallel_loop3A_445 : vector<16xf32>
        %parallel_loop3A_459 = arith.mulf %parallel_loop3A_209, %parallel_loop3A_351 : vector<16xf32>
        %parallel_loop3A_460 = arith.addf %parallel_loop3A_459, %parallel_loop3A_206 : vector<16xf32>
        %parallel_loop3A_461 = arith.mulf %parallel_loop3A_224, %parallel_loop3A_460 : vector<16xf32>
        %parallel_loop3A_462 = arith.addf %parallel_loop3A_458, %parallel_loop3A_461 : vector<16xf32>
        %parallel_loop3A_463 = arith.mulf %parallel_loop3A_364, %parallel_loop3A_448 : vector<16xf32>
        %parallel_loop3A_464 = arith.mulf %parallel_loop3A_369, %parallel_loop3A_451 : vector<16xf32>
        %parallel_loop3A_465 = arith.subf %parallel_loop3A_463, %parallel_loop3A_464 : vector<16xf32>
        %parallel_loop3A_466 = arith.mulf %parallel_loop3A_457, %parallel_loop3A_440 : vector<16xf32>
        %parallel_loop3A_467 = arith.mulf %parallel_loop3A_454, %parallel_loop3A_427 : vector<16xf32>
        %parallel_loop3A_468 = arith.addf %parallel_loop3A_466, %parallel_loop3A_467 : vector<16xf32>
        %parallel_loop3A_469 = arith.mulf %parallel_loop3A_364, %parallel_loop3A_369 : vector<16xf32>
        %parallel_loop3A_470 = arith.mulf %parallel_loop3A_337, %parallel_loop3A_469 : vector<16xf32>
        %parallel_loop3A_471 = arith.constant 3.000000e+00 : f32
        %parallel_loop3A_472 = vector.broadcast %parallel_loop3A_471 : f32 to vector<16xf32>
        %parallel_loop3A_473 = arith.mulf %parallel_loop3A_472, %parallel_loop3A_470 : vector<16xf32>
        %parallel_loop3A_474 = arith.subf %parallel_loop3A_468, %parallel_loop3A_473 : vector<16xf32>
        %parallel_loop3A_475 = arith.mulf %parallel_loop3A_320, %parallel_loop3A_374 : vector<16xf32>
        %parallel_loop3A_476 = arith.mulf %parallel_loop3A_200, %parallel_loop3A_475 : vector<16xf32>
        %parallel_loop3A_477 = arith.addf %parallel_loop3A_474, %parallel_loop3A_476 : vector<16xf32>
        %parallel_loop3A_478 = arith.mulf %parallel_loop3A_451, %parallel_loop3A_442 : vector<16xf32>
        %parallel_loop3A_479 = arith.mulf %parallel_loop3A_448, %parallel_loop3A_429 : vector<16xf32>
        %parallel_loop3A_480 = arith.addf %parallel_loop3A_478, %parallel_loop3A_479 : vector<16xf32>
        %parallel_loop3A_481 = arith.mulf %parallel_loop3A_285, %parallel_loop3A_480 : vector<16xf32>
        %parallel_loop3A_482 = arith.subf %parallel_loop3A_477, %parallel_loop3A_481 : vector<16xf32>
        %parallel_loop3A_483 = arith.mulf %parallel_loop3A_190, %parallel_loop3A_462 : vector<16xf32>
        %parallel_loop3A_484 = arith.mulf %parallel_loop3A_202, %parallel_loop3A_465 : vector<16xf32>
        %parallel_loop3A_485 = arith.addf %parallel_loop3A_483, %parallel_loop3A_484 : vector<16xf32>
        %parallel_loop3A_486 = arith.mulf %parallel_loop3A_203, %parallel_loop3A_482 : vector<16xf32>
        %parallel_loop3A_487 = arith.addf %parallel_loop3A_485, %parallel_loop3A_486 : vector<16xf32>
        %parallel_loop3A_488 = arith.constant 6.275090e+02 : f32
        %parallel_loop3A_489 = vector.broadcast %parallel_loop3A_488 : f32 to vector<16xf32>
        %parallel_loop3A_490 = arith.mulf %parallel_loop3A_489, %parallel_loop3A_487 : vector<16xf32>
        %parallel_loop3A_491 = arith.constant 16 : i32
        %parallel_loop3A_492 = arith.muli %parallel_loop3A_127, %parallel_loop3A_491 : i32
        %parallel_loop3A_493 = arith.index_cast %parallel_loop3A_492 : i32 to index
        %parallel_loop3A_494 = tpu.vector_load %arg16[%parallel_loop3A_493] {strides = array<i32>} : memref<400xf32, #tpu.memory_space<vmem>>, vector<16xf32>,
        tpu.vector_store %arg16[%parallel_loop3A_493], %parallel_loop3A_490 {strides = array<i32>} : memref<400xf32, #tpu.memory_space<vmem>>, vector<16xf32>,
      } {sc.loop_unroll_factor = 2 : i64, sc.parallel_access}
      %mul3A_122 = arith.constant 400 : i32
      %mul3A_123 = arith.muli %add3A_86, %mul3A_122 : i32
      %add3A_124 = arith.addi %mul3A_2, %mul3A_123 : i32
      %dma_start3A_125 = tpu.memref_slice %arg6[%add3A_124] : memref<1600000xf32, #tpu.memory_space<hbm>> -> memref<400xf32, #tpu.memory_space<hbm>>
      %dma_start3A_126 = tpu.memref_slice %arg6[%add3A_124] : memref<1600000xf32, #tpu.memory_space<hbm>> -> memref<400xf32, #tpu.memory_space<hbm>>
      tpu.enqueue_dma source(%arg16 : memref<400xf32, #tpu.memory_space<vmem>>) target(%dma_start3A_126 : memref<400xf32, #tpu.memory_space<hbm>>) target_semaphore(%arg22 : memref<!tpu.dma_semaphore, #tpu.memory_space<semaphore_mem>>)
    }
    %scan3A_18 = arith.constant 62 : i32
    %dma_wait3A = arith.constant 0 : i32
    %dma_wait3A_19 = arith.constant 0 : i32
    %dma_wait3A_20 = tpu.memref_slice %arg2[%dma_wait3A, %dma_wait3A_19] : memref<50000x16xf32, #tpu.memory_space<hbm>> -> memref<50000x16xf32, #tpu.memory_space<hbm>>
    tpu.wait_indirect_dma semaphore(%arg19 : memref<!tpu.dma_semaphore, #tpu.memory_space<semaphore_mem>>) src(%dma_wait3A_20 : memref<50000x16xf32, #tpu.memory_space<hbm>>) dst(%arg11 : memref<400x16xf32, #tpu.memory_space<vmem>>)
    %dma_wait3A_21 = arith.constant 0 : i32
    %dma_wait3A_22 = arith.constant 0 : i32
    %dma_wait3A_23 = tpu.memref_slice %arg3[%dma_wait3A_21, %dma_wait3A_22] : memref<50000x16xf32, #tpu.memory_space<hbm>> -> memref<50000x16xf32, #tpu.memory_space<hbm>>
    tpu.wait_indirect_dma semaphore(%arg19 : memref<!tpu.dma_semaphore, #tpu.memory_space<semaphore_mem>>) src(%dma_wait3A_23 : memref<50000x16xf32, #tpu.memory_space<hbm>>) dst(%arg13 : memref<400x16xf32, #tpu.memory_space<vmem>>)
    %dma_wait3A_24 = arith.constant 0 : i32
    %dma_wait3A_25 = tpu.memref_slice %arg6[%dma_wait3A_24] : memref<1600000xf32, #tpu.memory_space<hbm>> -> memref<400xf32, #tpu.memory_space<hbm>>
    %dma_wait3A_26 = arith.constant 0 : i32
    %dma_wait3A_27 = tpu.memref_slice %arg6[%dma_wait3A_26] : memref<1600000xf32, #tpu.memory_space<hbm>> -> memref<400xf32, #tpu.memory_space<hbm>>
    tpu.wait_dma2 semaphore(%arg21 : memref<!tpu.dma_semaphore, #tpu.memory_space<semaphore_mem>>) src(%arg15 : memref<400xf32, #tpu.memory_space<vmem>>) dst(%dma_wait3A_27 : memref<400xf32, #tpu.memory_space<hbm>>)
    %parallel_loop3A = arith.constant 0 : i32
    %parallel_loop3A_28 = arith.constant 25 : i32
    %parallel_loop3A_29 = arith.constant 1 : i32
    scf.for %parallel_loop3A_42 = %parallel_loop3A to %parallel_loop3A_28 step %parallel_loop3A_29  : i32 {
      %parallel_loop3A_43 = arith.constant 16 : i32
      %parallel_loop3A_44 = arith.muli %parallel_loop3A_42, %parallel_loop3A_43 : i32
      %parallel_loop3A_45 = vector.broadcast %parallel_loop3A_44 : i32 to vector<16xi32>
      %parallel_loop3A_46 = arith.addi %parallel_loop3A_45, %iota3A : vector<16xi32>
      %parallel_loop3A_47 = arith.constant 1 : i32
      %parallel_loop3A_48 = vector.broadcast %parallel_loop3A_47 : i32 to vector<16xi32>
      %parallel_loop3A_49 = tpu.vector_load_idx %arg13[%parallel_loop3A_46, %parallel_loop3A_48] : memref<400x16xf32, #tpu.memory_space<vmem>>[vector<16xi32>, vector<16xi32>], vector<16xf32>,
      %parallel_loop3A_50 = arith.constant 1 : i32
      %parallel_loop3A_51 = vector.broadcast %parallel_loop3A_50 : i32 to vector<16xi32>
      %parallel_loop3A_52 = tpu.vector_load_idx %arg11[%parallel_loop3A_46, %parallel_loop3A_51] : memref<400x16xf32, #tpu.memory_space<vmem>>[vector<16xi32>, vector<16xi32>], vector<16xf32>,
      %parallel_loop3A_53 = arith.subf %parallel_loop3A_49, %parallel_loop3A_52 : vector<16xf32>
      %parallel_loop3A_54 = arith.constant 2 : i32
      %parallel_loop3A_55 = vector.broadcast %parallel_loop3A_54 : i32 to vector<16xi32>
      %parallel_loop3A_56 = tpu.vector_load_idx %arg13[%parallel_loop3A_46, %parallel_loop3A_55] : memref<400x16xf32, #tpu.memory_space<vmem>>[vector<16xi32>, vector<16xi32>], vector<16xf32>,
      %parallel_loop3A_57 = arith.constant 2 : i32
      %parallel_loop3A_58 = vector.broadcast %parallel_loop3A_57 : i32 to vector<16xi32>
      %parallel_loop3A_59 = tpu.vector_load_idx %arg11[%parallel_loop3A_46, %parallel_loop3A_58] : memref<400x16xf32, #tpu.memory_space<vmem>>[vector<16xi32>, vector<16xi32>], vector<16xf32>,
      %parallel_loop3A_60 = arith.subf %parallel_loop3A_56, %parallel_loop3A_59 : vector<16xf32>
      %parallel_loop3A_61 = arith.constant 3 : i32
      %parallel_loop3A_62 = vector.broadcast %parallel_loop3A_61 : i32 to vector<16xi32>
      %parallel_loop3A_63 = tpu.vector_load_idx %arg13[%parallel_loop3A_46, %parallel_loop3A_62] : memref<400x16xf32, #tpu.memory_space<vmem>>[vector<16xi32>, vector<16xi32>], vector<16xf32>,
      %parallel_loop3A_64 = arith.constant 3 : i32
      %parallel_loop3A_65 = vector.broadcast %parallel_loop3A_64 : i32 to vector<16xi32>
      %parallel_loop3A_66 = tpu.vector_load_idx %arg11[%parallel_loop3A_46, %parallel_loop3A_65] : memref<400x16xf32, #tpu.memory_space<vmem>>[vector<16xi32>, vector<16xi32>], vector<16xf32>,
      %parallel_loop3A_67 = arith.subf %parallel_loop3A_63, %parallel_loop3A_66 : vector<16xf32>
      %parallel_loop3A_68 = arith.mulf %parallel_loop3A_53, %parallel_loop3A_53 : vector<16xf32>
      %parallel_loop3A_69 = arith.mulf %parallel_loop3A_60, %parallel_loop3A_60 : vector<16xf32>
      %parallel_loop3A_70 = arith.addf %parallel_loop3A_68, %parallel_loop3A_69 : vector<16xf32>
      %parallel_loop3A_71 = arith.mulf %parallel_loop3A_67, %parallel_loop3A_67 : vector<16xf32>
      %parallel_loop3A_72 = arith.addf %parallel_loop3A_70, %parallel_loop3A_71 : vector<16xf32>
      %parallel_loop3A_73 = arith.constant 1.000000e-10 : f32
      %parallel_loop3A_74 = vector.broadcast %parallel_loop3A_73 : f32 to vector<16xf32>
      %parallel_loop3A_75 = arith.maximumf %parallel_loop3A_72, %parallel_loop3A_74 : vector<16xf32>
      %parallel_loop3A_76 = vector.bitcast %parallel_loop3A_75 : vector<16xf32> to vector<16xi32>
      %parallel_loop3A_77 = arith.constant 1 : i32
      %parallel_loop3A_78 = vector.broadcast %parallel_loop3A_77 : i32 to vector<16xi32>
      %parallel_loop3A_79 = arith.shrui %parallel_loop3A_76, %parallel_loop3A_78 : vector<16xi32>
      %parallel_loop3A_80 = arith.constant 1597463007 : i32
      %parallel_loop3A_81 = vector.broadcast %parallel_loop3A_80 : i32 to vector<16xi32>
      %parallel_loop3A_82 = arith.subi %parallel_loop3A_81, %parallel_loop3A_79 : vector<16xi32>
      %parallel_loop3A_83 = vector.bitcast %parallel_loop3A_82 : vector<16xi32> to vector<16xf32>
      %parallel_loop3A_84 = arith.constant 5.000000e-01 : f32
      %parallel_loop3A_85 = vector.broadcast %parallel_loop3A_84 : f32 to vector<16xf32>
      %parallel_loop3A_86 = arith.mulf %parallel_loop3A_85, %parallel_loop3A_75 : vector<16xf32>
      %parallel_loop3A_87 = arith.mulf %parallel_loop3A_86, %parallel_loop3A_83 : vector<16xf32>
      %parallel_loop3A_88 = arith.mulf %parallel_loop3A_87, %parallel_loop3A_83 : vector<16xf32>
      %parallel_loop3A_89 = arith.constant 1.500000e+00 : f32
      %parallel_loop3A_90 = vector.broadcast %parallel_loop3A_89 : f32 to vector<16xf32>
      %parallel_loop3A_91 = arith.subf %parallel_loop3A_90, %parallel_loop3A_88 : vector<16xf32>
      %parallel_loop3A_92 = arith.mulf %parallel_loop3A_83, %parallel_loop3A_91 : vector<16xf32>
      %parallel_loop3A_93 = arith.mulf %parallel_loop3A_86, %parallel_loop3A_92 : vector<16xf32>
      %parallel_loop3A_94 = arith.mulf %parallel_loop3A_93, %parallel_loop3A_92 : vector<16xf32>
      %parallel_loop3A_95 = arith.constant 1.500000e+00 : f32
      %parallel_loop3A_96 = vector.broadcast %parallel_loop3A_95 : f32 to vector<16xf32>
      %parallel_loop3A_97 = arith.subf %parallel_loop3A_96, %parallel_loop3A_94 : vector<16xf32>
      %parallel_loop3A_98 = arith.mulf %parallel_loop3A_92, %parallel_loop3A_97 : vector<16xf32>
      %parallel_loop3A_99 = arith.mulf %parallel_loop3A_75, %parallel_loop3A_98 : vector<16xf32>
      %parallel_loop3A_100 = arith.constant 1.88972616 : f32
      %parallel_loop3A_101 = vector.broadcast %parallel_loop3A_100 : f32 to vector<16xf32>
      %parallel_loop3A_102 = arith.mulf %parallel_loop3A_99, %parallel_loop3A_101 : vector<16xf32>
      %parallel_loop3A_103 = arith.constant 0.529177189 : f32
      %parallel_loop3A_104 = vector.broadcast %parallel_loop3A_103 : f32 to vector<16xf32>
      %parallel_loop3A_105 = arith.mulf %parallel_loop3A_104, %parallel_loop3A_98 : vector<16xf32>
      %parallel_loop3A_106 = arith.constant 1.88972616 : f32
      %parallel_loop3A_107 = vector.broadcast %parallel_loop3A_106 : f32 to vector<16xf32>
      %parallel_loop3A_108 = arith.mulf %parallel_loop3A_53, %parallel_loop3A_107 : vector<16xf32>
      %parallel_loop3A_109 = arith.constant 1.88972616 : f32
      %parallel_loop3A_110 = vector.broadcast %parallel_loop3A_109 : f32 to vector<16xf32>
      %parallel_loop3A_111 = arith.mulf %parallel_loop3A_60, %parallel_loop3A_110 : vector<16xf32>
      %parallel_loop3A_112 = arith.constant 1.88972616 : f32
      %parallel_loop3A_113 = vector.broadcast %parallel_loop3A_112 : f32 to vector<16xf32>
      %parallel_loop3A_114 = arith.mulf %parallel_loop3A_67, %parallel_loop3A_113 : vector<16xf32>
      %parallel_loop3A_115 = arith.mulf %parallel_loop3A_102, %parallel_loop3A_102 : vector<16xf32>
      %parallel_loop3A_116 = arith.mulf %parallel_loop3A_105, %parallel_loop3A_105 : vector<16xf32>
      %parallel_loop3A_117 = arith.mulf %parallel_loop3A_116, %parallel_loop3A_105 : vector<16xf32>
      %parallel_loop3A_118 = arith.mulf %parallel_loop3A_117, %parallel_loop3A_116 : vector<16xf32>
      %parallel_loop3A_119 = arith.constant 0 : i32
      %parallel_loop3A_120 = vector.broadcast %parallel_loop3A_119 : i32 to vector<16xi32>
      %parallel_loop3A_121 = tpu.vector_load_idx %arg11[%parallel_loop3A_46, %parallel_loop3A_120] : memref<400x16xf32, #tpu.memory_space<vmem>>[vector<16xi32>, vector<16xi32>], vector<16xf32>,
      %parallel_loop3A_122 = arith.constant 4 : i32
      %parallel_loop3A_123 = vector.broadcast %parallel_loop3A_122 : i32 to vector<16xi32>
      %parallel_loop3A_124 = tpu.vector_load_idx %arg11[%parallel_loop3A_46, %parallel_loop3A_123] : memref<400x16xf32, #tpu.memory_space<vmem>>[vector<16xi32>, vector<16xi32>], vector<16xf32>,
      %parallel_loop3A_125 = arith.constant 5 : i32
      %parallel_loop3A_126 = vector.broadcast %parallel_loop3A_125 : i32 to vector<16xi32>
      %parallel_loop3A_127 = tpu.vector_load_idx %arg11[%parallel_loop3A_46, %parallel_loop3A_126] : memref<400x16xf32, #tpu.memory_space<vmem>>[vector<16xi32>, vector<16xi32>], vector<16xf32>,
      %parallel_loop3A_128 = arith.constant 6 : i32
      %parallel_loop3A_129 = vector.broadcast %parallel_loop3A_128 : i32 to vector<16xi32>
      %parallel_loop3A_130 = tpu.vector_load_idx %arg11[%parallel_loop3A_46, %parallel_loop3A_129] : memref<400x16xf32, #tpu.memory_space<vmem>>[vector<16xi32>, vector<16xi32>], vector<16xf32>,
      %parallel_loop3A_131 = arith.constant 7 : i32
      %parallel_loop3A_132 = vector.broadcast %parallel_loop3A_131 : i32 to vector<16xi32>
      %parallel_loop3A_133 = tpu.vector_load_idx %arg11[%parallel_loop3A_46, %parallel_loop3A_132] : memref<400x16xf32, #tpu.memory_space<vmem>>[vector<16xi32>, vector<16xi32>], vector<16xf32>,
      %parallel_loop3A_134 = arith.constant 14 : i32
      %parallel_loop3A_135 = vector.broadcast %parallel_loop3A_134 : i32 to vector<16xi32>
      %parallel_loop3A_136 = tpu.vector_load_idx %arg11[%parallel_loop3A_46, %parallel_loop3A_135] : memref<400x16xf32, #tpu.memory_space<vmem>>[vector<16xi32>, vector<16xi32>], vector<16xf32>,
      %parallel_loop3A_137 = arith.constant 0 : i32
      %parallel_loop3A_138 = vector.broadcast %parallel_loop3A_137 : i32 to vector<16xi32>
      %parallel_loop3A_139 = tpu.vector_load_idx %arg13[%parallel_loop3A_46, %parallel_loop3A_138] : memref<400x16xf32, #tpu.memory_space<vmem>>[vector<16xi32>, vector<16xi32>], vector<16xf32>,
      %parallel_loop3A_140 = arith.constant 4 : i32
      %parallel_loop3A_141 = vector.broadcast %parallel_loop3A_140 : i32 to vector<16xi32>
      %parallel_loop3A_142 = tpu.vector_load_idx %arg13[%parallel_loop3A_46, %parallel_loop3A_141] : memref<400x16xf32, #tpu.memory_space<vmem>>[vector<16xi32>, vector<16xi32>], vector<16xf32>,
      %parallel_loop3A_143 = arith.constant 5 : i32
      %parallel_loop3A_144 = vector.broadcast %parallel_loop3A_143 : i32 to vector<16xi32>
      %parallel_loop3A_145 = tpu.vector_load_idx %arg13[%parallel_loop3A_46, %parallel_loop3A_144] : memref<400x16xf32, #tpu.memory_space<vmem>>[vector<16xi32>, vector<16xi32>], vector<16xf32>,
      %parallel_loop3A_146 = arith.constant 6 : i32
      %parallel_loop3A_147 = vector.broadcast %parallel_loop3A_146 : i32 to vector<16xi32>
      %parallel_loop3A_148 = tpu.vector_load_idx %arg13[%parallel_loop3A_46, %parallel_loop3A_147] : memref<400x16xf32, #tpu.memory_space<vmem>>[vector<16xi32>, vector<16xi32>], vector<16xf32>,
      %parallel_loop3A_149 = arith.constant 7 : i32
      %parallel_loop3A_150 = vector.broadcast %parallel_loop3A_149 : i32 to vector<16xi32>
      %parallel_loop3A_151 = tpu.vector_load_idx %arg13[%parallel_loop3A_46, %parallel_loop3A_150] : memref<400x16xf32, #tpu.memory_space<vmem>>[vector<16xi32>, vector<16xi32>], vector<16xf32>,
      %parallel_loop3A_152 = arith.constant 14 : i32
      %parallel_loop3A_153 = vector.broadcast %parallel_loop3A_152 : i32 to vector<16xi32>
      %parallel_loop3A_154 = tpu.vector_load_idx %arg13[%parallel_loop3A_46, %parallel_loop3A_153] : memref<400x16xf32, #tpu.memory_space<vmem>>[vector<16xi32>, vector<16xi32>], vector<16xf32>,
      %parallel_loop3A_155 = arith.mulf %parallel_loop3A_136, %parallel_loop3A_102 : vector<16xf32>
      %parallel_loop3A_156 = arith.mulf %parallel_loop3A_154, %parallel_loop3A_102 : vector<16xf32>
      %parallel_loop3A_157 = arith.constant 0.000000e+00 : f32
      %parallel_loop3A_158 = vector.broadcast %parallel_loop3A_157 : f32 to vector<16xf32>
      %parallel_loop3A_159 = arith.subf %parallel_loop3A_158, %parallel_loop3A_155 : vector<16xf32>
      %parallel_loop3A_160 = math.exp %parallel_loop3A_159 : vector<16xf32>
      %parallel_loop3A_161 = arith.constant 0.000000e+00 : f32
      %parallel_loop3A_162 = vector.broadcast %parallel_loop3A_161 : f32 to vector<16xf32>
      %parallel_loop3A_163 = arith.subf %parallel_loop3A_162, %parallel_loop3A_156 : vector<16xf32>
      %parallel_loop3A_164 = math.exp %parallel_loop3A_163 : vector<16xf32>
      %parallel_loop3A_165 = arith.mulf %parallel_loop3A_136, %parallel_loop3A_136 : vector<16xf32>
      %parallel_loop3A_166 = arith.mulf %parallel_loop3A_154, %parallel_loop3A_154 : vector<16xf32>
      %parallel_loop3A_167 = arith.subf %parallel_loop3A_136, %parallel_loop3A_154 : vector<16xf32>
      %parallel_loop3A_168 = math.absf %parallel_loop3A_167 : vector<16xf32>
      %parallel_loop3A_169 = arith.constant 9.99999997E-7 : f32
      %parallel_loop3A_170 = vector.broadcast %parallel_loop3A_169 : f32 to vector<16xf32>
      %parallel_loop3A_171 = arith.cmpf ogt, %parallel_loop3A_168, %parallel_loop3A_170 : vector<16xf32>
      %parallel_loop3A_172 = arith.subf %parallel_loop3A_166, %parallel_loop3A_165 : vector<16xf32>
      %parallel_loop3A_173 = arith.constant 1.000000e+00 : f32
      %parallel_loop3A_174 = vector.broadcast %parallel_loop3A_173 : f32 to vector<16xf32>
      %parallel_loop3A_175 = arith.select %parallel_loop3A_171, %parallel_loop3A_172, %parallel_loop3A_174 : vector<16xi1>, vector<16xf32>
      %parallel_loop3A_176 = arith.constant 1.000000e+00 : f32
      %parallel_loop3A_177 = vector.broadcast %parallel_loop3A_176 : f32 to vector<16xf32>
      %parallel_loop3A_178 = arith.divf %parallel_loop3A_177, %parallel_loop3A_175 : vector<16xf32>
      %parallel_loop3A_179 = arith.mulf %parallel_loop3A_166, %parallel_loop3A_178 : vector<16xf32>
      %parallel_loop3A_180 = arith.constant 0.000000e+00 : f32
      %parallel_loop3A_181 = vector.broadcast %parallel_loop3A_180 : f32 to vector<16xf32>
      %parallel_loop3A_182 = arith.select %parallel_loop3A_171, %parallel_loop3A_179, %parallel_loop3A_181 : vector<16xi1>, vector<16xf32>
      %parallel_loop3A_183 = arith.mulf %parallel_loop3A_182, %parallel_loop3A_160 : vector<16xf32>
      %parallel_loop3A_184 = arith.constant 0.000000e+00 : f32
      %parallel_loop3A_185 = vector.broadcast %parallel_loop3A_184 : f32 to vector<16xf32>
      %parallel_loop3A_186 = arith.subf %parallel_loop3A_185, %parallel_loop3A_165 : vector<16xf32>
      %parallel_loop3A_187 = arith.mulf %parallel_loop3A_186, %parallel_loop3A_178 : vector<16xf32>
      %parallel_loop3A_188 = arith.constant 0.000000e+00 : f32
      %parallel_loop3A_189 = vector.broadcast %parallel_loop3A_188 : f32 to vector<16xf32>
      %parallel_loop3A_190 = arith.select %parallel_loop3A_171, %parallel_loop3A_187, %parallel_loop3A_189 : vector<16xi1>, vector<16xf32>
      %parallel_loop3A_191 = arith.mulf %parallel_loop3A_190, %parallel_loop3A_164 : vector<16xf32>
      %parallel_loop3A_192 = arith.constant 1.000000e+00 : f32
      %parallel_loop3A_193 = vector.broadcast %parallel_loop3A_192 : f32 to vector<16xf32>
      %parallel_loop3A_194 = arith.addf %parallel_loop3A_193, %parallel_loop3A_155 : vector<16xf32>
      %parallel_loop3A_195 = arith.constant 1.000000e+00 : f32
      %parallel_loop3A_196 = vector.broadcast %parallel_loop3A_195 : f32 to vector<16xf32>
      %parallel_loop3A_197 = arith.addf %parallel_loop3A_196, %parallel_loop3A_156 : vector<16xf32>
      %parallel_loop3A_198 = arith.constant 0.333333343 : f32
      %parallel_loop3A_199 = vector.broadcast %parallel_loop3A_198 : f32 to vector<16xf32>
      %parallel_loop3A_200 = arith.mulf %parallel_loop3A_115, %parallel_loop3A_199 : vector<16xf32>
      %parallel_loop3A_201 = arith.mulf %parallel_loop3A_165, %parallel_loop3A_200 : vector<16xf32>
      %parallel_loop3A_202 = arith.mulf %parallel_loop3A_166, %parallel_loop3A_200 : vector<16xf32>
      %parallel_loop3A_203 = arith.constant 5.000000e-01 : f32
      %parallel_loop3A_204 = vector.broadcast %parallel_loop3A_203 : f32 to vector<16xf32>
      %parallel_loop3A_205 = arith.mulf %parallel_loop3A_204, %parallel_loop3A_165 : vector<16xf32>
      %parallel_loop3A_206 = arith.mulf %parallel_loop3A_205, %parallel_loop3A_115 : vector<16xf32>
      %parallel_loop3A_207 = arith.addf %parallel_loop3A_194, %parallel_loop3A_201 : vector<16xf32>
      %parallel_loop3A_208 = arith.addf %parallel_loop3A_197, %parallel_loop3A_202 : vector<16xf32>
      %parallel_loop3A_209 = arith.constant 1.000000e+00 : f32
      %parallel_loop3A_210 = vector.broadcast %parallel_loop3A_209 : f32 to vector<16xf32>
      %parallel_loop3A_211 = arith.subf %parallel_loop3A_210, %parallel_loop3A_183 : vector<16xf32>
      %parallel_loop3A_212 = arith.subf %parallel_loop3A_211, %parallel_loop3A_191 : vector<16xf32>
      %parallel_loop3A_213 = arith.constant 5.000000e-01 : f32
      %parallel_loop3A_214 = vector.broadcast %parallel_loop3A_213 : f32 to vector<16xf32>
      %parallel_loop3A_215 = arith.mulf %parallel_loop3A_214, %parallel_loop3A_155 : vector<16xf32>
      %parallel_loop3A_216 = arith.constant 1.000000e+00 : f32
      %parallel_loop3A_217 = vector.broadcast %parallel_loop3A_216 : f32 to vector<16xf32>
      %parallel_loop3A_218 = arith.addf %parallel_loop3A_217, %parallel_loop3A_215 : vector<16xf32>
      %parallel_loop3A_219 = arith.mulf %parallel_loop3A_218, %parallel_loop3A_160 : vector<16xf32>
      %parallel_loop3A_220 = arith.constant 1.000000e+00 : f32
      %parallel_loop3A_221 = vector.broadcast %parallel_loop3A_220 : f32 to vector<16xf32>
      %parallel_loop3A_222 = arith.subf %parallel_loop3A_221, %parallel_loop3A_219 : vector<16xf32>
      %parallel_loop3A_223 = arith.select %parallel_loop3A_171, %parallel_loop3A_212, %parallel_loop3A_222 : vector<16xi1>, vector<16xf32>
      %parallel_loop3A_224 = arith.mulf %parallel_loop3A_194, %parallel_loop3A_183 : vector<16xf32>
      %parallel_loop3A_225 = arith.constant 1.000000e+00 : f32
      %parallel_loop3A_226 = vector.broadcast %parallel_loop3A_225 : f32 to vector<16xf32>
      %parallel_loop3A_227 = arith.subf %parallel_loop3A_226, %parallel_loop3A_224 : vector<16xf32>
      %parallel_loop3A_228 = arith.mulf %parallel_loop3A_197, %parallel_loop3A_191 : vector<16xf32>
      %parallel_loop3A_229 = arith.subf %parallel_loop3A_227, %parallel_loop3A_228 : vector<16xf32>
      %parallel_loop3A_230 = arith.addf %parallel_loop3A_194, %parallel_loop3A_206 : vector<16xf32>
      %parallel_loop3A_231 = arith.mulf %parallel_loop3A_230, %parallel_loop3A_160 : vector<16xf32>
      %parallel_loop3A_232 = arith.constant 1.000000e+00 : f32
      %parallel_loop3A_233 = vector.broadcast %parallel_loop3A_232 : f32 to vector<16xf32>
      %parallel_loop3A_234 = arith.subf %parallel_loop3A_233, %parallel_loop3A_231 : vector<16xf32>
      %parallel_loop3A_235 = arith.select %parallel_loop3A_171, %parallel_loop3A_229, %parallel_loop3A_234 : vector<16xi1>, vector<16xf32>
      %parallel_loop3A_236 = arith.mulf %parallel_loop3A_207, %parallel_loop3A_183 : vector<16xf32>
      %parallel_loop3A_237 = arith.constant 1.000000e+00 : f32
      %parallel_loop3A_238 = vector.broadcast %parallel_loop3A_237 : f32 to vector<16xf32>
      %parallel_loop3A_239 = arith.subf %parallel_loop3A_238, %parallel_loop3A_236 : vector<16xf32>
      %parallel_loop3A_240 = arith.mulf %parallel_loop3A_208, %parallel_loop3A_191 : vector<16xf32>
      %parallel_loop3A_241 = arith.subf %parallel_loop3A_239, %parallel_loop3A_240 : vector<16xf32>
      %parallel_loop3A_242 = arith.addf %parallel_loop3A_194, %parallel_loop3A_206 : vector<16xf32>
      %parallel_loop3A_243 = arith.mulf %parallel_loop3A_206, %parallel_loop3A_155 : vector<16xf32>
      %parallel_loop3A_244 = arith.constant 0.333333343 : f32
      %parallel_loop3A_245 = vector.broadcast %parallel_loop3A_244 : f32 to vector<16xf32>
      %parallel_loop3A_246 = arith.mulf %parallel_loop3A_243, %parallel_loop3A_245 : vector<16xf32>
      %parallel_loop3A_247 = arith.addf %parallel_loop3A_242, %parallel_loop3A_246 : vector<16xf32>
      %parallel_loop3A_248 = arith.mulf %parallel_loop3A_247, %parallel_loop3A_160 : vector<16xf32>
      %parallel_loop3A_249 = arith.constant 1.000000e+00 : f32
      %parallel_loop3A_250 = vector.broadcast %parallel_loop3A_249 : f32 to vector<16xf32>
      %parallel_loop3A_251 = arith.subf %parallel_loop3A_250, %parallel_loop3A_248 : vector<16xf32>
      %parallel_loop3A_252 = arith.select %parallel_loop3A_171, %parallel_loop3A_241, %parallel_loop3A_251 : vector<16xi1>, vector<16xf32>
      %parallel_loop3A_253 = arith.constant 1.000000e+00 : f32
      %parallel_loop3A_254 = vector.broadcast %parallel_loop3A_253 : f32 to vector<16xf32>
      %parallel_loop3A_255 = arith.subf %parallel_loop3A_254, %parallel_loop3A_164 : vector<16xf32>
      %parallel_loop3A_256 = arith.mulf %parallel_loop3A_197, %parallel_loop3A_164 : vector<16xf32>
      %parallel_loop3A_257 = arith.constant 1.000000e+00 : f32
      %parallel_loop3A_258 = vector.broadcast %parallel_loop3A_257 : f32 to vector<16xf32>
      %parallel_loop3A_259 = arith.subf %parallel_loop3A_258, %parallel_loop3A_256 : vector<16xf32>
      %parallel_loop3A_260 = arith.mulf %parallel_loop3A_208, %parallel_loop3A_164 : vector<16xf32>
      %parallel_loop3A_261 = arith.constant 1.000000e+00 : f32
      %parallel_loop3A_262 = vector.broadcast %parallel_loop3A_261 : f32 to vector<16xf32>
      %parallel_loop3A_263 = arith.subf %parallel_loop3A_262, %parallel_loop3A_260 : vector<16xf32>
      %parallel_loop3A_264 = arith.constant 1.000000e+00 : f32
      %parallel_loop3A_265 = vector.broadcast %parallel_loop3A_264 : f32 to vector<16xf32>
      %parallel_loop3A_266 = arith.subf %parallel_loop3A_265, %parallel_loop3A_160 : vector<16xf32>
      %parallel_loop3A_267 = arith.mulf %parallel_loop3A_194, %parallel_loop3A_160 : vector<16xf32>
      %parallel_loop3A_268 = arith.constant 1.000000e+00 : f32
      %parallel_loop3A_269 = vector.broadcast %parallel_loop3A_268 : f32 to vector<16xf32>
      %parallel_loop3A_270 = arith.subf %parallel_loop3A_269, %parallel_loop3A_267 : vector<16xf32>
      %parallel_loop3A_271 = arith.mulf %parallel_loop3A_207, %parallel_loop3A_160 : vector<16xf32>
      %parallel_loop3A_272 = arith.constant 1.000000e+00 : f32
      %parallel_loop3A_273 = vector.broadcast %parallel_loop3A_272 : f32 to vector<16xf32>
      %parallel_loop3A_274 = arith.subf %parallel_loop3A_273, %parallel_loop3A_271 : vector<16xf32>
      %parallel_loop3A_275 = arith.mulf %parallel_loop3A_127, %parallel_loop3A_108 : vector<16xf32>
      %parallel_loop3A_276 = arith.mulf %parallel_loop3A_130, %parallel_loop3A_111 : vector<16xf32>
      %parallel_loop3A_277 = arith.addf %parallel_loop3A_275, %parallel_loop3A_276 : vector<16xf32>
      %parallel_loop3A_278 = arith.mulf %parallel_loop3A_133, %parallel_loop3A_114 : vector<16xf32>
      %parallel_loop3A_279 = arith.addf %parallel_loop3A_277, %parallel_loop3A_278 : vector<16xf32>
      %parallel_loop3A_280 = arith.mulf %parallel_loop3A_145, %parallel_loop3A_108 : vector<16xf32>
      %parallel_loop3A_281 = arith.mulf %parallel_loop3A_148, %parallel_loop3A_111 : vector<16xf32>
      %parallel_loop3A_282 = arith.addf %parallel_loop3A_280, %parallel_loop3A_281 : vector<16xf32>
      %parallel_loop3A_283 = arith.mulf %parallel_loop3A_151, %parallel_loop3A_114 : vector<16xf32>
      %parallel_loop3A_284 = arith.addf %parallel_loop3A_282, %parallel_loop3A_283 : vector<16xf32>
      %parallel_loop3A_285 = arith.mulf %parallel_loop3A_127, %parallel_loop3A_145 : vector<16xf32>
      %parallel_loop3A_286 = arith.mulf %parallel_loop3A_130, %parallel_loop3A_148 : vector<16xf32>
      %parallel_loop3A_287 = arith.addf %parallel_loop3A_285, %parallel_loop3A_286 : vector<16xf32>
      %parallel_loop3A_288 = arith.mulf %parallel_loop3A_133, %parallel_loop3A_151 : vector<16xf32>
      %parallel_loop3A_289 = arith.addf %parallel_loop3A_287, %parallel_loop3A_288 : vector<16xf32>
      %parallel_loop3A_290 = arith.constant 8 : i32
      %parallel_loop3A_291 = vector.broadcast %parallel_loop3A_290 : i32 to vector<16xi32>
      %parallel_loop3A_292 = tpu.vector_load_idx %arg11[%parallel_loop3A_46, %parallel_loop3A_291] : memref<400x16xf32, #tpu.memory_space<vmem>>[vector<16xi32>, vector<16xi32>], vector<16xf32>,
      %parallel_loop3A_293 = arith.constant 9 : i32
      %parallel_loop3A_294 = vector.broadcast %parallel_loop3A_293 : i32 to vector<16xi32>
      %parallel_loop3A_295 = tpu.vector_load_idx %arg11[%parallel_loop3A_46, %parallel_loop3A_294] : memref<400x16xf32, #tpu.memory_space<vmem>>[vector<16xi32>, vector<16xi32>], vector<16xf32>,
      %parallel_loop3A_296 = arith.constant 10 : i32
      %parallel_loop3A_297 = vector.broadcast %parallel_loop3A_296 : i32 to vector<16xi32>
      %parallel_loop3A_298 = tpu.vector_load_idx %arg11[%parallel_loop3A_46, %parallel_loop3A_297] : memref<400x16xf32, #tpu.memory_space<vmem>>[vector<16xi32>, vector<16xi32>], vector<16xf32>,
      %parallel_loop3A_299 = arith.constant 11 : i32
      %parallel_loop3A_300 = vector.broadcast %parallel_loop3A_299 : i32 to vector<16xi32>
      %parallel_loop3A_301 = tpu.vector_load_idx %arg11[%parallel_loop3A_46, %parallel_loop3A_300] : memref<400x16xf32, #tpu.memory_space<vmem>>[vector<16xi32>, vector<16xi32>], vector<16xf32>,
      %parallel_loop3A_302 = arith.constant 12 : i32
      %parallel_loop3A_303 = vector.broadcast %parallel_loop3A_302 : i32 to vector<16xi32>
      %parallel_loop3A_304 = tpu.vector_load_idx %arg11[%parallel_loop3A_46, %parallel_loop3A_303] : memref<400x16xf32, #tpu.memory_space<vmem>>[vector<16xi32>, vector<16xi32>], vector<16xf32>,
      %parallel_loop3A_305 = arith.constant 13 : i32
      %parallel_loop3A_306 = vector.broadcast %parallel_loop3A_305 : i32 to vector<16xi32>
      %parallel_loop3A_307 = tpu.vector_load_idx %arg11[%parallel_loop3A_46, %parallel_loop3A_306] : memref<400x16xf32, #tpu.memory_space<vmem>>[vector<16xi32>, vector<16xi32>], vector<16xf32>,
      %parallel_loop3A_308 = arith.constant 8 : i32
      %parallel_loop3A_309 = vector.broadcast %parallel_loop3A_308 : i32 to vector<16xi32>
      %parallel_loop3A_310 = tpu.vector_load_idx %arg13[%parallel_loop3A_46, %parallel_loop3A_309] : memref<400x16xf32, #tpu.memory_space<vmem>>[vector<16xi32>, vector<16xi32>], vector<16xf32>,
      %parallel_loop3A_311 = arith.constant 9 : i32
      %parallel_loop3A_312 = vector.broadcast %parallel_loop3A_311 : i32 to vector<16xi32>
      %parallel_loop3A_313 = tpu.vector_load_idx %arg13[%parallel_loop3A_46, %parallel_loop3A_312] : memref<400x16xf32, #tpu.memory_space<vmem>>[vector<16xi32>, vector<16xi32>], vector<16xf32>,
      %parallel_loop3A_314 = arith.constant 10 : i32
      %parallel_loop3A_315 = vector.broadcast %parallel_loop3A_314 : i32 to vector<16xi32>
      %parallel_loop3A_316 = tpu.vector_load_idx %arg13[%parallel_loop3A_46, %parallel_loop3A_315] : memref<400x16xf32, #tpu.memory_space<vmem>>[vector<16xi32>, vector<16xi32>], vector<16xf32>,
      %parallel_loop3A_317 = arith.constant 11 : i32
      %parallel_loop3A_318 = vector.broadcast %parallel_loop3A_317 : i32 to vector<16xi32>
      %parallel_loop3A_319 = tpu.vector_load_idx %arg13[%parallel_loop3A_46, %parallel_loop3A_318] : memref<400x16xf32, #tpu.memory_space<vmem>>[vector<16xi32>, vector<16xi32>], vector<16xf32>,
      %parallel_loop3A_320 = arith.constant 12 : i32
      %parallel_loop3A_321 = vector.broadcast %parallel_loop3A_320 : i32 to vector<16xi32>
      %parallel_loop3A_322 = tpu.vector_load_idx %arg13[%parallel_loop3A_46, %parallel_loop3A_321] : memref<400x16xf32, #tpu.memory_space<vmem>>[vector<16xi32>, vector<16xi32>], vector<16xf32>,
      %parallel_loop3A_323 = arith.constant 13 : i32
      %parallel_loop3A_324 = vector.broadcast %parallel_loop3A_323 : i32 to vector<16xi32>
      %parallel_loop3A_325 = tpu.vector_load_idx %arg13[%parallel_loop3A_46, %parallel_loop3A_324] : memref<400x16xf32, #tpu.memory_space<vmem>>[vector<16xi32>, vector<16xi32>], vector<16xf32>,
      %parallel_loop3A_326 = arith.mulf %parallel_loop3A_108, %parallel_loop3A_108 : vector<16xf32>
      %parallel_loop3A_327 = arith.mulf %parallel_loop3A_111, %parallel_loop3A_111 : vector<16xf32>
      %parallel_loop3A_328 = arith.mulf %parallel_loop3A_114, %parallel_loop3A_114 : vector<16xf32>
      %parallel_loop3A_329 = arith.mulf %parallel_loop3A_108, %parallel_loop3A_111 : vector<16xf32>
      %parallel_loop3A_330 = arith.mulf %parallel_loop3A_108, %parallel_loop3A_114 : vector<16xf32>
      %parallel_loop3A_331 = arith.mulf %parallel_loop3A_111, %parallel_loop3A_114 : vector<16xf32>
      %parallel_loop3A_332 = arith.mulf %parallel_loop3A_292, %parallel_loop3A_326 : vector<16xf32>
      %parallel_loop3A_333 = arith.mulf %parallel_loop3A_295, %parallel_loop3A_327 : vector<16xf32>
      %parallel_loop3A_334 = arith.addf %parallel_loop3A_332, %parallel_loop3A_333 : vector<16xf32>
      %parallel_loop3A_335 = arith.mulf %parallel_loop3A_298, %parallel_loop3A_328 : vector<16xf32>
      %parallel_loop3A_336 = arith.addf %parallel_loop3A_334, %parallel_loop3A_335 : vector<16xf32>
      %parallel_loop3A_337 = arith.mulf %parallel_loop3A_301, %parallel_loop3A_329 : vector<16xf32>
      %parallel_loop3A_338 = arith.addf %parallel_loop3A_336, %parallel_loop3A_337 : vector<16xf32>
      %parallel_loop3A_339 = arith.mulf %parallel_loop3A_304, %parallel_loop3A_330 : vector<16xf32>
      %parallel_loop3A_340 = arith.addf %parallel_loop3A_338, %parallel_loop3A_339 : vector<16xf32>
      %parallel_loop3A_341 = arith.mulf %parallel_loop3A_307, %parallel_loop3A_331 : vector<16xf32>
      %parallel_loop3A_342 = arith.addf %parallel_loop3A_340, %parallel_loop3A_341 : vector<16xf32>
      %parallel_loop3A_343 = arith.addf %parallel_loop3A_292, %parallel_loop3A_295 : vector<16xf32>
      %parallel_loop3A_344 = arith.addf %parallel_loop3A_343, %parallel_loop3A_298 : vector<16xf32>
      %parallel_loop3A_345 = arith.mulf %parallel_loop3A_310, %parallel_loop3A_326 : vector<16xf32>
      %parallel_loop3A_346 = arith.mulf %parallel_loop3A_313, %parallel_loop3A_327 : vector<16xf32>
      %parallel_loop3A_347 = arith.addf %parallel_loop3A_345, %parallel_loop3A_346 : vector<16xf32>
      %parallel_loop3A_348 = arith.mulf %parallel_loop3A_316, %parallel_loop3A_328 : vector<16xf32>
      %parallel_loop3A_349 = arith.addf %parallel_loop3A_347, %parallel_loop3A_348 : vector<16xf32>
      %parallel_loop3A_350 = arith.mulf %parallel_loop3A_319, %parallel_loop3A_329 : vector<16xf32>
      %parallel_loop3A_351 = arith.addf %parallel_loop3A_349, %parallel_loop3A_350 : vector<16xf32>
      %parallel_loop3A_352 = arith.mulf %parallel_loop3A_322, %parallel_loop3A_330 : vector<16xf32>
      %parallel_loop3A_353 = arith.addf %parallel_loop3A_351, %parallel_loop3A_352 : vector<16xf32>
      %parallel_loop3A_354 = arith.mulf %parallel_loop3A_325, %parallel_loop3A_331 : vector<16xf32>
      %parallel_loop3A_355 = arith.addf %parallel_loop3A_353, %parallel_loop3A_354 : vector<16xf32>
      %parallel_loop3A_356 = arith.addf %parallel_loop3A_310, %parallel_loop3A_313 : vector<16xf32>
      %parallel_loop3A_357 = arith.addf %parallel_loop3A_356, %parallel_loop3A_316 : vector<16xf32>
      %parallel_loop3A_358 = arith.mulf %parallel_loop3A_124, %parallel_loop3A_223 : vector<16xf32>
      %parallel_loop3A_359 = arith.mulf %parallel_loop3A_121, %parallel_loop3A_255 : vector<16xf32>
      %parallel_loop3A_360 = arith.addf %parallel_loop3A_358, %parallel_loop3A_359 : vector<16xf32>
      %parallel_loop3A_361 = arith.mulf %parallel_loop3A_142, %parallel_loop3A_235 : vector<16xf32>
      %parallel_loop3A_362 = arith.mulf %parallel_loop3A_139, %parallel_loop3A_270 : vector<16xf32>
      %parallel_loop3A_363 = arith.addf %parallel_loop3A_361, %parallel_loop3A_362 : vector<16xf32>
      %parallel_loop3A_364 = arith.mulf %parallel_loop3A_124, %parallel_loop3A_235 : vector<16xf32>
      %parallel_loop3A_365 = arith.mulf %parallel_loop3A_121, %parallel_loop3A_259 : vector<16xf32>
      %parallel_loop3A_366 = arith.addf %parallel_loop3A_364, %parallel_loop3A_365 : vector<16xf32>
      %parallel_loop3A_367 = arith.mulf %parallel_loop3A_142, %parallel_loop3A_252 : vector<16xf32>
      %parallel_loop3A_368 = arith.mulf %parallel_loop3A_139, %parallel_loop3A_274 : vector<16xf32>
      %parallel_loop3A_369 = arith.addf %parallel_loop3A_367, %parallel_loop3A_368 : vector<16xf32>
      %parallel_loop3A_370 = arith.mulf %parallel_loop3A_124, %parallel_loop3A_252 : vector<16xf32>
      %parallel_loop3A_371 = arith.mulf %parallel_loop3A_121, %parallel_loop3A_263 : vector<16xf32>
      %parallel_loop3A_372 = arith.addf %parallel_loop3A_370, %parallel_loop3A_371 : vector<16xf32>
      %parallel_loop3A_373 = arith.mulf %parallel_loop3A_142, %parallel_loop3A_360 : vector<16xf32>
      %parallel_loop3A_374 = arith.mulf %parallel_loop3A_124, %parallel_loop3A_266 : vector<16xf32>
      %parallel_loop3A_375 = arith.addf %parallel_loop3A_374, %parallel_loop3A_121 : vector<16xf32>
      %parallel_loop3A_376 = arith.mulf %parallel_loop3A_139, %parallel_loop3A_375 : vector<16xf32>
      %parallel_loop3A_377 = arith.addf %parallel_loop3A_373, %parallel_loop3A_376 : vector<16xf32>
      %parallel_loop3A_378 = arith.mulf %parallel_loop3A_279, %parallel_loop3A_363 : vector<16xf32>
      %parallel_loop3A_379 = arith.mulf %parallel_loop3A_284, %parallel_loop3A_366 : vector<16xf32>
      %parallel_loop3A_380 = arith.subf %parallel_loop3A_378, %parallel_loop3A_379 : vector<16xf32>
      %parallel_loop3A_381 = arith.mulf %parallel_loop3A_372, %parallel_loop3A_355 : vector<16xf32>
      %parallel_loop3A_382 = arith.mulf %parallel_loop3A_369, %parallel_loop3A_342 : vector<16xf32>
      %parallel_loop3A_383 = arith.addf %parallel_loop3A_381, %parallel_loop3A_382 : vector<16xf32>
      %parallel_loop3A_384 = arith.mulf %parallel_loop3A_279, %parallel_loop3A_284 : vector<16xf32>
      %parallel_loop3A_385 = arith.mulf %parallel_loop3A_252, %parallel_loop3A_384 : vector<16xf32>
      %parallel_loop3A_386 = arith.constant 3.000000e+00 : f32
      %parallel_loop3A_387 = vector.broadcast %parallel_loop3A_386 : f32 to vector<16xf32>
      %parallel_loop3A_388 = arith.mulf %parallel_loop3A_387, %parallel_loop3A_385 : vector<16xf32>
      %parallel_loop3A_389 = arith.subf %parallel_loop3A_383, %parallel_loop3A_388 : vector<16xf32>
      %parallel_loop3A_390 = arith.mulf %parallel_loop3A_235, %parallel_loop3A_289 : vector<16xf32>
      %parallel_loop3A_391 = arith.mulf %parallel_loop3A_115, %parallel_loop3A_390 : vector<16xf32>
      %parallel_loop3A_392 = arith.addf %parallel_loop3A_389, %parallel_loop3A_391 : vector<16xf32>
      %parallel_loop3A_393 = arith.mulf %parallel_loop3A_366, %parallel_loop3A_357 : vector<16xf32>
      %parallel_loop3A_394 = arith.mulf %parallel_loop3A_363, %parallel_loop3A_344 : vector<16xf32>
      %parallel_loop3A_395 = arith.addf %parallel_loop3A_393, %parallel_loop3A_394 : vector<16xf32>
      %parallel_loop3A_396 = arith.mulf %parallel_loop3A_200, %parallel_loop3A_395 : vector<16xf32>
      %parallel_loop3A_397 = arith.subf %parallel_loop3A_392, %parallel_loop3A_396 : vector<16xf32>
      %parallel_loop3A_398 = arith.mulf %parallel_loop3A_105, %parallel_loop3A_377 : vector<16xf32>
      %parallel_loop3A_399 = arith.mulf %parallel_loop3A_117, %parallel_loop3A_380 : vector<16xf32>
      %parallel_loop3A_400 = arith.addf %parallel_loop3A_398, %parallel_loop3A_399 : vector<16xf32>
      %parallel_loop3A_401 = arith.mulf %parallel_loop3A_118, %parallel_loop3A_397 : vector<16xf32>
      %parallel_loop3A_402 = arith.addf %parallel_loop3A_400, %parallel_loop3A_401 : vector<16xf32>
      %parallel_loop3A_403 = arith.constant 6.275090e+02 : f32
      %parallel_loop3A_404 = vector.broadcast %parallel_loop3A_403 : f32 to vector<16xf32>
      %parallel_loop3A_405 = arith.mulf %parallel_loop3A_404, %parallel_loop3A_402 : vector<16xf32>
      %parallel_loop3A_406 = arith.constant 16 : i32
      %parallel_loop3A_407 = arith.muli %parallel_loop3A_42, %parallel_loop3A_406 : i32
      %parallel_loop3A_408 = arith.index_cast %parallel_loop3A_407 : i32 to index
      %parallel_loop3A_409 = tpu.vector_load %arg15[%parallel_loop3A_408] {strides = array<i32>} : memref<400xf32, #tpu.memory_space<vmem>>, vector<16xf32>,
      tpu.vector_store %arg15[%parallel_loop3A_408], %parallel_loop3A_405 {strides = array<i32>} : memref<400xf32, #tpu.memory_space<vmem>>, vector<16xf32>,
    } {sc.loop_unroll_factor = 2 : i64, sc.parallel_access}
    %add3A_30 = arith.constant 49600 : i32
    %add3A_31 = arith.addi %mul3A_2, %add3A_30 : i32
    %dma_start3A_32 = tpu.memref_slice %arg6[%add3A_31] : memref<1600000xf32, #tpu.memory_space<hbm>> -> memref<400xf32, #tpu.memory_space<hbm>>
    %dma_start3A_33 = tpu.memref_slice %arg6[%add3A_31] : memref<1600000xf32, #tpu.memory_space<hbm>> -> memref<400xf32, #tpu.memory_space<hbm>>
    tpu.enqueue_dma source(%arg15 : memref<400xf32, #tpu.memory_space<vmem>>) target(%dma_start3A_33 : memref<400xf32, #tpu.memory_space<hbm>>) target_semaphore(%arg21 : memref<!tpu.dma_semaphore, #tpu.memory_space<semaphore_mem>>)
    %dma_wait3A_34 = arith.constant 0 : i32
    %dma_wait3A_35 = tpu.memref_slice %arg6[%dma_wait3A_34] : memref<1600000xf32, #tpu.memory_space<hbm>> -> memref<400xf32, #tpu.memory_space<hbm>>
    %dma_wait3A_36 = arith.constant 0 : i32
    %dma_wait3A_37 = tpu.memref_slice %arg6[%dma_wait3A_36] : memref<1600000xf32, #tpu.memory_space<hbm>> -> memref<400xf32, #tpu.memory_space<hbm>>
    tpu.wait_dma2 semaphore(%arg21 : memref<!tpu.dma_semaphore, #tpu.memory_space<semaphore_mem>>) src(%arg15 : memref<400xf32, #tpu.memory_space<vmem>>) dst(%dma_wait3A_37 : memref<400xf32, #tpu.memory_space<hbm>>)
    %dma_wait3A_38 = arith.constant 0 : i32
    %dma_wait3A_39 = tpu.memref_slice %arg6[%dma_wait3A_38] : memref<1600000xf32, #tpu.memory_space<hbm>> -> memref<400xf32, #tpu.memory_space<hbm>>
    %dma_wait3A_40 = arith.constant 0 : i32
    %dma_wait3A_41 = tpu.memref_slice %arg6[%dma_wait3A_40] : memref<1600000xf32, #tpu.memory_space<hbm>> -> memref<400xf32, #tpu.memory_space<hbm>>
    tpu.wait_dma2 semaphore(%arg22 : memref<!tpu.dma_semaphore, #tpu.memory_space<semaphore_mem>>) src(%arg16 : memref<400xf32, #tpu.memory_space<vmem>>) dst(%dma_wait3A_41 : memref<400xf32, #tpu.memory_space<hbm>>)
    return
  }
}

</mosaic_0001>

<sc_bundles>
// kernel: kernel.3.cloned.1.call-start
scs
__scs_entry_jumppad:
0x0: {  	(pc) =	sbr.rel $0x88, $3  }
0x1: {  	(tag) =	ssettag $0x0;
	lr =	simm.s32 $0x1  }
0x2: {  	[smem:$0x3F93] =	sst lr;
	_ =	strace $0xD0000000  }
0x3: {  	_ = 	snop  }
0x4: {  	_ = 	snop  }
0x5: {  	_ = 	snop  }
0x6: {  	_ = 	snop  }
0x7: {  	_ = 	snop  }
__scs_overlays_trampoline_lowered:
0x8: {  	[smem:$0x3FA2] =	sst s0  }
0x9: {  	[smem:$0x3FA3] =	sst s1  }
0xa: {  	[smem:$0x3FA4] =	sst s2  }
0xb: {  	[smem:$0x3FA5] =	sst s3  }
0xc: {  	[smem:$0x3FA6] =	sst s4  }
0xd: {  	[smem:$0x3FA7] =	sst s5  }
0xe: {  	[smem:$0x3FA8] =	sst s6  }
0xf: {  	[smem:$0x3FA9] =	sst s7  }
0x10: {  	[smem:$0x3FAA] =	sst s8  }
0x11: {  	[smem:$0x3FAB] =	sst s9;
	s0 =	simm.s32 @!p0 $0x0  }
0x12: {  	s1 =	sld [smem:$0x3F91];
	s0 =	simm.s32 @p0 $0x1  }
0x13: {  	[smem:$0x3FAC] =	sst s0;
	s0 =	simm.s32 @!p1 $0x0  }
0x14: {  	s2 =	sld [smem:$0x3F90];
	s0 =	simm.s32 @p1 $0x1  }
0x15: {  	[smem:$0x3FAD] =	sst s0;
	s0 =	simm.s32 @!p2 $0x0  }
0x16: {  	s3 =	sld [smem:$0x3FDB];
	s0 =	simm.s32 @p2 $0x1  }
0x17: {  	s4 =	simm.s32 $0x1BF5;
	[smem:$0x3FAF] =	sst s0  }
0x18: {  	s0 =	sld [smem:$0x3F92];
	_ =	swait.ge [sflag:s4], $0x0  }
0x19: {  	s7 =	sld [smem:$0x3F93]  }
0x1a: {  	s8 =	sadd.s32 $0xFFFFE003, lr  }
0x1b: {  	s9 =	sadd.s32 $0xFFFFFEF7, lr;
	s5 =	simm.s32 $0xFFFFFFFF;
	p2 =	slt.u32 s8, $0xFFFFF086  }
0x1c: {  	p1 =	slt.u32 s9, $0xF7A;
	s5 =	simm.s32 @!p2 $0x0  }
0x1d: {  	s5 =	simm.s32 @p1 $0x1;
	p0 =	seq.s32 s7, s2  }
0x1e: {  	s7 =	smul.u32 @!p0 $0xF7A, s2;
	p2 =	seq.s32 @!p0 s5, $0x0  }
0x1f: {  	s9 =	smul.u32 $0xF7A, s1;
	s8 =	simm.s32 @!p0 $0x1BF5;
	p2 =	por !p2, p0  }
0x20: {  	[sflag:s8] =	ssyncset.s32 @!p0 $0xFFFFF086;
	s6 =	sadd.s32 @!p0 s3, s7;
	s7 =	simm.s32 @!p0 $0x108  }
0x21: {  	s3 =	sadd.s32 s3, s9;
	s6 =	sadd.s32 @!p0 $0x88, s6;
	s7 =	simm.s32 @p2 $0x1082  }
0x22: {  	[simem:s7], [sflag:s8] =	dma.local @!p0 [hbm:s6], $0xF7A  }
0x23: {  	s9 =	sor.u32 $0xD0000000, s2;
	s6 =	simm.s32 $0x108;
	_ =	swait.ge @!p0 [sflag:s8], $0x0  }
0x24: {  	s3 =	sadd.s32 $0x88, s3;
	s6 =	simm.s32 @!p1 $0x1082;
	[sflag:s4] =	ssyncset.s32 $0xFFFFF086  }
0x25: {  	[simem:s6], [sflag:s4] =	dma.local [hbm:s3], $0xF7A  }
0x26: {  	[smem:$0x3F93] =	sst s1;
	(tag) =	ssettag s2;
	_ =	strace s9  }
0x27: {  	s1 =	sld [smem:$0x3FA3]  }
0x28: {  	s2 =	sld [smem:$0x3FA4]  }
0x29: {  	s4 =	sld [smem:$0x3FA6]  }
0x2a: {  	p0 =	seq.s32 s5, $0x0;
	s5 =	sld [smem:$0x3FA7]  }
0x2b: {  	s6 =	sld [smem:$0x3FA8]  }
0x2c: {  	s7 =	sld [smem:$0x3FA9]  }
0x2d: {  	s3 =	simm.s32 $0x108;
	s8 =	sld [smem:$0x3FAA]  }
0x2e: {  	s3 =	simm.s32 @!p0 $0x1082;
	s9 =	sld [smem:$0x3FAB]  }
0x2f: {  	lr =	sadd.s32 s0, s3;
	s0 =	sld [smem:$0x3FA2]  }
0x30: {  	s3 =	sld [smem:$0x3FA5]  }
0x31: {  	[smem:$0x3FAE] =	sst s10  }
0x32: {  	s10 =	sld [smem:$0x3FAC];
	_ =	sdelay $0x3  }
0x33: {  	p0 =	seq.s32 s10, $0x1;
	s10 =	sld [smem:$0x3FAE];
	_ =	sdelay $0x3  }
0x34: {  	[smem:$0x3FAE] =	sst s10  }
0x35: {  	s10 =	sld [smem:$0x3FAD];
	_ =	sdelay $0x3  }
0x36: {  	p1 =	seq.s32 s10, $0x1;
	s10 =	sld [smem:$0x3FAE];
	_ =	sdelay $0x3  }
0x37: {  	[smem:$0x3FAE] =	sst s10  }
0x38: {  	s10 =	sld [smem:$0x3FAF]  }
0x39: {  	_ = 	snop;
	(pc) =	sbr.ind lr, $3  }
0x3a: {  	_ = 	snop  }
0x3b: {  	_ = 	snop  }
0x3c: {  	p2 =	seq.s32 s10, $0x1;
	s10 =	sld [smem:$0x3FAE]  }
0x3d: {  	_ =	shalt  }
0x3e: {  	_ =	shalt  }
0x3f: {  	_ =	shalt  }
0x40: {  	_ =	shalt  }
0x41: {  	_ =	shalt  }
0x42: {  	_ =	shalt  }
0x43: {  	_ =	shalt  }
0x44: {  	_ =	shalt  }
0x45: {  	_ =	shalt  }
0x46: {  	_ =	shalt  }
0x47: {  	_ =	shalt  }
0x48: {  	_ =	shalt  }
0x49: {  	_ =	shalt  }
0x4a: {  	_ =	shalt  }
0x4b: {  	_ =	shalt  }
0x4c: {  	_ =	shalt  }
0x4d: {  	_ =	shalt  }
0x4e: {  	_ =	shalt  }
0x4f: {  	_ =	shalt  }
0x50: {  	_ =	shalt  }
0x51: {  	_ =	shalt  }
0x52: {  	_ =	shalt  }
0x53: {  	_ =	shalt  }
0x54: {  	_ =	shalt  }
0x55: {  	_ =	shalt  }
0x56: {  	_ =	shalt  }
0x57: {  	_ =	shalt  }
0x58: {  	_ =	shalt  }
0x59: {  	_ =	shalt  }
0x5a: {  	_ =	shalt  }
0x5b: {  	_ =	shalt  }
0x5c: {  	_ =	shalt  }
0x5d: {  	_ =	shalt  }
0x5e: {  	_ =	shalt  }
0x5f: {  	_ =	shalt  }
0x60: {  	_ =	shalt  }
0x61: {  	_ =	shalt  }
0x62: {  	_ =	shalt  }
0x63: {  	_ =	shalt  }
0x64: {  	_ =	shalt  }
0x65: {  	_ =	shalt  }
0x66: {  	_ =	shalt  }
0x67: {  	_ =	shalt  }
0x68: {  	_ =	shalt  }
0x69: {  	_ =	shalt  }
0x6a: {  	_ =	shalt  }
0x6b: {  	_ =	shalt  }
0x6c: {  	_ =	shalt  }
0x6d: {  	_ =	shalt  }
0x6e: {  	_ =	shalt  }
0x6f: {  	_ =	shalt  }
0x70: {  	_ =	shalt  }
0x71: {  	_ =	shalt  }
0x72: {  	_ =	shalt  }
0x73: {  	_ =	shalt  }
0x74: {  	_ =	shalt  }
0x75: {  	_ =	shalt  }
0x76: {  	_ =	shalt  }
0x77: {  	_ =	shalt  }
0x78: {  	_ =	shalt  }
0x79: {  	_ =	shalt  }
0x7a: {  	_ =	shalt  }
0x7b: {  	_ =	shalt  }
0x7c: {  	_ =	shalt  }
0x7d: {  	_ =	shalt  }
0x7e: {  	_ =	shalt  }
0x7f: {  	_ =	shalt  }
0x80: {  	_ =	shalt  }
0x81: {  	_ =	shalt  }
0x82: {  	_ =	shalt  }
0x83: {  	_ =	shalt  }
0x84: {  	_ =	shalt  }
0x85: {  	_ =	shalt  }
0x86: {  	_ =	shalt  }
0x87: {  	_ =	shalt  }
.Lfunc_end0:
.L_simem_size_0:
called_computation_lowered:
.L_overlay_start_0:
0x88: {  	s2 =	sld [smem:$0x3FD9]  }
0x89: {  	s3 =	sld [smem:$0x3FFE];
	_ =	sdelay $0x1  }
0x8a: {  	s1 =	srdreg.scid  }
0x8b: {  	s0 =	sand.u32 $0x1, s1  }
0x8c: {  	s17 =	sshll.u32 s0, $0xA;
	s2 =	sadd.s32 s3, s2  }
0x8d: {  	s2 =	sadd.s32 s2, s17  }
0x8e: {  	[smem:$0x3FBA] =	sst s2  }
0x8f: {  	_ = 	snop  }
0x90: {  	s2 =	sld [smem:$0x3FBD]  }
0x91: {  	s18 =	sld [smem:$0x3FBC]  }
0x92: {  	s4 =	sld [smem:$0x3FD0];
	(tm) =	ssettm $0x1  }
0x93: {  	s5 =	sld [smem:$0x3FFB];
	_ =	sdelay $0x3  }
0x94: {  	_ =	strace s5  }
0x95: {  	s5 =	sld [smem:$0x3FFC];
	_ =	sdelay $0x3  }
0x96: {  	_ =	strace s5  }
0x97: {  	s5 =	sld [smem:$0x3FFD];
	_ =	sdelay $0x3  }
0x98: {  	_ =	strace s5  }
0x99: {  	_ =	strace $0x8FFFFFFF  }
0x9a: {  	s19 =	sld [smem:$0x3FDB];
	_ =	sdelay $0x1  }
0x9b: {  	s6 =	simm.s32 $_scs_section_size  }
0x9c: {  	s7 =	simm.s32 $_size__tile_overlayer_lowered;
	s8 =	simm.s32 $_tile_overlayer_lowered  }
0x9d: {  	s22 =	simm.s32 $0x1BFF;
	s21 =	sshll.u32 s8, $0x1;
	s5 =	sadd.s32 s6, s19  }
0x9e: {  	s9 =	simm.s32 $0x0;
	s20 =	sshll.u32 s7, $0x1;
	s7 =	sadd.s32 s21, s5  }
0x9f: {  	[timem:s9], [sflag:s22] =	dma.local [hbm:s7], s20  }
0xa0: {  	_ =	swait.ge [sflag:s22], s20  }
0xa1: {  	s6 =	ssub.s32 $0x0, s20;
	[sflag:s22] =	ssyncset.done $0x0  }
0xa2: {  	[sflag:s22] =	ssyncadd.s32 s6;
	_ =	sdelay $0x1  }
0xa3: {  	s23 =	simm.s32 $0x1B8B  }
0xa4: {  	_ =	swait.ge [sflag:s23], $0x1  }
0xa5: {  	[sflag:s23] =	ssyncset.done $0x0  }
0xa6: {  	s25 =	simm.s32 $0x1B8E;
	s24 =	sld [smem:$0x3FFE];
	[sflag:s23] =	ssyncadd.s32 $0xFFFFFFFF  }
0xa7: {  	s26 =	simm.s32 $execute0_lowered;
	[smem:$0x3FD2] =	sst s25  }
0xa8: {  	s7 =	sshll.u32 s26, $0x1;
	_ =	strace $0x80000046;
	[dreg:$0x1] =	wrdreg $0xFFFFFFFF  }
0xa9: {  	s28 =	simm.s32 $_size_execute0_lowered;
	s5 =	sadd.s32 s5, s7;
	[dreg:$0x0] =	wrdreg $0x0  }
0xaa: {  	s7 =	sshll.u32 s28, $0x1;
	[dreg:$0x2] =	wrdreg s5  }
0xab: {  	[dreg:$0x3] =	wrdreg s7  }
0xac: {  	[dreg:$0x4] =	wrdreg $0xC0  }
0xad: {  	_ =	task [dreg:s9], $0x5FFFF  }
0xae: {  	[dreg:$0x1] =	wrdreg $0xFFFFFFFF  }
0xaf: {  	[dreg:$0x0] =	wrdreg $0x60  }
0xb0: {  	[dreg:$0x2] =	wrdreg s24  }
0xb1: {  	[dreg:$0x3] =	wrdreg s2  }
0xb2: {  	[dreg:$0x4] =	wrdreg s18  }
0xb3: {  	[dreg:$0x5] =	wrdreg s4  }
0xb4: {  	[dreg:$0x6] =	wrdreg $0x9  }
0xb5: {  	_ =	task.clear_ibuf [dreg:s9], $0x7FFFF;
	_ =	strace $0x90000046  }
0xb6: {  	s29 =	simm.s32 $0x9;
	_ =	strace $0x80000048  }
0xb7: {  	_ =	swait.ge [sflag:s29], $0x1  }
0xb8: {  	[sflag:s29] =	ssyncadd.s32 $0xFFFFFFFF  }
0xb9: {  	_ =	strace $0x90000048  }
0xba: {  	_ =	sfence  }
0xbb: {  	s30 =	sld [smem:$0x0];
	_ =	sdelay $0x2  }
0xbc: {  	s31 =	sshll.u32 s1, $0xD;
	s1 =	sshrl.u32 s1, $0x2  }
0xbd: {  	s3 =	sand.u32 $0x4000, s31;
	s1 =	sadd.s32 s1, s30  }
0xbe: {  	s0 =	sor.u32 s3, s0;
	s1 =	sshll.u32 s1, $0x11  }
0xbf: {  	s0 =	sor.u32 s1, s0  }
0xc0: {  	s0 =	sadd.s32 $0x8F2B, s0  }
0xc1: {  	[sflag:s0] =	ssyncadd.remote.s32 $0x1  }
0xc2: {  	_ =	sfence.sel $0xFFFF  }
0xc3: {  	[dreg:$0x0] =	wrdreg $0xFFFFFFFF;
	(pc) =	sbr.abs _section_cstart, $3  }
0xc4: {  	[dreg:$0x1] =	wrdreg $0xFFFFFFFF  }
0xc5: {  	_ =	task.clear_ibuf [dreg:s9], $0x2FFFF;
	_ =	strace $0x9FFFFFFF  }
0xc6: {  	(tm) =	ssettm $0x7FFFFFFF  }
0xc7: {  	_ =	shalt  }
tec
execute0_lowered:
.L_overlay_start_1:
0x0: {  	(tag) =	ssettag $0x1  }
0x1: {  	s0 =	rddreg [dreg:$0x0]  }
0x2: {  	s1 =	rddreg [dreg:$0x1]  }
0x3: {  	s3 =	rddreg [dreg:$0x2]  }
0x4: {  	s4 =	rddreg [dreg:$0x3]  }
0x5: {  	s2 =	srdreg.scid;
	s6 =	stileid.u32  }
0x6: {  	s5 =	simm.s32 $0x0;
	s19 =	simm.s32 $0x320;
	s20 =	simm.s32 $0x190  }
0x7: {  	s21 =	simm.s32 $0x640;
	s22 =	simm.s32 $0x3840;
	s28 =	simm.s32 $0x5140  }
0x8: {  	s29 =	simm.s32 $0x6A40;
	s30 =	simm.s32 $0x4;
	s31 =	simm.s32 $0x1  }
0x9: {  	s2 =	sand.u32 $0x1, s2;
	s6 =	sshll.u32 s6, $0x1;
	[smem:$0x7FF] =	sst s5  }
0xa: {  	s7 =	sadd.s32 $0x1400, s0;
	s6 =	sor.u32 s2, s6;
	s2 =	ssub.s32 $0x2, s2  }
0xb: {  	s8 =	sadd.s32 $0x19C00, s0;
	s6 =	smul.u32 $0xC350, s6;
	s23 =	sshrl.u32 s2, $0x1  }
0xc: {  	_ =	strace $0x80000047;
	s0 =	ssub.s32 s2, s23;
	s23 =	simm.s32 $0x4B0  }
0xd: {  	s24 =	sshrl.u32 s6, $0x3;
	s9 =	sadd.s32 $0x190, s6;
	s14 =	sadd.s32 $0x320, s6  }
0xe: {  	s15 =	sadd.s32 $0x4B0, s6;
	s0 =	smax.u32 s0, $0x1;
	s10 =	sadd.s32 s1, s24  }
0xf: {  	s25 =	sadd.s32 s3, s24;
	s26 =	sshrl.u32 s9, $0x3;
	[dreg:$0xa] =	wrdreg s0  }
0x10: {  	s2 =	sadd.s32 s4, s24;
	s24 =	simm.s32 $0x3;
	[dreg:$0x5] =	wrdreg s10  }
0x11: {  	v0 =	vlaneseq.u32;
	s0 =	simm.s32 $0x6BD0;
	[dreg:$0x6] =	wrdreg s25;
	s11 =	sadd.s32 s1, s26  }
0x12: {  	v57 =	vmul.u32 $0x10, v0;
	s10 =	sadd.s32 s3, s26;
	s2 =	sadd.s32 $0x1838, s2;
	[dreg:$0x7] =	wrdreg s11  }
0x13: {  	s25 =	simm.s32 $0x2;
	s26 =	simm.s32 $0x1F40;
	[dreg:$0x8] =	wrdreg s10  }
0x14: {  	[tilespmem:$0x1FFF0] =	vst v57;
	[dreg:$0x9] =	wrdreg s2;
	s10 =	simm.s32 $0x6;
	s11 =	simm.s32 $0x0  }
.LBB2_1:
0x15: {  	[dreg:$0xb] =	wrdreg s11  }
0x16: {  	s2 =	rddreg [dreg:$0x5];
	s13 =	simm.s32 $0x7  }
0x17: {  	[tilespmem:s5], [sflag:$0x7] =	stream.linear.gather [hbm4b:s2+s5], $0x190, $0x38;
	[tilespmem:$0x6D60] =	vst v63  }
0x18: {  	_ =	swait.ge [sflag:s13], $0x190  }
0x19: {  	[sflag:s13] =	ssyncset.done $0x0  }
0x1a: {  	s16 =	rddreg [dreg:$0x6];
	[sflag:s13] =	ssyncadd.s32 $0xFFFFFE70  }
0x1b: {  	[tilespmem:s19], [sflag:$0x7] =	stream.linear.gather [hbm4b:s16+s5], $0x190, $0x38;
	[tilespmem:$0x6D60] =	vst v63  }
0x1c: {  	_ =	swait.ge [sflag:s13], $0x190  }
0x1d: {  	[sflag:s13] =	ssyncset.done $0x0  }
0x1e: {  	[sflag:s13] =	ssyncadd.s32 $0xFFFFFE70  }
0x1f: {  	[tilespmem:s21], [sflag:$0x3] =	stream.indirect.gather [hbm4b:s7+s20], $0x10, s5, s20, $0xb8;
	[tilespmem:$0x6D60] =	vst v63  }
0x20: {  	_ = 	snop  }
0x21: {  	[tilespmem:s22], [sflag:$0x3] =	stream.indirect.gather [hbm4b:s8+s20], $0x10, s19, s20, $0xb8;
	[tilespmem:$0x6D60] =	vst v63  }
0x22: {  	s17 =	rddreg [dreg:$0x7]  }
0x23: {  	[tilespmem:s20], [sflag:$0x2] =	stream.linear.gather [hbm4b:s17+s5], $0x190, $0x38;
	[tilespmem:$0x6D60] =	vst v63  }
0x24: {  	s12 =	simm.s32 $0x0;
	s18 =	rddreg [dreg:$0x8]  }
0x25: {  	[tilespmem:s23], [sflag:$0x2] =	stream.linear.gather [hbm4b:s18+s5], $0x190, $0x38;
	[tilespmem:$0x6D60] =	vst v63  }
.LBB2_2:
0x26: {  	_ =	swait.ge [sflag:s24], $0x1900  }
0x27: {  	[sflag:s24] =	ssyncset.done $0x0  }
0x28: {  	[sflag:s24] =	ssyncadd.s32 $0xFFFFE700  }
0x29: {  	_ =	swait.ge [sflag:s24], $0x1900  }
0x2a: {  	[sflag:s24] =	ssyncset.done $0x0  }
0x2b: {  	[sflag:s24] =	ssyncadd.s32 $0xFFFFE700  }
0x2c: {  	_ =	swait.ge [sflag:s25], $0x190  }
0x2d: {  	[sflag:s25] =	ssyncset.done $0x0  }
0x2e: {  	[sflag:s25] =	ssyncadd.s32 $0xFFFFFE70  }
0x2f: {  	s13 =	smul.u32 $0x320, s12;
	_ =	swait.ge [sflag:s25], $0x190  }
0x30: {  	[sflag:s25] =	ssyncset.done $0x0  }
0x31: {  	s2 =	sadd.s32 s13, s14;
	[sflag:s25] =	ssyncadd.s32 $0xFFFFFE70  }
0x32: {  	[tilespmem:s26], [sflag:$0x4] =	stream.indirect.gather [hbm4b:s7+s20], $0x10, s20, s20, $0xb8;
	[tilespmem:$0x6D60] =	vst v63  }
0x33: {  	s17 =	simm.s32 $0x0;
	s2 =	sshrl.u32 s2, $0x3  }
0x34: {  	[tilespmem:s28], [sflag:$0x4] =	stream.indirect.gather [hbm4b:s8+s20], $0x10, s23, s20, $0xb8;
	[tilespmem:$0x6D60] =	vst v63  }
0x35: {  	v1 =	vmov s17;
	s16 =	sadd.s32 s1, s2  }
0x36: {  	v1 =	vshll.u32 v1, $0x4;
	[tilespmem:s5], [sflag:$0x1] =	stream.linear.gather [hbm4b:s16+s5], $0x190, $0x38;
	[tilespmem:$0x6D60] =	vst v63  }
0x37: {  	p0 =	seq.s32 s12, $0x0;
	v19 =	vor.u32 v57, v1;
	s2 =	sadd.s32 s3, s2  }
0x38: {  	v1 =	vor.u32 $0x1, v19;
	[tilespmem:s19], [sflag:$0x1] =	stream.linear.gather [hbm4b:s2+s5], $0x190, $0x38;
	[tilespmem:$0x6D60] =	vst v63  }
0x39: {  	s2 =	simm.s32 @!p0 $0x5  }
0x3a: {  	s18 =	simm.s32 $0x10;
	v3 =	vor.u32 $0x2, v19;
	_ =	swait.ge @!p0 [sflag:s2], $0x190  }
0x3b: {  	v2 =	vmov s18;
	[sflag:s2] =	ssyncset.done @!p0 $0x0  }
0x3c: {  	v2 =	vshll.u32 v2, $0x4;
	v4 =	vor.u32 $0x3, v19;
	[sflag:s2] =	ssyncadd.s32 @!p0 $0xFFFFFE70  }
0x3d: {  	v2 =	vor.u32 v57, v2;
	v5 =	vld.idx.msk [tilespmem:v1+s22+$0x0], $0xffff  }
0x3e: {  	v6 =	vor.u32 $0x1, v2;
	v1 =	vld.idx.msk [tilespmem:v1+s21+$0x0], $0xffff  }
0x3f: {  	v7 =	vld.idx.msk [tilespmem:v3+s22+$0x0], $0xffff  }
0x40: {  	v8 =	vor.u32 $0x2, v2;
	v3 =	vld.idx.msk [tilespmem:v3+s21+$0x0], $0xffff  }
0x41: {  	v10 =	vor.u32 $0x3, v2;
	v9 =	vld.idx.msk [tilespmem:v4+s22+$0x0], $0xffff  }
0x42: {  	v4 =	vld.idx.msk [tilespmem:v4+s21+$0x0], $0xffff  }
0x43: {  	v15 =	vor.u32 $0x7, v19;
	v14 =	vld.idx.msk [tilespmem:v6+s22+$0x0], $0xffff  }
0x44: {  	v17 =	vld.idx.msk [tilespmem:v6+s21+$0x0], $0xffff  }
0x45: {  	v18 =	vld.idx.msk [tilespmem:v8+s22+$0x0], $0xffff  }
0x46: {  	v26 =	vor.u32 $0x8, v19;
	v22 =	vld.idx.msk [tilespmem:v10+s22+$0x0], $0xffff;
	v20 =	vsub.f32 v5, v1;
	v21 =	vsub.f32 v7, v3  }
0x47: {  	v29 =	vor.u32 $0x9, v19;
	v24 =	vld.idx.msk [tilespmem:v10+s21+$0x0], $0xffff  }
0x48: {  	v25 =	vld.idx.msk [tilespmem:v15+s21+$0x0], $0xffff;
	v23 =	vsub.f32 v9, v4;
	v1 =	vmul.f32 v20, v20;
	v4 =	vmul.f32 v21, v21  }
0x49: {  	v16 =	vor.u32 $0xE, v2;
	v12 =	vor.u32 $0x8, v2;
	v27 =	vld.idx.msk [tilespmem:v15+s22+$0x0], $0xffff  }
0x4a: {  	v47 =	vor.u32 $0xC, v19;
	v5 =	vld.idx.msk [tilespmem:v8+s21+$0x0], $0xffff;
	v9 =	vmul.f32 v23, v23;
	v4 =	vadd.f32 v4, v1  }
0x4b: {  	v13 =	vor.u32 $0x9, v2;
	v11 =	vor.u32 $0xA, v2;
	v39 =	vor.u32 $0xA, v19;
	v34 =	vld.idx.msk [tilespmem:v26+s21+$0x0], $0xffff  }
0x4c: {  	v15 =	vor.u32 $0xE, v19;
	v38 =	vld.idx.msk [tilespmem:v29+s21+$0x0], $0xffff;
	v14 =	vsub.f32 v14, v17;
	v4 =	vadd.f32 v9, v4  }
0x4d: {  	v26 =	vld.idx.msk [tilespmem:v26+s22+$0x0], $0xffff;
	v3 =	vor.u32 $0x5, v19;
	v8 =	vor.u32 $0x6, v19;
	v22 =	vsub.f32 v22, v24  }
0x4e: {  	v29 =	vld.idx.msk [tilespmem:v29+s22+$0x0], $0xffff;
	v43 =	vmul.f32 v27, v25;
	v17 =	vmul.f32 v14, v14;
	v24 =	vmax.f32 v4, $1.000000010e-10  }
0x4f: {  	v53 =	vld.idx.msk [tilespmem:v47+s21+$0x0], $0xffff;
	v5 =	vsub.f32 v18, v5;
	v18 =	vshrl.u32 v24, $0x1;
	v33 =	vmul.f32 $5.000000000e-01, v24  }
0x50: {  	v47 =	vld.idx.msk [tilespmem:v47+s22+$0x0], $0xffff;
	v49 =	vmul.f32 $1.889726160e+00, v20;
	v23 =	vmul.f32 $1.889726160e+00, v23;
	v35 =	vsub.s32 $0x5F3759DF, v18  }
0x51: {  	v41 =	vor.u32 $0xD, v19;
	v36 =	vld.idx.msk [tilespmem:v15+s21+$0x0], $0xffff;
	v50 =	vmul.f32 $1.889726160e+00, v21;
	v37 =	vmul.f32 v35, v33  }
0x52: {  	v48 =	vor.u32 $0xB, v19;
	v40 =	vld.idx.msk [tilespmem:v15+s22+$0x0], $0xffff;
	v25 =	vmul.f32 v25, v23;
	v27 =	vmul.f32 v27, v23  }
0x53: {  	v6 =	vor.u32 $0x6, v2;
	v54 =	vmul.f32 v23, v50;
	v28 =	vld.idx.msk [tilespmem:v3+s21+$0x0], $0xffff;
	v37 =	vmul.f32 v35, v37  }
0x54: {  	v10 =	vor.u32 $0xB, v2;
	v55 =	vmul.f32 v23, v49;
	v56 =	vmul.f32 v50, v49;
	v30 =	vld.idx.msk [tilespmem:v8+s21+$0x0], $0xffff  }
0x55: {  	v23 =	vmul.f32 v23, v23;
	v32 =	vld.idx.msk [tilespmem:v8+s22+$0x0], $0xffff;
	v8 =	vmul.f32 $1.889726160e+00, v14;
	v37 =	vsub.f32 $1.500000000e+00, v37  }
0x56: {  	v7 =	vor.u32 $0x5, v2;
	v31 =	vld.idx.msk [tilespmem:v3+s22+$0x0], $0xffff;
	v14 =	vmul.f32 v22, v22;
	v44 =	vmul.f32 v36, v36  }
0x57: {  	v45 =	vld.idx.msk [tilespmem:v39+s21+$0x0], $0xffff;
	v52 =	vsub.f32 v36, v40;
	v58 =	vmul.f32 v47, v55;
	v35 =	vmul.f32 v35, v37  }
0x58: {  	v20 =	vadd.f32 v38, v34;
	v3 =	vmul.f32 $1.889726160e+00, v5;
	v51 =	vmul.f32 $5.000000000e-01, v44  }
0x59: {  	v52 =	vand.u32 $0x7FFFFFFF, v52;
	v4 =	vmul.f32 v5, v5;
	v33 =	vmul.f32 v35, v33  }
0x5a: {  	v39 =	vld.idx.msk [tilespmem:v39+s22+$0x0], $0xffff;
	vm0 =	vgt.f32 v52, $9.999999970e-07;
	v52 =	vmul.f32 v53, v55;
	v18 =	vmul.f32 v8, v8  }
0x5b: {  	v21 =	vadd.f32 v29, v26;
	v42 =	vmul.f32 v31, v28;
	v33 =	vmul.f32 v33, v35  }
0x5c: {  	v20 =	vadd.f32 v45, v20;
	v46 =	vmul.f32 v32, v30;
	v28 =	vmul.f32 v28, v49  }
0x5d: {  	v30 =	vmul.f32 v30, v50;
	v31 =	vmul.f32 v31, v49;
	v33 =	vsub.f32 $1.500000000e+00, v33  }
0x5e: {  	v4 =	vadd.f32 v4, v17;
	v32 =	vmul.f32 v32, v50;
	v49 =	vmul.f32 v49, v49  }
0x5f: {  	v59 =	vld.idx.msk [tilespmem:v48+s21+$0x0], $0xffff;
	v21 =	vadd.f32 v39, v21;
	v50 =	vmul.f32 v50, v50;
	v33 =	vmul.f32 v33, v35  }
0x60: {  	v15 =	vadd.f32 v14, v4;
	v4 =	vmul.f32 $1.889726160e+00, v22;
	v34 =	vmul.f32 v34, v49  }
0x61: {  	v42 =	vadd.f32 v46, v42;
	v38 =	vmul.f32 v38, v50;
	v24 =	vmul.f32 v33, v24  }
0x62: {  	v28 =	vadd.f32 v30, v28;
	v26 =	vmul.f32 v26, v49;
	v37 =	vmul.f32 v40, v40  }
0x63: {  	v31 =	vadd.f32 v32, v31;
	v29 =	vmul.f32 v29, v50;
	v24 =	vmul.f32 $1.889726160e+00, v24  }
0x64: {  	v60 =	vld.idx.msk [tilespmem:v48+s22+$0x0], $0xffff;
	v50 =	vmul.f32 v59, v56;
	v42 =	vadd.f32 v43, v42;
	v63 =	vsub.f32 v37, v44  }
0x65: {  	v34 =	vadd.f32 v38, v34;
	v26 =	vadd.f32 v29, v26;
	v36 =	vmul.f32 v24, v36  }
0x66: {  	v62 =	vld.idx.msk [tilespmem:v41+s21+$0x0], $0xffff;
	v25 =	vadd.f32 v25, v28;
	v35 =	vnsel vm0, $0x3F800000, v63;
	v63 =	vmul.f32 v45, v23  }
0x67: {  	v27 =	vadd.f32 v27, v31;
	v23 =	vmul.f32 v39, v23;
	v61 =	vsub.f32 $0.0e+00, v36  }
0x68: {  	v41 =	vld.idx.msk [tilespmem:v41+s22+$0x0], $0xffff;
	(erf) = vrcp.f32 v35;
	v49 =	vadd.f32 v63, v34;
	v30 =	vmul.f32 v24, v40  }
0x69: {  	v23 =	vadd.f32 v23, v26;
	v26 =	vmul.f32 v60, v56;
	v29 =	vmul.f32 $1.442695020e+00, v61  }
0x6a: {  	v22 =	vor.u32 $0x4, v19;
	v28 =	vadd.f32 v50, v49;
	v48 =	vsub.f32 $0.0e+00, v30  }
0x6b: {  	v23 =	vadd.f32 v26, v23;
	v26 =	vmul.f32 v62, v54;
	(erf) = vpow2.f32 v29  }
0x6c: {  	v28 =	vadd.f32 v52, v28;
	v24 =	vmul.f32 v24, v24;
	v53 =	vmul.f32 $1.442695020e+00, v48  }
0x6d: {  	v31 =	vmul.f32 v41, v54;
	v32 =	vmul.f32 v27, v25;
	v23 =	vadd.f32 v58, v23  }
0x6e: {  	v26 =	vadd.f32 v26, v28;
	v28 =	vmul.f32 v24, v51;
	(erf) = vpow2.f32 v53  }
0x6f: {  	v35 =	vsub.f32 $0.0e+00, v44;
	v23 =	vadd.f32 v31, v23;
	v31 =	vmul.f32 $3.333333430e-01, v24  }
0x70: {  	v55 =	vmul.f32 $5.000000000e-01, v36;
	v38 =	vadd.f32 $1.000000000e+00, v36;
	v36 =	vmul.f32 v28, v36  }
0x71: {  	v33 =	vmul.f32 $5.291771890e-01, v33;
	v30 =	vadd.f32 $1.000000000e+00, v30;
	v58 =	vmul.f32 v31, v44;
	v29 =	vpop (erf)  }
0x72: {  	v28 =	vadd.f32 v28, v38;
	v36 =	vmul.f32 $3.333333430e-01, v36;
	v54 =	vmul.f32 v29, v37  }
0x73: {  	v29 =	vmul.f32 v29, v35;
	v37 =	vmul.f32 v31, v37;
	v35 =	vadd.f32 $1.000000000e+00, v55  }
0x74: {  	v41 =	vmul.f32 v33, v33;
	v40 =	vadd.f32 v58, v38;
	v36 =	vadd.f32 v36, v28;
	v56 =	vpop (erf)  }
0x75: {  	v46 =	vld.idx.msk [tilespmem:v22+s21+$0x0], $0xffff;
	v37 =	vadd.f32 v37, v30;
	v35 =	vmul.f32 v56, v35;
	v61 =	vmul.f32 v56, v38  }
0x76: {  	v34 =	vnsel vm0, $0x0, v54;
	v28 =	vmul.f32 v56, v28;
	v36 =	vmul.f32 v36, v56  }
0x77: {  	v44 =	vld.idx.msk [tilespmem:v19+s21+$0x0], $0xffff;
	v29 =	vnsel vm0, $0x0, v29;
	v59 =	vpop (erf);
	v52 =	vmul.f32 v56, v40;
	v34 =	vmul.f32 v56, v34  }
0x78: {  	v39 =	vsub.f32 $1.000000000e+00, v56;
	v60 =	vmul.f32 v59, v30;
	v62 =	vmul.f32 v59, v37  }
0x79: {  	v63 =	vsub.f32 $1.000000000e+00, v59;
	v29 =	vmul.f32 v59, v29;
	v35 =	vsub.f32 $1.000000000e+00, v35  }
0x7a: {  	v19 =	vld.idx.msk [tilespmem:v19+s22+$0x0], $0xffff;
	v55 =	vsub.f32 $1.000000000e+00, v34;
	v47 =	vsub.f32 $1.000000000e+00, v61;
	v39 =	vmul.f32 v39, v46  }
0x7b: {  	v40 =	vmul.f32 v34, v40;
	v28 =	vsub.f32 $1.000000000e+00, v28;
	v34 =	vmul.f32 v34, v38  }
0x7c: {  	v36 =	vsub.f32 $1.000000000e+00, v36;
	v53 =	vsub.f32 $1.000000000e+00, v60;
	v54 =	vmul.f32 v63, v44  }
0x7d: {  	v48 =	vsub.f32 $1.000000000e+00, v62;
	v37 =	vmul.f32 v29, v37;
	v56 =	vsub.f32 $1.000000000e+00, v40  }
0x7e: {  	v22 =	vld.idx.msk [tilespmem:v22+s22+$0x0], $0xffff;
	v58 =	vsub.f32 v55, v29;
	v34 =	vsub.f32 $1.000000000e+00, v34;
	v29 =	vmul.f32 v29, v30  }
0x7f: {  	v30 =	vsub.f32 $1.000000000e+00, v52;
	v59 =	vmul.f32 v47, v19;
	v61 =	vadd.f32 v39, v44  }
0x80: {  	v43 =	vmul.f32 v53, v44;
	v62 =	vmul.f32 v48, v44;
	v37 =	vsub.f32 v56, v37  }
0x81: {  	v35 =	vsel vm0, v58, v35;
	v29 =	vsub.f32 v34, v29;
	v30 =	vmul.f32 v30, v19  }
0x82: {  	v19 =	vmul.f32 v61, v19;
	v35 =	vmul.f32 v35, v46;
	v60 =	vsel vm0, v37, v36  }
0x83: {  	v28 =	vsel vm0, v29, v28;
	v63 =	vmul.f32 v60, v46;
	v29 =	vmul.f32 v60, v22  }
0x84: {  	v35 =	vadd.f32 v35, v54;
	v48 =	vmul.f32 v28, v22;
	v49 =	vmul.f32 v28, v46  }
0x85: {  	v28 =	vmul.f32 v28, v42;
	v37 =	vadd.f32 v63, v62;
	v29 =	vadd.f32 v29, v30  }
0x86: {  	v30 =	vmul.f32 v60, v32;
	v50 =	vadd.f32 v49, v43;
	v22 =	vmul.f32 v35, v22  }
0x87: {  	v51 =	vadd.f32 v48, v59;
	v24 =	vmul.f32 v28, v24;
	v23 =	vmul.f32 v37, v23  }
0x88: {  	v15 =	vmax.f32 v15, $1.000000010e-10;
	v26 =	vmul.f32 v29, v26;
	v29 =	vmul.f32 $3.000000000e+00, v30  }
0x89: {  	v30 =	vshrl.u32 v15, $0x1;
	v21 =	vmul.f32 v50, v21;
	v20 =	vmul.f32 v51, v20  }
0x8a: {  	v25 =	vmul.f32 v51, v25;
	v27 =	vmul.f32 v50, v27;
	v23 =	vadd.f32 v26, v23  }
0x8b: {  	v19 =	vadd.f32 v22, v19;
	v28 =	vsub.s32 $0x5F3759DF, v30;
	v30 =	vmul.f32 $5.000000000e-01, v15  }
0x8c: {  	v26 =	vld.idx.msk [tilespmem:v16+s21+$0x0], $0xffff;
	v20 =	vadd.f32 v20, v21;
	v21 =	vmul.f32 v41, v33;
	v23 =	vsub.f32 v23, v29  }
0x8d: {  	v16 =	vld.idx.msk [tilespmem:v16+s22+$0x0], $0xffff;
	v25 =	vsub.f32 v25, v27;
	v19 =	vmul.f32 v19, v33;
	v22 =	vmul.f32 v28, v30  }
0x8e: {  	v29 =	vld.idx.msk [tilespmem:v12+s21+$0x0], $0xffff;
	v20 =	vmul.f32 v20, v31;
	v31 =	vmul.f32 v21, v41;
	v23 =	vadd.f32 v23, v24  }
0x8f: {  	v1 =	vor.u32 $0x7, v2;
	v27 =	vld.idx.msk [tilespmem:v13+s21+$0x0], $0xffff;
	v21 =	vmul.f32 v25, v21;
	v22 =	vmul.f32 v28, v22  }
0x90: {  	v17 =	vmul.f32 v3, v3;
	v14 =	vmul.f32 v3, v8;
	v12 =	vld.idx.msk [tilespmem:v12+s22+$0x0], $0xffff;
	v20 =	vsub.f32 v23, v20  }
0x91: {  	v13 =	vld.idx.msk [tilespmem:v13+s22+$0x0], $0xffff;
	v19 =	vadd.f32 v21, v19;
	v25 =	vmul.f32 v26, v26;
	v22 =	vsub.f32 $1.500000000e+00, v22  }
0x92: {  	v55 =	vld.idx.msk [tilespmem:v6+s21+$0x0], $0xffff;
	v21 =	vmul.f32 v16, v16;
	v23 =	vsub.f32 v26, v16;
	v20 =	vmul.f32 v20, v31  }
0x93: {  	v9 =	vor.u32 $0xC, v2;
	v54 =	vld.idx.msk [tilespmem:v7+s21+$0x0], $0xffff;
	v22 =	vmul.f32 v28, v22;
	v53 =	vmul.f32 v29, v18  }
0x94: {  	v28 =	vld.idx.msk [tilespmem:v10+s21+$0x0], $0xffff;
	v23 =	vand.u32 $0x7FFFFFFF, v23;
	v19 =	vadd.f32 v20, v19;
	v20 =	vsub.f32 v21, v25  }
0x95: {  	v18 =	vmul.f32 v12, v18;
	v10 =	vld.idx.msk [tilespmem:v10+s22+$0x0], $0xffff;
	vm0 =	vgt.f32 v23, $9.999999970e-07;
	v30 =	vmul.f32 v22, v30  }
0x96: {  	v52 =	vld.idx.msk [tilespmem:v11+s21+$0x0], $0xffff;
	v23 =	vmul.f32 v27, v17;
	v17 =	vmul.f32 v13, v17;
	v20 =	vnsel vm0, $0x3F800000, v20  }
0x97: {  	v11 =	vld.idx.msk [tilespmem:v11+s22+$0x0], $0xffff;
	v12 =	vadd.f32 v13, v12;
	(erf) = vrcp.f32 v20;
	v20 =	vmul.f32 v30, v22  }
0x98: {  	v31 =	vmul.f32 $5.000000000e-01, v25;
	v17 =	vadd.f32 v17, v18;
	v18 =	vmul.f32 v54, v8  }
0x99: {  	v7 =	vld.idx.msk [tilespmem:v7+s22+$0x0], $0xffff;
	v28 =	vmul.f32 v28, v14;
	v30 =	vmul.f32 v4, v4;
	v20 =	vsub.f32 $1.500000000e+00, v20  }
0x9a: {  	v6 =	vld.idx.msk [tilespmem:v6+s22+$0x0], $0xffff;
	v27 =	vadd.f32 v27, v29;
	v10 =	vmul.f32 v10, v14;
	v14 =	vmul.f32 v55, v3  }
0x9b: {  	v29 =	vld.idx.msk [tilespmem:v9+s21+$0x0], $0xffff;
	v23 =	vadd.f32 v23, v53;
	v13 =	vmul.f32 v52, v30;
	v20 =	vmul.f32 v20, v22  }
0x9c: {  	v56 =	vsub.f32 $0.0e+00, v25;
	v19 =	vmul.f32 $6.275089720e+02, v19;
	v30 =	vmul.f32 v11, v30  }
0x9d: {  	v9 =	vld.idx.msk [tilespmem:v9+s22+$0x0], $0xffff;
	v14 =	vadd.f32 v14, v18;
	v13 =	vadd.f32 v13, v23;
	v23 =	vmul.f32 v20, v15  }
0x9e: {  	v17 =	vadd.f32 v30, v17;
	v22 =	vmul.f32 v7, v8;
	v8 =	vmul.f32 v4, v8  }
0x9f: {  	v11 =	vadd.f32 v11, v12;
	v15 =	vadd.f32 v52, v27;
	v18 =	vmul.f32 $1.889726160e+00, v23  }
0xa0: {  	v30 =	vld.idx.msk [tilespmem:v1+s21+$0x0], $0xffff;
	v27 =	vmul.f32 v6, v3;
	v10 =	vadd.f32 v10, v17;
	v17 =	vmul.f32 v29, v8  }
0xa1: {  	v13 =	vadd.f32 v28, v13;
	v3 =	vmul.f32 v4, v3;
	v26 =	vmul.f32 v18, v26  }
0xa2: {  	v6 =	vmul.f32 v6, v55;
	v23 =	vmul.f32 v9, v8;
	v22 =	vadd.f32 v27, v22;
	v9 =	vpop (erf)  }
0xa3: {  	v27 =	vmul.f32 v9, v21;
	v12 =	vmul.f32 v18, v16;
	v28 =	vsub.f32 $0.0e+00, v26  }
0xa4: {  	v24 =	vor.u32 $0xD, v2;
	v8 =	vmul.f32 v18, v18;
	v16 =	vmul.f32 v9, v56  }
0xa5: {  	v18 =	vmul.f32 v30, v4;
	v29 =	vsub.f32 $0.0e+00, v12;
	v28 =	vmul.f32 $1.442695020e+00, v28  }
0xa6: {  	v1 =	vld.idx.msk [tilespmem:v1+s22+$0x0], $0xffff;
	v13 =	vadd.f32 v17, v13;
	v9 =	vmul.f32 $3.333333430e-01, v8;
	v17 =	vmul.f32 v8, v31  }
0xa7: {  	v5 =	vor.u32 $0x4, v2;
	v29 =	vmul.f32 $1.442695020e+00, v29;
	(erf) = vpow2.f32 v28  }
0xa8: {  	v58 =	vmul.f32 $5.000000000e-01, v26;
	v28 =	vadd.f32 $1.000000000e+00, v12;
	v12 =	vmul.f32 v9, v21  }
0xa9: {  	v31 =	vld.idx.msk [tilespmem:v24+s21+$0x0], $0xffff;
	v59 =	vadd.f32 $1.000000000e+00, v26;
	v26 =	vmul.f32 v17, v26;
	(erf) = vpow2.f32 v29  }
0xaa: {  	v24 =	vld.idx.msk [tilespmem:v24+s22+$0x0], $0xffff;
	v25 =	vmul.f32 v9, v25;
	v61 =	vadd.f32 v12, v28;
	v12 =	vmul.f32 v7, v54  }
0xab: {  	v21 =	vadd.f32 v17, v59;
	v17 =	vmul.f32 $3.333333430e-01, v26;
	v26 =	vmul.f32 v1, v4  }
0xac: {  	v60 =	vadd.f32 v25, v59;
	v7 =	vmul.f32 $5.291771890e-01, v20;
	v20 =	vadd.f32 v6, v12  }
0xad: {  	v27 =	vnsel vm0, $0x0, v27;
	v4 =	vadd.f32 v23, v10;
	v10 =	vadd.f32 v18, v14  }
0xae: {  	v1 =	vmul.f32 v1, v30;
	v18 =	vmul.f32 v31, v3;
	v14 =	vadd.f32 v26, v22  }
0xaf: {  	v3 =	vmul.f32 v24, v3;
	v17 =	vadd.f32 v17, v21;
	v22 =	vnsel vm0, $0x0, v16  }
0xb0: {  	v12 =	vadd.f32 v18, v13;
	v16 =	vmul.f32 v14, v10;
	v13 =	vadd.f32 v1, v20;
	v20 =	vpop (erf)  }
0xb1: {  	v29 =	vadd.f32 $1.000000000e+00, v58;
	v6 =	vmul.f32 v7, v7;
	v23 =	vmul.f32 v20, v27  }
0xb2: {  	v18 =	vadd.f32 v3, v4;
	v3 =	vmul.f32 v17, v20;
	v24 =	vpop (erf);
	v32 =	vmul.f32 v20, v60  }
0xb3: {  	v17 =	vsub.f32 $1.000000000e+00, v20;
	v21 =	vmul.f32 v20, v21;
	v22 =	vmul.f32 v24, v22  }
0xb4: {  	v48 =	vld.idx.msk [tilespmem:v2+s21+$0x0], $0xffff;
	v25 =	vsub.f32 $1.000000000e+00, v24;
	v26 =	vmul.f32 v24, v61;
	v27 =	vmul.f32 v23, v59  }
0xb5: {  	v4 =	vld.idx.msk [tilespmem:v5+s21+$0x0], $0xffff;
	v30 =	vmul.f32 v23, v60;
	v31 =	vsub.f32 $1.000000000e+00, v3;
	v32 =	vsub.f32 $1.000000000e+00, v32  }
0xb6: {  	v3 =	vld.idx.msk [tilespmem:v2+s22+$0x0], $0xffff;
	v23 =	vsub.f32 $1.000000000e+00, v23;
	v63 =	vsub.f32 $1.000000000e+00, v21;
	v62 =	vmul.f32 v22, v61  }
0xb7: {  	v2 =	vld.idx.msk [tilespmem:v5+s22+$0x0], $0xffff;
	v5 =	vsub.f32 $1.000000000e+00, v27;
	v27 =	vmul.f32 v22, v28;
	v30 =	vsub.f32 $1.000000000e+00, v30  }
0xb8: {  	v24 =	vmul.f32 v24, v28;
	v26 =	vsub.f32 $1.000000000e+00, v26;
	v21 =	vsub.f32 v23, v22  }
0xb9: {  	v29 =	vmul.f32 v20, v29;
	v5 =	vsub.f32 v5, v27;
	v27 =	vsub.f32 v30, v62  }
0xba: {  	v26 =	vmul.f32 v26, v48;
	v30 =	vmul.f32 v20, v59;
	v20 =	vsub.f32 $1.000000000e+00, v24  }
0xbb: {  	v28 =	vsel vm0, v27, v31;
	v27 =	vmul.f32 v32, v3;
	v5 =	vsel vm0, v5, v63  }
0xbc: {  	v30 =	vsub.f32 $1.000000000e+00, v30;
	v24 =	vmul.f32 v28, v2;
	v31 =	vmul.f32 v28, v4  }
0xbd: {  	s17 =	simm.s32 $0x6A50;
	v23 =	vsub.f32 $1.000000000e+00, v29;
	v32 =	vmul.f32 v5, v2;
	v34 =	vmul.f32 v5, v4  }
0xbe: {  	s18 =	simm.s32 $0x0;
	s16 =	simm.s32 $0x6A50;
	s2 =	simm.s32 $0x30;
	[tilespmem:s17+$0xFFFFFFF0] =	vst v19;
	v33 =	vmul.f32 v30, v3;
	v22 =	vadd.f32 v24, v27;
	v19 =	vadd.f32 v31, v26  }
.LBB2_3:
0xbf: {  	_ =	sdelay $0x1  }
0xc0: {  	s11 =	sadd.s32 $0xFFFFFFF0, s2;
	v24 =	vmov s2;
	v36 =	vmul.f32 v20, v48  }
0xc1: {  	v35 =	vsel vm0, v21, v23;
	v20 =	vmov s11;
	v21 =	vshll.u32 v24, $0x4  }
0xc2: {  	v37 =	vmul.f32 v19, v18;
	v18 =	vshll.u32 v20, $0x4;
	v20 =	vor.u32 v57, v21  }
0xc3: {  	v38 =	vmul.f32 v22, v12;
	v12 =	vor.u32 v57, v18;
	v39 =	vor.u32 $0x1, v20  }
0xc4: {  	v41 =	vor.u32 $0x1, v12;
	_ =	sdelay $0x1  }
0xc5: {  	v43 =	vor.u32 $0x2, v12;
	_ =	sdelay $0x1  }
0xc6: {  	v25 =	vmul.f32 v25, v48;
	v45 =	vor.u32 $0x3, v12;
	v46 =	vld.idx.msk [tilespmem:v39+s22+$0x0], $0xffff  }
0xc7: {  	v1 =	vmul.f32 v5, v13;
	v32 =	vadd.f32 v32, v33;
	v16 =	vmul.f32 v28, v16;
	v47 =	vld.idx.msk [tilespmem:v41+s22+$0x0], $0xffff  }
0xc8: {  	v53 =	vadd.f32 v34, v36;
	v54 =	vmul.f32 v35, v4;
	v4 =	vmul.f32 v17, v4;
	v28 =	vld.idx.msk [tilespmem:v41+s21+$0x0], $0xffff  }
0xc9: {  	v8 =	vmul.f32 v1, v8;
	v16 =	vmul.f32 $3.000000000e+00, v16;
	v40 =	vor.u32 $0x2, v20;
	v56 =	vld.idx.msk [tilespmem:v43+s22+$0x0], $0xffff  }
0xca: {  	v55 =	vadd.f32 v38, v37;
	v15 =	vmul.f32 v32, v15;
	v10 =	vmul.f32 v32, v10;
	v17 =	vld.idx.msk [tilespmem:v43+s21+$0x0], $0xffff  }
0xcb: {  	v11 =	vmul.f32 v53, v11;
	v25 =	vadd.f32 v54, v25;
	v42 =	vor.u32 $0x3, v20;
	v57 =	vld.idx.msk [tilespmem:v45+s22+$0x0], $0xffff  }
0xcc: {  	v4 =	vadd.f32 v4, v48;
	v13 =	vmul.f32 v53, v14;
	v22 =	vor.u32 $0xE, v20;
	v5 =	vld.idx.msk [tilespmem:v45+s21+$0x0], $0xffff  }
0xcd: {  	v14 =	vsub.f32 v55, v16;
	v61 =	vor.u32 $0xE, v12;
	v11 =	vadd.f32 v15, v11;
	v16 =	vld.idx.msk [tilespmem:v39+s21+$0x0], $0xffff  }
0xce: {  	v15 =	vor.u32 $0x7, v12;
	v2 =	vmul.f32 v25, v2;
	v3 =	vmul.f32 v4, v3;
	v25 =	vld.idx.msk [tilespmem:v40+s22+$0x0], $0xffff  }
0xcf: {  	v4 =	vsub.f32 v10, v13;
	v10 =	vor.u32 $0x5, v12;
	v9 =	vmul.f32 v11, v9;
	v11 =	vld.idx.msk [tilespmem:v40+s21+$0x0], $0xffff  }
0xd0: {  	v26 =	vor.u32 $0x8, v20;
	v27 =	vor.u32 $0x9, v20;
	v21 =	vor.u32 $0xA, v20;
	v58 =	vld.idx.msk [tilespmem:v42+s22+$0x0], $0xffff  }
0xd1: {  	v18 =	vor.u32 $0x5, v20;
	v19 =	vor.u32 $0x6, v20;
	v24 =	vor.u32 $0x7, v20;
	v59 =	vld.idx.msk [tilespmem:v42+s21+$0x0], $0xffff  }
0xd2: {  	v23 =	vor.u32 $0xB, v20;
	v31 =	vor.u32 $0xC, v20;
	v30 =	vor.u32 $0x4, v20;
	v45 =	vld.idx.msk [tilespmem:v61+s21+$0x0], $0xffff  }
0xd3: {  	v60 =	vor.u32 $0x9, v12;
	v63 =	vor.u32 $0xA, v12;
	v8 =	vadd.f32 v14, v8;
	v35 =	vld.idx.msk [tilespmem:v15+s21+$0x0], $0xffff  }
0xd4: {  	v54 =	vor.u32 $0xB, v12;
	v38 =	vld.idx.msk [tilespmem:v10+s21+$0x0], $0xffff;
	v14 =	vsub.f32 v47, v28;
	v28 =	vsub.f32 v56, v17  }
0xd5: {  	v13 =	vmul.f32 v6, v7;
	v2 =	vadd.f32 v2, v3;
	v3 =	vsub.f32 v8, v9;
	v42 =	vld.idx.msk [tilespmem:v10+s22+$0x0], $0xffff  }
0xd6: {  	v36 =	vld.idx.msk [tilespmem:v15+s22+$0x0], $0xffff;
	v34 =	vsub.f32 v57, v5;
	v5 =	vmul.f32 v14, v14;
	v8 =	vmul.f32 v28, v28  }
0xd7: {  	v4 =	vmul.f32 v4, v13;
	v6 =	vmul.f32 v13, v6;
	v9 =	vor.u32 $0x8, v12  }
0xd8: {  	v44 =	vld.idx.msk [tilespmem:v20+s21+$0x0], $0xffff;
	v2 =	vmul.f32 v2, v7;
	v7 =	vmul.f32 v34, v34;
	v5 =	vadd.f32 v8, v5  }
0xd9: {  	v3 =	vmul.f32 v3, v6;
	v15 =	vsub.f32 v46, v16;
	v11 =	vsub.f32 v25, v11  }
0xda: {  	v39 =	vmul.f32 v45, v45;
	v48 =	vmul.f32 v42, v38;
	v7 =	vadd.f32 v7, v5  }
0xdb: {  	v10 =	vsub.f32 v58, v59;
	v49 =	vmul.f32 v36, v35;
	v25 =	vmul.f32 v15, v15  }
0xdc: {  	v50 =	vld.idx.msk [tilespmem:v63+s21+$0x0], $0xffff;
	v8 =	vmul.f32 $1.889726160e+00, v15;
	v15 =	vmul.f32 v11, v11;
	v32 =	vmax.f32 v7, $1.000000010e-10  }
0xdd: {  	v0 =	vmovc v44;
	v44 =	vld.idx.msk [tilespmem:v60+s21+$0x0], $0xffff;
	v14 =	vmul.f32 $1.889726160e+00, v14;
	v6 =	vshrl.u32 v32, $0x1;
	v62 =	vmul.f32 $5.000000000e-01, v32  }
0xde: {  	v43 =	vld.idx.msk [tilespmem:v9+s21+$0x0], $0xffff;
	v5 =	vmul.f32 $1.889726160e+00, v11;
	v7 =	vadd.f32 v15, v25;
	v25 =	vsub.s32 $0x5F3759DF, v6  }
0xdf: {  	v17 =	vor.u32 $0x6, v12;
	v46 =	vld.idx.msk [tilespmem:v61+s22+$0x0], $0xffff;
	v6 =	vmul.f32 v10, v10;
	v11 =	vmul.f32 v25, v62  }
0xe0: {  	v2 =	vadd.f32 v4, v2;
	v4 =	vld.idx.msk [tilespmem:v9+s22+$0x0], $0xffff;
	v34 =	vmul.f32 $1.889726160e+00, v34;
	v56 =	vmul.f32 $1.889726160e+00, v28  }
0xe1: {  	v47 =	vld.idx.msk [tilespmem:v60+s22+$0x0], $0xffff;
	v9 =	vadd.f32 v6, v7;
	v7 =	vmul.f32 $1.889726160e+00, v10;
	v10 =	vmul.f32 v25, v11  }
0xe2: {  	v29 =	vor.u32 $0xD, v20;
	v53 =	vld.idx.msk [tilespmem:v63+s22+$0x0], $0xffff;
	v59 =	vmul.f32 $5.000000000e-01, v39;
	v60 =	vmul.f32 v35, v34  }
0xe3: {  	v1 =	vld.idx.msk [tilespmem:v54+s21+$0x0], $0xffff;
	v61 =	vmul.f32 v36, v34;
	v6 =	vadd.f32 v3, v2;
	v3 =	vsub.f32 $1.500000000e+00, v10  }
0xe4: {  	v37 =	vor.u32 $0x4, v12;
	v42 =	vmul.f32 v42, v14;
	v63 =	vmul.f32 v34, v14;
	v41 =	vld.idx.msk [tilespmem:v17+s21+$0x0], $0xffff  }
0xe5: {  	v52 =	vor.u32 $0xC, v12;
	[tilespmem:$0x1FFE0] =	vst v0;
	v0 =	vmul.f32 v56, v14;
	v13 =	vld.idx.msk [tilespmem:v17+s22+$0x0], $0xffff;
	v3 =	vmul.f32 v25, v3  }
0xe6: {  	v40 =	vmul.f32 v46, v46;
	v55 =	vadd.f32 v44, v43;
	v57 =	vadd.f32 v47, v4  }
0xe7: {  	v58 =	vsub.f32 v45, v46;
	v16 =	vmul.f32 v8, v8;
	v33 =	vmul.f32 v3, v62  }
0xe8: {  	v1 =	vmul.f32 v1, v0;
	v36 =	vadd.f32 v53, v57;
	v17 =	vmul.f32 v5, v5  }
0xe9: {  	v57 =	vand.u32 $0x7FFFFFFF, v58;
	v15 =	vmul.f32 v5, v8;
	v35 =	vmul.f32 v33, v3  }
0xea: {  	v51 =	vmul.f32 v13, v41;
	v58 =	vmul.f32 v13, v56;
	v13 =	vsub.f32 v40, v39  }
0xeb: {  	vm0 =	vgt.f32 v57, $9.999999970e-07;
	v41 =	vmul.f32 v41, v56;
	v35 =	vsub.f32 $1.500000000e+00, v35  }
0xec: {  	v57 =	vnsel vm0, $0x3F800000, v13;
	v33 =	vadd.f32 v50, v55;
	v55 =	vmul.f32 v38, v14;
	v38 =	vld.idx.msk [tilespmem:v52+s21+$0x0], $0xffff  }
0xed: {  	v2 =	vor.u32 $0xD, v12;
	(erf) = vrcp.f32 v57;
	v3 =	vmul.f32 v35, v3  }
0xee: {  	v48 =	vadd.f32 v51, v48;
	v62 =	vmul.f32 v34, v56;
	v56 =	vmul.f32 v56, v56  }
0xef: {  	v42 =	vadd.f32 v58, v42;
	v34 =	vmul.f32 v34, v34;
	v52 =	vld.idx.msk [tilespmem:v52+s22+$0x0], $0xffff;
	v32 =	vmul.f32 v3, v32  }
0xf0: {  	v11 =	vmax.f32 v9, $1.000000010e-10;
	v44 =	vmul.f32 v44, v56;
	v35 =	vmul.f32 v14, v14  }
0xf1: {  	v51 =	vmul.f32 v38, v63;
	v38 =	vadd.f32 v49, v48;
	v48 =	vld.idx.msk [tilespmem:v54+s22+$0x0], $0xffff;
	v57 =	vmul.f32 $1.889726160e+00, v32  }
0xf2: {  	v53 =	vmul.f32 v53, v34;
	v41 =	vadd.f32 v41, v55;
	v55 =	vmul.f32 v47, v56  }
0xf3: {  	v42 =	vadd.f32 v61, v42;
	v4 =	vmul.f32 v4, v35;
	v45 =	vmul.f32 v57, v45  }
0xf4: {  	v56 =	vmul.f32 v50, v34;
	v41 =	vadd.f32 v60, v41;
	v52 =	vmul.f32 v52, v63  }
0xf5: {  	v49 =	vld.idx.msk [tilespmem:v2+s21+$0x0], $0xffff;
	v43 =	vmul.f32 v43, v35;
	v4 =	vadd.f32 v55, v4;
	v63 =	vsub.f32 $0.0e+00, v45  }
0xf6: {  	v2 =	vld.idx.msk [tilespmem:v2+s22+$0x0], $0xffff;
	v32 =	vsub.f32 $0.0e+00, v39;
	v46 =	vmul.f32 v57, v46;
	v0 =	vmul.f32 v48, v0  }
0xf7: {  	v55 =	vpop (erf);
	v4 =	vadd.f32 v53, v4;
	v48 =	vmul.f32 v57, v57;
	v47 =	vmul.f32 $1.442695020e+00, v63  }
0xf8: {  	v43 =	vadd.f32 v44, v43;
	v32 =	vmul.f32 v55, v32;
	v58 =	vsub.f32 $0.0e+00, v46  }
0xf9: {  	v4 =	vadd.f32 v0, v4;
	v61 =	vmul.f32 v48, v59;
	(erf) = vpow2.f32 v47  }
0xfa: {  	v32 =	vnsel vm0, $0x0, v32;
	v53 =	vadd.f32 $1.000000000e+00, v45;
	v50 =	vmul.f32 $1.442695020e+00, v58  }
0xfb: {  	v63 =	vadd.f32 v56, v43;
	v56 =	vmul.f32 v49, v62;
	v58 =	vmul.f32 v2, v62  }
0xfc: {  	v46 =	vadd.f32 $1.000000000e+00, v46;
	v43 =	vmul.f32 $5.291771890e-01, v3;
	(erf) = vpow2.f32 v50  }
0xfd: {  	v60 =	vadd.f32 v52, v4;
	v49 =	vmul.f32 $3.333333430e-01, v48;
	v62 =	vmul.f32 $5.000000000e-01, v45  }
0xfe: {  	v45 =	vmul.f32 v61, v45;
	v44 =	vadd.f32 v61, v53;
	v1 =	vadd.f32 v1, v63  }
0xff: {  	v3 =	vld.idx.msk [tilespmem:v20+s22+$0x0], $0xffff;
	v47 =	vadd.f32 v58, v60;
	v20 =	vmul.f32 v49, v39;
	v63 =	vmul.f32 v49, v40  }
0x100: {  	v60 =	vadd.f32 $1.000000000e+00, v62;
	v52 =	vmul.f32 v43, v43;
	v45 =	vmul.f32 $3.333333430e-01, v45  }
0x101: {  	v50 =	vmul.f32 v42, v41;
	v1 =	vadd.f32 v51, v1;
	v20 =	vadd.f32 v20, v53  }
0x102: {  	v51 =	vmul.f32 v55, v40;
	v39 =	vadd.f32 v63, v46;
	v45 =	vadd.f32 v45, v44;
	v55 =	vpop (erf)  }
0x103: {  	v1 =	vadd.f32 v56, v1;
	v56 =	vld.idx.msk [tilespmem:v37+s21+$0x0], $0xffff;
	v40 =	vmul.f32 v55, v60;
	v59 =	vmul.f32 v55, v53  }
0x104: {  	v54 =	vld.idx.msk [tilespmem:v12+s21+$0x0], $0xffff;
	v51 =	vnsel vm0, $0x0, v51;
	v44 =	vmul.f32 v55, v44;
	v45 =	vmul.f32 v45, v55  }
0x105: {  	v57 =	vpop (erf);
	v62 =	vmul.f32 v55, v20;
	v51 =	vmul.f32 v55, v51;
	v55 =	vsub.f32 $1.000000000e+00, v55  }
0x106: {  	v58 =	vmul.f32 v57, v46;
	v60 =	vmul.f32 v57, v39;
	v61 =	vsub.f32 $1.000000000e+00, v57  }
0x107: {  	v32 =	vmul.f32 v57, v32;
	v40 =	vsub.f32 $1.000000000e+00, v40;
	v59 =	vsub.f32 $1.000000000e+00, v59  }
0x108: {  	v9 =	vld.idx.msk [tilespmem:v22+s21+$0x0], $0xffff;
	v55 =	vmul.f32 v55, v56;
	v44 =	vsub.f32 $1.000000000e+00, v44;
	v20 =	vmul.f32 v51, v20  }
0x109: {  	v12 =	vld.idx.msk [tilespmem:v12+s22+$0x0], $0xffff;
	v45 =	vsub.f32 $1.000000000e+00, v45;
	v57 =	vsub.f32 $1.000000000e+00, v58;
	v58 =	vmul.f32 v61, v54  }
0x10a: {  	v10 =	vld.idx.msk [tilespmem:v22+s22+$0x0], $0xffff;
	v61 =	vsub.f32 $1.000000000e+00, v51;
	v60 =	vsub.f32 $1.000000000e+00, v60;
	v51 =	vmul.f32 v51, v53  }
0x10b: {  	v22 =	vld.idx.msk [tilespmem:v26+s21+$0x0], $0xffff;
	v53 =	vsub.f32 $1.000000000e+00, v62;
	v39 =	vmul.f32 v32, v39;
	v20 =	vsub.f32 $1.000000000e+00, v20  }
0x10c: {  	v37 =	vld.idx.msk [tilespmem:v37+s22+$0x0], $0xffff;
	v61 =	vsub.f32 v61, v32;
	v51 =	vsub.f32 $1.000000000e+00, v51;
	v32 =	vmul.f32 v32, v46  }
0x10d: {  	v55 =	vadd.f32 v55, v54;
	v46 =	vmul.f32 v57, v54;
	v20 =	vsub.f32 v20, v39  }
0x10e: {  	v39 =	vmul.f32 v59, v12;
	v32 =	vsub.f32 v51, v32;
	v51 =	vmul.f32 v53, v12  }
0x10f: {  	v40 =	vsel vm0, v61, v40;
	v61 =	vmul.f32 v60, v54;
	v12 =	vmul.f32 v55, v12  }
0x110: {  	v53 =	vmul.f32 v22, v16;
	v20 =	vsel vm0, v20, v45;
	v40 =	vmul.f32 v40, v56  }
0x111: {  	v32 =	vsel vm0, v32, v44;
	v62 =	vmul.f32 v20, v37;
	v63 =	vmul.f32 v20, v56  }
0x112: {  	v20 =	vmul.f32 v20, v50;
	v40 =	vadd.f32 v40, v58;
	v58 =	vmul.f32 v32, v37  }
0x113: {  	v59 =	vmul.f32 v32, v56;
	v44 =	vadd.f32 v62, v51;
	v45 =	vadd.f32 v63, v61  }
0x114: {  	v32 =	vmul.f32 v32, v38;
	v20 =	vmul.f32 $3.000000000e+00, v20;
	v39 =	vadd.f32 v58, v39  }
0x115: {  	v60 =	vadd.f32 v59, v46;
	v45 =	vmul.f32 v45, v47;
	v1 =	vmul.f32 v44, v1  }
0x116: {  	v61 =	vshrl.u32 v11, $0x1;
	v63 =	vmul.f32 $5.000000000e-01, v11;
	v37 =	vmul.f32 v40, v37  }
0x117: {  	v36 =	vmul.f32 v60, v36;
	v33 =	vmul.f32 v39, v33;
	v1 =	vadd.f32 v1, v45  }
0x118: {  	v32 =	vmul.f32 v32, v48;
	v40 =	vsub.s32 $0x5F3759DF, v61;
	v39 =	vmul.f32 v39, v41  }
0x119: {  	v38 =	vmul.f32 v60, v42;
	v1 =	vsub.f32 v1, v20;
	v20 =	vadd.f32 v33, v36  }
0x11a: {  	v62 =	vmul.f32 v52, v43;
	v12 =	vadd.f32 v37, v12;
	v45 =	vmul.f32 v40, v63  }
0x11b: {  	v25 =	vld.idx.msk [tilespmem:v27+s21+$0x0], $0xffff;
	v42 =	vsub.f32 v39, v38;
	v1 =	vadd.f32 v1, v32;
	v20 =	vmul.f32 v20, v49  }
0x11c: {  	v28 =	vld.idx.msk [tilespmem:v27+s22+$0x0], $0xffff;
	v44 =	vmul.f32 v62, v52;
	v47 =	vmul.f32 v40, v45  }
0x11d: {  	v26 =	vld.idx.msk [tilespmem:v26+s22+$0x0], $0xffff;
	v12 =	vmul.f32 v12, v43;
	v1 =	vsub.f32 v1, v20;
	v20 =	vmul.f32 v42, v62  }
0x11e: {  	v13 =	vld.idx.msk [tilespmem:v19+s21+$0x0], $0xffff;
	v46 =	vsub.f32 v9, v10;
	v49 =	vmul.f32 v9, v9;
	v51 =	vsub.f32 $1.500000000e+00, v47  }
0x11f: {  	v19 =	vld.idx.msk [tilespmem:v19+s22+$0x0], $0xffff;
	v12 =	vadd.f32 v20, v12;
	v1 =	vmul.f32 v1, v44;
	v20 =	vmul.f32 v10, v10  }
0x120: {  	v27 =	vld.idx.msk [tilespmem:v21+s21+$0x0], $0xffff;
	v55 =	vmul.f32 v25, v17;
	v32 =	vmul.f32 v40, v51  }
0x121: {  	v34 =	vld.idx.msk [tilespmem:v23+s22+$0x0], $0xffff;
	v50 =	vand.u32 $0x7FFFFFFF, v46;
	v1 =	vadd.f32 v1, v12;
	v12 =	vsub.f32 v20, v49  }
0x122: {  	v35 =	vld.idx.msk [tilespmem:v23+s21+$0x0], $0xffff;
	v16 =	vmul.f32 v26, v16;
	vm0 =	vgt.f32 v50, $9.999999970e-07;
	v36 =	vmul.f32 v32, v63  }
0x123: {  	v21 =	vld.idx.msk [tilespmem:v21+s22+$0x0], $0xffff;
	v17 =	vmul.f32 v28, v17;
	v1 =	vmul.f32 $6.275089720e+02, v1;
	v12 =	vnsel vm0, $0x3F800000, v12  }
0x124: {  	s17 =	sadd.s32 $0x20, s17;
	v14 =	vld.idx.msk [tilespmem:v18+s21+$0x0], $0xffff;
	(erf) = vrcp.f32 v12;
	v12 =	vadd.f32 v25, v22;
	v22 =	vmul.f32 v36, v32  }
0x125: {  	v18 =	vld.idx.msk [tilespmem:v18+s22+$0x0], $0xffff;
	v26 =	vadd.f32 v28, v26;
	[tilespmem:s17+$0xFFFFFFF0] =	vst v1;
	v1 =	vmul.f32 v7, v7  }
0x126: {  	v34 =	vmul.f32 v34, v15;
	v0 =	vld.idx.msk [tilespmem:v31+s21+$0x0], $0xffff;
	v16 =	vadd.f32 v17, v16;
	v17 =	vsub.f32 $1.500000000e+00, v22  }
0x127: {  	v31 =	vld.idx.msk [tilespmem:v31+s22+$0x0], $0xffff;
	v38 =	vadd.f32 v55, v53;
	v25 =	vmul.f32 v35, v15;
	v28 =	vmul.f32 v27, v1  }
0x128: {  	v15 =	vadd.f32 v27, v12;
	v1 =	vmul.f32 v21, v1;
	v17 =	vmul.f32 v17, v32  }
0x129: {  	v23 =	vld.idx.msk [tilespmem:v24+s21+$0x0], $0xffff;
	v12 =	vmul.f32 v19, v5;
	v27 =	vmul.f32 v7, v8;
	v28 =	vadd.f32 v28, v38  }
0x12a: {  	v24 =	vld.idx.msk [tilespmem:v24+s22+$0x0], $0xffff;
	v1 =	vadd.f32 v1, v16;
	v16 =	vmul.f32 v18, v8;
	v11 =	vmul.f32 v17, v11  }
0x12b: {  	v56 =	vmul.f32 v13, v5;
	v0 =	vmul.f32 v0, v27;
	v25 =	vadd.f32 v25, v28  }
0x12c: {  	v12 =	vadd.f32 v12, v16;
	v16 =	vmul.f32 v31, v27;
	v27 =	vmul.f32 $1.889726160e+00, v11  }
0x12d: {  	v13 =	vmul.f32 v19, v13;
	v52 =	vmul.f32 $5.000000000e-01, v49  }
0x12e: {  	v22 =	vmul.f32 v14, v8;
	v0 =	vadd.f32 v0, v25;
	v25 =	vmul.f32 v27, v9  }
0x12f: {  	v54 =	vsub.f32 $0.0e+00, v49;
	v5 =	vmul.f32 v7, v5;
	v19 =	vmul.f32 v24, v23;
	v8 =	vpop (erf)  }
0x130: {  	v4 =	vld.idx.msk [tilespmem:v30+s21+$0x0], $0xffff;
	v28 =	vmul.f32 v8, v20;
	v10 =	vmul.f32 v27, v10;
	v31 =	vsub.f32 $0.0e+00, v25  }
0x131: {  	v2 =	vld.idx.msk [tilespmem:v30+s22+$0x0], $0xffff;
	v11 =	vadd.f32 v21, v26;
	v21 =	vmul.f32 v8, v54;
	v8 =	vmul.f32 v27, v27  }
0x132: {  	v30 =	vld.idx.msk [tilespmem:v29+s21+$0x0], $0xffff;
	v26 =	vmul.f32 v23, v7;
	v58 =	vsub.f32 $0.0e+00, v10;
	v31 =	vmul.f32 $1.442695020e+00, v31  }
0x133: {  	v22 =	vadd.f32 v56, v22;
	v9 =	vmul.f32 $3.333333430e-01, v8;
	v33 =	vmul.f32 v8, v52  }
0x134: {  	v29 =	vld.idx.msk [tilespmem:v29+s22+$0x0], $0xffff;
	v1 =	vadd.f32 v34, v1;
	v32 =	vmul.f32 $1.442695020e+00, v58;
	(erf) = vpow2.f32 v31  }
0x135: {  	v59 =	vmul.f32 $5.000000000e-01, v25;
	v61 =	vadd.f32 $1.000000000e+00, v10;
	v10 =	vmul.f32 v9, v49  }
0x136: {  	v60 =	vadd.f32 $1.000000000e+00, v25;
	v25 =	vmul.f32 v33, v25;
	(erf) = vpow2.f32 v32  }
0x137: {  	v1 =	vadd.f32 v16, v1;
	v27 =	vmul.f32 v24, v7;
	v7 =	vmul.f32 v30, v5  }
0x138: {  	v62 =	vadd.f32 v33, v60;
	v31 =	vadd.f32 v10, v60;
	v10 =	vmul.f32 $3.333333430e-01, v25  }
0x139: {  	v5 =	vmul.f32 v29, v5;
	v28 =	vnsel vm0, $0x0, v28;
	v21 =	vnsel vm0, $0x0, v21  }
0x13a: {  	v20 =	vmul.f32 v9, v20;
	v25 =	vadd.f32 v10, v62;
	v10 =	vadd.f32 v26, v22  }
0x13b: {  	v22 =	vmul.f32 v18, v14;
	v14 =	vadd.f32 v27, v12;
	v12 =	vadd.f32 v7, v0  }
0x13c: {  	v18 =	vadd.f32 v5, v1;
	v7 =	vmul.f32 $5.291771890e-01, v17;
	v1 =	vmul.f32 $6.275089720e+02, v6  }
0x13d: {  	v63 =	vadd.f32 $1.000000000e+00, v59;
	v16 =	vmul.f32 v14, v10;
	v5 =	vadd.f32 v13, v22;
	v0 =	vpop (erf)  }
0x13e: {  	v20 =	vadd.f32 v20, v61;
	v6 =	vmul.f32 v7, v7;
	[tilespmem:s16+$0x0] =	vst v1;
	v1 =	vmul.f32 v0, v28  }
0x13f: {  	v13 =	vadd.f32 v19, v5;
	v5 =	vmul.f32 v25, v0;
	v19 =	vpop (erf);
	v26 =	vmul.f32 v0, v31  }
0x140: {  	v17 =	vsub.f32 $1.000000000e+00, v0;
	v28 =	vmul.f32 v0, v62;
	v21 =	vmul.f32 v19, v21  }
0x141: {  	v48 =	vld [tilespmem:$0x1FFE0];
	v25 =	vsub.f32 $1.000000000e+00, v19;
	v22 =	vmul.f32 v19, v20;
	v23 =	vmul.f32 v1, v60  }
0x142: {  	v19 =	vmul.f32 v19, v61;
	v24 =	vmul.f32 v1, v31;
	v5 =	vsub.f32 $1.000000000e+00, v5  }
0x143: {  	v26 =	vsub.f32 $1.000000000e+00, v26;
	v27 =	vmul.f32 v21, v61;
	v23 =	vsub.f32 $1.000000000e+00, v23  }
0x144: {  	v20 =	vmul.f32 v21, v20;
	v22 =	vsub.f32 $1.000000000e+00, v22;
	v24 =	vsub.f32 $1.000000000e+00, v24  }
0x145: {  	s18 =	sadd.s32 $0x2, s18;
	v1 =	vsub.f32 $1.000000000e+00, v1;
	v26 =	vmul.f32 v26, v3;
	v23 =	vsub.f32 v23, v27  }
0x146: {  	p0 =	slt.u32 s18, $0x16;
	v29 =	vmul.f32 v22, v48;
	v20 =	vsub.f32 v24, v20;
	v27 =	vsub.f32 $1.000000000e+00, v28  }
.Ltmp0:
0x147: {  	v21 =	vsub.f32 v1, v21;
	v24 =	vmul.f32 v0, v60;
	v0 =	vmul.f32 v0, v63;
	(pc) =	sbr.rel @p0 .LBB2_3-.Ltmp0, $4  }
0x148: {  	v28 =	vsel vm0, v20, v5;
	v20 =	vsub.f32 $1.000000000e+00, v19;
	v5 =	vsel vm0, v23, v27  }
0x149: {  	v1 =	vsub.f32 $1.000000000e+00, v24;
	v19 =	vmul.f32 v28, v2;
	v30 =	vmul.f32 v28, v4  }
0x14a: {  	v23 =	vsub.f32 $1.000000000e+00, v0;
	v32 =	vmul.f32 v5, v2;
	v34 =	vmul.f32 v5, v4  }
0x14b: {  	s2 =	sadd.s32 $0x20, s2;
	v57 =	vld [tilespmem:$0x1FFF0];
	s16 =	smov.u32 s17;
	v33 =	vmul.f32 v1, v3;
	v22 =	vadd.f32 v19, v26;
	v19 =	vadd.f32 v30, v29  }
0x14c: {  	v0 =	vmul.f32 v20, v48;
	v16 =	vmul.f32 v28, v16  }
0x14d: {  	v20 =	vmul.f32 v25, v48;
	v63 =	vmul.f32 v17, v4  }
0x14e: {  	v1 =	vsel vm0, v21, v23;
	v5 =	vmul.f32 v5, v13;
	v18 =	vmul.f32 v19, v18  }
0x14f: {  	v12 =	vmul.f32 v22, v12;
	v19 =	vadd.f32 v32, v33;
	v1 =	vmul.f32 v1, v4  }
0x150: {  	v0 =	vadd.f32 v34, v0;
	v16 =	vmul.f32 $3.000000000e+00, v16;
	v4 =	vadd.f32 v63, v48  }
0x151: {  	v5 =	vmul.f32 v5, v8;
	v12 =	vadd.f32 v12, v18;
	v15 =	vmul.f32 v19, v15  }
0x152: {  	v1 =	vadd.f32 v1, v20;
	v10 =	vmul.f32 v19, v10;
	v11 =	vmul.f32 v0, v11  }
0x153: {  	v0 =	vmul.f32 v0, v14;
	v3 =	vmul.f32 v4, v3  }
0x154: {  	v12 =	vsub.f32 v12, v16;
	v1 =	vmul.f32 v1, v2;
	v11 =	vadd.f32 v15, v11  }
0x155: {  	v13 =	vmul.f32 v6, v7;
	v0 =	vsub.f32 v10, v0  }
0x156: {  	v5 =	vadd.f32 v12, v5;
	v1 =	vadd.f32 v1, v3;
	v2 =	vmul.f32 v11, v9  }
0x157: {  	v14 =	vmul.f32 v13, v6  }
0x158: {  	v0 =	vmul.f32 v0, v13;
	v1 =	vmul.f32 v1, v7;
	v2 =	vsub.f32 v5, v2;
	_ =	sdelay $0x1  }
0x159: {  	v0 =	vadd.f32 v0, v1;
	v2 =	vmul.f32 v2, v14;
	_ =	sdelay $0x1  }
0x15a: {  	v32 =	vor.u32 $0x1801, v57;
	v0 =	vadd.f32 v2, v0;
	_ =	sdelay $0x1  }
0x15b: {  	v33 =	vor.u32 $0x1802, v57;
	v0 =	vmul.f32 $6.275089720e+02, v0;
	_ =	sdelay $0x1  }
0x15c: {  	v34 =	vor.u32 $0x1803, v57;
	[tilespmem:s16+$0x0] =	vst v0  }
0x15d: {  	v0 =	vld.idx.msk [tilespmem:v32+s22+$0x0], $0xffff  }
0x15e: {  	v1 =	vld.idx.msk [tilespmem:v32+s21+$0x0], $0xffff  }
0x15f: {  	v35 =	vld.idx.msk [tilespmem:v33+s22+$0x0], $0xffff  }
0x160: {  	v3 =	vld.idx.msk [tilespmem:v33+s21+$0x0], $0xffff  }
0x161: {  	v36 =	vld.idx.msk [tilespmem:v34+s22+$0x0], $0xffff  }
0x162: {  	v5 =	vld.idx.msk [tilespmem:v34+s21+$0x0], $0xffff;
	_ =	sdelay $0x2  }
0x163: {  	v0 =	vsub.f32 v0, v1;
	v37 =	vsub.f32 v35, v3;
	_ =	sdelay $0x1  }
0x164: {  	v38 =	vsub.f32 v36, v5;
	v39 =	vmul.f32 v0, v0;
	v40 =	vmul.f32 v37, v37;
	_ =	sdelay $0x1  }
0x165: {  	v41 =	vmul.f32 v38, v38;
	v3 =	vadd.f32 v40, v39;
	_ =	sdelay $0x1  }
0x166: {  	v3 =	vadd.f32 v41, v3;
	_ =	sdelay $0x1  }
0x167: {  	v3 =	vmax.f32 v3, $1.000000010e-10  }
0x168: {  	v42 =	vshrl.u32 v3, $0x1;
	v43 =	vmul.f32 $5.000000000e-01, v3  }
0x169: {  	v4 =	vsub.s32 $0x5F3759DF, v42  }
0x16a: {  	v44 =	vmul.f32 v4, v43;
	_ =	sdelay $0x1  }
0x16b: {  	v6 =	vmul.f32 v4, v44;
	_ =	sdelay $0x1  }
0x16c: {  	v6 =	vsub.f32 $1.500000000e+00, v6;
	_ =	sdelay $0x1  }
0x16d: {  	v4 =	vmul.f32 v4, v6;
	_ =	sdelay $0x1  }
0x16e: {  	v5 =	vmul.f32 v4, v43;
	_ =	sdelay $0x1  }
0x16f: {  	v45 =	vor.u32 $0x180E, v57;
	v5 =	vmul.f32 v5, v4;
	_ =	sdelay $0x1  }
0x170: {  	v5 =	vsub.f32 $1.500000000e+00, v5;
	_ =	sdelay $0x1  }
0x171: {  	v4 =	vmul.f32 v5, v4  }
0x172: {  	v46 =	vld.idx.msk [tilespmem:v45+s21+$0x0], $0xffff  }
0x173: {  	v6 =	vld.idx.msk [tilespmem:v45+s22+$0x0], $0xffff;
	v3 =	vmul.f32 v4, v3;
	_ =	sdelay $0x1  }
0x174: {  	v3 =	vmul.f32 $1.889726160e+00, v3  }
0x175: {  	v61 =	vor.u32 $0x1805, v57  }
0x176: {  	v62 =	vor.u32 $0x1806, v57;
	v47 =	vmul.f32 v3, v46  }
0x177: {  	v48 =	vmul.f32 v3, v6  }
0x178: {  	v51 =	vmul.f32 v46, v46;
	v49 =	vsub.f32 $0.0e+00, v47  }
0x179: {  	v20 =	vmul.f32 v6, v6;
	v5 =	vsub.f32 v46, v6;
	v50 =	vsub.f32 $0.0e+00, v48  }
0x17a: {  	v12 =	vld.idx.msk [tilespmem:v61+s21+$0x0], $0xffff;
	v52 =	vmul.f32 $1.442695020e+00, v49  }
0x17b: {  	v14 =	vld.idx.msk [tilespmem:v62+s21+$0x0], $0xffff;
	v54 =	vsub.f32 v20, v51;
	v5 =	vand.u32 $0x7FFFFFFF, v5;
	v53 =	vmul.f32 $1.442695020e+00, v50  }
0x17c: {  	v36 =	vld.idx.msk [tilespmem:v61+s22+$0x0], $0xffff;
	v0 =	vmul.f32 $1.889726160e+00, v0;
	vm0 =	vgt.f32 v5, $9.999999970e-07;
	(erf) = vpow2.f32 v52  }
0x17d: {  	v22 =	vmul.f32 $1.889726160e+00, v37;
	v5 =	vnsel vm0, $0x3F800000, v54;
	(erf) = vpow2.f32 v53  }
0x17e: {  	v63 =	vor.u32 $0x1807, v57;
	v23 =	vmul.f32 $1.889726160e+00, v38;
	(erf) = vrcp.f32 v5  }
0x17f: {  	v56 =	vor.u32 $0x1808, v57;
	v24 =	vmul.f32 $5.000000000e-01, v51;
	v18 =	vmul.f32 v3, v3  }
0x180: {  	v2 =	vor.u32 $0x1800, v57;
	v39 =	vmul.f32 v12, v0;
	v40 =	vmul.f32 v14, v22  }
0x181: {  	[tilespmem:$0x1FEF0] =	vst v32;
	v1 =	vor.u32 $0x1804, v57;
	v32 =	vmul.f32 v36, v12;
	v24 =	vmul.f32 v18, v24  }
0x182: {  	[tilespmem:$0x1FF30] =	vst v61;
	v61 =	vor.u32 $0x180C, v57;
	v12 =	vmul.f32 v22, v0;
	v19 =	vmul.f32 $3.333333430e-01, v18  }
0x183: {  	v25 =	vmul.f32 $5.000000000e-01, v47;
	v26 =	vadd.f32 $1.000000000e+00, v47;
	v7 =	vmul.f32 v24, v47  }
0x184: {  	v60 =	vsub.f32 $0.0e+00, v51;
	v16 =	vmul.f32 $5.291771890e-01, v4;
	v11 =	vmul.f32 v19, v51  }
0x185: {  	v25 =	vadd.f32 $1.000000000e+00, v25;
	v24 =	vadd.f32 v24, v26;
	v7 =	vmul.f32 $3.333333430e-01, v7;
	v55 =	vpop (erf)  }
0x186: {  	v17 =	vmul.f32 v16, v16;
	v49 =	vmul.f32 v22, v22;
	v11 =	vadd.f32 v11, v26;
	v21 =	vpop (erf)  }
0x187: {  	v52 =	vmul.f32 v23, v23;
	v7 =	vadd.f32 v7, v24;
	v25 =	vmul.f32 v55, v25;
	v58 =	vpop (erf)  }
0x188: {  	v59 =	vmul.f32 v58, v20;
	v9 =	vmul.f32 v58, v60;
	v58 =	vor.u32 $0x1809, v57  }
0x189: {  	v8 =	vadd.f32 $1.000000000e+00, v48;
	v24 =	vmul.f32 v55, v24;
	v7 =	vmul.f32 v7, v55  }
0x18a: {  	v29 =	vld.idx.msk [tilespmem:v2+s21+$0x0], $0xffff;
	v37 =	vsub.f32 $1.000000000e+00, v55;
	v42 =	vmul.f32 v55, v11;
	v60 =	vor.u32 $0x180B, v57  }
0x18b: {  	v30 =	vld.idx.msk [tilespmem:v1+s21+$0x0], $0xffff;
	v20 =	vmul.f32 v19, v20;
	v25 =	vsub.f32 $1.000000000e+00, v25;
	v6 =	vnsel vm0, $0x0, v59  }
0x18c: {  	v10 =	vld.idx.msk [tilespmem:v61+s21+$0x0], $0xffff;
	v24 =	vsub.f32 $1.000000000e+00, v24;
	v9 =	vnsel vm0, $0x0, v9;
	v6 =	vmul.f32 v55, v6  }
0x18d: {  	v20 =	vadd.f32 v20, v8;
	v59 =	vor.u32 $0x180A, v57;
	v9 =	vmul.f32 v21, v9;
	v41 =	vld.idx.msk [tilespmem:v58+s21+$0x0], $0xffff  }
0x18e: {  	v27 =	vsub.f32 $1.000000000e+00, v6;
	v28 =	vmul.f32 v6, v26;
	v6 =	vmul.f32 v6, v11;
	v47 =	vld.idx.msk [tilespmem:v58+s22+$0x0], $0xffff  }
0x18f: {  	v35 =	vsub.f32 $1.000000000e+00, v7;
	v31 =	vmul.f32 v9, v8;
	v13 =	vmul.f32 v9, v20;
	v51 =	vld.idx.msk [tilespmem:v60+s21+$0x0], $0xffff  }
0x190: {  	[tilespmem:$0x1FF00] =	vst v33;
	v42 =	vsub.f32 $1.000000000e+00, v42;
	v8 =	vmul.f32 v21, v8;
	v20 =	vmul.f32 v21, v20;
	v11 =	vld.idx.msk [tilespmem:v60+s22+$0x0], $0xffff  }
0x191: {  	[tilespmem:$0x1FF40] =	vst v62;
	v21 =	vsub.f32 $1.000000000e+00, v21;
	v26 =	vmul.f32 v55, v26;
	v55 =	vld.idx.msk [tilespmem:v61+s22+$0x0], $0xffff;
	v27 =	vsub.f32 v27, v9  }
0x192: {  	v37 =	vmul.f32 v37, v30;
	[tilespmem:$0x1FF90] =	vst v60;
	v60 =	vld.idx.msk [tilespmem:v2+s22+$0x0], $0xffff;
	v28 =	vsub.f32 $1.000000000e+00, v28;
	v20 =	vsub.f32 $1.000000000e+00, v20  }
0x193: {  	[tilespmem:$0x1FFA0] =	vst v61;
	v6 =	vsub.f32 $1.000000000e+00, v6;
	v26 =	vsub.f32 $1.000000000e+00, v26;
	v44 =	vld.idx.msk [tilespmem:v59+s21+$0x0], $0xffff;
	v21 =	vmul.f32 v21, v29  }
0x194: {  	v25 =	vsel vm0, v27, v25;
	v27 =	vld.idx.msk [tilespmem:v62+s22+$0x0], $0xffff;
	v62 =	vmul.f32 v36, v0;
	v20 =	vmul.f32 v20, v29  }
0x195: {  	v9 =	vld.idx.msk [tilespmem:v59+s22+$0x0], $0xffff;
	v28 =	vsub.f32 v28, v31;
	v54 =	vmul.f32 v41, v49;
	v49 =	vmul.f32 v47, v49  }
0x196: {  	v61 =	vld.idx.msk [tilespmem:v1+s22+$0x0], $0xffff;
	v33 =	vsub.f32 v6, v13;
	v51 =	vmul.f32 v51, v12;
	v36 =	vmul.f32 v11, v12  }
0x197: {  	v38 =	vld.idx.msk [tilespmem:v56+s21+$0x0], $0xffff;
	v25 =	vmul.f32 v25, v30;
	v26 =	vmul.f32 v26, v60  }
0x198: {  	v46 =	vld.idx.msk [tilespmem:v56+s22+$0x0], $0xffff;
	v7 =	vmul.f32 v42, v60;
	v24 =	vsel vm0, v28, v24;
	v28 =	vsel vm0, v33, v35  }
0x199: {  	v31 =	vld.idx.msk [tilespmem:v63+s21+$0x0], $0xffff;
	v35 =	vsub.f32 $1.000000000e+00, v8;
	v8 =	vmul.f32 v0, v0;
	v0 =	vmul.f32 v23, v0  }
0x19a: {  	v39 =	vadd.f32 v40, v39;
	[tilespmem:$0x1FF80] =	vst v59;
	v13 =	vmul.f32 v44, v52;
	v59 =	vmul.f32 v9, v52  }
0x19b: {  	[tilespmem:$0x1FF50] =	vst v63;
	v33 =	vld.idx.msk [tilespmem:v63+s22+$0x0], $0xffff;
	v63 =	vor.u32 $0x180D, v57;
	v5 =	vmul.f32 v24, v61;
	v6 =	vmul.f32 v28, v61  }
0x19c: {  	v21 =	vadd.f32 v25, v21;
	v25 =	vmul.f32 v28, v30;
	v53 =	vmul.f32 v38, v8  }
0x19d: {  	[tilespmem:$0x1FF10] =	vst v34;
	v48 =	vmul.f32 v46, v8;
	v34 =	vmul.f32 v10, v0;
	v38 =	vadd.f32 v41, v38  }
0x19e: {  	[tilespmem:$0x1FF20] =	vst v45;
	v0 =	vmul.f32 v55, v0;
	v43 =	vmul.f32 v31, v23;
	v20 =	vadd.f32 v25, v20  }
0x19f: {  	[tilespmem:$0x1FF70] =	vst v58;
	v45 =	vmul.f32 v27, v22;
	v25 =	vadd.f32 v5, v26;
	v53 =	vadd.f32 v54, v53  }
0x1a0: {  	v27 =	vmul.f32 v27, v14;
	v48 =	vadd.f32 v49, v48;
	v4 =	vadd.f32 v44, v38;
	v14 =	vld.idx.msk [tilespmem:v63+s21+$0x0], $0xffff  }
0x1a1: {  	v22 =	vmul.f32 v23, v22;
	v40 =	vadd.f32 v45, v62;
	v58 =	vld.idx.msk [tilespmem:v63+s22+$0x0], $0xffff;
	v53 =	vadd.f32 v13, v53  }
0x1a2: {  	v27 =	vadd.f32 v27, v32;
	v31 =	vmul.f32 v33, v31;
	v62 =	vadd.f32 v59, v48  }
0x1a3: {  	v50 =	vmul.f32 v33, v23;
	v39 =	vadd.f32 v43, v39;
	v23 =	vadd.f32 v51, v53  }
0x1a4: {  	v21 =	vmul.f32 v21, v61;
	v27 =	vadd.f32 v31, v27;
	v31 =	vadd.f32 v36, v62  }
0x1a5: {  	[tilespmem:$0x1FFB0] =	vst v63;
	v40 =	vadd.f32 v50, v40;
	v23 =	vadd.f32 v34, v23;
	v63 =	vmul.f32 v14, v22  }
0x1a6: {  	v22 =	vmul.f32 v58, v22;
	v0 =	vadd.f32 v0, v31;
	v31 =	vadd.f32 v47, v46  }
0x1a7: {  	v8 =	vmul.f32 v40, v39;
	v34 =	vadd.f32 v6, v7;
	v23 =	vadd.f32 v63, v23  }
0x1a8: {  	v0 =	vadd.f32 v22, v0;
	v22 =	vmul.f32 v24, v30;
	v30 =	vmul.f32 v35, v29  }
0x1a9: {  	v28 =	vmul.f32 v28, v8;
	v31 =	vadd.f32 v9, v31;
	v24 =	vmul.f32 v24, v27  }
0x1aa: {  	v22 =	vadd.f32 v22, v30;
	v0 =	vmul.f32 v20, v0;
	v20 =	vmul.f32 v34, v23  }
0x1ab: {  	v29 =	vadd.f32 v37, v29;
	v27 =	vmul.f32 v25, v4;
	v25 =	vmul.f32 v25, v39  }
0x1ac: {  	v23 =	vmul.f32 $-3.000000000e+00, v28;
	v0 =	vadd.f32 v20, v0;
	v20 =	vmul.f32 v22, v31  }
0x1ad: {  	v26 =	vmul.f32 v29, v60;
	v18 =	vmul.f32 v24, v18  }
0x1ae: {  	v22 =	vmul.f32 v22, v40;
	v0 =	vadd.f32 v23, v0;
	v20 =	vadd.f32 v27, v20  }
0x1af: {  	v21 =	vadd.f32 v21, v26;
	v23 =	vmul.f32 v17, v16  }
0x1b0: {  	v22 =	vsub.f32 v25, v22;
	v0 =	vadd.f32 v0, v18;
	v18 =	vmul.f32 v20, v19  }
0x1b1: {  	v16 =	vmul.f32 v21, v16  }
0x1b2: {  	v17 =	vmul.f32 v23, v17;
	v0 =	vsub.f32 v0, v18;
	v18 =	vmul.f32 v22, v23;
	_ =	sdelay $0x1  }
0x1b3: {  	v16 =	vadd.f32 v18, v16;
	v0 =	vmul.f32 v0, v17;
	_ =	sdelay $0x1  }
0x1b4: {  	v0 =	vadd.f32 v0, v16  }
0x1b5: {  	[tilespmem:$0x1FF60] =	vst v56  }
0x1b6: {  	s2 =	sadd.s32 s6, s13;
	[tilespmem:$0x1FFC0] =	vst v2;
	v0 =	vmul.f32 $6.275089720e+02, v0  }
0x1b7: {  	s2 =	sshrl.u32 s2, $0x3;
	[tilespmem:$0x1FFD0] =	vst v1  }
0x1b8: {  	s2 =	sadd.s32 s4, s2;
	[tilespmem:$0x6BC0] =	vst v0  }
0x1b9: {  	[hbm4b:s2+s5] =	stream.linear.scatter [tilespmem:s29], [sflag:$0x5], $0x190, $0x38;
	[tilespmem:$0x6D60] =	vst v63  }
0x1ba: {  	_ =	swait.ge [sflag:s30], $0x1900  }
0x1bb: {  	[sflag:s30] =	ssyncset.done $0x0  }
0x1bc: {  	[sflag:s30] =	ssyncadd.s32 $0xFFFFE700  }
0x1bd: {  	_ =	swait.ge [sflag:s30], $0x1900  }
0x1be: {  	[sflag:s30] =	ssyncset.done $0x0  }
0x1bf: {  	[sflag:s30] =	ssyncadd.s32 $0xFFFFE700  }
0x1c0: {  	_ =	swait.ge [sflag:s31], $0x190  }
0x1c1: {  	[sflag:s31] =	ssyncset.done $0x0  }
0x1c2: {  	[sflag:s31] =	ssyncadd.s32 $0xFFFFFE70  }
0x1c3: {  	_ =	swait.ge [sflag:s31], $0x190  }
0x1c4: {  	p0 =	seq.s32 s12, $0x3D;
	[sflag:s31] =	ssyncset.done $0x0  }
0x1c5: {  	s2 =	sadd.s32 @!p0 s13, s15;
	[sflag:s31] =	ssyncadd.s32 $0xFFFFFE70  }
0x1c6: {  	[tilespmem:s21], [sflag:$0x3] =	stream.indirect.gather [hbm4b:s7+s20], $0x10, s5, s20, $0xb8;
	[tilespmem:$0x6D60] =	vst v63  }
0x1c7: {  	s18 =	simm.s32 $0x10;
	s17 =	simm.s32 @!p0 $0x190;
	s2 =	sshrl.u32 @!p0 s2, $0x3  }
0x1c8: {  	[tilespmem:s22], [sflag:$0x3] =	stream.indirect.gather [hbm4b:s8+s20], $0x10, s19, s20, $0xb8;
	[tilespmem:$0x6D60] =	vst v63  }
0x1c9: {  	p1 =	seq.s32 @!p0 s12, $0x0;
	s16 =	simm.s32 @!p0 $0x0;
	v17 =	vmov s18;
	s11 =	sadd.s32 @!p0 s1, s2  }
0x1ca: {  	v17 =	vshll.u32 v17, $0x4;
	[tilespmem:s17], [sflag:$0x2] =	stream.linear.gather @!p0 [hbm4b:s11+s16], $0x190, $0x38;
	[tilespmem:$0x6D60] =	vst v63  }
0x1cb: {  	v17 =	vor.u32 v57, v17;
	s2 =	sadd.s32 @!p0 s3, s2;
	s11 =	simm.s32 @!p0 $0x4B0;
	s17 =	simm.s32 $0x0  }
0x1cc: {  	v20 =	vor.u32 $0x1, v17;
	v9 =	vmov s17;
	[tilespmem:s11], [sflag:$0x2] =	stream.linear.gather @!p0 [hbm4b:s2+s16], $0x190, $0x38;
	[tilespmem:$0x6D60] =	vst v63  }
0x1cd: {  	p0 =	por p0, !p1;
	v0 =	vshll.u32 v9, $0x4  }
0x1ce: {  	v22 =	vor.u32 $0x2, v17;
	_ =	swait.ge @p0 [sflag:s10], $0x190;
	v34 =	vor.u32 v57, v0  }
0x1cf: {  	[sflag:s10] =	ssyncset.done @p0 $0x0;
	v0 =	vor.u32 $0x1, v34  }
0x1d0: {  	[sflag:s10] =	ssyncadd.s32 @p0 $0xFFFFFE70  }
0x1d1: {  	v16 =	vor.u32 $0x2, v34;
	v29 =	vld.idx.msk [tilespmem:v20+s28+$0x0], $0xffff  }
0x1d2: {  	v20 =	vld.idx.msk [tilespmem:v20+s26+$0x0], $0xffff  }
0x1d3: {  	v18 =	vor.u32 $0x3, v34;
	v10 =	vld.idx.msk [tilespmem:v22+s28+$0x0], $0xffff  }
0x1d4: {  	v19 =	vld.idx.msk [tilespmem:v0+s28+$0x0], $0xffff  }
0x1d5: {  	v0 =	vld.idx.msk [tilespmem:v0+s26+$0x0], $0xffff  }
0x1d6: {  	v24 =	vor.u32 $0x3, v17;
	v21 =	vld.idx.msk [tilespmem:v16+s28+$0x0], $0xffff  }
0x1d7: {  	v30 =	vor.u32 $0x7, v34;
	v16 =	vld.idx.msk [tilespmem:v16+s26+$0x0], $0xffff  }
0x1d8: {  	v23 =	vld.idx.msk [tilespmem:v18+s28+$0x0], $0xffff  }
0x1d9: {  	v12 =	vor.u32 $0x6, v34;
	v18 =	vld.idx.msk [tilespmem:v18+s26+$0x0], $0xffff  }
0x1da: {  	v11 =	vld.idx.msk [tilespmem:v22+s26+$0x0], $0xffff  }
0x1db: {  	v31 =	vor.u32 $0xE, v17;
	v27 =	vor.u32 $0x8, v17;
	v13 =	vld.idx.msk [tilespmem:v24+s28+$0x0], $0xffff  }
0x1dc: {  	v28 =	vor.u32 $0x9, v17;
	v39 =	vld.idx.msk [tilespmem:v30+s26+$0x0], $0xffff;
	v0 =	vsub.f32 v19, v0;
	v35 =	vsub.f32 v21, v16  }
0x1dd: {  	v26 =	vor.u32 $0xA, v17;
	v25 =	vor.u32 $0xB, v17;
	v4 =	vor.u32 $0x8, v34;
	v41 =	vld.idx.msk [tilespmem:v30+s28+$0x0], $0xffff  }
0x1de: {  	v43 =	vld.idx.msk [tilespmem:v12+s26+$0x0], $0xffff;
	v14 =	vsub.f32 v23, v18;
	v16 =	vmul.f32 v0, v0;
	v18 =	vmul.f32 v35, v35  }
0x1df: {  	v37 =	vor.u32 $0x4, v34;
	v56 =	vor.u32 $0xD, v34;
	v30 =	vor.u32 $0x9, v34;
	v46 =	vld.idx.msk [tilespmem:v12+s28+$0x0], $0xffff  }
0x1e0: {  	v20 =	vsub.f32 v29, v20;
	v23 =	vld.idx.msk [tilespmem:v24+s26+$0x0], $0xffff;
	v24 =	vmul.f32 v14, v14;
	v18 =	vadd.f32 v18, v16  }
0x1e1: {  	v62 =	vor.u32 $0xC, v34;
	v29 =	vor.u32 $0xE, v34;
	v32 =	vsub.f32 v10, v11  }
0x1e2: {  	v48 =	vld.idx.msk [tilespmem:v4+s26+$0x0], $0xffff;
	v5 =	vmul.f32 v20, v20;
	v19 =	vor.u32 $0x5, v34;
	v18 =	vadd.f32 v24, v18  }
0x1e3: {  	v12 =	vor.u32 $0xA, v34;
	v40 =	vld.idx.msk [tilespmem:v4+s28+$0x0], $0xffff;
	v6 =	vmul.f32 v32, v32;
	v58 =	vmul.f32 v41, v39  }
0x1e4: {  	v52 =	vld.idx.msk [tilespmem:v30+s26+$0x0], $0xffff;
	v61 =	vmul.f32 v46, v43;
	v38 =	vmul.f32 $1.889726160e+00, v14;
	v45 =	vmax.f32 v18, $1.000000010e-10  }
0x1e5: {  	v55 =	vld.idx.msk [tilespmem:v30+s28+$0x0], $0xffff;
	v0 =	vmul.f32 $1.889726160e+00, v0;
	v7 =	vshrl.u32 v45, $0x1;
	v8 =	vmul.f32 $5.000000000e-01, v45  }
0x1e6: {  	v50 =	vld.idx.msk [tilespmem:v29+s26+$0x0], $0xffff;
	v1 =	vmul.f32 $1.889726160e+00, v35;
	v39 =	vmul.f32 v39, v38;
	v9 =	vsub.s32 $0x5F3759DF, v7  }
0x1e7: {  	v36 =	vadd.f32 v6, v5;
	v41 =	vmul.f32 v41, v38;
	v42 =	vld.idx.msk [tilespmem:v19+s26+$0x0], $0xffff;
	v11 =	vmul.f32 v9, v8  }
0x1e8: {  	v6 =	vmul.f32 v38, v1;
	v43 =	vmul.f32 v43, v1;
	v44 =	vld.idx.msk [tilespmem:v19+s28+$0x0], $0xffff;
	v19 =	vsub.f32 v13, v23  }
0x1e9: {  	v63 =	vor.u32 $0xB, v34;
	v60 =	vld.idx.msk [tilespmem:v12+s26+$0x0], $0xffff;
	v23 =	vmul.f32 $1.889726160e+00, v20;
	v51 =	vmul.f32 v9, v11  }
0x1ea: {  	v22 =	vor.u32 $0x5, v17;
	v53 =	vld.idx.msk [tilespmem:v12+s28+$0x0], $0xffff;
	v12 =	vmul.f32 v38, v0;
	v10 =	vmul.f32 v19, v19  }
0x1eb: {  	v33 =	vmul.f32 v23, v23;
	v59 =	vmul.f32 v50, v50;
	v51 =	vsub.f32 $1.500000000e+00, v51  }
0x1ec: {  	v21 =	vor.u32 $0x6, v17;
	v19 =	vmul.f32 $1.889726160e+00, v19;
	v18 =	vmul.f32 $1.889726160e+00, v32  }
0x1ed: {  	v16 =	vor.u32 $0x7, v17;
	v3 =	vmul.f32 $5.000000000e-01, v59;
	v49 =	vmul.f32 v9, v51  }
0x1ee: {  	v13 =	vadd.f32 v52, v48;
	v32 =	vmul.f32 v18, v18;
	v57 =	vmul.f32 v44, v42  }
0x1ef: {  	v14 =	vadd.f32 v55, v40;
	v42 =	vmul.f32 v42, v0;
	v47 =	vmul.f32 v49, v8  }
0x1f0: {  	v54 =	vld.idx.msk [tilespmem:v29+s28+$0x0], $0xffff;
	v36 =	vadd.f32 v10, v36;
	v2 =	vmul.f32 v44, v0;
	v7 =	vmul.f32 v1, v0  }
0x1f1: {  	v35 =	vadd.f32 v60, v13;
	v10 =	vld.idx.msk [tilespmem:v62+s26+$0x0], $0xffff;
	v0 =	vmul.f32 v0, v0;
	v47 =	vmul.f32 v47, v49  }
0x1f2: {  	v44 =	vmul.f32 v46, v1;
	v1 =	vmul.f32 v1, v1;
	v30 =	vmax.f32 v36, $1.000000010e-10;
	v11 =	vld.idx.msk [tilespmem:v62+s28+$0x0], $0xffff  }
0x1f3: {  	v36 =	vadd.f32 v53, v14;
	v48 =	vmul.f32 v48, v0;
	v47 =	vsub.f32 $1.500000000e+00, v47  }
0x1f4: {  	v52 =	vmul.f32 v52, v1;
	v42 =	vadd.f32 v43, v42;
	v0 =	vmul.f32 v40, v0  }
0x1f5: {  	v1 =	vmul.f32 v55, v1;
	v9 =	vsub.f32 v50, v54;
	v47 =	vmul.f32 v47, v49  }
0x1f6: {  	v2 =	vadd.f32 v44, v2;
	v5 =	vmul.f32 v10, v12;
	v10 =	vld.idx.msk [tilespmem:v63+s26+$0x0], $0xffff;
	v51 =	vmul.f32 v54, v54  }
0x1f7: {  	v46 =	vmul.f32 v11, v12;
	v11 =	vld.idx.msk [tilespmem:v63+s28+$0x0], $0xffff;
	v4 =	vand.u32 $0x7FFFFFFF, v9;
	v14 =	vmul.f32 v47, v45  }
0x1f8: {  	v13 =	vsub.f32 v51, v59;
	vm0 =	vgt.f32 v4, $9.999999970e-07;
	v4 =	vmul.f32 v38, v38  }
0x1f9: {  	v48 =	vadd.f32 v52, v48;
	v0 =	vadd.f32 v1, v0;
	v38 =	vmul.f32 $1.889726160e+00, v14  }
0x1fa: {  	v9 =	vadd.f32 v61, v57;
	v8 =	vnsel vm0, $0x3F800000, v13;
	v61 =	vmul.f32 v53, v4  }
0x1fb: {  	v2 =	vadd.f32 v41, v2;
	(erf) = vrcp.f32 v8;
	v50 =	vmul.f32 v38, v50  }
0x1fc: {  	v8 =	vmul.f32 v10, v7;
	v10 =	vmul.f32 v11, v7;
	v0 =	vadd.f32 v61, v0  }
0x1fd: {  	v29 =	vmul.f32 v18, v23;
	v49 =	vadd.f32 v58, v9;
	v12 =	vsub.f32 $0.0e+00, v50  }
0x1fe: {  	v13 =	vld.idx.msk [tilespmem:v56+s26+$0x0], $0xffff;
	v0 =	vadd.f32 v10, v0;
	v14 =	vmul.f32 v60, v4;
	v40 =	vmul.f32 v38, v54  }
0x1ff: {  	v45 =	vsub.f32 $0.0e+00, v59;
	v60 =	vld.idx.msk [tilespmem:v56+s28+$0x0], $0xffff;
	v4 =	vadd.f32 v39, v42;
	v62 =	vmul.f32 $1.442695020e+00, v12  }
0x200: {  	v63 =	vadd.f32 v14, v48;
	v7 =	vmul.f32 v38, v38;
	v54 =	vsub.f32 $0.0e+00, v40  }
0x201: {  	v0 =	vadd.f32 v46, v0;
	v38 =	vmul.f32 v2, v4;
	(erf) = vpow2.f32 v62  }
0x202: {  	v11 =	vadd.f32 v8, v63;
	v3 =	vmul.f32 v7, v3;
	v9 =	vmul.f32 $1.442695020e+00, v54  }
0x203: {  	v56 =	vmul.f32 $5.000000000e-01, v50;
	v43 =	vadd.f32 $1.000000000e+00, v50;
	v12 =	vmul.f32 v13, v6  }
0x204: {  	v40 =	vadd.f32 $1.000000000e+00, v40;
	v6 =	vmul.f32 v60, v6;
	(erf) = vpow2.f32 v9  }
0x205: {  	v13 =	vpop (erf);
	v5 =	vadd.f32 v5, v11;
	v57 =	vmul.f32 v3, v50;
	v42 =	vadd.f32 $1.000000000e+00, v56  }
0x206: {  	v14 =	vmul.f32 v13, v51;
	v0 =	vadd.f32 v6, v0;
	v6 =	vmul.f32 $3.333333430e-01, v7  }
0x207: {  	v39 =	vmul.f32 v13, v45;
	v1 =	vadd.f32 v12, v5;
	v5 =	vmul.f32 $5.291771890e-01, v47  }
0x208: {  	v3 =	vadd.f32 v3, v43;
	v44 =	vmul.f32 $3.333333430e-01, v57;
	v58 =	vmul.f32 v6, v51  }
0x209: {  	v39 =	vnsel vm0, $0x0, v39;
	v61 =	vmul.f32 v6, v59;
	v48 =	vmul.f32 v5, v5  }
0x20a: {  	v44 =	vadd.f32 v44, v3;
	v45 =	vadd.f32 v58, v40;
	v58 =	vmul.f32 $5.000000000e-01, v30;
	v60 =	vpop (erf)  }
0x20b: {  	v53 =	vld.idx.msk [tilespmem:v37+s26+$0x0], $0xffff;
	v47 =	vadd.f32 v61, v43;
	v42 =	vmul.f32 v60, v42;
	v8 =	vmul.f32 v60, v43  }
0x20c: {  	v41 =	vnsel vm0, $0x0, v14;
	v3 =	vmul.f32 v60, v3;
	v44 =	vmul.f32 v44, v60  }
0x20d: {  	v51 =	vld.idx.msk [tilespmem:v34+s26+$0x0], $0xffff;
	v62 =	vpop (erf);
	v11 =	vmul.f32 v60, v47;
	v41 =	vmul.f32 v60, v41;
	v46 =	vsub.f32 $1.000000000e+00, v60  }
0x20e: {  	v63 =	vmul.f32 v62, v40;
	v9 =	vmul.f32 v62, v45;
	v10 =	vsub.f32 $1.000000000e+00, v62  }
0x20f: {  	v39 =	vmul.f32 v62, v39;
	v42 =	vsub.f32 $1.000000000e+00, v42;
	v14 =	vsub.f32 $1.000000000e+00, v41  }
0x210: {  	v34 =	vld.idx.msk [tilespmem:v34+s28+$0x0], $0xffff;
	v54 =	vsub.f32 $1.000000000e+00, v8;
	v46 =	vmul.f32 v46, v53;
	v47 =	vmul.f32 v41, v47  }
0x211: {  	v3 =	vsub.f32 $1.000000000e+00, v3;
	v41 =	vmul.f32 v41, v43;
	v59 =	vsub.f32 $1.000000000e+00, v44  }
0x212: {  	v62 =	vsub.f32 $1.000000000e+00, v11;
	v12 =	vsub.f32 $1.000000000e+00, v63;
	v13 =	vmul.f32 v10, v51  }
0x213: {  	v55 =	vsub.f32 $1.000000000e+00, v9;
	v45 =	vmul.f32 v39, v45;
	v60 =	vsub.f32 $1.000000000e+00, v47  }
0x214: {  	v61 =	vsub.f32 v14, v39;
	v41 =	vsub.f32 $1.000000000e+00, v41;
	v39 =	vmul.f32 v39, v40  }
0x215: {  	v37 =	vld.idx.msk [tilespmem:v37+s28+$0x0], $0xffff;
	v63 =	vmul.f32 v54, v34;
	v40 =	vmul.f32 v62, v34;
	v9 =	vadd.f32 v46, v51  }
0x216: {  	v50 =	vmul.f32 v12, v51;
	v10 =	vmul.f32 v55, v51;
	v55 =	vshrl.u32 v30, $0x1  }
0x217: {  	v44 =	vsub.f32 v60, v45;
	v42 =	vsel vm0, v61, v42;
	v39 =	vsub.f32 v41, v39  }
0x218: {  	v34 =	vmul.f32 v9, v34;
	v57 =	vsub.s32 $0x5F3759DF, v55;
	v42 =	vmul.f32 v42, v53  }
0x219: {  	v60 =	vmul.f32 v57, v58;
	v8 =	vsel vm0, v44, v59;
	v59 =	vmul.f32 v48, v5  }
0x21a: {  	v3 =	vsel vm0, v39, v3;
	v11 =	vmul.f32 v8, v53;
	v12 =	vmul.f32 v8, v37  }
0x21b: {  	v42 =	vadd.f32 v42, v13;
	v13 =	vmul.f32 v3, v37;
	v14 =	vmul.f32 v3, v53  }
0x21c: {  	v38 =	vmul.f32 v8, v38;
	v44 =	vadd.f32 v11, v10;
	v39 =	vadd.f32 v12, v40  }
0x21d: {  	v3 =	vmul.f32 v3, v49;
	v53 =	vadd.f32 v14, v50;
	v37 =	vmul.f32 v42, v37  }
0x21e: {  	v61 =	vld.idx.msk [tilespmem:v27+s26+$0x0], $0xffff;
	v54 =	vadd.f32 v13, v63;
	v0 =	vmul.f32 v44, v0;
	v1 =	vmul.f32 v39, v1  }
0x21f: {  	v20 =	vor.u32 $0x4, v17;
	v27 =	vld.idx.msk [tilespmem:v27+s28+$0x0], $0xffff;
	v38 =	vmul.f32 $3.000000000e+00, v38;
	v3 =	vmul.f32 v3, v7  }
0x220: {  	v10 =	vld.idx.msk [tilespmem:v28+s28+$0x0], $0xffff;
	v36 =	vmul.f32 v53, v36;
	v56 =	vmul.f32 v54, v35;
	v0 =	vadd.f32 v1, v0  }
0x221: {  	v12 =	vld.idx.msk [tilespmem:v26+s26+$0x0], $0xffff;
	v4 =	vmul.f32 v54, v4;
	v2 =	vmul.f32 v53, v2;
	v34 =	vadd.f32 v37, v34  }
0x222: {  	v14 =	vld.idx.msk [tilespmem:v25+s26+$0x0], $0xffff;
	v37 =	vmul.f32 v57, v60;
	v1 =	vadd.f32 v56, v36;
	v0 =	vsub.f32 v0, v38  }
0x223: {  	v51 =	vmul.f32 v19, v19;
	v63 =	vmul.f32 v59, v48;
	v35 =	vld.idx.msk [tilespmem:v31+s26+$0x0], $0xffff;
	v2 =	vsub.f32 v4, v2  }
0x224: {  	v31 =	vld.idx.msk [tilespmem:v31+s28+$0x0], $0xffff;
	v11 =	vsub.f32 $1.500000000e+00, v37;
	v1 =	vmul.f32 v1, v6;
	v0 =	vadd.f32 v0, v3  }
0x225: {  	v24 =	vor.u32 $0xC, v17;
	v46 =	vmul.f32 v61, v33;
	v42 =	vld.idx.msk [tilespmem:v22+s26+$0x0], $0xffff;
	v9 =	vmul.f32 v34, v5  }
0x226: {  	v25 =	vld.idx.msk [tilespmem:v25+s28+$0x0], $0xffff;
	v2 =	vmul.f32 v2, v59;
	v7 =	vmul.f32 v57, v11;
	v0 =	vsub.f32 v0, v1  }
0x227: {  	v43 =	vld.idx.msk [tilespmem:v21+s26+$0x0], $0xffff;
	v48 =	vmul.f32 v27, v33;
	v52 =	vmul.f32 v14, v29;
	v5 =	vadd.f32 v10, v27  }
0x228: {  	v21 =	vld.idx.msk [tilespmem:v21+s28+$0x0], $0xffff;
	v39 =	vmul.f32 v7, v58;
	v1 =	vadd.f32 v2, v9;
	v0 =	vmul.f32 v0, v63  }
0x229: {  	v62 =	vld.idx.msk [tilespmem:v28+s26+$0x0], $0xffff;
	v27 =	vmul.f32 v12, v51;
	v28 =	vsub.f32 v35, v31;
	v36 =	vmul.f32 v35, v35  }
0x22a: {  	v2 =	vmul.f32 v31, v31;
	v50 =	vmul.f32 v39, v7;
	v0 =	vadd.f32 v0, v1  }
0x22b: {  	v13 =	vld.idx.msk [tilespmem:v26+s28+$0x0], $0xffff;
	v54 =	vmul.f32 v42, v23;
	v55 =	vmul.f32 v25, v29;
	v26 =	vand.u32 $0x7FFFFFFF, v28  }
0x22c: {  	v45 =	vsub.f32 v2, v36;
	v34 =	vmul.f32 $6.275089720e+02, v0;
	v0 =	vsub.f32 $1.500000000e+00, v50  }
0x22d: {  	v25 =	vmul.f32 v43, v18;
	v57 =	vmul.f32 v21, v18;
	vm0 =	vgt.f32 v26, $9.999999970e-07  }
0x22e: {  	v22 =	vld.idx.msk [tilespmem:v22+s28+$0x0], $0xffff;
	v18 =	vmul.f32 v19, v18;
	v47 =	vnsel vm0, $0x3F800000, v45;
	v0 =	vmul.f32 v0, v7  }
0x22f: {  	v4 =	vadd.f32 v62, v61;
	v26 =	vmul.f32 v62, v32;
	(erf) = vrcp.f32 v47  }
0x230: {  	v3 =	vor.u32 $0xD, v17;
	v32 =	vmul.f32 v10, v32;
	v29 =	vmul.f32 v0, v30  }
0x231: {  	v53 =	vld.idx.msk [tilespmem:v24+s26+$0x0], $0xffff;
	v21 =	vmul.f32 v21, v43;
	v25 =	vadd.f32 v25, v54;
	v26 =	vadd.f32 v26, v46  }
0x232: {  	v24 =	vld.idx.msk [tilespmem:v24+s28+$0x0], $0xffff;
	v39 =	vmul.f32 v13, v51;
	v1 =	vadd.f32 v32, v48;
	v29 =	vmul.f32 $1.889726160e+00, v29  }
0x233: {  	v56 =	vld.idx.msk [tilespmem:v16+s26+$0x0], $0xffff;
	v49 =	vsub.f32 $0.0e+00, v36;
	v26 =	vadd.f32 v27, v26;
	v27 =	vmul.f32 v22, v23  }
0x234: {  	v23 =	vmul.f32 v19, v23;
	v1 =	vadd.f32 v39, v1;
	v35 =	vmul.f32 v29, v35  }
0x235: {  	v28 =	vmul.f32 $5.000000000e-01, v36;
	v58 =	vadd.f32 v52, v26;
	v30 =	vadd.f32 v12, v4;
	v12 =	vld.idx.msk [tilespmem:v3+s26+$0x0], $0xffff  }
0x236: {  	v59 =	vmul.f32 v53, v23;
	v3 =	vld.idx.msk [tilespmem:v3+s28+$0x0], $0xffff;
	v61 =	vmul.f32 v29, v31;
	v31 =	vsub.f32 $0.0e+00, v35  }
0x237: {  	v60 =	vmul.f32 v24, v23;
	v26 =	vadd.f32 v13, v5;
	v23 =	vmul.f32 v29, v29  }
0x238: {  	v4 =	vadd.f32 v57, v27;
	v24 =	vpop (erf);
	v29 =	vmul.f32 v56, v19;
	v31 =	vmul.f32 $1.442695020e+00, v31  }
0x239: {  	v27 =	vmul.f32 v24, v2;
	v62 =	vmul.f32 v24, v49;
	v63 =	vsub.f32 $0.0e+00, v61  }
0x23a: {  	v1 =	vadd.f32 v55, v1;
	v46 =	vmul.f32 v12, v18;
	(erf) = vpow2.f32 v31  }
0x23b: {  	v3 =	vmul.f32 v3, v18;
	v10 =	vnsel vm0, $0x0, v27;
	v27 =	vmul.f32 $1.442695020e+00, v63  }
0x23c: {  	v16 =	vld.idx.msk [tilespmem:v16+s28+$0x0], $0xffff;
	v7 =	vadd.f32 v59, v58;
	v9 =	vmul.f32 $5.000000000e-01, v35;
	v28 =	vmul.f32 v23, v28  }
0x23d: {  	v1 =	vadd.f32 v60, v1;
	v24 =	vmul.f32 $3.333333430e-01, v23;
	(erf) = vpow2.f32 v27  }
0x23e: {  	v13 =	vadd.f32 $1.000000000e+00, v35;
	v5 =	vadd.f32 $1.000000000e+00, v61;
	v35 =	vmul.f32 v28, v35  }
0x23f: {  	v25 =	vadd.f32 v29, v25;
	v6 =	vnsel vm0, $0x0, v62;
	v33 =	vadd.f32 v3, v1  }
0x240: {  	v11 =	vmul.f32 v24, v36;
	v14 =	vadd.f32 v28, v13;
	v27 =	vmul.f32 $3.333333430e-01, v35  }
0x241: {  	v2 =	vmul.f32 v24, v2;
	v38 =	vadd.f32 $1.000000000e+00, v9;
	v28 =	vmul.f32 v16, v19  }
0x242: {  	v45 =	vadd.f32 v11, v13;
	v19 =	vadd.f32 v27, v14;
	v27 =	vmul.f32 v22, v42  }
0x243: {  	v16 =	vmul.f32 v16, v56;
	v2 =	vadd.f32 v2, v5;
	v29 =	vadd.f32 v28, v4;
	v48 =	vpop (erf)  }
0x244: {  	v22 =	vmul.f32 $5.291771890e-01, v0;
	v47 =	vadd.f32 v21, v27;
	v49 =	vmul.f32 v48, v10  }
0x245: {  	v27 =	vadd.f32 v46, v7;
	v50 =	vmul.f32 v19, v48;
	v35 =	vmul.f32 v48, v45  }
0x246: {  	v28 =	vadd.f32 v16, v47;
	v51 =	vpop (erf);
	v55 =	vmul.f32 v48, v14;
	v57 =	vmul.f32 v48, v13  }
0x247: {  	v32 =	vsub.f32 $1.000000000e+00, v48;
	v0 =	vmul.f32 v48, v38;
	v6 =	vmul.f32 v51, v6  }
0x248: {  	v18 =	vld.idx.msk [tilespmem:v17+s28+$0x0], $0xffff;
	v40 =	vsub.f32 $1.000000000e+00, v51;
	v52 =	vmul.f32 v51, v2;
	v4 =	vmul.f32 v51, v5  }
0x249: {  	v16 =	vld.idx.msk [tilespmem:v17+s26+$0x0], $0xffff;
	v37 =	vmul.f32 v49, v45;
	v3 =	vsub.f32 $1.000000000e+00, v50;
	v56 =	vsub.f32 $1.000000000e+00, v35  }
0x24a: {  	v17 =	vld.idx.msk [tilespmem:v20+s28+$0x0], $0xffff;
	v53 =	vmul.f32 v49, v13;
	v1 =	vsub.f32 $1.000000000e+00, v49;
	v58 =	vsub.f32 $1.000000000e+00, v55  }
0x24b: {  	v19 =	vld.idx.msk [tilespmem:v20+s26+$0x0], $0xffff;
	v63 =	vsub.f32 $1.000000000e+00, v57;
	v2 =	vmul.f32 v6, v2;
	v37 =	vsub.f32 $1.000000000e+00, v37  }
0x24c: {  	v38 =	vsub.f32 $1.000000000e+00, v0;
	v54 =	vmul.f32 v6, v5;
	v20 =	vsub.f32 $1.000000000e+00, v53  }
0x24d: {  	v31 =	vmul.f32 v29, v25;
	v7 =	vsub.f32 $1.000000000e+00, v52;
	v2 =	vsub.f32 v37, v2  }
0x24e: {  	v21 =	vmul.f32 v22, v22;
	v35 =	vsub.f32 $1.000000000e+00, v4;
	v20 =	vsub.f32 v20, v54  }
0x24f: {  	v59 =	vmul.f32 v56, v18;
	v60 =	vmul.f32 v7, v16;
	v43 =	vsel vm0, v2, v3  }
0x250: {  	v20 =	vsel vm0, v20, v58;
	v61 =	vmul.f32 v43, v17;
	v62 =	vmul.f32 v43, v19  }
0x251: {  	s17 =	simm.s32 $0x6BE0;
	v36 =	vsub.f32 v1, v6;
	v48 =	vmul.f32 v63, v18;
	v47 =	vmul.f32 v20, v17  }
0x252: {  	s18 =	simm.s32 $0x0;
	s2 =	simm.s32 $0x30;
	s16 =	simm.s32 $0x6BE0;
	[tilespmem:s17+$0xFFFFFFF0] =	vst v34;
	v49 =	vmul.f32 v20, v19;
	v37 =	vadd.f32 v61, v59;
	v34 =	vadd.f32 v62, v60  }
.LBB2_5:
0x253: {  	v5 =	vld [tilespmem:$0x1FFF0];
	_ =	sdelay $0x2  }
0x254: {  	s11 =	sadd.s32 $0xFFFFFFF0, s2;
	v0 =	vmov s2  }
0x255: {  	v3 =	vmov s11;
	v0 =	vshll.u32 v0, $0x4  }
0x256: {  	v2 =	vmul.f32 v35, v16;
	v3 =	vshll.u32 v3, $0x4;
	v35 =	vor.u32 v5, v0  }
0x257: {  	v11 =	vmul.f32 v37, v27;
	v27 =	vor.u32 v5, v3;
	v12 =	vor.u32 $0x1, v35  }
0x258: {  	v6 =	vor.u32 $0x1, v27  }
0x259: {  	v1 =	vsel vm0, v36, v38;
	v4 =	vmul.f32 v34, v33  }
0x25a: {  	v31 =	vmul.f32 v43, v31;
	v40 =	vmul.f32 v40, v16;
	v50 =	vor.u32 $0x2, v27  }
0x25b: {  	v47 =	vadd.f32 v47, v48;
	v8 =	vmul.f32 v20, v28;
	v1 =	vmul.f32 v1, v19  }
0x25c: {  	v19 =	vmul.f32 v32, v19;
	v2 =	vadd.f32 v49, v2;
	v52 =	vor.u32 $0x3, v27;
	v53 =	vld.idx.msk [tilespmem:v12+s28+$0x0], $0xffff  }
0x25d: {  	v31 =	vmul.f32 $3.000000000e+00, v31;
	v30 =	vmul.f32 v47, v30;
	v1 =	vadd.f32 v1, v40;
	v54 =	vld.idx.msk [tilespmem:v6+s28+$0x0], $0xffff  }
0x25e: {  	v25 =	vmul.f32 v47, v25;
	v19 =	vadd.f32 v19, v16;
	v0 =	vadd.f32 v11, v4;
	v6 =	vld.idx.msk [tilespmem:v6+s26+$0x0], $0xffff  }
0x25f: {  	v26 =	vmul.f32 v2, v26;
	v2 =	vmul.f32 v2, v29;
	v13 =	vor.u32 $0x2, v35;
	v59 =	vld.idx.msk [tilespmem:v50+s28+$0x0], $0xffff  }
0x260: {  	v7 =	vor.u32 $0x3, v35;
	v14 =	vor.u32 $0xE, v35;
	v41 =	vor.u32 $0x8, v35;
	v60 =	vld.idx.msk [tilespmem:v50+s26+$0x0], $0xffff  }
0x261: {  	v42 =	vor.u32 $0x9, v35;
	v36 =	vor.u32 $0xA, v35;
	v33 =	vor.u32 $0x5, v35;
	v61 =	vld.idx.msk [tilespmem:v52+s28+$0x0], $0xffff  }
0x262: {  	v34 =	vor.u32 $0x6, v35;
	v39 =	vor.u32 $0x7, v35;
	v38 =	vor.u32 $0xB, v35;
	v20 =	vld.idx.msk [tilespmem:v52+s26+$0x0], $0xffff  }
0x263: {  	v46 =	vor.u32 $0xC, v35;
	v45 =	vor.u32 $0x4, v35;
	v28 =	vor.u32 $0x7, v27;
	v3 =	vld.idx.msk [tilespmem:v12+s26+$0x0], $0xffff  }
0x264: {  	v1 =	vmul.f32 v1, v17;
	v17 =	vmul.f32 v8, v23;
	v26 =	vadd.f32 v30, v26;
	v23 =	vld.idx.msk [tilespmem:v13+s28+$0x0], $0xffff  }
0x265: {  	v44 =	vor.u32 $0xD, v35;
	v18 =	vmul.f32 v19, v18;
	v0 =	vsub.f32 v0, v31;
	v5 =	vld.idx.msk [tilespmem:v13+s26+$0x0], $0xffff  }
0x266: {  	v62 =	vor.u32 $0x9, v27;
	v2 =	vsub.f32 v25, v2;
	v19 =	vmul.f32 v26, v24;
	v26 =	vld.idx.msk [tilespmem:v7+s28+$0x0], $0xffff  }
0x267: {  	v25 =	vmul.f32 v21, v22;
	v24 =	vor.u32 $0x5, v27;
	v0 =	vadd.f32 v0, v17;
	v7 =	vld.idx.msk [tilespmem:v7+s26+$0x0], $0xffff  }
0x268: {  	v17 =	vor.u32 $0x6, v27;
	v29 =	vld.idx.msk [tilespmem:v28+s26+$0x0], $0xffff;
	v6 =	vsub.f32 v54, v6;
	v4 =	vsub.f32 v59, v60  }
0x269: {  	v1 =	vadd.f32 v1, v18;
	v2 =	vmul.f32 v2, v25;
	v0 =	vsub.f32 v0, v19;
	v28 =	vld.idx.msk [tilespmem:v28+s28+$0x0], $0xffff  }
0x26a: {  	v18 =	vsub.f32 v61, v20;
	v19 =	vmul.f32 v6, v6;
	v20 =	vmul.f32 v4, v4  }
0x26b: {  	v9 =	vmul.f32 v25, v21;
	v1 =	vmul.f32 v1, v22;
	v22 =	vor.u32 $0xE, v27  }
0x26c: {  	v47 =	vld.idx.msk [tilespmem:v24+s26+$0x0], $0xffff;
	v3 =	vsub.f32 v53, v3;
	v19 =	vadd.f32 v20, v19;
	v20 =	vmul.f32 v18, v18  }
0x26d: {  	v0 =	vmul.f32 v0, v9;
	v49 =	vld.idx.msk [tilespmem:v17+s26+$0x0], $0xffff;
	v5 =	vsub.f32 v23, v5;
	v7 =	vsub.f32 v26, v7  }
0x26e: {  	v50 =	vld.idx.msk [tilespmem:v24+s28+$0x0], $0xffff;
	v53 =	vmul.f32 v28, v29;
	v63 =	vmul.f32 v3, v3;
	v19 =	vadd.f32 v20, v19  }
0x26f: {  	v30 =	vor.u32 $0x8, v27;
	v17 =	vld.idx.msk [tilespmem:v17+s28+$0x0], $0xffff;
	v23 =	vmul.f32 $1.889726160e+00, v3;
	v21 =	vmul.f32 v5, v5  }
0x270: {  	v57 =	vld.idx.msk [tilespmem:v22+s26+$0x0], $0xffff;
	v24 =	vmul.f32 v7, v7;
	v20 =	vmul.f32 $1.889726160e+00, v5;
	v5 =	vmax.f32 v19, $1.000000010e-10  }
0x271: {  	v58 =	vld.idx.msk [tilespmem:v22+s28+$0x0], $0xffff;
	v22 =	vmul.f32 $1.889726160e+00, v7;
	v10 =	vshrl.u32 v5, $0x1;
	v11 =	vmul.f32 $5.000000000e-01, v5  }
0x272: {  	v51 =	vld.idx.msk [tilespmem:v35+s26+$0x0], $0xffff;
	v6 =	vmul.f32 $1.889726160e+00, v6;
	v4 =	vmul.f32 $1.889726160e+00, v4;
	v3 =	vsub.s32 $0x5F3759DF, v10  }
0x273: {  	v25 =	vor.u32 $0xA, v27;
	v56 =	vld.idx.msk [tilespmem:v62+s26+$0x0], $0xffff;
	v7 =	vmul.f32 v50, v47;
	v26 =	vmul.f32 v3, v11  }
0x274: {  	v1 =	vadd.f32 v2, v1;
	v2 =	vld.idx.msk [tilespmem:v30+s28+$0x0], $0xffff;
	v61 =	vmul.f32 v17, v49;
	v31 =	vmul.f32 v23, v23  }
0x275: {  	v59 =	vld.idx.msk [tilespmem:v62+s28+$0x0], $0xffff;
	v62 =	vor.u32 $0xC, v27;
	v54 =	vmul.f32 v57, v57;
	v12 =	vmul.f32 v3, v26  }
0x276: {  	v21 =	vadd.f32 v21, v63;
	v55 =	vmul.f32 v58, v58;
	v18 =	vmul.f32 $1.889726160e+00, v18  }
0x277: {  	v47 =	vmul.f32 v47, v6;
	v49 =	vmul.f32 v49, v4;
	v13 =	vsub.f32 $1.500000000e+00, v12  }
0x278: {  	v8 =	vsub.f32 v57, v58;
	v50 =	vmul.f32 v50, v6;
	v17 =	vmul.f32 v17, v4;
	v19 =	vld.idx.msk [tilespmem:v30+s26+$0x0], $0xffff  }
0x279: {  	v16 =	vmovc v51;
	v24 =	vadd.f32 v24, v21;
	v21 =	vadd.f32 v0, v1;
	v1 =	vmul.f32 v3, v13  }
0x27a: {  	v60 =	vld.idx.msk [tilespmem:v25+s26+$0x0], $0xffff;
	v15 =	vmul.f32 v4, v6;
	v51 =	vadd.f32 v59, v2;
	v7 =	vadd.f32 v61, v7  }
0x27b: {  	v63 =	vld.idx.msk [tilespmem:v25+s28+$0x0], $0xffff;
	v9 =	vmul.f32 $5.000000000e-01, v54;
	v8 =	vand.u32 $0x7FFFFFFF, v8;
	v43 =	vmul.f32 v1, v11  }
0x27c: {  	v25 =	vld.idx.msk [tilespmem:v14+s28+$0x0], $0xffff;
	vm0 =	vgt.f32 v8, $9.999999970e-07;
	v8 =	vmul.f32 v18, v18;
	v10 =	vmul.f32 v29, v18  }
0x27d: {  	v26 =	vmax.f32 v24, $1.000000010e-10;
	v24 =	vld.idx.msk [tilespmem:v14+s26+$0x0], $0xffff;
	v14 =	vadd.f32 v56, v19;
	v29 =	vmul.f32 v43, v1  }
0x27e: {  	v0 =	vor.u32 $0xD, v27;
	v32 =	vmul.f32 v20, v20;
	v30 =	vmul.f32 v20, v23  }
0x27f: {  	v48 =	vadd.f32 v60, v14;
	v11 =	vmul.f32 v28, v18;
	v28 =	vsub.f32 $1.500000000e+00, v29  }
0x280: {  	v12 =	vld.idx.msk [tilespmem:v62+s26+$0x0], $0xffff;
	v14 =	vmul.f32 v18, v6;
	v6 =	vmul.f32 v6, v6;
	v3 =	vor.u32 $0xB, v27  }
0x281: {  	v47 =	vadd.f32 v49, v47;
	v62 =	vld.idx.msk [tilespmem:v62+s28+$0x0], $0xffff;
	v13 =	vmul.f32 v18, v4;
	v1 =	vmul.f32 v28, v1  }
0x282: {  	v53 =	vadd.f32 v53, v7;
	v4 =	vmul.f32 v4, v4;
	v7 =	vmul.f32 v19, v6  }
0x283: {  	v2 =	vmul.f32 v2, v6;
	v28 =	vsub.f32 v55, v54;
	v5 =	vmul.f32 v1, v5  }
0x284: {  	v17 =	vadd.f32 v17, v50;
	v19 =	vmul.f32 v56, v4;
	v4 =	vmul.f32 v59, v4  }
0x285: {  	v12 =	vmul.f32 v12, v14;
	v61 =	vld.idx.msk [tilespmem:v3+s26+$0x0], $0xffff;
	v18 =	vnsel vm0, $0x3F800000, v28;
	v5 =	vmul.f32 $1.889726160e+00, v5  }
0x286: {  	v51 =	vadd.f32 v63, v51;
	v14 =	vmul.f32 v62, v14;
	v3 =	vld.idx.msk [tilespmem:v3+s28+$0x0], $0xffff;
	(erf) = vrcp.f32 v18  }
0x287: {  	v7 =	vadd.f32 v19, v7;
	v19 =	vmul.f32 v60, v8;
	v62 =	vmul.f32 v5, v57  }
0x288: {  	v56 =	vadd.f32 v10, v47;
	v2 =	vadd.f32 v4, v2;
	v4 =	vmul.f32 v63, v8  }
0x289: {  	v7 =	vadd.f32 v19, v7;
	v6 =	vmul.f32 v5, v58;
	v58 =	vld.idx.msk [tilespmem:v0+s26+$0x0], $0xffff;
	v49 =	vsub.f32 $0.0e+00, v62  }
0x28a: {  	v2 =	vadd.f32 v4, v2;
	v19 =	vmul.f32 v61, v15;
	v0 =	vld.idx.msk [tilespmem:v0+s28+$0x0], $0xffff;
	v57 =	vadd.f32 v11, v17  }
0x28b: {  	v3 =	vmul.f32 v3, v15;
	v60 =	vsub.f32 $0.0e+00, v6;
	v63 =	vmul.f32 $1.442695020e+00, v49  }
0x28c: {  	v18 =	vsub.f32 $0.0e+00, v54;
	v5 =	vmul.f32 v5, v5;
	v8 =	vmul.f32 v57, v56  }
0x28d: {  	v2 =	vadd.f32 v3, v2;
	v60 =	vmul.f32 $1.442695020e+00, v60;
	(erf) = vpow2.f32 v63  }
0x28e: {  	v61 =	vadd.f32 v19, v7;
	v4 =	vmul.f32 $3.333333430e-01, v5;
	v59 =	vmul.f32 $5.000000000e-01, v62  }
0x28f: {  	v2 =	vadd.f32 v14, v2;
	v0 =	vmul.f32 v0, v13;
	v63 =	vpop (erf);
	(erf) = vpow2.f32 v60  }
0x290: {  	v60 =	vadd.f32 v12, v61;
	v61 =	vmul.f32 v58, v13;
	v10 =	vmul.f32 v63, v55  }
0x291: {  	v52 =	vor.u32 $0x4, v27;
	v7 =	vmul.f32 v63, v18;
	v63 =	vmul.f32 v5, v9  }
0x292: {  	v6 =	vadd.f32 $1.000000000e+00, v6;
	v0 =	vadd.f32 v0, v2;
	v58 =	vmul.f32 $5.291771890e-01, v1  }
0x293: {  	v9 =	vadd.f32 $1.000000000e+00, v62;
	v3 =	vadd.f32 v61, v60;
	v60 =	vmul.f32 v63, v62  }
0x294: {  	v61 =	vmul.f32 v4, v54;
	v14 =	vmul.f32 v58, v58;
	v2 =	vnsel vm0, $0x0, v7  }
0x295: {  	v7 =	vadd.f32 $1.000000000e+00, v59;
	v1 =	vadd.f32 v63, v9;
	v11 =	vmul.f32 $3.333333430e-01, v60  }
0x296: {  	v18 =	vld.idx.msk [tilespmem:v35+s28+$0x0], $0xffff;
	v62 =	vmul.f32 v4, v55;
	v10 =	vnsel vm0, $0x0, v10;
	v12 =	vadd.f32 v61, v9;
	v35 =	vpop (erf)  }
0x297: {  	v11 =	vadd.f32 v11, v1;
	v7 =	vmul.f32 v35, v7;
	v60 =	vmul.f32 v35, v9  }
0x298: {  	v15 =	vld.idx.msk [tilespmem:v27+s26+$0x0], $0xffff;
	v13 =	vadd.f32 v62, v6;
	v1 =	vmul.f32 v35, v1;
	v63 =	vmul.f32 v35, v12  }
0x299: {  	v54 =	vld.idx.msk [tilespmem:v52+s26+$0x0], $0xffff;
	v10 =	vmul.f32 v35, v10;
	v55 =	vpop (erf);
	v11 =	vmul.f32 v11, v35;
	v35 =	vsub.f32 $1.000000000e+00, v35  }
0x29a: {  	v59 =	vmul.f32 v55, v6;
	v61 =	vmul.f32 v55, v13;
	v62 =	vsub.f32 $1.000000000e+00, v55  }
0x29b: {  	v2 =	vmul.f32 v55, v2;
	v7 =	vsub.f32 $1.000000000e+00, v7;
	v60 =	vsub.f32 $1.000000000e+00, v60  }
0x29c: {  	v27 =	vld.idx.msk [tilespmem:v27+s28+$0x0], $0xffff;
	v12 =	vmul.f32 v10, v12;
	v9 =	vmul.f32 v10, v9;
	v55 =	vsub.f32 $1.000000000e+00, v59  }
0x29d: {  	v59 =	vmul.f32 v62, v15;
	v62 =	vsub.f32 $1.000000000e+00, v10;
	v61 =	vsub.f32 $1.000000000e+00, v61  }
0x29e: {  	v35 =	vmul.f32 v35, v54;
	v10 =	vsub.f32 $1.000000000e+00, v11;
	v11 =	vsub.f32 $1.000000000e+00, v63  }
0x29f: {  	v12 =	vsub.f32 $1.000000000e+00, v12;
	v13 =	vmul.f32 v2, v13;
	v9 =	vsub.f32 $1.000000000e+00, v9  }
0x2a0: {  	v52 =	vld.idx.msk [tilespmem:v52+s28+$0x0], $0xffff;
	v35 =	vadd.f32 v35, v15;
	v62 =	vsub.f32 v62, v2;
	v2 =	vmul.f32 v2, v6  }
0x2a1: {  	v6 =	vsub.f32 v12, v13;
	v12 =	vmul.f32 v60, v27;
	v13 =	vmul.f32 v55, v15  }
0x2a2: {  	v1 =	vsub.f32 $1.000000000e+00, v1;
	v63 =	vmul.f32 v11, v27;
	v55 =	vmul.f32 v61, v15  }
0x2a3: {  	v27 =	vmul.f32 v35, v27;
	v7 =	vsel vm0, v62, v7;
	v2 =	vsub.f32 v9, v2  }
0x2a4: {  	v35 =	vmul.f32 $5.000000000e-01, v26;
	v6 =	vsel vm0, v6, v10;
	v7 =	vmul.f32 v7, v54  }
0x2a5: {  	v60 =	vmul.f32 v6, v52;
	v61 =	vmul.f32 v6, v54;
	v1 =	vsel vm0, v2, v1  }
0x2a6: {  	v6 =	vmul.f32 v6, v8;
	v7 =	vadd.f32 v7, v59;
	v15 =	vmul.f32 v1, v52  }
0x2a7: {  	v28 =	vld.idx.msk [tilespmem:v34+s26+$0x0], $0xffff;
	v62 =	vmul.f32 v1, v54;
	v2 =	vadd.f32 v60, v63;
	v63 =	vadd.f32 v61, v55  }
0x2a8: {  	v1 =	vmul.f32 v1, v53;
	v6 =	vmul.f32 $3.000000000e+00, v6;
	v54 =	vadd.f32 v15, v12  }
0x2a9: {  	v55 =	vadd.f32 v62, v13;
	v0 =	vmul.f32 v63, v0;
	v2 =	vmul.f32 v2, v3  }
0x2aa: {  	v59 =	vmul.f32 v7, v52;
	v1 =	vmul.f32 v1, v5  }
0x2ab: {  	v60 =	vshrl.u32 v26, $0x1;
	v61 =	vmul.f32 v55, v51;
	v62 =	vmul.f32 v54, v48  }
0x2ac: {  	v37 =	vld.idx.msk [tilespmem:v41+s26+$0x0], $0xffff;
	v63 =	vsub.s32 $0x5F3759DF, v60;
	v13 =	vmul.f32 v14, v58;
	v15 =	vmul.f32 v28, v20  }
0x2ad: {  	v40 =	vld.idx.msk [tilespmem:v42+s26+$0x0], $0xffff;
	v52 =	vmul.f32 v63, v35;
	v0 =	vadd.f32 v2, v0;
	v2 =	vadd.f32 v62, v61  }
0x2ae: {  	v41 =	vld.idx.msk [tilespmem:v41+s28+$0x0], $0xffff;
	v53 =	vsub.f32 v24, v25;
	v10 =	vmul.f32 v54, v56;
	v12 =	vmul.f32 v55, v57  }
0x2af: {  	v50 =	vld.idx.msk [tilespmem:v38+s26+$0x0], $0xffff;
	v48 =	vmul.f32 v2, v4;
	v4 =	vmul.f32 v63, v52  }
0x2b0: {  	v34 =	vld.idx.msk [tilespmem:v34+s28+$0x0], $0xffff;
	v3 =	vadd.f32 v59, v27;
	v51 =	vmul.f32 v13, v14;
	v56 =	vand.u32 $0x7FFFFFFF, v53  }
0x2b1: {  	v49 =	vld.idx.msk [tilespmem:v38+s28+$0x0], $0xffff;
	v59 =	vmul.f32 v37, v31;
	v0 =	vsub.f32 v0, v6;
	v57 =	vsub.f32 $1.500000000e+00, v4  }
0x2b2: {  	v38 =	vld.idx.msk [tilespmem:v39+s26+$0x0], $0xffff;
	v53 =	vmul.f32 v22, v23;
	v7 =	vsub.f32 v10, v12;
	v54 =	vmul.f32 v3, v58  }
0x2b3: {  	v39 =	vld.idx.msk [tilespmem:v39+s28+$0x0], $0xffff;
	v6 =	vmul.f32 v24, v24;
	v0 =	vadd.f32 v0, v1;
	v3 =	vmul.f32 v63, v57  }
0x2b4: {  	vm0 =	vgt.f32 v56, $9.999999970e-07;
	v61 =	vmul.f32 v40, v32;
	v55 =	vmul.f32 v7, v13  }
0x2b5: {  	v29 =	vld.idx.msk [tilespmem:v33+s26+$0x0], $0xffff;
	v2 =	vmul.f32 v25, v25;
	v0 =	vsub.f32 v0, v48;
	v8 =	vmul.f32 v3, v35  }
0x2b6: {  	v47 =	vld.idx.msk [tilespmem:v46+s26+$0x0], $0xffff;
	v62 =	vmul.f32 v41, v31;
	v52 =	vmul.f32 v34, v20;
	v1 =	vadd.f32 v55, v54  }
0x2b7: {  	v43 =	vld.idx.msk [tilespmem:v42+s28+$0x0], $0xffff;
	v58 =	vsub.f32 v2, v6;
	v0 =	vmul.f32 v0, v51;
	v8 =	vmul.f32 v8, v3  }
0x2b8: {  	v33 =	vld.idx.msk [tilespmem:v33+s28+$0x0], $0xffff;
	v7 =	vadd.f32 v61, v59;
	v61 =	vmul.f32 v39, v22;
	v4 =	vmul.f32 $5.000000000e-01, v6  }
0x2b9: {  	v0 =	vadd.f32 v0, v1;
	v1 =	vnsel vm0, $0x3F800000, v58;
	v8 =	vsub.f32 $1.500000000e+00, v8  }
0x2ba: {  	v48 =	vmul.f32 v29, v23;
	(erf) = vrcp.f32 v1  }
0x2bb: {  	v42 =	vld.idx.msk [tilespmem:v36+s26+$0x0], $0xffff;
	v55 =	vmul.f32 v47, v53;
	v3 =	vmul.f32 v8, v3  }
0x2bc: {  	v36 =	vld.idx.msk [tilespmem:v36+s28+$0x0], $0xffff;
	v41 =	vadd.f32 v43, v41;
	v47 =	vmul.f32 $6.275089720e+02, v21;
	v63 =	vmul.f32 v22, v22  }
0x2bd: {  	v60 =	vsub.f32 $0.0e+00, v6;
	v51 =	vmul.f32 v33, v23;
	v54 =	vmul.f32 v3, v26  }
0x2be: {  	v46 =	vld.idx.msk [tilespmem:v46+s28+$0x0], $0xffff;
	v35 =	vadd.f32 v40, v37;
	v37 =	vmul.f32 v43, v32;
	v40 =	vmul.f32 v50, v30  }
0x2bf: {  	v10 =	vadd.f32 v15, v48;
	v0 =	vmul.f32 $6.275089720e+02, v0;
	v11 =	vmul.f32 $1.889726160e+00, v54  }
0x2c0: {  	s17 =	sadd.s32 $0x20, s17;
	v43 =	vmul.f32 v42, v63;
	v50 =	vmul.f32 v49, v30;
	v1 =	vadd.f32 v52, v51  }
0x2c1: {  	v9 =	vadd.f32 v37, v62;
	[tilespmem:s17+$0xFFFFFFF0] =	vst v0;
	v0 =	vmul.f32 v36, v63;
	v59 =	vmul.f32 v11, v24  }
0x2c2: {  	v58 =	vmul.f32 v38, v22;
	v7 =	vadd.f32 v43, v7;
	v30 =	vadd.f32 v42, v35  }
0x2c3: {  	v0 =	vadd.f32 v0, v9;
	v9 =	vmul.f32 v46, v53;
	v56 =	vpop (erf);
	v15 =	vsub.f32 $0.0e+00, v59  }
0x2c4: {  	v7 =	vadd.f32 v40, v7;
	v5 =	vmul.f32 v56, v60;
	v60 =	vmul.f32 v11, v25  }
0x2c5: {  	v0 =	vadd.f32 v50, v0;
	v26 =	vadd.f32 v36, v41;
	v15 =	vmul.f32 $1.442695020e+00, v15  }
0x2c6: {  	v41 =	vmul.f32 v33, v29;
	v57 =	vmul.f32 v56, v2;
	v25 =	vsub.f32 $0.0e+00, v60  }
0x2c7: {  	v19 =	vld.idx.msk [tilespmem:v45+s26+$0x0], $0xffff;
	v7 =	vadd.f32 v55, v7;
	v23 =	vmul.f32 v11, v11;
	(erf) = vpow2.f32 v15  }
0x2c8: {  	v17 =	vld.idx.msk [tilespmem:v45+s28+$0x0], $0xffff;
	v29 =	vadd.f32 v61, v1;
	v0 =	vadd.f32 v9, v0;
	v25 =	vmul.f32 $1.442695020e+00, v25  }
0x2c9: {  	v45 =	vld.idx.msk [tilespmem:v44+s26+$0x0], $0xffff;
	v14 =	vnsel vm0, $0x0, v57;
	v62 =	vadd.f32 $1.000000000e+00, v59;
	v4 =	vmul.f32 v23, v4  }
0x2ca: {  	v44 =	vld.idx.msk [tilespmem:v44+s28+$0x0], $0xffff;
	v5 =	vnsel vm0, $0x0, v5;
	v24 =	vmul.f32 $3.333333430e-01, v23;
	(erf) = vpow2.f32 v25  }
0x2cb: {  	v27 =	vmul.f32 $5.000000000e-01, v59;
	v63 =	vadd.f32 v4, v62;
	v4 =	vmul.f32 v4, v59  }
0x2cc: {  	v13 =	vadd.f32 $1.000000000e+00, v60;
	v6 =	vmul.f32 v24, v6;
	v15 =	vmul.f32 v22, v20  }
0x2cd: {  	v2 =	vmul.f32 v24, v2;
	v37 =	vadd.f32 $1.000000000e+00, v27;
	v4 =	vmul.f32 $3.333333430e-01, v4  }
0x2ce: {  	v6 =	vadd.f32 v6, v62;
	v22 =	vmul.f32 $5.291771890e-01, v3;
	v42 =	vmul.f32 v45, v15  }
0x2cf: {  	v2 =	vadd.f32 v2, v13;
	v43 =	vmul.f32 v44, v15;
	v44 =	vmul.f32 v34, v28  }
0x2d0: {  	v25 =	vadd.f32 v58, v10;
	v4 =	vadd.f32 v4, v63;
	v45 =	vmul.f32 v39, v38;
	v48 =	vpop (erf)  }
0x2d1: {  	v27 =	vadd.f32 v42, v7;
	v46 =	vadd.f32 v44, v41;
	v49 =	vmul.f32 v48, v14  }
0x2d2: {  	v33 =	vadd.f32 v43, v0;
	v50 =	vmul.f32 v4, v48;
	v56 =	vmul.f32 v48, v63  }
0x2d3: {  	v28 =	vadd.f32 v45, v46;
	v51 =	vpop (erf);
	v57 =	vmul.f32 v48, v62;
	v0 =	vmul.f32 v48, v37  }
0x2d4: {  	v32 =	vsub.f32 $1.000000000e+00, v48;
	v5 =	vmul.f32 v51, v5;
	v52 =	vmul.f32 v51, v2  }
0x2d5: {  	v40 =	vsub.f32 $1.000000000e+00, v51;
	v4 =	vmul.f32 v51, v13;
	v53 =	vmul.f32 v49, v62  }
0x2d6: {  	v54 =	vmul.f32 v49, v6;
	v3 =	vsub.f32 $1.000000000e+00, v50;
	v1 =	vsub.f32 $1.000000000e+00, v49  }
0x2d7: {  	v6 =	vmul.f32 v48, v6;
	v58 =	vsub.f32 $1.000000000e+00, v56;
	v63 =	vsub.f32 $1.000000000e+00, v57  }
0x2d8: {  	v38 =	vsub.f32 $1.000000000e+00, v0;
	v2 =	vmul.f32 v5, v2;
	v10 =	vsub.f32 $1.000000000e+00, v54  }
0x2d9: {  	s18 =	sadd.s32 $0x2, s18;
	v7 =	vsub.f32 $1.000000000e+00, v52;
	v55 =	vmul.f32 v5, v13;
	v9 =	vsub.f32 $1.000000000e+00, v53  }
0x2da: {  	p0 =	slt.u32 s18, $0x16;
	v21 =	vmul.f32 v22, v22;
	v6 =	vsub.f32 $1.000000000e+00, v6;
	v2 =	vsub.f32 v10, v2  }
.Ltmp1:
0x2db: {  	v31 =	vmul.f32 v29, v25;
	v35 =	vsub.f32 $1.000000000e+00, v4;
	v9 =	vsub.f32 v9, v55;
	(pc) =	sbr.rel @p0 .LBB2_5-.Ltmp1, $4  }
0x2dc: {  	v60 =	vmul.f32 v7, v16;
	v59 =	vmul.f32 v6, v18;
	v43 =	vsel vm0, v2, v3  }
0x2dd: {  	v20 =	vsel vm0, v9, v58;
	v61 =	vmul.f32 v43, v17;
	v62 =	vmul.f32 v43, v19  }
0x2de: {  	[tilespmem:s16+$0x0] =	vst v47;
	v36 =	vsub.f32 v1, v5;
	v48 =	vmul.f32 v63, v18;
	v47 =	vmul.f32 v20, v17  }
0x2df: {  	s2 =	sadd.s32 $0x20, s2;
	s16 =	smov.u32 s17;
	v49 =	vmul.f32 v20, v19;
	v37 =	vadd.f32 v61, v59;
	v34 =	vadd.f32 v62, v60  }
0x2e0: {  	v0 =	vmul.f32 v35, v16  }
0x2e1: {  	v4 =	vmul.f32 v43, v31;
	v6 =	vmul.f32 v40, v16  }
0x2e2: {  	v1 =	vsel vm0, v36, v38;
	v8 =	vmul.f32 v20, v28;
	v2 =	vmul.f32 v34, v33  }
0x2e3: {  	v5 =	vadd.f32 v47, v48;
	v3 =	vmul.f32 v37, v27;
	v1 =	vmul.f32 v1, v19  }
0x2e4: {  	v37 =	vmul.f32 v32, v19;
	v0 =	vadd.f32 v49, v0;
	v4 =	vmul.f32 $3.000000000e+00, v4  }
0x2e5: {  	v38 =	vmul.f32 v5, v30;
	v5 =	vmul.f32 v5, v25;
	v2 =	vadd.f32 v3, v2  }
0x2e6: {  	v1 =	vadd.f32 v1, v6;
	v3 =	vadd.f32 v37, v16;
	v7 =	vmul.f32 v0, v26  }
0x2e7: {  	v40 =	vmul.f32 v8, v23;
	v0 =	vmul.f32 v0, v29;
	v2 =	vsub.f32 v2, v4  }
0x2e8: {  	v1 =	vmul.f32 v1, v17;
	v3 =	vmul.f32 v3, v18;
	v39 =	vadd.f32 v38, v7  }
0x2e9: {  	v41 =	vmul.f32 v21, v22;
	v0 =	vsub.f32 v5, v0  }
0x2ea: {  	v2 =	vadd.f32 v2, v40;
	v1 =	vadd.f32 v1, v3;
	v4 =	vmul.f32 v39, v24  }
0x2eb: {  	v42 =	vmul.f32 v41, v21  }
0x2ec: {  	v0 =	vmul.f32 v0, v41;
	v1 =	vmul.f32 v1, v22;
	v2 =	vsub.f32 v2, v4;
	_ =	sdelay $0x1  }
0x2ed: {  	v0 =	vadd.f32 v0, v1;
	v2 =	vmul.f32 v2, v42;
	_ =	sdelay $0x1  }
0x2ee: {  	v0 =	vadd.f32 v2, v0;
	_ =	sdelay $0x1  }
0x2ef: {  	v0 =	vmul.f32 $6.275089720e+02, v0;
	_ =	sdelay $0x1  }
0x2f0: {  	[tilespmem:s16+$0x0] =	vst v0  }
0x2f1: {  	v43 =	vld [tilespmem:$0x1FEF0];
	_ =	sdelay $0x1  }
0x2f2: {  	v44 =	vld [tilespmem:$0x1FF00];
	_ =	sdelay $0x1  }
0x2f3: {  	v46 =	vld [tilespmem:$0x1FF10];
	_ =	sdelay $0x3  }
0x2f4: {  	v0 =	vld.idx.msk [tilespmem:v43+s28+$0x0], $0xffff  }
0x2f5: {  	v1 =	vld.idx.msk [tilespmem:v43+s26+$0x0], $0xffff  }
0x2f6: {  	v45 =	vld.idx.msk [tilespmem:v44+s28+$0x0], $0xffff  }
0x2f7: {  	v3 =	vld.idx.msk [tilespmem:v44+s26+$0x0], $0xffff  }
0x2f8: {  	v47 =	vld.idx.msk [tilespmem:v46+s28+$0x0], $0xffff  }
0x2f9: {  	v5 =	vld.idx.msk [tilespmem:v46+s26+$0x0], $0xffff;
	_ =	sdelay $0x2  }
0x2fa: {  	v0 =	vsub.f32 v0, v1;
	v48 =	vsub.f32 v45, v3;
	_ =	sdelay $0x1  }
0x2fb: {  	v49 =	vsub.f32 v47, v5;
	v50 =	vmul.f32 v0, v0;
	v51 =	vmul.f32 v48, v48;
	_ =	sdelay $0x1  }
0x2fc: {  	v52 =	vmul.f32 v49, v49;
	v3 =	vadd.f32 v51, v50;
	_ =	sdelay $0x1  }
0x2fd: {  	v3 =	vadd.f32 v52, v3;
	_ =	sdelay $0x1  }
0x2fe: {  	v3 =	vmax.f32 v3, $1.000000010e-10  }
0x2ff: {  	v53 =	vshrl.u32 v3, $0x1;
	v54 =	vmul.f32 $5.000000000e-01, v3  }
0x300: {  	v4 =	vsub.s32 $0x5F3759DF, v53  }
0x301: {  	v55 =	vmul.f32 v4, v54;
	_ =	sdelay $0x1  }
0x302: {  	v6 =	vmul.f32 v4, v55;
	_ =	sdelay $0x1  }
0x303: {  	v6 =	vsub.f32 $1.500000000e+00, v6;
	_ =	sdelay $0x1  }
0x304: {  	v4 =	vmul.f32 v4, v6  }
0x305: {  	v56 =	vld [tilespmem:$0x1FF20]  }
0x306: {  	v5 =	vmul.f32 v4, v54;
	_ =	sdelay $0x1  }
0x307: {  	v5 =	vmul.f32 v5, v4;
	_ =	sdelay $0x1  }
0x308: {  	v5 =	vsub.f32 $1.500000000e+00, v5;
	_ =	sdelay $0x1  }
0x309: {  	v40 =	vld [tilespmem:$0x1FF30];
	v4 =	vmul.f32 v5, v4  }
0x30a: {  	v57 =	vld.idx.msk [tilespmem:v56+s26+$0x0], $0xffff  }
0x30b: {  	v6 =	vld.idx.msk [tilespmem:v56+s28+$0x0], $0xffff;
	v3 =	vmul.f32 v4, v3;
	_ =	sdelay $0x1  }
0x30c: {  	v44 =	vld [tilespmem:$0x1FF40];
	v3 =	vmul.f32 $1.889726160e+00, v3;
	_ =	sdelay $0x1  }
0x30d: {  	v46 =	vld [tilespmem:$0x1FF50];
	v58 =	vmul.f32 v3, v57  }
0x30e: {  	v11 =	vmul.f32 v57, v57;
	v59 =	vmul.f32 v3, v6  }
0x30f: {  	v0 =	vmul.f32 $1.889726160e+00, v0;
	v5 =	vsub.f32 v57, v6;
	v57 =	vld [tilespmem:$0x1FF70];
	v9 =	vsub.f32 $0.0e+00, v58  }
0x310: {  	v42 =	vld [tilespmem:$0x1FFC0];
	v36 =	vmul.f32 $5.000000000e-01, v11;
	v12 =	vmul.f32 v6, v6;
	v10 =	vsub.f32 $0.0e+00, v59  }
0x311: {  	v21 =	vld.idx.msk [tilespmem:v40+s26+$0x0], $0xffff;
	v1 =	vmul.f32 $1.889726160e+00, v48;
	v60 =	vmul.f32 $1.442695020e+00, v9  }
0x312: {  	v47 =	vld.idx.msk [tilespmem:v40+s28+$0x0], $0xffff;
	v62 =	vsub.f32 v12, v11;
	v5 =	vand.u32 $0x7FFFFFFF, v5;
	v61 =	vmul.f32 $1.442695020e+00, v10  }
0x313: {  	v2 =	vmul.f32 $1.889726160e+00, v49;
	v25 =	vld.idx.msk [tilespmem:v44+s28+$0x0], $0xffff;
	vm15 =	vgt.f32 v5, $9.999999970e-07;
	(erf) = vpow2.f32 v60  }
0x314: {  	v41 =	vld [tilespmem:$0x1FFD0];
	v5 =	vnsel vm15, $0x3F800000, v62;
	v18 =	vmul.f32 v3, v3;
	(erf) = vpow2.f32 v61  }
0x315: {  	v24 =	vld.idx.msk [tilespmem:v46+s26+$0x0], $0xffff;
	v48 =	vmul.f32 v1, v1;
	(erf) = vrcp.f32 v5  }
0x316: {  	v45 =	vld.idx.msk [tilespmem:v44+s26+$0x0], $0xffff;
	v56 =	vmul.f32 v21, v0;
	v9 =	vmul.f32 v18, v36  }
0x317: {  	v33 =	vsub.f32 $0.0e+00, v11;
	v21 =	vmul.f32 v47, v21;
	v16 =	vmul.f32 $5.291771890e-01, v4;
	v26 =	vld.idx.msk [tilespmem:v57+s26+$0x0], $0xffff  }
0x318: {  	v62 =	vmul.f32 v25, v1;
	v13 =	vadd.f32 $1.000000000e+00, v58;
	v7 =	vmul.f32 v9, v58  }
0x319: {  	v17 =	vmul.f32 $3.333333430e-01, v18;
	v37 =	vmul.f32 $5.000000000e-01, v58;
	v8 =	vadd.f32 $1.000000000e+00, v59  }
0x31a: {  	v59 =	vmul.f32 v24, v2;
	v9 =	vadd.f32 v9, v13;
	v7 =	vmul.f32 $3.333333430e-01, v7  }
0x31b: {  	v15 =	vld.idx.msk [tilespmem:v42+s26+$0x0], $0xffff;
	v11 =	vmul.f32 v17, v11;
	v10 =	vadd.f32 $1.000000000e+00, v37;
	v58 =	vmul.f32 v45, v1  }
0x31c: {  	v20 =	vld.idx.msk [tilespmem:v41+s26+$0x0], $0xffff;
	v61 =	vmul.f32 v47, v0;
	v7 =	vadd.f32 v7, v9;
	v39 =	vmul.f32 v26, v48;
	v63 =	vpop (erf)  }
0x31d: {  	v55 =	vld [tilespmem:$0x1FF60];
	v30 =	vpop (erf);
	v10 =	vmul.f32 v63, v10;
	v9 =	vmul.f32 v63, v9  }
0x31e: {  	v50 =	vld [tilespmem:$0x1FF90];
	v7 =	vmul.f32 v7, v63;
	v54 =	vmul.f32 v63, v13;
	v5 =	vsub.f32 $1.000000000e+00, v63;
	v31 =	vpop (erf)  }
0x31f: {  	v27 =	vld.idx.msk [tilespmem:v57+s28+$0x0], $0xffff;
	v6 =	vsub.f32 $1.000000000e+00, v30;
	v32 =	vmul.f32 v31, v12;
	v35 =	vmul.f32 v31, v33  }
0x320: {  	v12 =	vmul.f32 v17, v12;
	v52 =	vsub.f32 $1.000000000e+00, v7;
	v7 =	vmul.f32 v16, v16  }
0x321: {  	v11 =	vadd.f32 v11, v13;
	v5 =	vmul.f32 v5, v20;
	v6 =	vmul.f32 v6, v15  }
0x322: {  	v34 =	vnsel vm15, $0x0, v32;
	v4 =	vnsel vm15, $0x0, v35;
	v12 =	vadd.f32 v12, v8  }
0x323: {  	v60 =	vld [tilespmem:$0x1FF80];
	v10 =	vsub.f32 $1.000000000e+00, v10;
	v3 =	vmul.f32 v63, v34;
	v4 =	vmul.f32 v30, v4  }
0x324: {  	v9 =	vsub.f32 $1.000000000e+00, v9;
	v34 =	vmul.f32 v27, v48;
	v53 =	vmul.f32 v30, v12  }
0x325: {  	v32 =	vld.idx.msk [tilespmem:v55+s28+$0x0], $0xffff;
	v14 =	vsub.f32 $1.000000000e+00, v3;
	v38 =	vmul.f32 v3, v13;
	v3 =	vmul.f32 v3, v11  }
0x326: {  	v44 =	vld [tilespmem:$0x1FFB0];
	v5 =	vadd.f32 v5, v15;
	v43 =	vmul.f32 v4, v8;
	v8 =	vmul.f32 v30, v8  }
0x327: {  	v51 =	vld.idx.msk [tilespmem:v50+s26+$0x0], $0xffff;
	v11 =	vmul.f32 v63, v11;
	v30 =	vadd.f32 v62, v61;
	v14 =	vsub.f32 v14, v4  }
0x328: {  	v13 =	vld.idx.msk [tilespmem:v55+s26+$0x0], $0xffff;
	v63 =	vmul.f32 v0, v0;
	v19 =	vsub.f32 $1.000000000e+00, v38;
	v3 =	vsub.f32 $1.000000000e+00, v3  }
0x329: {  	v57 =	vld.idx.msk [tilespmem:v50+s28+$0x0], $0xffff;
	v4 =	vmul.f32 v4, v12;
	v8 =	vsub.f32 $1.000000000e+00, v8;
	v12 =	vsub.f32 $1.000000000e+00, v54  }
0x32a: {  	v55 =	vld [tilespmem:$0x1FFA0];
	v11 =	vsub.f32 $1.000000000e+00, v11;
	v54 =	vmul.f32 v25, v45;
	v33 =	vmul.f32 v32, v63  }
0x32b: {  	v29 =	vld.idx.msk [tilespmem:v60+s26+$0x0], $0xffff;
	v19 =	vsub.f32 v19, v43;
	v3 =	vsub.f32 v3, v4;
	v10 =	vsel vm15, v14, v10  }
0x32c: {  	v45 =	vld.idx.msk [tilespmem:v41+s28+$0x0], $0xffff;
	v4 =	vsub.f32 $1.000000000e+00, v53;
	v21 =	vadd.f32 v54, v21;
	v8 =	vmul.f32 v8, v15  }
0x32d: {  	v28 =	vld.idx.msk [tilespmem:v60+s28+$0x0], $0xffff;
	v33 =	vadd.f32 v34, v33;
	v53 =	vmul.f32 v13, v63;
	v10 =	vmul.f32 v10, v20  }
0x32e: {  	v60 =	vld.idx.msk [tilespmem:v44+s26+$0x0], $0xffff;
	v9 =	vsel vm15, v19, v9;
	v3 =	vsel vm15, v3, v52;
	v52 =	vmul.f32 v2, v2  }
0x32f: {  	v62 =	vld.idx.msk [tilespmem:v44+s28+$0x0], $0xffff;
	v19 =	vadd.f32 v58, v56;
	v58 =	vmul.f32 v1, v0;
	v0 =	vmul.f32 v2, v0  }
0x330: {  	v14 =	vld.idx.msk [tilespmem:v46+s28+$0x0], $0xffff;
	v13 =	vadd.f32 v26, v13;
	v1 =	vmul.f32 v2, v1;
	v4 =	vmul.f32 v4, v15  }
0x331: {  	v43 =	vld.idx.msk [tilespmem:v42+s28+$0x0], $0xffff;
	v38 =	vadd.f32 v39, v53;
	v50 =	vmul.f32 v9, v45;
	v53 =	vmul.f32 v3, v20  }
0x332: {  	v19 =	vadd.f32 v59, v19;
	v56 =	vld.idx.msk [tilespmem:v55+s26+$0x0], $0xffff;
	v59 =	vmul.f32 v29, v52;
	v36 =	vmul.f32 v51, v58  }
0x333: {  	v13 =	vadd.f32 v29, v13;
	v61 =	vld.idx.msk [tilespmem:v55+s28+$0x0], $0xffff;
	v63 =	vmul.f32 v28, v52;
	v25 =	vmul.f32 v57, v58  }
0x334: {  	v6 =	vadd.f32 v10, v6;
	v47 =	vmul.f32 v60, v1;
	v1 =	vmul.f32 v62, v1  }
0x335: {  	v51 =	vmul.f32 v9, v20;
	v52 =	vmul.f32 v3, v45;
	v38 =	vadd.f32 v59, v38  }
0x336: {  	v49 =	vmul.f32 v14, v2;
	v14 =	vmul.f32 v14, v24;
	v46 =	vadd.f32 v63, v33  }
0x337: {  	v12 =	vmul.f32 v12, v43;
	v4 =	vadd.f32 v53, v4;
	v44 =	vadd.f32 v36, v38  }
0x338: {  	v48 =	vadd.f32 v25, v46;
	v23 =	vmul.f32 v56, v0;
	v0 =	vmul.f32 v61, v0  }
0x339: {  	v11 =	vmul.f32 v11, v43;
	v30 =	vadd.f32 v49, v30;
	v14 =	vadd.f32 v14, v21  }
0x33a: {  	v6 =	vmul.f32 v6, v45;
	v2 =	vadd.f32 v23, v44;
	v0 =	vadd.f32 v0, v48  }
0x33b: {  	v49 =	vadd.f32 v27, v32;
	v11 =	vadd.f32 v52, v11;
	v54 =	vmul.f32 v30, v19  }
0x33c: {  	v5 =	vmul.f32 v5, v43;
	v2 =	vadd.f32 v47, v2;
	v0 =	vadd.f32 v1, v0  }
0x33d: {  	v55 =	vadd.f32 v50, v12;
	v21 =	vadd.f32 v28, v49;
	v3 =	vmul.f32 v3, v54  }
0x33e: {  	v1 =	vadd.f32 v51, v8;
	v0 =	vmul.f32 v4, v0;
	v2 =	vmul.f32 v11, v2  }
0x33f: {  	v56 =	vmul.f32 v9, v14;
	v58 =	vmul.f32 v55, v13  }
0x340: {  	v3 =	vmul.f32 $-3.000000000e+00, v3;
	v57 =	vmul.f32 v1, v21;
	v0 =	vadd.f32 v2, v0  }
0x341: {  	v59 =	vmul.f32 v55, v19;
	v60 =	vmul.f32 v56, v18  }
0x342: {  	v1 =	vmul.f32 v1, v30;
	v2 =	vadd.f32 v58, v57;
	v0 =	vadd.f32 v3, v0  }
0x343: {  	v5 =	vadd.f32 v6, v5;
	v61 =	vmul.f32 v7, v16  }
0x344: {  	v1 =	vsub.f32 v59, v1;
	v2 =	vmul.f32 v2, v17;
	v0 =	vadd.f32 v0, v60  }
0x345: {  	v63 =	vmul.f32 v5, v16  }
0x346: {  	v62 =	vmul.f32 v61, v7;
	v1 =	vmul.f32 v1, v61;
	v0 =	vsub.f32 v0, v2;
	_ =	sdelay $0x1  }
0x347: {  	v1 =	vadd.f32 v1, v63;
	v0 =	vmul.f32 v0, v62  }
0x348: {  	s12 =	sadd.s32 $0x1, s12  }
0x349: {  	p0 =	sne.s32 s12, $0x3E;
	v0 =	vadd.f32 v0, v1  }
.Ltmp2:
0x34a: {  	_ = 	snop;
	(pc) =	sbr.rel @p0 .LBB2_2-.Ltmp2, $4  }
0x34b: {  	s2 =	sadd.s32 s13, s9;
	v0 =	vmul.f32 $6.275089720e+02, v0  }
0x34c: {  	s2 =	sshrl.u32 s2, $0x3  }
0x34d: {  	s2 =	sadd.s32 s4, s2;
	[tilespmem:$0x6D50] =	vst v0  }
0x34e: {  	v57 =	vld [tilespmem:$0x1FFF0];
	[hbm4b:s2+s5] =	stream.linear.scatter [tilespmem:s0], [sflag:$0x6], $0x190, $0x38  }
0x34f: {  	_ = 	snop  }
0x350: {  	_ =	swait.ge [sflag:s24], $0x1900;
	s2 =	simm.s32 $0x0  }
0x351: {  	[sflag:s24] =	ssyncset.done $0x0;
	v0 =	vmov s2  }
0x352: {  	[sflag:s24] =	ssyncadd.s32 $0xFFFFE700;
	v0 =	vshll.u32 v0, $0x4  }
0x353: {  	_ =	swait.ge [sflag:s24], $0x1900;
	v34 =	vor.u32 v57, v0  }
0x354: {  	[sflag:s24] =	ssyncset.done $0x0;
	v0 =	vor.u32 $0x1, v34  }
0x355: {  	s17 =	simm.s32 $0x5;
	[sflag:s24] =	ssyncadd.s32 $0xFFFFE700  }
0x356: {  	s18 =	simm.s32 $0x10;
	v1 =	vor.u32 $0x2, v34;
	_ =	swait.ge [sflag:s17], $0x190  }
0x357: {  	v2 =	vmov s18;
	[sflag:s17] =	ssyncset.done $0x0  }
0x358: {  	v2 =	vshll.u32 v2, $0x4;
	v3 =	vor.u32 $0x3, v34;
	[sflag:s17] =	ssyncadd.s32 $0xFFFFFE70  }
0x359: {  	v17 =	vor.u32 v57, v2;
	v52 =	vld.idx.msk [tilespmem:v0+s22+$0x0], $0xffff  }
0x35a: {  	v4 =	vor.u32 $0x1, v17;
	v0 =	vld.idx.msk [tilespmem:v0+s21+$0x0], $0xffff  }
0x35b: {  	v5 =	vld.idx.msk [tilespmem:v1+s22+$0x0], $0xffff  }
0x35c: {  	v6 =	vor.u32 $0x2, v17;
	v1 =	vld.idx.msk [tilespmem:v1+s21+$0x0], $0xffff  }
0x35d: {  	v7 =	vld.idx.msk [tilespmem:v3+s22+$0x0], $0xffff  }
0x35e: {  	v8 =	vor.u32 $0x3, v17;
	v3 =	vld.idx.msk [tilespmem:v3+s21+$0x0], $0xffff  }
0x35f: {  	v9 =	vld.idx.msk [tilespmem:v4+s22+$0x0], $0xffff  }
0x360: {  	v53 =	vor.u32 $0x5, v34;
	v4 =	vld.idx.msk [tilespmem:v4+s21+$0x0], $0xffff  }
0x361: {  	v55 =	vor.u32 $0x6, v34;
	v11 =	vld.idx.msk [tilespmem:v6+s22+$0x0], $0xffff  }
0x362: {  	v54 =	vld.idx.msk [tilespmem:v6+s21+$0x0], $0xffff  }
0x363: {  	v12 =	vld.idx.msk [tilespmem:v8+s22+$0x0], $0xffff  }
0x364: {  	v8 =	vld.idx.msk [tilespmem:v8+s21+$0x0], $0xffff  }
0x365: {  	v59 =	vld.idx.msk [tilespmem:v53+s21+$0x0], $0xffff  }
0x366: {  	v36 =	vld.idx.msk [tilespmem:v55+s21+$0x0], $0xffff;
	v0 =	vsub.f32 v52, v0;
	v1 =	vsub.f32 v5, v1  }
0x367: {  	v10 =	vor.u32 $0x7, v34;
	v31 =	vor.u32 $0xE, v17;
	v27 =	vor.u32 $0x8, v17;
	v2 =	vld.idx.msk [tilespmem:v53+s22+$0x0], $0xffff  }
0x368: {  	v6 =	vld.idx.msk [tilespmem:v55+s22+$0x0], $0xffff;
	v3 =	vsub.f32 v7, v3;
	v56 =	vmul.f32 v0, v0;
	v13 =	vmul.f32 v1, v1  }
0x369: {  	v28 =	vor.u32 $0x9, v17;
	v26 =	vor.u32 $0xA, v17;
	v22 =	vor.u32 $0x5, v17  }
0x36a: {  	v19 =	vor.u32 $0xE, v34;
	v58 =	vmul.f32 v3, v3;
	v7 =	vadd.f32 v13, v56  }
0x36b: {  	v15 =	vor.u32 $0x8, v34;
	v60 =	vor.u32 $0x9, v34;
	v4 =	vsub.f32 v9, v4  }
0x36c: {  	v5 =	vsub.f32 v11, v54;
	v42 =	vmul.f32 v2, v59;
	v7 =	vadd.f32 v58, v7  }
0x36d: {  	v8 =	vsub.f32 v12, v8;
	v45 =	vmul.f32 v6, v36;
	v61 =	vmul.f32 v4, v4  }
0x36e: {  	v62 =	vmul.f32 v5, v5;
	v23 =	vmul.f32 $1.889726160e+00, v4;
	v7 =	vmax.f32 v7, $1.000000010e-10  }
0x36f: {  	v40 =	vld.idx.msk [tilespmem:v19+s22+$0x0], $0xffff;
	v18 =	vmul.f32 $1.889726160e+00, v5;
	v20 =	vshrl.u32 v7, $0x1;
	v35 =	vmul.f32 $5.000000000e-01, v7  }
0x370: {  	v12 =	vld.idx.msk [tilespmem:v19+s21+$0x0], $0xffff;
	v29 =	vmul.f32 v8, v8;
	v19 =	vmul.f32 $1.889726160e+00, v8;
	v56 =	vsub.s32 $0x5F3759DF, v20  }
0x371: {  	v21 =	vor.u32 $0x6, v17;
	v0 =	vmul.f32 $1.889726160e+00, v0;
	v30 =	vmul.f32 v56, v35  }
0x372: {  	v39 =	vor.u32 $0xA, v34;
	v63 =	vld.idx.msk [tilespmem:v15+s21+$0x0], $0xffff;
	v3 =	vmul.f32 $1.889726160e+00, v3;
	v1 =	vmul.f32 $1.889726160e+00, v1  }
0x373: {  	v37 =	vor.u32 $0x4, v34;
	v38 =	vld.idx.msk [tilespmem:v60+s21+$0x0], $0xffff;
	v33 =	vmul.f32 v23, v23;
	v30 =	vmul.f32 v56, v30  }
0x374: {  	v46 =	vor.u32 $0xC, v34;
	v32 =	vmul.f32 v18, v18;
	v9 =	vmul.f32 v59, v0  }
0x375: {  	v14 =	vld.idx.msk [tilespmem:v10+s21+$0x0], $0xffff;
	v53 =	vmul.f32 v3, v1;
	v54 =	vmul.f32 v36, v1;
	v41 =	vsub.f32 $1.500000000e+00, v30  }
0x376: {  	v47 =	vor.u32 $0xB, v34;
	v10 =	vld.idx.msk [tilespmem:v10+s22+$0x0], $0xffff;
	v2 =	vmul.f32 v2, v0;
	v6 =	vmul.f32 v6, v1  }
0x377: {  	v11 =	vadd.f32 v62, v61;
	v61 =	vmul.f32 v3, v0;
	v5 =	vmul.f32 v56, v41  }
0x378: {  	v48 =	vadd.f32 v38, v63;
	v55 =	vmul.f32 v1, v0;
	v0 =	vmul.f32 v0, v0  }
0x379: {  	v15 =	vld.idx.msk [tilespmem:v15+s22+$0x0], $0xffff;
	v42 =	vadd.f32 v45, v42;
	v1 =	vmul.f32 v1, v1;
	v35 =	vmul.f32 v5, v35  }
0x37a: {  	v8 =	vld.idx.msk [tilespmem:v60+s22+$0x0], $0xffff;
	v43 =	vmul.f32 v12, v12;
	v11 =	vadd.f32 v29, v11;
	v29 =	vmul.f32 v18, v23  }
0x37b: {  	v44 =	vld.idx.msk [tilespmem:v39+s21+$0x0], $0xffff;
	v13 =	vor.u32 $0xD, v34;
	v58 =	vmul.f32 v10, v14;
	v52 =	vmul.f32 v35, v5  }
0x37c: {  	v39 =	vld.idx.msk [tilespmem:v39+s22+$0x0], $0xffff;
	v51 =	vsub.f32 v12, v40;
	v14 =	vmul.f32 v14, v3;
	v10 =	vmul.f32 v10, v3  }
0x37d: {  	v3 =	vmul.f32 v3, v3;
	v4 =	vmul.f32 v63, v0;
	v52 =	vsub.f32 $1.500000000e+00, v52  }
0x37e: {  	v38 =	vmul.f32 v38, v1;
	v9 =	vadd.f32 v54, v9;
	v41 =	vmul.f32 v40, v40  }
0x37f: {  	v59 =	vld.idx.msk [tilespmem:v46+s21+$0x0], $0xffff;
	v0 =	vmul.f32 v15, v0;
	v49 =	vadd.f32 v8, v15;
	v5 =	vmul.f32 v52, v5  }
0x380: {  	v46 =	vld.idx.msk [tilespmem:v46+s22+$0x0], $0xffff;
	v50 =	vmul.f32 $5.000000000e-01, v43;
	v60 =	vand.u32 $0x7FFFFFFF, v51;
	v62 =	vsub.f32 v41, v43  }
0x381: {  	vm0 =	vgt.f32 v60, $9.999999970e-07;
	v36 =	vadd.f32 v39, v49;
	v7 =	vmul.f32 v5, v7  }
0x382: {  	v30 =	vmax.f32 v11, $1.000000010e-10;
	v11 =	vadd.f32 v58, v42;
	v58 =	vld.idx.msk [tilespmem:v13+s21+$0x0], $0xffff;
	v49 =	vnsel vm0, $0x3F800000, v62  }
0x383: {  	v63 =	vld.idx.msk [tilespmem:v47+s21+$0x0], $0xffff;
	v2 =	vadd.f32 v6, v2;
	(erf) = vrcp.f32 v49;
	v7 =	vmul.f32 $1.889726160e+00, v7  }
0x384: {  	v1 =	vmul.f32 v8, v1;
	v4 =	vadd.f32 v38, v4;
	v60 =	vmul.f32 v39, v3  }
0x385: {  	v2 =	vadd.f32 v10, v2;
	v46 =	vmul.f32 v46, v61;
	v13 =	vld.idx.msk [tilespmem:v13+s22+$0x0], $0xffff;
	v12 =	vmul.f32 v7, v12  }
0x386: {  	v35 =	vadd.f32 v44, v48;
	v48 =	vmul.f32 v59, v61;
	v59 =	vmul.f32 v44, v3  }
0x387: {  	v42 =	vmul.f32 v58, v53;
	v3 =	vadd.f32 v14, v9;
	v56 =	vsub.f32 $0.0e+00, v12  }
0x388: {  	v62 =	vmul.f32 v63, v55;
	v4 =	vadd.f32 v59, v4;
	v15 =	vmul.f32 v7, v40  }
0x389: {  	v45 =	vsub.f32 $0.0e+00, v43;
	v9 =	vmul.f32 v2, v3;
	v61 =	vmul.f32 $1.442695020e+00, v56  }
0x38a: {  	v52 =	vld.idx.msk [tilespmem:v47+s22+$0x0], $0xffff;
	v4 =	vadd.f32 v62, v4;
	v47 =	vmul.f32 v13, v53;
	v40 =	vsub.f32 $0.0e+00, v15  }
0x38b: {  	v0 =	vadd.f32 v1, v0;
	v5 =	vmul.f32 $5.291771890e-01, v5;
	(erf) = vpow2.f32 v61  }
0x38c: {  	v4 =	vadd.f32 v48, v4;
	v44 =	vpop (erf);
	v7 =	vmul.f32 v7, v7;
	v63 =	vmul.f32 $1.442695020e+00, v40  }
0x38d: {  	v0 =	vadd.f32 v60, v0;
	v48 =	vmul.f32 v44, v41;
	v6 =	vmul.f32 v44, v45  }
0x38e: {  	v1 =	vadd.f32 v42, v4;
	v49 =	vmul.f32 v7, v50;
	(erf) = vpow2.f32 v63  }
0x38f: {  	v8 =	vmul.f32 $3.333333430e-01, v7;
	v50 =	vmul.f32 $5.000000000e-01, v12;
	v14 =	vadd.f32 $1.000000000e+00, v12  }
0x390: {  	v15 =	vadd.f32 $1.000000000e+00, v15;
	v40 =	vmul.f32 v52, v55;
	v12 =	vmul.f32 v49, v12  }
0x391: {  	v6 =	vnsel vm0, $0x0, v6;
	v10 =	vnsel vm0, $0x0, v48;
	v51 =	vmul.f32 v8, v41  }
0x392: {  	v4 =	vadd.f32 v49, v14;
	v0 =	vadd.f32 v40, v0;
	v12 =	vmul.f32 $3.333333430e-01, v12  }
0x393: {  	v13 =	vadd.f32 $1.000000000e+00, v50;
	v53 =	vmul.f32 v8, v43;
	v38 =	vadd.f32 v51, v15  }
0x394: {  	v41 =	vmul.f32 v5, v5;
	v0 =	vadd.f32 v46, v0;
	v12 =	vadd.f32 v12, v4;
	v52 =	vpop (erf)  }
0x395: {  	v45 =	vld.idx.msk [tilespmem:v37+s21+$0x0], $0xffff;
	v40 =	vadd.f32 v53, v14;
	v13 =	vmul.f32 v52, v13;
	v56 =	vmul.f32 v52, v14  }
0x396: {  	v0 =	vadd.f32 v47, v0;
	v4 =	vmul.f32 v52, v4;
	v12 =	vmul.f32 v12, v52  }
0x397: {  	v43 =	vld.idx.msk [tilespmem:v34+s21+$0x0], $0xffff;
	v54 =	vpop (erf);
	v60 =	vmul.f32 v52, v40;
	v10 =	vmul.f32 v52, v10;
	v39 =	vsub.f32 $1.000000000e+00, v52  }
0x398: {  	v55 =	vmul.f32 v54, v15;
	v58 =	vmul.f32 v54, v38;
	v59 =	vsub.f32 $1.000000000e+00, v54  }
0x399: {  	v6 =	vmul.f32 v54, v6;
	v13 =	vsub.f32 $1.000000000e+00, v13;
	v63 =	vsub.f32 $1.000000000e+00, v10  }
0x39a: {  	v34 =	vld.idx.msk [tilespmem:v34+s22+$0x0], $0xffff;
	v46 =	vsub.f32 $1.000000000e+00, v56;
	v39 =	vmul.f32 v39, v45;
	v40 =	vmul.f32 v10, v40  }
0x39b: {  	v4 =	vsub.f32 $1.000000000e+00, v4;
	v10 =	vmul.f32 v10, v14;
	v12 =	vsub.f32 $1.000000000e+00, v12  }
0x39c: {  	v61 =	vsub.f32 $1.000000000e+00, v55;
	v62 =	vmul.f32 v59, v43;
	v47 =	vsub.f32 $1.000000000e+00, v58  }
0x39d: {  	v38 =	vmul.f32 v6, v38;
	v51 =	vsub.f32 $1.000000000e+00, v40;
	v52 =	vsub.f32 v63, v6  }
0x39e: {  	v10 =	vsub.f32 $1.000000000e+00, v10;
	v6 =	vmul.f32 v6, v15;
	v15 =	vsub.f32 $1.000000000e+00, v60  }
0x39f: {  	v37 =	vld.idx.msk [tilespmem:v37+s22+$0x0], $0xffff;
	v53 =	vmul.f32 v46, v34;
	v55 =	vadd.f32 v39, v43;
	v42 =	vmul.f32 v61, v43  }
0x3a0: {  	v14 =	vsub.f32 v51, v38;
	v13 =	vsel vm0, v52, v13;
	v54 =	vmul.f32 v15, v34  }
0x3a1: {  	v6 =	vsub.f32 v10, v6;
	v15 =	vmul.f32 v47, v43;
	v51 =	vmul.f32 $5.000000000e-01, v30  }
0x3a2: {  	v25 =	vor.u32 $0xB, v17;
	v52 =	vmul.f32 v41, v5;
	v13 =	vmul.f32 v13, v45  }
0x3a3: {  	v12 =	vsel vm0, v14, v12;
	v4 =	vsel vm0, v6, v4;
	v14 =	vmul.f32 v55, v34  }
0x3a4: {  	v34 =	vshrl.u32 v30, $0x1;
	v56 =	vmul.f32 v12, v45;
	v58 =	vmul.f32 v12, v37  }
0x3a5: {  	v13 =	vadd.f32 v13, v62;
	v59 =	vmul.f32 v4, v37;
	v60 =	vmul.f32 v4, v45  }
0x3a6: {  	v9 =	vmul.f32 v12, v9;
	v4 =	vmul.f32 v4, v11;
	v50 =	vsub.s32 $0x5F3759DF, v34  }
0x3a7: {  	v15 =	vadd.f32 v56, v15;
	v6 =	vadd.f32 v58, v54;
	v63 =	vmul.f32 v13, v37  }
0x3a8: {  	v48 =	vld.idx.msk [tilespmem:v22+s22+$0x0], $0xffff;
	v61 =	vadd.f32 v60, v42;
	v9 =	vmul.f32 $3.000000000e+00, v9;
	v4 =	vmul.f32 v4, v7  }
0x3a9: {  	v38 =	vld.idx.msk [tilespmem:v31+s21+$0x0], $0xffff;
	v62 =	vadd.f32 v59, v53;
	v0 =	vmul.f32 v15, v0;
	v1 =	vmul.f32 v6, v1  }
0x3aa: {  	v16 =	vor.u32 $0x7, v17;
	v39 =	vld.idx.msk [tilespmem:v26+s22+$0x0], $0xffff;
	v53 =	vmul.f32 v50, v51;
	v56 =	vmul.f32 v52, v41  }
0x3ab: {  	v55 =	vld.idx.msk [tilespmem:v28+s21+$0x0], $0xffff;
	v36 =	vmul.f32 v61, v36;
	v37 =	vmul.f32 v62, v35;
	v0 =	vadd.f32 v1, v0  }
0x3ac: {  	v24 =	vor.u32 $0xC, v17;
	v40 =	vld.idx.msk [tilespmem:v25+s21+$0x0], $0xffff;
	v3 =	vmul.f32 v62, v3;
	v2 =	vmul.f32 v61, v2  }
0x3ad: {  	v54 =	vld.idx.msk [tilespmem:v27+s21+$0x0], $0xffff;
	v10 =	vmul.f32 v50, v53;
	v1 =	vadd.f32 v37, v36;
	v0 =	vsub.f32 v0, v9  }
0x3ae: {  	v58 =	vld.idx.msk [tilespmem:v27+s22+$0x0], $0xffff;
	v6 =	vadd.f32 v63, v14;
	v62 =	vmul.f32 v38, v38;
	v2 =	vsub.f32 v3, v2  }
0x3af: {  	v15 =	vld.idx.msk [tilespmem:v31+s22+$0x0], $0xffff;
	v10 =	vsub.f32 $1.500000000e+00, v10;
	v1 =	vmul.f32 v1, v8;
	v0 =	vadd.f32 v0, v4  }
0x3b0: {  	v20 =	vor.u32 $0x4, v17;
	v60 =	vld.idx.msk [tilespmem:v28+s22+$0x0], $0xffff;
	v42 =	vmul.f32 v55, v32;
	v59 =	vmul.f32 v6, v5  }
0x3b1: {  	v27 =	vld.idx.msk [tilespmem:v26+s21+$0x0], $0xffff;
	v2 =	vmul.f32 v2, v52;
	v7 =	vmul.f32 v50, v10;
	v0 =	vsub.f32 v0, v1  }
0x3b2: {  	v31 =	vld.idx.msk [tilespmem:v22+s21+$0x0], $0xffff;
	v22 =	vmul.f32 v19, v19;
	v3 =	vor.u32 $0xD, v17;
	v28 =	vmul.f32 $5.000000000e-01, v62  }
0x3b3: {  	v25 =	vld.idx.msk [tilespmem:v25+s22+$0x0], $0xffff;
	v12 =	vmul.f32 v7, v51;
	v1 =	vadd.f32 v2, v59;
	v0 =	vmul.f32 v0, v56  }
0x3b4: {  	v26 =	vmul.f32 v54, v33;
	v45 =	vmul.f32 v58, v33;
	v61 =	vsub.f32 v38, v15  }
0x3b5: {  	v43 =	vld.idx.msk [tilespmem:v21+s21+$0x0], $0xffff;
	v63 =	vmul.f32 v15, v15;
	v47 =	vmul.f32 v12, v7;
	v0 =	vadd.f32 v0, v1  }
0x3b6: {  	v49 =	vld.idx.msk [tilespmem:v21+s22+$0x0], $0xffff;
	v21 =	vmul.f32 v60, v32;
	v50 =	vmul.f32 v27, v22;
	v6 =	vand.u32 $0x7FFFFFFF, v61  }
0x3b7: {  	v41 =	vsub.f32 v63, v62;
	v34 =	vmul.f32 $6.275089720e+02, v0;
	v0 =	vsub.f32 $1.500000000e+00, v47  }
0x3b8: {  	v22 =	vmul.f32 v39, v22;
	v51 =	vmul.f32 v25, v29;
	vm0 =	vgt.f32 v6, $9.999999970e-07  }
0x3b9: {  	v44 =	vnsel vm0, $0x3F800000, v41;
	v1 =	vadd.f32 v21, v45;
	v0 =	vmul.f32 v0, v7  }
0x3ba: {  	v25 =	vmul.f32 v43, v18;
	v6 =	vadd.f32 v42, v26;
	v26 =	vld.idx.msk [tilespmem:v24+s21+$0x0], $0xffff;
	(erf) = vrcp.f32 v44  }
0x3bb: {  	v24 =	vld.idx.msk [tilespmem:v24+s22+$0x0], $0xffff;
	v21 =	vmul.f32 v31, v23;
	v1 =	vadd.f32 v22, v1;
	v22 =	vmul.f32 v0, v30  }
0x3bc: {  	v53 =	vld.idx.msk [tilespmem:v16+s21+$0x0], $0xffff;
	v10 =	vmul.f32 v40, v29;
	v52 =	vmul.f32 v48, v23;
	v4 =	vadd.f32 v55, v54  }
0x3bd: {  	v16 =	vld.idx.msk [tilespmem:v16+s22+$0x0], $0xffff;
	v54 =	vmul.f32 v49, v18;
	v55 =	vadd.f32 v25, v21;
	v21 =	vmul.f32 $1.889726160e+00, v22  }
0x3be: {  	v46 =	vsub.f32 $0.0e+00, v62;
	v42 =	vmul.f32 v49, v43;
	v23 =	vmul.f32 v19, v23  }
0x3bf: {  	v5 =	vadd.f32 v60, v58;
	v41 =	vmul.f32 v48, v31;
	v11 =	vmul.f32 v21, v38  }
0x3c0: {  	v6 =	vadd.f32 v50, v6;
	v56 =	vmul.f32 v26, v23;
	v22 =	vmul.f32 v24, v23  }
0x3c1: {  	v59 =	vmul.f32 v21, v15;
	v23 =	vmul.f32 v21, v21;
	v21 =	vsub.f32 $0.0e+00, v11  }
0x3c2: {  	v18 =	vmul.f32 v19, v18;
	v44 =	vmul.f32 v16, v53;
	v6 =	vadd.f32 v10, v6  }
0x3c3: {  	v45 =	vadd.f32 v42, v41;
	v26 =	vadd.f32 v39, v5;
	v24 =	vpop (erf);
	v21 =	vmul.f32 $1.442695020e+00, v21  }
0x3c4: {  	v1 =	vadd.f32 v51, v1;
	v58 =	vmul.f32 v24, v63;
	v25 =	vsub.f32 $0.0e+00, v59  }
0x3c5: {  	v6 =	vadd.f32 v56, v6;
	v60 =	vmul.f32 v24, v46;
	(erf) = vpow2.f32 v21  }
0x3c6: {  	v30 =	vadd.f32 v27, v4;
	v15 =	vmul.f32 v53, v19;
	v25 =	vmul.f32 $1.442695020e+00, v25  }
0x3c7: {  	v1 =	vadd.f32 v22, v1;
	v22 =	vmul.f32 $5.291771890e-01, v0;
	v24 =	vmul.f32 $3.333333430e-01, v23  }
0x3c8: {  	v4 =	vadd.f32 v54, v52;
	v61 =	vmul.f32 v23, v28;
	v28 =	vld.idx.msk [tilespmem:v3+s21+$0x0], $0xffff;
	(erf) = vpow2.f32 v25  }
0x3c9: {  	v14 =	vnsel vm0, $0x0, v58;
	v8 =	vnsel vm0, $0x0, v60;
	v27 =	vmul.f32 $5.000000000e-01, v11;
	v3 =	vld.idx.msk [tilespmem:v3+s22+$0x0], $0xffff  }
0x3ca: {  	v9 =	vmul.f32 v24, v62;
	v62 =	vadd.f32 $1.000000000e+00, v11;
	v11 =	vmul.f32 v61, v11  }
0x3cb: {  	v5 =	vadd.f32 $1.000000000e+00, v59;
	v2 =	vmul.f32 v24, v63;
	v63 =	vadd.f32 $1.000000000e+00, v27  }
0x3cc: {  	v7 =	vadd.f32 v61, v62;
	v11 =	vmul.f32 $3.333333430e-01, v11;
	v9 =	vadd.f32 v9, v62  }
0x3cd: {  	v21 =	vmul.f32 v16, v19;
	v2 =	vadd.f32 v2, v5;
	v25 =	vadd.f32 v15, v55  }
0x3ce: {  	v43 =	vmul.f32 v28, v18;
	v3 =	vmul.f32 v3, v18;
	v11 =	vadd.f32 v11, v7;
	v46 =	vpop (erf)  }
0x3cf: {  	v28 =	vadd.f32 v44, v45;
	v29 =	vadd.f32 v21, v4;
	v47 =	vmul.f32 v46, v14  }
0x3d0: {  	v27 =	vadd.f32 v43, v6;
	v48 =	vmul.f32 v11, v46;
	v7 =	vmul.f32 v46, v7  }
0x3d1: {  	v33 =	vadd.f32 v3, v1;
	v49 =	vpop (erf);
	v58 =	vmul.f32 v46, v62;
	v0 =	vmul.f32 v46, v63  }
0x3d2: {  	v32 =	vsub.f32 $1.000000000e+00, v46;
	v50 =	vmul.f32 v49, v8;
	v51 =	vmul.f32 v49, v2  }
0x3d3: {  	v16 =	vld.idx.msk [tilespmem:v17+s21+$0x0], $0xffff;
	v40 =	vsub.f32 $1.000000000e+00, v49;
	v4 =	vmul.f32 v49, v5;
	v52 =	vmul.f32 v47, v62  }
0x3d4: {  	v19 =	vld.idx.msk [tilespmem:v20+s21+$0x0], $0xffff;
	v53 =	vmul.f32 v47, v9;
	v3 =	vsub.f32 $1.000000000e+00, v48;
	v1 =	vsub.f32 $1.000000000e+00, v47  }
0x3d5: {  	v18 =	vld.idx.msk [tilespmem:v17+s22+$0x0], $0xffff;
	v9 =	vmul.f32 v46, v9;
	v7 =	vsub.f32 $1.000000000e+00, v7;
	v63 =	vsub.f32 $1.000000000e+00, v58  }
0x3d6: {  	v17 =	vld.idx.msk [tilespmem:v20+s22+$0x0], $0xffff;
	v38 =	vsub.f32 $1.000000000e+00, v0;
	v2 =	vmul.f32 v50, v2;
	v11 =	vsub.f32 $1.000000000e+00, v53  }
0x3d7: {  	v8 =	vsub.f32 $1.000000000e+00, v51;
	v54 =	vmul.f32 v50, v5;
	v10 =	vsub.f32 $1.000000000e+00, v52  }
0x3d8: {  	v21 =	vmul.f32 v22, v22;
	v55 =	vsub.f32 $1.000000000e+00, v9;
	v2 =	vsub.f32 v11, v2  }
0x3d9: {  	v31 =	vmul.f32 v29, v25;
	v35 =	vsub.f32 $1.000000000e+00, v4;
	v56 =	vsub.f32 v10, v54  }
0x3da: {  	v60 =	vmul.f32 v8, v16;
	v59 =	vmul.f32 v55, v18;
	v43 =	vsel vm0, v2, v3  }
0x3db: {  	v20 =	vsel vm0, v56, v7;
	v61 =	vmul.f32 v43, v17;
	v62 =	vmul.f32 v43, v19  }
0x3dc: {  	s13 =	simm.s32 $0x6A50;
	v36 =	vsub.f32 v1, v50;
	v48 =	vmul.f32 v63, v18;
	v47 =	vmul.f32 v20, v17  }
0x3dd: {  	s16 =	simm.s32 $0x0;
	s12 =	simm.s32 $0x6A50;
	s2 =	simm.s32 $0x30;
	[tilespmem:s13+$0xFFFFFFF0] =	vst v34;
	v49 =	vmul.f32 v20, v19;
	v37 =	vadd.f32 v61, v59;
	v34 =	vadd.f32 v62, v60  }
.LBB2_8:
0x3de: {  	_ =	sdelay $0x1  }
0x3df: {  	s11 =	sadd.s32 $0xFFFFFFF0, s2;
	v0 =	vmov s2  }
0x3e0: {  	v3 =	vmov s11;
	v0 =	vshll.u32 v0, $0x4  }
0x3e1: {  	v2 =	vmul.f32 v35, v16;
	v3 =	vshll.u32 v3, $0x4;
	v35 =	vor.u32 v57, v0  }
0x3e2: {  	v62 =	vmul.f32 v37, v27;
	v27 =	vor.u32 v57, v3;
	v63 =	vor.u32 $0x1, v35  }
0x3e3: {  	v1 =	vsel vm0, v36, v38;
	v4 =	vmul.f32 v34, v33;
	v6 =	vor.u32 $0x1, v27  }
0x3e4: {  	v13 =	vadd.f32 v47, v48;
	v14 =	vmul.f32 v43, v31;
	v15 =	vmul.f32 v40, v16  }
0x3e5: {  	v20 =	vmul.f32 v20, v28;
	v1 =	vmul.f32 v1, v19;
	v8 =	vor.u32 $0x2, v27  }
0x3e6: {  	v19 =	vmul.f32 v32, v19;
	v2 =	vadd.f32 v49, v2;
	v14 =	vmul.f32 $3.000000000e+00, v14  }
0x3e7: {  	v0 =	vadd.f32 v62, v4;
	v1 =	vadd.f32 v1, v15;
	v10 =	vor.u32 $0x3, v27;
	v11 =	vld.idx.msk [tilespmem:v63+s22+$0x0], $0xffff  }
0x3e8: {  	v15 =	vmul.f32 v13, v30;
	v19 =	vadd.f32 v19, v16;
	v13 =	vmul.f32 v13, v25;
	v12 =	vld.idx.msk [tilespmem:v6+s22+$0x0], $0xffff  }
0x3e9: {  	v5 =	vor.u32 $0x2, v35;
	v7 =	vor.u32 $0x3, v35;
	v37 =	vor.u32 $0xE, v35;
	v6 =	vld.idx.msk [tilespmem:v6+s21+$0x0], $0xffff  }
0x3ea: {  	v41 =	vor.u32 $0x8, v35;
	v42 =	vor.u32 $0x9, v35;
	v36 =	vor.u32 $0xA, v35;
	v49 =	vld.idx.msk [tilespmem:v8+s22+$0x0], $0xffff  }
0x3eb: {  	v33 =	vor.u32 $0x5, v35;
	v34 =	vor.u32 $0x6, v35;
	v39 =	vor.u32 $0x7, v35;
	v8 =	vld.idx.msk [tilespmem:v8+s21+$0x0], $0xffff  }
0x3ec: {  	v38 =	vor.u32 $0xB, v35;
	v46 =	vor.u32 $0xC, v35;
	v45 =	vor.u32 $0x4, v35;
	v30 =	vld.idx.msk [tilespmem:v10+s22+$0x0], $0xffff  }
0x3ed: {  	v44 =	vor.u32 $0xD, v35;
	v26 =	vmul.f32 v2, v26;
	v2 =	vmul.f32 v2, v29;
	v10 =	vld.idx.msk [tilespmem:v10+s21+$0x0], $0xffff  }
0x3ee: {  	v53 =	vor.u32 $0x5, v27;
	v54 =	vor.u32 $0x6, v27;
	v1 =	vmul.f32 v1, v17;
	v3 =	vld.idx.msk [tilespmem:v63+s21+$0x0], $0xffff  }
0x3ef: {  	v0 =	vsub.f32 v0, v14;
	v17 =	vmul.f32 v20, v23;
	v18 =	vmul.f32 v19, v18;
	v51 =	vld.idx.msk [tilespmem:v5+s22+$0x0], $0xffff  }
0x3f0: {  	v25 =	vor.u32 $0x9, v27;
	v50 =	vadd.f32 v15, v26;
	v2 =	vsub.f32 v13, v2;
	v5 =	vld.idx.msk [tilespmem:v5+s21+$0x0], $0xffff  }
0x3f1: {  	v19 =	vmul.f32 v21, v22;
	v0 =	vadd.f32 v0, v17;
	v1 =	vadd.f32 v1, v18;
	v55 =	vld.idx.msk [tilespmem:v7+s22+$0x0], $0xffff  }
0x3f2: {  	v15 =	vor.u32 $0x7, v27;
	v7 =	vld.idx.msk [tilespmem:v7+s21+$0x0], $0xffff;
	v6 =	vsub.f32 v12, v6;
	v4 =	vsub.f32 v49, v8  }
0x3f3: {  	v52 =	vmul.f32 v50, v24;
	v1 =	vmul.f32 v1, v22;
	v22 =	vor.u32 $0xE, v27  }
0x3f4: {  	v10 =	vsub.f32 v30, v10;
	v56 =	vmul.f32 v6, v6;
	v17 =	vmul.f32 v4, v4  }
0x3f5: {  	v60 =	vmul.f32 v19, v21;
	v2 =	vmul.f32 v2, v19;
	v0 =	vsub.f32 v0, v52  }
0x3f6: {  	v3 =	vsub.f32 v11, v3;
	v58 =	vmul.f32 v10, v10;
	v57 =	vadd.f32 v17, v56  }
0x3f7: {  	v9 =	vld.idx.msk [tilespmem:v35+s21+$0x0], $0xffff;
	v0 =	vmul.f32 v0, v60;
	v5 =	vsub.f32 v51, v5;
	v7 =	vsub.f32 v55, v7  }
0x3f8: {  	v28 =	vld.idx.msk [tilespmem:v54+s21+$0x0], $0xffff;
	v59 =	vmul.f32 v3, v3;
	v23 =	vmul.f32 $1.889726160e+00, v3;
	v11 =	vadd.f32 v58, v57  }
0x3f9: {  	v24 =	vor.u32 $0x8, v27;
	v12 =	vld.idx.msk [tilespmem:v22+s21+$0x0], $0xffff;
	v61 =	vmul.f32 v5, v5;
	v20 =	vmul.f32 $1.889726160e+00, v5  }
0x3fa: {  	v47 =	vld.idx.msk [tilespmem:v22+s22+$0x0], $0xffff;
	v21 =	vmul.f32 v7, v7;
	v22 =	vmul.f32 $1.889726160e+00, v7;
	v5 =	vmax.f32 v11, $1.000000010e-10  }
0x3fb: {  	v8 =	vld.idx.msk [tilespmem:v54+s22+$0x0], $0xffff;
	v6 =	vmul.f32 $1.889726160e+00, v6;
	v62 =	vshrl.u32 v5, $0x1;
	v63 =	vmul.f32 $5.000000000e-01, v5  }
0x3fc: {  	v13 =	vld.idx.msk [tilespmem:v53+s22+$0x0], $0xffff;
	v10 =	vmul.f32 $1.889726160e+00, v10;
	v4 =	vmul.f32 $1.889726160e+00, v4;
	v3 =	vsub.s32 $0x5F3759DF, v62  }
0x3fd: {  	v1 =	vadd.f32 v2, v1;
	v16 =	vmovc v9;
	v31 =	vmul.f32 v23, v23;
	v26 =	vmul.f32 v3, v63  }
0x3fe: {  	v17 =	vld.idx.msk [tilespmem:v53+s21+$0x0], $0xffff;
	v9 =	vadd.f32 v61, v59;
	v32 =	vmul.f32 v20, v20;
	v30 =	vmul.f32 v20, v23  }
0x3ff: {  	v2 =	vld.idx.msk [tilespmem:v24+s22+$0x0], $0xffff;
	v56 =	vor.u32 $0xC, v27;
	v61 =	vmul.f32 v10, v4;
	v40 =	vmul.f32 v3, v26  }
0x400: {  	v29 =	vor.u32 $0xA, v27;
	v49 =	vld.idx.msk [tilespmem:v25+s22+$0x0], $0xffff;
	v54 =	vmul.f32 v12, v12;
	v53 =	vmul.f32 v8, v28  }
0x401: {  	v18 =	vld.idx.msk [tilespmem:v15+s21+$0x0], $0xffff;
	v55 =	vmul.f32 v47, v47;
	v8 =	vmul.f32 v8, v4;
	v43 =	vsub.f32 $1.500000000e+00, v40  }
0x402: {  	v15 =	vld.idx.msk [tilespmem:v15+s22+$0x0], $0xffff;
	v9 =	vadd.f32 v21, v9;
	v21 =	vadd.f32 v0, v1;
	v59 =	vmul.f32 $5.000000000e-01, v54  }
0x403: {  	v0 =	vor.u32 $0xD, v27;
	v7 =	vmul.f32 v13, v17;
	v1 =	vmul.f32 v3, v43  }
0x404: {  	v58 =	vsub.f32 v12, v47;
	v17 =	vmul.f32 v17, v6;
	v60 =	vld.idx.msk [tilespmem:v56+s21+$0x0], $0xffff;
	v13 =	vmul.f32 v13, v6  }
0x405: {  	v51 =	vadd.f32 v49, v2;
	v56 =	vld.idx.msk [tilespmem:v56+s22+$0x0], $0xffff;
	v62 =	vmul.f32 v28, v4;
	v14 =	vmul.f32 v1, v63  }
0x406: {  	v57 =	vld.idx.msk [tilespmem:v29+s22+$0x0], $0xffff;
	v28 =	vand.u32 $0x7FFFFFFF, v58;
	v58 =	vmul.f32 v10, v6;
	v8 =	vadd.f32 v8, v13  }
0x407: {  	v26 =	vmax.f32 v9, $1.000000010e-10;
	v9 =	vmul.f32 v15, v18;
	v14 =	vmul.f32 v14, v1  }
0x408: {  	v19 =	vld.idx.msk [tilespmem:v25+s21+$0x0], $0xffff;
	v18 =	vmul.f32 v18, v10;
	v15 =	vmul.f32 v15, v10;
	v3 =	vor.u32 $0xB, v27  }
0x409: {  	v13 =	vld.idx.msk [tilespmem:v0+s21+$0x0], $0xffff;
	v10 =	vmul.f32 v10, v10;
	v60 =	vmul.f32 v60, v58;
	v14 =	vsub.f32 $1.500000000e+00, v14  }
0x40a: {  	v52 =	vor.u32 $0x4, v27;
	v0 =	vld.idx.msk [tilespmem:v0+s22+$0x0], $0xffff;
	v58 =	vmul.f32 v56, v58;
	v63 =	vmul.f32 v4, v6  }
0x40b: {  	v11 =	vld.idx.msk [tilespmem:v24+s21+$0x0], $0xffff;
	v51 =	vadd.f32 v57, v51;
	v4 =	vmul.f32 v4, v4;
	v1 =	vmul.f32 v14, v1  }
0x40c: {  	v50 =	vld.idx.msk [tilespmem:v29+s21+$0x0], $0xffff;
	[tilespmem:$0x1FEE0] =	vst v16;
	vm0 =	vgt.f32 v28, $9.999999970e-07;
	v57 =	vmul.f32 v57, v10;
	v6 =	vmul.f32 v6, v6  }
0x40d: {  	v7 =	vadd.f32 v53, v7;
	v56 =	vmul.f32 v19, v4;
	v16 =	vld.idx.msk [tilespmem:v3+s21+$0x0], $0xffff;
	v5 =	vmul.f32 v1, v5  }
0x40e: {  	v2 =	vmul.f32 v2, v6;
	v4 =	vmul.f32 v49, v4;
	v3 =	vld.idx.msk [tilespmem:v3+s22+$0x0], $0xffff;
	v14 =	vsub.f32 v55, v54  }
0x40f: {  	v53 =	vadd.f32 v9, v7;
	v0 =	vmul.f32 v0, v61;
	v49 =	vld.idx.msk [tilespmem:v38+s22+$0x0], $0xffff;
	v5 =	vmul.f32 $1.889726160e+00, v5  }
0x410: {  	v7 =	vmul.f32 v11, v6;
	v2 =	vadd.f32 v4, v2;
	v14 =	vnsel vm0, $0x3F800000, v14  }
0x411: {  	v29 =	vadd.f32 v19, v11;
	(erf) = vrcp.f32 v14;
	v11 =	vmul.f32 v5, v12  }
0x412: {  	v7 =	vadd.f32 v56, v7;
	v56 =	vmul.f32 v50, v10;
	v2 =	vadd.f32 v57, v2  }
0x413: {  	v3 =	vmul.f32 v3, v63;
	v12 =	vadd.f32 v62, v17;
	v17 =	vsub.f32 $0.0e+00, v11  }
0x414: {  	v57 =	vadd.f32 v15, v8;
	v49 =	vmul.f32 v49, v30;
	v6 =	vmul.f32 v5, v47  }
0x415: {  	v14 =	vsub.f32 $0.0e+00, v54;
	v2 =	vadd.f32 v3, v2;
	v62 =	vmul.f32 $1.442695020e+00, v17  }
0x416: {  	v19 =	vsub.f32 $0.0e+00, v6;
	v17 =	vadd.f32 v56, v7;
	v7 =	vmul.f32 v16, v63  }
0x417: {  	v5 =	vmul.f32 v5, v5;
	v2 =	vadd.f32 v58, v2;
	(erf) = vpow2.f32 v62  }
0x418: {  	v58 =	vmul.f32 $5.291771890e-01, v1;
	v16 =	vmul.f32 $1.442695020e+00, v19;
	v9 =	vadd.f32 v7, v17  }
0x419: {  	v59 =	vmul.f32 v5, v59;
	v0 =	vadd.f32 v0, v2;
	v56 =	vadd.f32 v18, v12  }
0x41a: {  	v12 =	vpop (erf);
	v62 =	vmul.f32 v13, v61;
	(erf) = vpow2.f32 v16;
	v60 =	vadd.f32 v60, v9  }
0x41b: {  	v4 =	vmul.f32 $3.333333430e-01, v5;
	v10 =	vadd.f32 $1.000000000e+00, v11;
	v8 =	vmul.f32 v57, v56  }
0x41c: {  	v3 =	vadd.f32 v62, v60;
	v60 =	vmul.f32 $5.000000000e-01, v11;
	v11 =	vmul.f32 v59, v11  }
0x41d: {  	v6 =	vadd.f32 $1.000000000e+00, v6;
	v61 =	vmul.f32 v4, v54;
	v7 =	vmul.f32 v12, v14  }
0x41e: {  	v1 =	vadd.f32 v59, v10;
	v63 =	vmul.f32 v12, v55;
	v11 =	vmul.f32 $3.333333430e-01, v11  }
0x41f: {  	v14 =	vmul.f32 v58, v58;
	v2 =	vnsel vm0, $0x0, v7;
	v7 =	vadd.f32 $1.000000000e+00, v60  }
0x420: {  	v18 =	vld.idx.msk [tilespmem:v35+s22+$0x0], $0xffff;
	v12 =	vadd.f32 v61, v10;
	v62 =	vmul.f32 v4, v55;
	v11 =	vadd.f32 v11, v1;
	v16 =	vpop (erf)  }
0x421: {  	v35 =	vld.idx.msk [tilespmem:v52+s21+$0x0], $0xffff;
	v9 =	vnsel vm0, $0x0, v63;
	v7 =	vmul.f32 v16, v7;
	v59 =	vmul.f32 v16, v10  }
0x422: {  	v15 =	vld.idx.msk [tilespmem:v27+s21+$0x0], $0xffff;
	v13 =	vadd.f32 v62, v6;
	v1 =	vmul.f32 v16, v1;
	v11 =	vmul.f32 v11, v16  }
0x423: {  	v54 =	vpop (erf);
	v62 =	vmul.f32 v16, v12;
	v9 =	vmul.f32 v16, v9;
	v16 =	vsub.f32 $1.000000000e+00, v16  }
0x424: {  	v55 =	vmul.f32 v54, v6;
	v60 =	vmul.f32 v54, v13;
	v61 =	vsub.f32 $1.000000000e+00, v54  }
0x425: {  	v2 =	vmul.f32 v54, v2;
	v7 =	vsub.f32 $1.000000000e+00, v7;
	v59 =	vsub.f32 $1.000000000e+00, v59  }
0x426: {  	v16 =	vmul.f32 v16, v35;
	v1 =	vsub.f32 $1.000000000e+00, v1;
	v12 =	vmul.f32 v9, v12  }
0x427: {  	v27 =	vld.idx.msk [tilespmem:v27+s22+$0x0], $0xffff;
	v54 =	vsub.f32 $1.000000000e+00, v55;
	v55 =	vmul.f32 v61, v15;
	v61 =	vsub.f32 $1.000000000e+00, v9  }
0x428: {  	v60 =	vsub.f32 $1.000000000e+00, v60;
	v9 =	vmul.f32 v9, v10;
	v10 =	vsub.f32 $1.000000000e+00, v11  }
0x429: {  	v11 =	vsub.f32 $1.000000000e+00, v62;
	v13 =	vmul.f32 v2, v13;
	v12 =	vsub.f32 $1.000000000e+00, v12  }
0x42a: {  	v52 =	vld.idx.msk [tilespmem:v52+s22+$0x0], $0xffff;
	v16 =	vadd.f32 v16, v15;
	v61 =	vsub.f32 v61, v2;
	v2 =	vmul.f32 v2, v6  }
0x42b: {  	v9 =	vsub.f32 $1.000000000e+00, v9;
	v54 =	vmul.f32 v54, v15;
	v60 =	vmul.f32 v60, v15  }
0x42c: {  	v63 =	vsub.f32 v12, v13;
	v12 =	vmul.f32 v59, v27;
	v59 =	vmul.f32 v11, v27  }
0x42d: {  	v16 =	vmul.f32 v16, v27;
	v7 =	vsel vm0, v61, v7;
	v2 =	vsub.f32 v9, v2  }
0x42e: {  	v13 =	vmul.f32 $5.000000000e-01, v26;
	v6 =	vsel vm0, v63, v10;
	v7 =	vmul.f32 v7, v35  }
0x42f: {  	v1 =	vsel vm0, v2, v1;
	v61 =	vmul.f32 v6, v52;
	v62 =	vmul.f32 v6, v35  }
0x430: {  	v48 =	vadd.f32 v50, v29;
	v6 =	vmul.f32 v6, v8;
	v15 =	vmul.f32 v1, v52  }
0x431: {  	v25 =	vld.idx.msk [tilespmem:v37+s22+$0x0], $0xffff;
	v7 =	vadd.f32 v7, v55;
	v27 =	vmul.f32 v1, v35;
	v1 =	vmul.f32 v1, v53  }
0x432: {  	v24 =	vld.idx.msk [tilespmem:v37+s21+$0x0], $0xffff;
	v2 =	vadd.f32 v61, v59;
	v63 =	vadd.f32 v62, v60;
	v6 =	vmul.f32 $3.000000000e+00, v6  }
0x433: {  	v37 =	vld.idx.msk [tilespmem:v41+s21+$0x0], $0xffff;
	v35 =	vadd.f32 v15, v12;
	v54 =	vadd.f32 v27, v54;
	v55 =	vmul.f32 v7, v52  }
0x434: {  	v0 =	vmul.f32 v63, v0;
	v2 =	vmul.f32 v2, v3  }
0x435: {  	v28 =	vld.idx.msk [tilespmem:v34+s21+$0x0], $0xffff;
	v59 =	vshrl.u32 v26, $0x1;
	v60 =	vmul.f32 v54, v51;
	v61 =	vmul.f32 v35, v48  }
0x436: {  	v1 =	vmul.f32 v1, v5;
	v62 =	vsub.s32 $0x5F3759DF, v59;
	v12 =	vmul.f32 v14, v58  }
0x437: {  	v51 =	vmul.f32 v62, v13;
	v0 =	vadd.f32 v2, v0;
	v2 =	vadd.f32 v61, v60  }
0x438: {  	v59 =	vmul.f32 v37, v31;
	v10 =	vmul.f32 v35, v56  }
0x439: {  	v34 =	vld.idx.msk [tilespmem:v34+s22+$0x0], $0xffff;
	v52 =	vsub.f32 v24, v25;
	v35 =	vmul.f32 v2, v4;
	v4 =	vmul.f32 v62, v51  }
0x43a: {  	v40 =	vld.idx.msk [tilespmem:v42+s21+$0x0], $0xffff;
	v15 =	vmul.f32 v28, v20;
	v63 =	vmul.f32 v54, v57;
	v3 =	vadd.f32 v55, v16  }
0x43b: {  	v50 =	vld.idx.msk [tilespmem:v38+s21+$0x0], $0xffff;
	v48 =	vmul.f32 v12, v14;
	v0 =	vsub.f32 v0, v6;
	v56 =	vsub.f32 $1.500000000e+00, v4  }
0x43c: {  	v38 =	vld.idx.msk [tilespmem:v39+s21+$0x0], $0xffff;
	v55 =	vand.u32 $0x7FFFFFFF, v52;
	v52 =	vmul.f32 v22, v23;
	v7 =	vsub.f32 v10, v63  }
0x43d: {  	v39 =	vld.idx.msk [tilespmem:v39+s22+$0x0], $0xffff;
	v53 =	vmul.f32 v3, v58;
	v0 =	vadd.f32 v0, v1;
	v3 =	vmul.f32 v62, v56  }
0x43e: {  	v41 =	vld.idx.msk [tilespmem:v41+s22+$0x0], $0xffff;
	vm0 =	vgt.f32 v55, $9.999999970e-07;
	v6 =	vmul.f32 v24, v24;
	v54 =	vmul.f32 v7, v12  }
0x43f: {  	v29 =	vld.idx.msk [tilespmem:v33+s21+$0x0], $0xffff;
	v2 =	vmul.f32 v25, v25;
	v0 =	vsub.f32 v0, v35;
	v8 =	vmul.f32 v3, v13  }
0x440: {  	v47 =	vld.idx.msk [tilespmem:v46+s21+$0x0], $0xffff;
	v61 =	vmul.f32 v40, v32;
	v63 =	vmul.f32 v22, v22;
	v1 =	vadd.f32 v54, v53  }
0x441: {  	v43 =	vld.idx.msk [tilespmem:v42+s22+$0x0], $0xffff;
	v58 =	vsub.f32 v2, v6;
	v0 =	vmul.f32 v0, v48;
	v8 =	vmul.f32 v8, v3  }
0x442: {  	v33 =	vld.idx.msk [tilespmem:v33+s22+$0x0], $0xffff;
	v7 =	vadd.f32 v61, v59;
	v51 =	vmul.f32 v34, v20;
	v61 =	vmul.f32 v39, v22  }
0x443: {  	v42 =	vld.idx.msk [tilespmem:v36+s21+$0x0], $0xffff;
	v0 =	vadd.f32 v0, v1;
	v1 =	vnsel vm0, $0x3F800000, v58;
	v8 =	vsub.f32 $1.500000000e+00, v8  }
0x444: {  	v4 =	vmul.f32 $5.000000000e-01, v6;
	(erf) = vrcp.f32 v1  }
0x445: {  	v54 =	vmul.f32 v47, v52;
	v3 =	vmul.f32 v8, v3  }
0x446: {  	v35 =	vadd.f32 v40, v37;
	v37 =	vmul.f32 v43, v32;
	v40 =	vmul.f32 v50, v30  }
0x447: {  	v60 =	vsub.f32 $0.0e+00, v6;
	v50 =	vmul.f32 v33, v23;
	v53 =	vmul.f32 v3, v26  }
0x448: {  	v36 =	vld.idx.msk [tilespmem:v36+s22+$0x0], $0xffff;
	v62 =	vmul.f32 v41, v31;
	v41 =	vadd.f32 v43, v41;
	v43 =	vmul.f32 v42, v63  }
0x449: {  	v48 =	vmul.f32 v29, v23;
	v30 =	vadd.f32 v42, v35;
	v11 =	vmul.f32 $1.889726160e+00, v53  }
0x44a: {  	v9 =	vadd.f32 v37, v62;
	v7 =	vadd.f32 v43, v7;
	v43 =	vmul.f32 v34, v28  }
0x44b: {  	v46 =	vld.idx.msk [tilespmem:v46+s22+$0x0], $0xffff;
	v10 =	vadd.f32 v15, v48;
	v0 =	vmul.f32 $6.275089720e+02, v0;
	v59 =	vmul.f32 v11, v24  }
0x44c: {  	s13 =	sadd.s32 $0x20, s13;
	v58 =	vmul.f32 v38, v22;
	v7 =	vadd.f32 v40, v7;
	v1 =	vadd.f32 v51, v50  }
0x44d: {  	v40 =	vmul.f32 v33, v29;
	[tilespmem:s13+$0xFFFFFFF0] =	vst v0;
	v0 =	vmul.f32 v36, v63;
	v55 =	vpop (erf);
	v15 =	vsub.f32 $0.0e+00, v59  }
0x44e: {  	v7 =	vadd.f32 v54, v7;
	v5 =	vmul.f32 v55, v60;
	v60 =	vmul.f32 v11, v25  }
0x44f: {  	v29 =	vadd.f32 v61, v1;
	v0 =	vadd.f32 v0, v9;
	v15 =	vmul.f32 $1.442695020e+00, v15  }
0x450: {  	v9 =	vmul.f32 v46, v52;
	v56 =	vmul.f32 v55, v2;
	v16 =	vsub.f32 $0.0e+00, v60  }
0x451: {  	v0 =	vadd.f32 v49, v0;
	v23 =	vmul.f32 v11, v11;
	(erf) = vpow2.f32 v15  }
0x452: {  	v19 =	vld.idx.msk [tilespmem:v45+s21+$0x0], $0xffff;
	v46 =	vmul.f32 $6.275089720e+02, v21;
	v26 =	vadd.f32 v36, v41;
	v16 =	vmul.f32 $1.442695020e+00, v16  }
0x453: {  	v17 =	vld.idx.msk [tilespmem:v45+s22+$0x0], $0xffff;
	v0 =	vadd.f32 v9, v0;
	v14 =	vnsel vm0, $0x0, v56;
	v24 =	vmul.f32 $3.333333430e-01, v23  }
0x454: {  	v45 =	vld.idx.msk [tilespmem:v44+s21+$0x0], $0xffff;
	v62 =	vadd.f32 $1.000000000e+00, v59;
	v4 =	vmul.f32 v23, v4;
	(erf) = vpow2.f32 v16  }
0x455: {  	v44 =	vld.idx.msk [tilespmem:v44+s22+$0x0], $0xffff;
	v5 =	vnsel vm0, $0x0, v5;
	v25 =	vmul.f32 $5.000000000e-01, v59;
	v13 =	vadd.f32 $1.000000000e+00, v60  }
0x456: {  	v6 =	vmul.f32 v24, v6;
	v63 =	vadd.f32 v4, v62;
	v4 =	vmul.f32 v4, v59  }
0x457: {  	v2 =	vmul.f32 v24, v2;
	v37 =	vadd.f32 $1.000000000e+00, v25;
	v15 =	vmul.f32 v22, v20  }
0x458: {  	v25 =	vadd.f32 v58, v10;
	v6 =	vadd.f32 v6, v62;
	v4 =	vmul.f32 $3.333333430e-01, v4  }
0x459: {  	v2 =	vadd.f32 v2, v13;
	v22 =	vmul.f32 $5.291771890e-01, v3;
	v41 =	vmul.f32 v45, v15  }
0x45a: {  	v4 =	vadd.f32 v4, v63;
	v42 =	vmul.f32 v44, v15;
	v44 =	vmul.f32 v39, v38;
	v47 =	vpop (erf)  }
0x45b: {  	v45 =	vadd.f32 v43, v40;
	v27 =	vadd.f32 v41, v7;
	v48 =	vmul.f32 v47, v14  }
0x45c: {  	v33 =	vadd.f32 v42, v0;
	v49 =	vmul.f32 v4, v47;
	v55 =	vmul.f32 v47, v63  }
0x45d: {  	v28 =	vadd.f32 v44, v45;
	v50 =	vpop (erf);
	v56 =	vmul.f32 v47, v62;
	v0 =	vmul.f32 v47, v37  }
0x45e: {  	v32 =	vsub.f32 $1.000000000e+00, v47;
	v5 =	vmul.f32 v50, v5;
	v51 =	vmul.f32 v50, v2  }
0x45f: {  	v40 =	vsub.f32 $1.000000000e+00, v50;
	v4 =	vmul.f32 v50, v13;
	v52 =	vmul.f32 v48, v62  }
0x460: {  	v53 =	vmul.f32 v48, v6;
	v3 =	vsub.f32 $1.000000000e+00, v49;
	v1 =	vsub.f32 $1.000000000e+00, v48  }
0x461: {  	v16 =	vld [tilespmem:$0x1FEE0];
	v6 =	vmul.f32 v47, v6;
	v58 =	vsub.f32 $1.000000000e+00, v55;
	v63 =	vsub.f32 $1.000000000e+00, v56  }
0x462: {  	v38 =	vsub.f32 $1.000000000e+00, v0;
	v2 =	vmul.f32 v5, v2;
	v10 =	vsub.f32 $1.000000000e+00, v53  }
0x463: {  	s16 =	sadd.s32 $0x2, s16;
	v7 =	vsub.f32 $1.000000000e+00, v51;
	v54 =	vmul.f32 v5, v13;
	v9 =	vsub.f32 $1.000000000e+00, v52  }
0x464: {  	p0 =	slt.u32 s16, $0x16;
	v31 =	vmul.f32 v29, v25;
	v6 =	vsub.f32 $1.000000000e+00, v6;
	v2 =	vsub.f32 v10, v2  }
.Ltmp3:
0x465: {  	v21 =	vmul.f32 v22, v22;
	v35 =	vsub.f32 $1.000000000e+00, v4;
	v9 =	vsub.f32 v9, v54;
	(pc) =	sbr.rel @p0 .LBB2_8-.Ltmp3, $4  }
0x466: {  	v60 =	vmul.f32 v7, v16;
	v59 =	vmul.f32 v6, v18;
	v43 =	vsel vm0, v2, v3  }
0x467: {  	v20 =	vsel vm0, v9, v58;
	v61 =	vmul.f32 v43, v17;
	v62 =	vmul.f32 v43, v19  }
0x468: {  	v36 =	vsub.f32 v1, v5;
	v48 =	vmul.f32 v63, v18;
	v47 =	vmul.f32 v20, v17  }
0x469: {  	s2 =	sadd.s32 $0x20, s2;
	v57 =	vld [tilespmem:$0x1FFF0];
	[tilespmem:s12+$0x0] =	vst v46;
	s12 =	smov.u32 s13;
	v49 =	vmul.f32 v20, v19;
	v37 =	vadd.f32 v61, v59;
	v34 =	vadd.f32 v62, v60  }
0x46a: {  	v0 =	vmul.f32 v35, v16  }
0x46b: {  	v4 =	vmul.f32 v43, v31;
	v6 =	vmul.f32 v40, v16  }
0x46c: {  	v1 =	vsel vm0, v36, v38;
	v50 =	vmul.f32 v32, v19;
	v8 =	vmul.f32 v20, v28  }
0x46d: {  	v5 =	vadd.f32 v47, v48;
	v2 =	vmul.f32 v34, v33;
	v3 =	vmul.f32 v37, v27  }
0x46e: {  	v1 =	vmul.f32 v1, v19;
	v0 =	vadd.f32 v49, v0;
	v4 =	vmul.f32 $3.000000000e+00, v4  }
0x46f: {  	v51 =	vmul.f32 v5, v30;
	v5 =	vmul.f32 v5, v25;
	v2 =	vadd.f32 v3, v2  }
0x470: {  	v1 =	vadd.f32 v1, v6;
	v3 =	vadd.f32 v50, v16;
	v7 =	vmul.f32 v0, v26  }
0x471: {  	v53 =	vmul.f32 v8, v23;
	v0 =	vmul.f32 v0, v29;
	v2 =	vsub.f32 v2, v4  }
0x472: {  	v1 =	vmul.f32 v1, v17;
	v3 =	vmul.f32 v3, v18;
	v52 =	vadd.f32 v51, v7  }
0x473: {  	v54 =	vmul.f32 v21, v22;
	v0 =	vsub.f32 v5, v0  }
0x474: {  	v2 =	vadd.f32 v2, v53;
	v1 =	vadd.f32 v1, v3;
	v4 =	vmul.f32 v52, v24  }
0x475: {  	v55 =	vmul.f32 v54, v21  }
0x476: {  	v0 =	vmul.f32 v0, v54;
	v1 =	vmul.f32 v1, v22;
	v2 =	vsub.f32 v2, v4;
	_ =	sdelay $0x1  }
0x477: {  	v0 =	vadd.f32 v0, v1;
	v2 =	vmul.f32 v2, v55;
	_ =	sdelay $0x1  }
0x478: {  	v0 =	vadd.f32 v2, v0;
	_ =	sdelay $0x1  }
0x479: {  	v0 =	vmul.f32 $6.275089720e+02, v0;
	_ =	sdelay $0x1  }
0x47a: {  	[tilespmem:s12+$0x0] =	vst v0  }
0x47b: {  	v56 =	vld [tilespmem:$0x1FEF0];
	_ =	sdelay $0x1  }
0x47c: {  	v58 =	vld [tilespmem:$0x1FF00];
	_ =	sdelay $0x1  }
0x47d: {  	v60 =	vld [tilespmem:$0x1FF10];
	_ =	sdelay $0x3  }
0x47e: {  	v0 =	vld.idx.msk [tilespmem:v56+s22+$0x0], $0xffff  }
0x47f: {  	v1 =	vld.idx.msk [tilespmem:v56+s21+$0x0], $0xffff  }
0x480: {  	v59 =	vld.idx.msk [tilespmem:v58+s22+$0x0], $0xffff  }
0x481: {  	v3 =	vld.idx.msk [tilespmem:v58+s21+$0x0], $0xffff  }
0x482: {  	v61 =	vld.idx.msk [tilespmem:v60+s22+$0x0], $0xffff  }
0x483: {  	v5 =	vld.idx.msk [tilespmem:v60+s21+$0x0], $0xffff;
	_ =	sdelay $0x2  }
0x484: {  	v0 =	vsub.f32 v0, v1;
	v62 =	vsub.f32 v59, v3;
	_ =	sdelay $0x1  }
0x485: {  	v63 =	vsub.f32 v61, v5;
	v25 =	vmul.f32 v0, v0;
	v26 =	vmul.f32 v62, v62;
	_ =	sdelay $0x1  }
0x486: {  	v27 =	vmul.f32 v63, v63;
	v3 =	vadd.f32 v26, v25;
	_ =	sdelay $0x1  }
0x487: {  	v3 =	vadd.f32 v27, v3;
	_ =	sdelay $0x1  }
0x488: {  	v3 =	vmax.f32 v3, $1.000000010e-10  }
0x489: {  	v28 =	vshrl.u32 v3, $0x1;
	v29 =	vmul.f32 $5.000000000e-01, v3  }
0x48a: {  	v4 =	vsub.s32 $0x5F3759DF, v28  }
0x48b: {  	v30 =	vmul.f32 v4, v29;
	_ =	sdelay $0x1  }
0x48c: {  	v6 =	vmul.f32 v4, v30;
	_ =	sdelay $0x1  }
0x48d: {  	v6 =	vsub.f32 $1.500000000e+00, v6;
	_ =	sdelay $0x1  }
0x48e: {  	v4 =	vmul.f32 v4, v6  }
0x48f: {  	v31 =	vld [tilespmem:$0x1FF20]  }
0x490: {  	v5 =	vmul.f32 v4, v29;
	_ =	sdelay $0x1  }
0x491: {  	v5 =	vmul.f32 v5, v4;
	_ =	sdelay $0x1  }
0x492: {  	v5 =	vsub.f32 $1.500000000e+00, v5;
	_ =	sdelay $0x1  }
0x493: {  	v4 =	vmul.f32 v5, v4  }
0x494: {  	v32 =	vld.idx.msk [tilespmem:v31+s21+$0x0], $0xffff  }
0x495: {  	v6 =	vld.idx.msk [tilespmem:v31+s22+$0x0], $0xffff;
	v3 =	vmul.f32 v4, v3  }
0x496: {  	v51 =	vld [tilespmem:$0x1FF30]  }
0x497: {  	v53 =	vld [tilespmem:$0x1FF40];
	v3 =	vmul.f32 $1.889726160e+00, v3;
	_ =	sdelay $0x1  }
0x498: {  	v33 =	vmul.f32 v3, v32  }
0x499: {  	v34 =	vmul.f32 v3, v6  }
0x49a: {  	v11 =	vmul.f32 v32, v32;
	v9 =	vsub.f32 $0.0e+00, v33  }
0x49b: {  	v60 =	vld [tilespmem:$0x1FF60];
	v15 =	vmul.f32 v6, v6;
	v5 =	vsub.f32 v32, v6;
	v10 =	vsub.f32 $0.0e+00, v34  }
0x49c: {  	v54 =	vld [tilespmem:$0x1FF50];
	v35 =	vmul.f32 $1.442695020e+00, v9  }
0x49d: {  	v18 =	vld.idx.msk [tilespmem:v51+s21+$0x0], $0xffff;
	v37 =	vsub.f32 v15, v11;
	v5 =	vand.u32 $0x7FFFFFFF, v5;
	v36 =	vmul.f32 $1.442695020e+00, v10  }
0x49e: {  	v20 =	vld.idx.msk [tilespmem:v53+s21+$0x0], $0xffff;
	v48 =	vmul.f32 $5.000000000e-01, v11;
	vm15 =	vgt.f32 v5, $9.999999970e-07;
	(erf) = vpow2.f32 v35  }
0x49f: {  	v23 =	vld.idx.msk [tilespmem:v51+s22+$0x0], $0xffff;
	v5 =	vnsel vm15, $0x3F800000, v37;
	v14 =	vmul.f32 v3, v3;
	(erf) = vpow2.f32 v36  }
0x4a0: {  	v41 =	vld [tilespmem:$0x1FFC0];
	v0 =	vmul.f32 $1.889726160e+00, v0;
	(erf) = vrcp.f32 v5  }
0x4a1: {  	v24 =	vld.idx.msk [tilespmem:v53+s22+$0x0], $0xffff;
	v1 =	vmul.f32 $1.889726160e+00, v62;
	v9 =	vmul.f32 v14, v48  }
0x4a2: {  	v2 =	vmul.f32 $1.889726160e+00, v63;
	v61 =	vmul.f32 v18, v0  }
0x4a3: {  	v62 =	vmul.f32 v20, v1;
	v29 =	vld.idx.msk [tilespmem:v60+s22+$0x0], $0xffff;
	v16 =	vadd.f32 $1.000000000e+00, v33;
	v7 =	vmul.f32 v9, v33  }
0x4a4: {  	v45 =	vsub.f32 $0.0e+00, v11;
	v18 =	vmul.f32 v23, v18;
	v49 =	vmul.f32 $5.000000000e-01, v33  }
0x4a5: {  	v13 =	vmul.f32 $3.333333430e-01, v14;
	v9 =	vadd.f32 v9, v16;
	v7 =	vmul.f32 $3.333333430e-01, v7  }
0x4a6: {  	v40 =	vld [tilespmem:$0x1FFD0];
	v20 =	vmul.f32 v24, v20;
	v10 =	vadd.f32 $1.000000000e+00, v49;
	v49 =	vmul.f32 v0, v0  }
0x4a7: {  	v22 =	vld.idx.msk [tilespmem:v54+s22+$0x0], $0xffff;
	v12 =	vmul.f32 $5.291771890e-01, v4;
	v11 =	vmul.f32 v13, v11;
	v7 =	vadd.f32 v7, v9;
	v5 =	vpop (erf)  }
0x4a8: {  	v25 =	vld.idx.msk [tilespmem:v41+s21+$0x0], $0xffff;
	v8 =	vadd.f32 $1.000000000e+00, v34;
	v32 =	vmul.f32 v29, v49;
	v38 =	vpop (erf);
	v10 =	vmul.f32 v5, v10  }
0x4a9: {  	v53 =	vld [tilespmem:$0x1FF90];
	v18 =	vadd.f32 v20, v18;
	v9 =	vmul.f32 v5, v9;
	v7 =	vmul.f32 v7, v5;
	v43 =	vpop (erf)  }
0x4aa: {  	v21 =	vld.idx.msk [tilespmem:v54+s21+$0x0], $0xffff;
	v11 =	vadd.f32 v11, v16;
	v58 =	vmul.f32 v38, v8;
	v44 =	vmul.f32 v43, v15  }
0x4ab: {  	v63 =	vld [tilespmem:$0x1FF70];
	v6 =	vsub.f32 $1.000000000e+00, v38;
	v47 =	vmul.f32 v43, v45;
	v15 =	vmul.f32 v13, v15  }
0x4ac: {  	v48 =	vld [tilespmem:$0x1FF80];
	v10 =	vsub.f32 $1.000000000e+00, v10;
	v56 =	vsub.f32 $1.000000000e+00, v7;
	v7 =	vmul.f32 v12, v12  }
0x4ad: {  	v45 =	vmul.f32 v24, v1;
	v6 =	vmul.f32 v6, v25;
	v46 =	vnsel vm15, $0x0, v44  }
0x4ae: {  	v4 =	vnsel vm15, $0x0, v47;
	v44 =	vmul.f32 v23, v0;
	v47 =	vmul.f32 v22, v2  }
0x4af: {  	v39 =	vld [tilespmem:$0x1FFA0];
	v15 =	vadd.f32 v15, v8;
	v3 =	vmul.f32 v5, v46;
	v4 =	vmul.f32 v38, v4  }
0x4b0: {  	v42 =	vld [tilespmem:$0x1FFB0];
	v9 =	vsub.f32 $1.000000000e+00, v9;
	v46 =	vmul.f32 v21, v2;
	v21 =	vmul.f32 v22, v21  }
0x4b1: {  	v54 =	vld.idx.msk [tilespmem:v53+s21+$0x0], $0xffff;
	v59 =	vmul.f32 v38, v15;
	v28 =	vadd.f32 v45, v44;
	v52 =	vmul.f32 v3, v16  }
0x4b2: {  	v27 =	vld.idx.msk [tilespmem:v40+s21+$0x0], $0xffff;
	v50 =	vsub.f32 $1.000000000e+00, v3;
	v3 =	vmul.f32 v3, v11;
	v16 =	vmul.f32 v5, v16  }
0x4b3: {  	v26 =	vld.idx.msk [tilespmem:v63+s21+$0x0], $0xffff;
	v11 =	vmul.f32 v5, v11;
	v5 =	vsub.f32 $1.000000000e+00, v5;
	v18 =	vadd.f32 v21, v18  }
0x4b4: {  	v31 =	vld.idx.msk [tilespmem:v48+s21+$0x0], $0xffff;
	v55 =	vmul.f32 v4, v8;
	v8 =	vsub.f32 $1.000000000e+00, v59;
	v28 =	vadd.f32 v47, v28  }
0x4b5: {  	v51 =	vld.idx.msk [tilespmem:v63+s22+$0x0], $0xffff;
	v17 =	vsub.f32 v50, v4;
	v19 =	vsub.f32 $1.000000000e+00, v52;
	v4 =	vmul.f32 v4, v15  }
0x4b6: {  	v37 =	vld.idx.msk [tilespmem:v48+s22+$0x0], $0xffff;
	v3 =	vsub.f32 $1.000000000e+00, v3;
	v50 =	vmul.f32 v1, v1;
	v52 =	vmul.f32 v2, v2  }
0x4b7: {  	v43 =	vld.idx.msk [tilespmem:v41+s22+$0x0], $0xffff;
	v16 =	vsub.f32 $1.000000000e+00, v16;
	v11 =	vsub.f32 $1.000000000e+00, v11;
	v5 =	vmul.f32 v5, v27  }
0x4b8: {  	v63 =	vld.idx.msk [tilespmem:v42+s22+$0x0], $0xffff;
	v8 =	vmul.f32 v8, v25;
	v19 =	vsub.f32 v19, v55;
	v10 =	vsel vm15, v17, v10  }
0x4b9: {  	v15 =	vld.idx.msk [tilespmem:v60+s21+$0x0], $0xffff;
	v17 =	vadd.f32 v62, v61;
	v59 =	vmul.f32 v31, v52;
	v61 =	vmul.f32 v1, v0  }
0x4ba: {  	v45 =	vld.idx.msk [tilespmem:v40+s22+$0x0], $0xffff;
	v3 =	vsub.f32 v3, v4;
	v33 =	vmul.f32 v51, v50;
	v0 =	vmul.f32 v2, v0  }
0x4bb: {  	v4 =	vsub.f32 $1.000000000e+00, v58;
	v62 =	vld.idx.msk [tilespmem:v42+s21+$0x0], $0xffff;
	v42 =	vmul.f32 v37, v52;
	v1 =	vmul.f32 v2, v1  }
0x4bc: {  	v60 =	vld.idx.msk [tilespmem:v53+s22+$0x0], $0xffff;
	v16 =	vmul.f32 v16, v43;
	v11 =	vmul.f32 v11, v43;
	v5 =	vadd.f32 v5, v25  }
0x4bd: {  	v10 =	vmul.f32 v10, v27;
	v9 =	vsel vm15, v19, v9;
	v3 =	vsel vm15, v3, v56  }
0x4be: {  	v58 =	vld.idx.msk [tilespmem:v39+s21+$0x0], $0xffff;
	v17 =	vadd.f32 v46, v17;
	v56 =	vmul.f32 v26, v50;
	v55 =	vmul.f32 v15, v49  }
0x4bf: {  	v39 =	vld.idx.msk [tilespmem:v39+s22+$0x0], $0xffff;
	v30 =	vmul.f32 v54, v61;
	v32 =	vadd.f32 v33, v32;
	v19 =	vadd.f32 v51, v29  }
0x4c0: {  	v4 =	vmul.f32 v4, v25;
	v5 =	vmul.f32 v5, v43;
	v35 =	vadd.f32 v56, v55  }
0x4c1: {  	v24 =	vmul.f32 v60, v61;
	v15 =	vadd.f32 v26, v15;
	v49 =	vmul.f32 v9, v45  }
0x4c2: {  	v51 =	vmul.f32 v3, v45;
	v46 =	vadd.f32 v42, v32;
	v35 =	vadd.f32 v59, v35  }
0x4c3: {  	v6 =	vadd.f32 v10, v6;
	v52 =	vmul.f32 v3, v27;
	v23 =	vmul.f32 v58, v0  }
0x4c4: {  	v0 =	vmul.f32 v39, v0;
	v48 =	vadd.f32 v24, v46;
	v44 =	vadd.f32 v30, v35  }
0x4c5: {  	v19 =	vadd.f32 v37, v19;
	v47 =	vmul.f32 v62, v1;
	v15 =	vadd.f32 v31, v15  }
0x4c6: {  	v1 =	vmul.f32 v63, v1;
	v0 =	vadd.f32 v0, v48;
	v2 =	vadd.f32 v23, v44  }
0x4c7: {  	v53 =	vmul.f32 v28, v17;
	v11 =	vadd.f32 v51, v11;
	v8 =	vadd.f32 v52, v8  }
0x4c8: {  	v50 =	vmul.f32 v9, v27;
	v0 =	vadd.f32 v1, v0;
	v2 =	vadd.f32 v47, v2  }
0x4c9: {  	v6 =	vmul.f32 v6, v45;
	v54 =	vadd.f32 v49, v16;
	v3 =	vmul.f32 v3, v53  }
0x4ca: {  	v1 =	vadd.f32 v50, v4;
	v0 =	vmul.f32 v8, v0;
	v2 =	vmul.f32 v11, v2  }
0x4cb: {  	v55 =	vmul.f32 v9, v18;
	v58 =	vmul.f32 v54, v15  }
0x4cc: {  	v3 =	vmul.f32 $-3.000000000e+00, v3;
	v56 =	vmul.f32 v1, v19;
	v0 =	vadd.f32 v2, v0  }
0x4cd: {  	v59 =	vmul.f32 v54, v17;
	v60 =	vmul.f32 v55, v14  }
0x4ce: {  	v1 =	vmul.f32 v1, v28;
	v2 =	vadd.f32 v58, v56;
	v0 =	vadd.f32 v3, v0  }
0x4cf: {  	v61 =	vmul.f32 v7, v12;
	v5 =	vadd.f32 v6, v5  }
0x4d0: {  	v1 =	vsub.f32 v59, v1;
	v2 =	vmul.f32 v2, v13;
	v0 =	vadd.f32 v0, v60  }
0x4d1: {  	v62 =	vmul.f32 v61, v7  }
0x4d2: {  	v63 =	vmul.f32 v5, v12;
	v1 =	vmul.f32 v1, v61;
	v0 =	vsub.f32 v0, v2;
	_ =	sdelay $0x1  }
0x4d3: {  	v1 =	vadd.f32 v1, v63;
	v0 =	vmul.f32 v0, v62;
	_ =	sdelay $0x1  }
0x4d4: {  	v0 =	vadd.f32 v0, v1;
	_ =	sdelay $0x1  }
0x4d5: {  	v0 =	vmul.f32 $6.275089720e+02, v0;
	_ =	sdelay $0x1  }
0x4d6: {  	s2 =	rddreg [dreg:$0x9];
	[tilespmem:$0x6BC0] =	vst v0  }
0x4d7: {  	[hbm4b:s2+s5] =	stream.linear.scatter [tilespmem:s29], [sflag:$0x5], $0x190, $0x38;
	[tilespmem:$0x6D60] =	vst v63  }
0x4d8: {  	_ =	swait.ge [sflag:s17], $0x190  }
0x4d9: {  	[sflag:s17] =	ssyncset.done $0x0  }
0x4da: {  	[sflag:s17] =	ssyncadd.s32 $0xFFFFFE70  }
0x4db: {  	_ =	swait.ge [sflag:s10], $0x190  }
0x4dc: {  	s11 =	rddreg [dreg:$0xb]  }
0x4dd: {  	s18 =	rddreg [dreg:$0xa];
	s11 =	sadd.s32 $0x1, s11  }
0x4de: {  	p0 =	sne.s32 s11, s18  }
.Ltmp4:
0x4df: {  	_ = 	snop;
	(pc) =	sbr.rel @p0 .LBB2_1-.Ltmp4, $3  }
0x4e0: {  	_ =	sdelay $0x1  }
0x4e1: {  	[sflag:s10] =	ssyncset.done $0x0  }
0x4e2: {  	[sflag:s10] =	ssyncadd.s32 $0xFFFFFE70  }
0x4e3: {  	_ =	sfence.sel $0x180000  }
0x4e4: {  	[bflag:$0x0] =	sbarrier.arrive $0xFFFF  }
0x4e5: {  	_ =	strace $0x90000047  }
0x4e6: {  	s0 =	stileid.u32;
	[bflag:$0x2] =	sbarrier.arrive $0xFFFF  }
0x4e7: {  	p0 =	sne.s32 s0, $0x0;
	s0 =	rddreg [dreg:$0x4]  }
0x4e8: {  	s0 =	sadd.s32 @!p0 $0x100000, s0  }
0x4e9: {  	[sflag:s0] =	ssyncadd.tile.s32 @!p0 $0x1;
	_ =	shalt  }
.Lfunc_end2:
_tile_overlayer_lowered:
.L_overlay_start_2:
0x4ea: {  	(tag) =	ssettag $0x2  }
0x4eb: {  	s0 =	rddreg [dreg:$0x0];
	s2 =	stileid.u32  }
0x4ec: {  	s1 =	rddreg [dreg:$0x1];
	p0 =	sne.s32 s2, $0x0  }
0x4ed: {  	s3 =	rddreg [dreg:$0x2];
	[bflag:$0x3] =	sbarrier.arrive $0xFFFF;
	s2 =	simm.s32 @!p0 $0x1C07  }
0x4ee: {  	[timem:s3], [sflag:s2] =	dma.local @!p0 [hbm:s0], s1  }
0x4ef: {  	s0 =	simm.s32 @!p0 $0x7  }
0x4f0: {  	_ =	swait.ge @!p0 [sflag:s0], s1  }
0x4f1: {  	s1 =	ssub.s32 @!p0 $0x0, s1;
	[sflag:s0] =	ssyncset.done @!p0 $0x0  }
0x4f2: {  	[sflag:s0] =	ssyncadd.s32 @!p0 s1  }
0x4f3: {  	[bflag:$0x3] =	sbarrier.arrive $0xFFFF  }
0x4f4: {  	_ =	shalt  }

</sc_bundles>
